<compile_context>
chip_gen: v7x
topology: tpu7x:2x2x1
jax: 0.10.2.dev20260603
libtpu: 0.0.44.dev20260713+nightly
codegen_flags: <defaults>
</compile_context>

<pallas_src>
import functools

import jax
import jax.numpy as jnp
from jax import lax
from jax.experimental import pallas as pl
from jax.experimental.pallas import tpu as pltpu
from jax.experimental.pallas import tpu_sc as plsc

N_NODES = 50000
DIM = 64
DP = 128
N_EDGES = 800000

NC = 2
NS = 16
NH = 2
HN = N_NODES // NH
QN = HN // 2
QROWS = 12544
QPT = QROWS // NS
TRASH = QN
ZC = 392

SUB = 50
ROWS = N_EDGES // SUB
RPT = ROWS // NS
GRP = 4
CH8 = 8
NCH = RPT // CH8

E_PAD = 800256
EPT = E_PAD // (NC * NS)
ECH = 8336
HIST = 51200
NW = NC * NS

_mesh = plsc.VectorSubcoreMesh(core_axis_name="c", subcore_axis_name="s")
_cp = pltpu.CompilerParams(needs_layout_passes=False)


@functools.partial(
    pl.kernel,
    out_type=jax.ShapeDtypeStruct((NW, HIST), jnp.float32),
    mesh=_mesh,
    scratch_types=[
        pltpu.VMEM((ECH,), jnp.int32),
        pltpu.VMEM((HIST,), jnp.float32),
    ],
    compiler_params=_cp,
)
def _deg_kernel(dst_hbm, hist_hbm, idx_v, hist_v):
    c = lax.axis_index("c")
    s = lax.axis_index("s")
    w = s * NC + c

    def zero_body(i, _):
        hist_v[pl.ds(i * 16, 16)] = jnp.zeros((16,), jnp.float32)
        return 0
    lax.fori_loop(0, HIST // 16, zero_body, 0)

    ones16 = jnp.ones((16,), jnp.float32)

    def chunk_body(k, _):
        pltpu.sync_copy(dst_hbm.at[pl.ds(w * EPT + k * ECH, ECH)], idx_v)

        def scat_body(i, _2):
            idx16 = idx_v[pl.ds(i * 16, 16)]
            plsc.addupdate_scatter(hist_v, [idx16], ones16)
            return 0
        lax.fori_loop(0, ECH // 16, scat_body, 0)
        return 0
    lax.fori_loop(0, EPT // ECH, chunk_body, 0)

    pltpu.sync_copy(hist_v, hist_hbm.at[w])


@functools.partial(
    pl.kernel,
    out_type=jax.ShapeDtypeStruct((NH, QROWS, DP), jnp.float32),
    mesh=_mesh,
    scratch_types=[
        pltpu.VMEM_SHARED((QROWS, DP), jnp.float32),
        pltpu.VMEM((CH8, SUB), jnp.int32),
        pltpu.VMEM((CH8, SUB), jnp.int32),
        pltpu.VMEM((GRP, SUB, DP), jnp.float32),
        [pltpu.SemaphoreType.DMA] * 4,
        [pltpu.SemaphoreType.DMA] * 4,
    ],
    compiler_params=_cp,
)
def _layer_kernel(src_hbm, dstq_hbm, z_hbm, zero_hbm, t_hbm,
                  acc_sp, src_v, dst_v, rows_v, sems_g, sems_s):
    c = lax.axis_index("c")
    s = lax.axis_index("s")

    for k in range(QPT // ZC):
        pltpu.sync_copy(zero_hbm,
                        acc_sp.at[pl.ds(s * QPT + k * ZC, ZC)])
    plsc.subcore_barrier()

    def chunk_body(ch, _):
        row0 = s * RPT + ch * CH8
        pltpu.sync_copy(src_hbm.at[pl.ds(row0, CH8)], src_v)
        pltpu.sync_copy(dstq_hbm.at[c, pl.ds(row0, CH8)], dst_v)

        def fg(b, r):
            pltpu.async_copy(z_hbm.at[src_v.at[r]], rows_v.at[b],
                             sems_g[b])

        def dg(b):
            pltpu.make_async_copy(
                z_hbm.at[src_v.at[0]], rows_v.at[0], sems_g[b]).wait()

        def fs(b, r):
            pltpu.async_copy(rows_v.at[b], acc_sp.at[dst_v.at[r]],
                             sems_s[b], add=True)

        def ds(b):
            pltpu.make_async_copy(
                rows_v.at[0], acc_sp.at[dst_v.at[0]], sems_s[b]).wait()

        for b in range(4):
            fg(b, b)
        for b in range(4):
            dg(b); fs(b, b)
        for b in range(4):
            ds(b); fg(b, 4 + b)
        for b in range(4):
            dg(b); fs(b, 4 + b)
        for b in range(4):
            ds(b)
        return 0

    lax.fori_loop(0, NCH, chunk_body, 0)
    plsc.subcore_barrier()

    for k in range(QPT // ZC):
        off = s * QPT + k * ZC
        pltpu.sync_copy(acc_sp.at[pl.ds(off, ZC)],
                        t_hbm.at[c, pl.ds(off, ZC)])


_BN = 2000


def _z2_block(z, j):
    zero = jnp.zeros((_BN, DIM), jnp.float32)
    top = jnp.concatenate([z, zero], axis=1)
    bot = jnp.concatenate([zero, z], axis=1)
    return jnp.where(j == 0, top, bot)[None]


def _finalize_body(hist_ref, emb_ref, dinv_ref, z0_ref):
    j = pl.program_id(0)
    deg = jnp.sum(hist_ref[...], axis=1, keepdims=True)
    safe = jnp.where(deg > 0, deg, 1.0)
    dinv = jnp.where(deg > 0, lax.rsqrt(safe), 0.0)
    dinv_rep = jnp.broadcast_to(dinv, (_BN, DIM))
    dinv_ref[...] = dinv_rep
    z0_ref[...] = _z2_block(dinv_rep * emb_ref[...], j)


def _tc_finalize(hist_t, emb):
    return pl.pallas_call(
        _finalize_body,
        grid=(2, N_NODES // _BN),
        in_specs=[
            pl.BlockSpec((_BN, NW), lambda j, i: (i, 0)),
            pl.BlockSpec((_BN, DIM), lambda j, i: (i, 0)),
        ],
        out_specs=[
            pl.BlockSpec((_BN, DIM), lambda j, i: (i, 0)),
            pl.BlockSpec((1, _BN, DP), lambda j, i: (j, i, 0)),
        ],
        out_shape=[
            jax.ShapeDtypeStruct((N_NODES, DIM), jnp.float32),
            jax.ShapeDtypeStruct((2, N_NODES, DP), jnp.float32),
        ],
    )(hist_t, emb)


def _scale_body(t_ref, dinv_ref, z_ref):
    j = pl.program_id(0)
    d = dinv_ref[...]
    z_ref[...] = _z2_block(d * d * t_ref[...], j)


def _tc_scale(t_cat, dinv_rep):
    return pl.pallas_call(
        _scale_body,
        grid=(2, N_NODES // _BN),
        in_specs=[
            pl.BlockSpec((_BN, DIM), lambda j, i: (i, 0)),
            pl.BlockSpec((_BN, DIM), lambda j, i: (i, 0)),
        ],
        out_specs=pl.BlockSpec((1, _BN, DP), lambda j, i: (j, i, 0)),
        out_shape=jax.ShapeDtypeStruct((2, N_NODES, DP), jnp.float32),
    )(t_cat, dinv_rep)


def _final_body(t0_ref, t1_ref, t2_ref, dinv_ref, emb_ref, out_ref):
    tsum = t0_ref[...] + t1_ref[...] + t2_ref[...]
    out_ref[...] = (emb_ref[...] + dinv_ref[...] * tsum) * 0.25


def _tc_final(t0, t1, t2, dinv_rep, emb):
    spec = pl.BlockSpec((_BN, DIM), lambda i: (i, 0))
    return pl.pallas_call(
        _final_body,
        grid=(N_NODES // _BN,),
        in_specs=[spec] * 5,
        out_specs=spec,
        out_shape=jax.ShapeDtypeStruct((N_NODES, DIM), jnp.float32),
    )(t0, t1, t2, dinv_rep, emb)


def _t_cat(t2):
    return t2[:, :QN, :].reshape(NH, QN * 2, DIM).reshape(N_NODES, DIM)


def kernel(edge_index, emb_weight):
    src = edge_index[0].astype(jnp.int32)
    dst = edge_index[1].astype(jnp.int32)

    dst_pad = jnp.concatenate(
        [dst, jnp.full((E_PAD - N_EDGES,), N_NODES, jnp.int32)])
    src_r = ((dst & 1) * N_NODES + src).reshape(ROWS, SUB)
    hs = jnp.arange(NH, dtype=jnp.int32)[:, None] * HN
    local = dst[None, :] - hs
    dstq = jnp.where((local >= 0) & (local < HN), local >> 1,
                     jnp.int32(TRASH)).reshape(NH, ROWS, SUB)
    zero_tile = jnp.zeros((ZC, DP), jnp.float32)

    hist = _deg_kernel(dst_pad)
    hist_t = hist.T[:N_NODES]
    dinv_rep, z = _tc_finalize(hist_t, emb_weight)

    zf = z.reshape(2 * N_NODES, DP)
    t0 = _layer_kernel(src_r, dstq, zf, zero_tile)
    t0c = _t_cat(t0)
    zf = _tc_scale(t0c, dinv_rep).reshape(2 * N_NODES, DP)
    t1 = _layer_kernel(src_r, dstq, zf, zero_tile)
    t1c = _t_cat(t1)
    zf = _tc_scale(t1c, dinv_rep).reshape(2 * N_NODES, DP)
    t2 = _layer_kernel(src_r, dstq, zf, zero_tile)

    out = _tc_final(t0c, t1c, _t_cat(t2), dinv_rep, emb_weight)
    return (emb_weight, out)

# --- scband reference (transcript-rebuilt; emitter-appended) ---
"""Pipeline reference for scband-rec-sys-gnn-53077205844497 (READ-ONLY COPY).

The authoritative reference and input builder live on the scoring server;
editing this copy changes nothing except your own understanding.
"""

import jax, jax.numpy as jnp
import numpy as np

NUM_USERS = 25000
NUM_ITEMS = 25000
NUM_NODES = NUM_USERS + NUM_ITEMS
LATENT_DIM = 64
NUM_LAYERS = 3
NUM_EDGES = 800000


def setup_inputs(seed: int = 0) -> dict:
    key = jax.random.key(seed)
    k1, k2 = jax.random.split(key)
    edge_index = jax.random.randint(k1, (2, NUM_EDGES), 0, NUM_NODES)
    # nn.Embedding weight, init normal std=0.1 (LightGCN branch of init_parameters)
    emb_weight = 0.1 * jax.random.normal(k2, (NUM_NODES, LATENT_DIM), dtype=jnp.float32)
    return {"edge_index": edge_index, "emb_weight": emb_weight}


def lightgcn_conv(x, edge_index):
    # Standard LightGCN propagation: out = D^{-1/2} A D^{-1/2} x
    src = edge_index[0]
    dst = edge_index[1]
    n = x.shape[0]
    ones = jnp.ones((edge_index.shape[1],), dtype=x.dtype)
    deg = jax.ops.segment_sum(ones, dst, num_segments=n)
    deg_inv_sqrt = jnp.where(deg > 0, jax.lax.rsqrt(jnp.where(deg > 0, deg, 1.0)), 0.0)
    norm = deg_inv_sqrt[src] * deg_inv_sqrt[dst]
    msgs = x[src] * norm[:, None]
    return jax.ops.segment_sum(msgs, dst, num_segments=n)


def reference(edge_index, emb_weight):
    emb0 = emb_weight
    embs = [emb0]
    emb = emb0
    for _ in range(NUM_LAYERS):
        emb = lightgcn_conv(emb, edge_index)
        embs.append(emb)
    # LightGCN: mean over layer embeddings (including layer 0)
    out = jnp.mean(jnp.stack(embs, axis=0), axis=0)
    return (emb0, out)

if __name__ == "__main__":
    import jax
    _d = setup_inputs()
    print(jax.jit(kernel)(*tuple(_d.values())))

</pallas_src>

<mosaic_0001>
#map = affine_map<(d0, d1) -> (0)>
#map1 = affine_map<(d0, d1) -> (0, 0)>
module attributes {stable_mosaic.version = 14 : i64} {
  func.func @_deg_kernel(%arg0: i32, %arg1: i32, %arg2: memref<800256xi32, #tpu.memory_space<hbm>>, %arg3: memref<32x51200xf32, #tpu.memory_space<hbm>>, %arg4: memref<8336xi32, #tpu.memory_space<vmem>>, %arg5: memref<51200xf32, #tpu.memory_space<vmem>>) attributes {dimension_semantics = [#tpu.dimension_semantics<core_parallel>, #tpu.dimension_semantics<subcore_parallel>], iteration_bounds = array<i64: 2, 16>, scalar_prefetch = 0 : i64, scratch_operands = 2 : i64, tpu.core_type = #tpu.core_type<sc_vector_subcore>, window_params = [{transform_indices = #map}, {transform_indices = #map1}]} {
    %mul3A = arith.constant 2 : i32
    %mul3A_0 = arith.muli %arg1, %mul3A : i32
    %add3A = arith.addi %mul3A_0, %arg0 : i32
    %scan3A = arith.constant 0 : i32
    %scan3A_1 = arith.constant 0 : i32
    %scan3A_2 = arith.constant 3200 : i32
    %scan3A_3 = arith.addi %scan3A_1, %scan3A_2 : i32
    %scan3A_4 = arith.constant 1 : i32
    %scan3A_5 = scf.for %scan3A_15 = %scan3A_1 to %scan3A_3 step %scan3A_4 iter_args(%scan3A_16 = %scan3A) -> (i32)  : i32 {
      %broadcast_in_dim3A_17 = arith.constant 0.000000e+00 : f32
      %broadcast_in_dim3A_18 = vector.broadcast %broadcast_in_dim3A_17 : f32 to vector<16xf32>
      %mul3A_19 = arith.constant 16 : i32
      %mul3A_20 = arith.muli %scan3A_15, %mul3A_19 : i32
      %swap3A = arith.index_cast %mul3A_20 : i32 to index
      %swap3A_21 = tpu.vector_load %arg5[%swap3A] {strides = array<i32>} : memref<51200xf32, #tpu.memory_space<vmem>>, vector<16xf32>,
      tpu.vector_store %arg5[%swap3A], %broadcast_in_dim3A_18 {strides = array<i32>} : memref<51200xf32, #tpu.memory_space<vmem>>, vector<16xf32>,
      %scan3A_22 = arith.constant 0 : i32
      scf.yield %scan3A_22 : i32
    }
    %scan3A_6 = arith.constant 3200 : i32
    %broadcast_in_dim3A = arith.constant 1.000000e+00 : f32
    %broadcast_in_dim3A_7 = vector.broadcast %broadcast_in_dim3A : f32 to vector<16xf32>
    %scan3A_8 = arith.constant 0 : i32
    %scan3A_9 = arith.constant 0 : i32
    %scan3A_10 = arith.constant 3 : i32
    %scan3A_11 = arith.addi %scan3A_9, %scan3A_10 : i32
    %scan3A_12 = arith.constant 1 : i32
    %scan3A_13 = scf.for %scan3A_15 = %scan3A_9 to %scan3A_11 step %scan3A_12 iter_args(%scan3A_16 = %scan3A_8) -> (i32)  : i32 {
      %mul3A_17 = arith.constant 25008 : i32
      %mul3A_18 = arith.muli %add3A, %mul3A_17 : i32
      %mul3A_19 = arith.constant 8336 : i32
      %mul3A_20 = arith.muli %scan3A_15, %mul3A_19 : i32
      %add3A_21 = arith.addi %mul3A_18, %mul3A_20 : i32
      "tpu.region"() ({
        %run_scoped3A = tpu.sem_alloc : memref<!tpu.dma_semaphore, #tpu.memory_space<semaphore_mem>>
        %dma_start3A = tpu.memref_slice %arg2[%add3A_21] : memref<800256xi32, #tpu.memory_space<hbm>> -> memref<8336xi32, #tpu.memory_space<hbm>>
        %dma_start3A_30 = tpu.memref_slice %arg2[%add3A_21] : memref<800256xi32, #tpu.memory_space<hbm>> -> memref<8336xi32, #tpu.memory_space<hbm>>
        tpu.enqueue_dma source(%dma_start3A_30 : memref<8336xi32, #tpu.memory_space<hbm>>) target(%arg4 : memref<8336xi32, #tpu.memory_space<vmem>>) target_semaphore(%run_scoped3A : memref<!tpu.dma_semaphore, #tpu.memory_space<semaphore_mem>>)
        %dma_wait3A = tpu.memref_slice %arg2[%add3A_21] : memref<800256xi32, #tpu.memory_space<hbm>> -> memref<8336xi32, #tpu.memory_space<hbm>>
        %dma_wait3A_31 = tpu.memref_slice %arg2[%add3A_21] : memref<800256xi32, #tpu.memory_space<hbm>> -> memref<8336xi32, #tpu.memory_space<hbm>>
        tpu.wait_dma2 semaphore(%run_scoped3A : memref<!tpu.dma_semaphore, #tpu.memory_space<semaphore_mem>>) src(%dma_wait3A_31 : memref<8336xi32, #tpu.memory_space<hbm>>) dst(%arg4 : memref<8336xi32, #tpu.memory_space<vmem>>)
        tpu.yield
      }) : () -> ()
      %scan3A_22 = arith.constant 0 : i32
      %scan3A_23 = arith.constant 0 : i32
      %scan3A_24 = arith.constant 521 : i32
      %scan3A_25 = arith.addi %scan3A_23, %scan3A_24 : i32
      %scan3A_26 = arith.constant 1 : i32
      %scan3A_27 = scf.for %scan3A_30 = %scan3A_23 to %scan3A_25 step %scan3A_26 iter_args(%scan3A_31 = %scan3A_22) -> (i32)  : i32 {
        %mul3A_32 = arith.constant 16 : i32
        %mul3A_33 = arith.muli %scan3A_30, %mul3A_32 : i32
        %get3A = arith.index_cast %mul3A_33 : i32 to index
        %get3A_34 = tpu.vector_load %arg4[%get3A] {strides = array<i32>} : memref<8336xi32, #tpu.memory_space<vmem>>, vector<16xi32>,
        tpu.vector_store_idx %arg5[%get3A_34], %broadcast_in_dim3A_7 {add = true} : memref<51200xf32, #tpu.memory_space<vmem>>[vector<16xi32>], vector<16xf32>,
        %scan3A_35 = arith.constant 0 : i32
        scf.yield %scan3A_35 : i32
      }
      %scan3A_28 = arith.constant 521 : i32
      %scan3A_29 = arith.constant 0 : i32
      scf.yield %scan3A_29 : i32
    }
    %scan3A_14 = arith.constant 3 : i32
    "tpu.region"() ({
      %run_scoped3A = tpu.sem_alloc : memref<!tpu.dma_semaphore, #tpu.memory_space<semaphore_mem>>
      %dma_start3A = arith.constant 0 : i32
      %dma_start3A_15 = tpu.memref_slice %arg3[%add3A, %dma_start3A] : memref<32x51200xf32, #tpu.memory_space<hbm>> -> memref<1x51200xf32, #tpu.memory_space<hbm>>
      %dma_start3A_16 = tpu.memref_squeeze %dma_start3A_15 : memref<1x51200xf32, #tpu.memory_space<hbm>> -> memref<51200xf32, #tpu.memory_space<hbm>>
      %dma_start3A_17 = arith.constant 0 : i32
      %dma_start3A_18 = tpu.memref_slice %arg3[%add3A, %dma_start3A_17] : memref<32x51200xf32, #tpu.memory_space<hbm>> -> memref<1x51200xf32, #tpu.memory_space<hbm>>
      %dma_start3A_19 = tpu.memref_squeeze %dma_start3A_18 : memref<1x51200xf32, #tpu.memory_space<hbm>> -> memref<51200xf32, #tpu.memory_space<hbm>>
      tpu.enqueue_dma source(%arg5 : memref<51200xf32, #tpu.memory_space<vmem>>) target(%dma_start3A_19 : memref<51200xf32, #tpu.memory_space<hbm>>) target_semaphore(%run_scoped3A : memref<!tpu.dma_semaphore, #tpu.memory_space<semaphore_mem>>)
      %dma_wait3A = arith.constant 0 : i32
      %dma_wait3A_20 = tpu.memref_slice %arg3[%add3A, %dma_wait3A] : memref<32x51200xf32, #tpu.memory_space<hbm>> -> memref<1x51200xf32, #tpu.memory_space<hbm>>
      %dma_wait3A_21 = tpu.memref_squeeze %dma_wait3A_20 : memref<1x51200xf32, #tpu.memory_space<hbm>> -> memref<51200xf32, #tpu.memory_space<hbm>>
      %dma_wait3A_22 = arith.constant 0 : i32
      %dma_wait3A_23 = tpu.memref_slice %arg3[%add3A, %dma_wait3A_22] : memref<32x51200xf32, #tpu.memory_space<hbm>> -> memref<1x51200xf32, #tpu.memory_space<hbm>>
      %dma_wait3A_24 = tpu.memref_squeeze %dma_wait3A_23 : memref<1x51200xf32, #tpu.memory_space<hbm>> -> memref<51200xf32, #tpu.memory_space<hbm>>
      tpu.wait_dma2 semaphore(%run_scoped3A : memref<!tpu.dma_semaphore, #tpu.memory_space<semaphore_mem>>) src(%arg5 : memref<51200xf32, #tpu.memory_space<vmem>>) dst(%dma_wait3A_24 : memref<51200xf32, #tpu.memory_space<hbm>>)
      tpu.yield
    }) : () -> ()
    return
  }
}

#map = affine_map<(d0, d1) -> (0, 0)>
#map1 = affine_map<(d0, d1) -> (0, 0, 0)>
module attributes {stable_mosaic.version = 14 : i64} {
  func.func @_layer_kernel(%arg0: i32, %arg1: i32, %arg2: memref<16000x50xi32, #tpu.memory_space<hbm>>, %arg3: memref<2x16000x50xi32, #tpu.memory_space<hbm>>, %arg4: memref<100000x128xf32, #tpu.memory_space<hbm>>, %arg5: memref<392x128xf32, #tpu.memory_space<hbm>>, %arg6: memref<2x12544x128xf32, #tpu.memory_space<hbm>>, %arg7: memref<12544x128xf32, #tpu.memory_space<vmem_shared>>, %arg8: memref<8x50xi32, #tpu.memory_space<vmem>>, %arg9: memref<8x50xi32, #tpu.memory_space<vmem>>, %arg10: memref<4x50x128xf32, #tpu.memory_space<vmem>>, %arg11: memref<!tpu.dma_semaphore, #tpu.memory_space<semaphore_mem>>, %arg12: memref<!tpu.dma_semaphore, #tpu.memory_space<semaphore_mem>>, %arg13: memref<!tpu.dma_semaphore, #tpu.memory_space<semaphore_mem>>, %arg14: memref<!tpu.dma_semaphore, #tpu.memory_space<semaphore_mem>>, %arg15: memref<!tpu.dma_semaphore, #tpu.memory_space<semaphore_mem>>, %arg16: memref<!tpu.dma_semaphore, #tpu.memory_space<semaphore_mem>>, %arg17: memref<!tpu.dma_semaphore, #tpu.memory_space<semaphore_mem>>, %arg18: memref<!tpu.dma_semaphore, #tpu.memory_space<semaphore_mem>>) attributes {dimension_semantics = [#tpu.dimension_semantics<core_parallel>, #tpu.dimension_semantics<subcore_parallel>], iteration_bounds = array<i64: 2, 16>, scalar_prefetch = 0 : i64, scratch_operands = 12 : i64, tpu.core_type = #tpu.core_type<sc_vector_subcore>, window_params = [{transform_indices = #map}, {transform_indices = #map1}, {transform_indices = #map}, {transform_indices = #map}, {transform_indices = #map1}]} {
    %mul3A = arith.constant 784 : i32
    %mul3A_0 = arith.muli %arg1, %mul3A : i32
    %add3A = arith.constant 0 : i32
    %add3A_1 = arith.addi %mul3A_0, %add3A : i32
    "tpu.region"() ({
      %run_scoped3A = tpu.sem_alloc : memref<!tpu.dma_semaphore, #tpu.memory_space<semaphore_mem>>
      %dma_start3A = arith.constant 0 : i32
      %dma_start3A_21 = tpu.memref_slice %arg7[%add3A_1, %dma_start3A] : memref<12544x128xf32, #tpu.memory_space<vmem_shared>> -> memref<392x128xf32, #tpu.memory_space<vmem_shared>>
      tpu.enqueue_dma source(%arg5 : memref<392x128xf32, #tpu.memory_space<hbm>>) target(%dma_start3A_21 : memref<392x128xf32, #tpu.memory_space<vmem_shared>>) target_semaphore(%run_scoped3A : memref<!tpu.dma_semaphore, #tpu.memory_space<semaphore_mem>>)
      %dma_wait3A = arith.constant 0 : i32
      %dma_wait3A_22 = tpu.memref_slice %arg7[%add3A_1, %dma_wait3A] : memref<12544x128xf32, #tpu.memory_space<vmem_shared>> -> memref<392x128xf32, #tpu.memory_space<vmem_shared>>
      tpu.wait_dma2 semaphore(%run_scoped3A : memref<!tpu.dma_semaphore, #tpu.memory_space<semaphore_mem>>) src(%arg5 : memref<392x128xf32, #tpu.memory_space<hbm>>) dst(%dma_wait3A_22 : memref<392x128xf32, #tpu.memory_space<vmem_shared>>)
      tpu.yield
    }) : () -> ()
    %mul3A_2 = arith.constant 784 : i32
    %mul3A_3 = arith.muli %arg1, %mul3A_2 : i32
    %add3A_4 = arith.constant 392 : i32
    %add3A_5 = arith.addi %mul3A_3, %add3A_4 : i32
    "tpu.region"() ({
      %run_scoped3A = tpu.sem_alloc : memref<!tpu.dma_semaphore, #tpu.memory_space<semaphore_mem>>
      %dma_start3A = arith.constant 0 : i32
      %dma_start3A_21 = tpu.memref_slice %arg7[%add3A_5, %dma_start3A] : memref<12544x128xf32, #tpu.memory_space<vmem_shared>> -> memref<392x128xf32, #tpu.memory_space<vmem_shared>>
      tpu.enqueue_dma source(%arg5 : memref<392x128xf32, #tpu.memory_space<hbm>>) target(%dma_start3A_21 : memref<392x128xf32, #tpu.memory_space<vmem_shared>>) target_semaphore(%run_scoped3A : memref<!tpu.dma_semaphore, #tpu.memory_space<semaphore_mem>>)
      %dma_wait3A = arith.constant 0 : i32
      %dma_wait3A_22 = tpu.memref_slice %arg7[%add3A_5, %dma_wait3A] : memref<12544x128xf32, #tpu.memory_space<vmem_shared>> -> memref<392x128xf32, #tpu.memory_space<vmem_shared>>
      tpu.wait_dma2 semaphore(%run_scoped3A : memref<!tpu.dma_semaphore, #tpu.memory_space<semaphore_mem>>) src(%arg5 : memref<392x128xf32, #tpu.memory_space<hbm>>) dst(%dma_wait3A_22 : memref<392x128xf32, #tpu.memory_space<vmem_shared>>)
      tpu.yield
    }) : () -> ()
    %barrier3A = arith.constant 0 : index
    tpu.barrier barrier_id(%barrier3A)
    %scan3A = arith.constant 0 : i32
    %scan3A_6 = arith.constant 0 : i32
    %scan3A_7 = arith.constant 125 : i32
    %scan3A_8 = arith.addi %scan3A_6, %scan3A_7 : i32
    %scan3A_9 = arith.constant 1 : i32
    %scan3A_10 = scf.for %scan3A_21 = %scan3A_6 to %scan3A_8 step %scan3A_9 iter_args(%scan3A_22 = %scan3A) -> (i32)  : i32 {
      %mul3A_23 = arith.constant 1000 : i32
      %mul3A_24 = arith.muli %arg1, %mul3A_23 : i32
      %mul3A_25 = arith.constant 8 : i32
      %mul3A_26 = arith.muli %scan3A_21, %mul3A_25 : i32
      %add3A_27 = arith.addi %mul3A_24, %mul3A_26 : i32
      "tpu.region"() ({
        %run_scoped3A = tpu.sem_alloc : memref<!tpu.dma_semaphore, #tpu.memory_space<semaphore_mem>>
        %dma_start3A_411 = arith.constant 0 : i32
        %dma_start3A_412 = tpu.memref_slice %arg2[%add3A_27, %dma_start3A_411] : memref<16000x50xi32, #tpu.memory_space<hbm>> -> memref<8x50xi32, #tpu.memory_space<hbm>>
        %dma_start3A_413 = arith.constant 0 : i32
        %dma_start3A_414 = tpu.memref_slice %arg2[%add3A_27, %dma_start3A_413] : memref<16000x50xi32, #tpu.memory_space<hbm>> -> memref<8x50xi32, #tpu.memory_space<hbm>>
        tpu.enqueue_dma source(%dma_start3A_414 : memref<8x50xi32, #tpu.memory_space<hbm>>) target(%arg8 : memref<8x50xi32, #tpu.memory_space<vmem>>) target_semaphore(%run_scoped3A : memref<!tpu.dma_semaphore, #tpu.memory_space<semaphore_mem>>)
        %dma_wait3A_415 = arith.constant 0 : i32
        %dma_wait3A_416 = tpu.memref_slice %arg2[%add3A_27, %dma_wait3A_415] : memref<16000x50xi32, #tpu.memory_space<hbm>> -> memref<8x50xi32, #tpu.memory_space<hbm>>
        %dma_wait3A_417 = arith.constant 0 : i32
        %dma_wait3A_418 = tpu.memref_slice %arg2[%add3A_27, %dma_wait3A_417] : memref<16000x50xi32, #tpu.memory_space<hbm>> -> memref<8x50xi32, #tpu.memory_space<hbm>>
        tpu.wait_dma2 semaphore(%run_scoped3A : memref<!tpu.dma_semaphore, #tpu.memory_space<semaphore_mem>>) src(%dma_wait3A_418 : memref<8x50xi32, #tpu.memory_space<hbm>>) dst(%arg8 : memref<8x50xi32, #tpu.memory_space<vmem>>)
        tpu.yield
      }) : () -> ()
      "tpu.region"() ({
        %run_scoped3A = tpu.sem_alloc : memref<!tpu.dma_semaphore, #tpu.memory_space<semaphore_mem>>
        %dma_start3A_411 = arith.constant 0 : i32
        %dma_start3A_412 = tpu.memref_slice %arg3[%arg0, %add3A_27, %dma_start3A_411] : memref<2x16000x50xi32, #tpu.memory_space<hbm>> -> memref<1x8x50xi32, #tpu.memory_space<hbm>>
        %dma_start3A_413 = tpu.memref_squeeze %dma_start3A_412 : memref<1x8x50xi32, #tpu.memory_space<hbm>> -> memref<8x50xi32, #tpu.memory_space<hbm>>
        %dma_start3A_414 = arith.constant 0 : i32
        %dma_start3A_415 = tpu.memref_slice %arg3[%arg0, %add3A_27, %dma_start3A_414] : memref<2x16000x50xi32, #tpu.memory_space<hbm>> -> memref<1x8x50xi32, #tpu.memory_space<hbm>>
        %dma_start3A_416 = tpu.memref_squeeze %dma_start3A_415 : memref<1x8x50xi32, #tpu.memory_space<hbm>> -> memref<8x50xi32, #tpu.memory_space<hbm>>
        tpu.enqueue_dma source(%dma_start3A_416 : memref<8x50xi32, #tpu.memory_space<hbm>>) target(%arg9 : memref<8x50xi32, #tpu.memory_space<vmem>>) target_semaphore(%run_scoped3A : memref<!tpu.dma_semaphore, #tpu.memory_space<semaphore_mem>>)
        %dma_wait3A_417 = arith.constant 0 : i32
        %dma_wait3A_418 = tpu.memref_slice %arg3[%arg0, %add3A_27, %dma_wait3A_417] : memref<2x16000x50xi32, #tpu.memory_space<hbm>> -> memref<1x8x50xi32, #tpu.memory_space<hbm>>
        %dma_wait3A_419 = tpu.memref_squeeze %dma_wait3A_418 : memref<1x8x50xi32, #tpu.memory_space<hbm>> -> memref<8x50xi32, #tpu.memory_space<hbm>>
        %dma_wait3A_420 = arith.constant 0 : i32
        %dma_wait3A_421 = tpu.memref_slice %arg3[%arg0, %add3A_27, %dma_wait3A_420] : memref<2x16000x50xi32, #tpu.memory_space<hbm>> -> memref<1x8x50xi32, #tpu.memory_space<hbm>>
        %dma_wait3A_422 = tpu.memref_squeeze %dma_wait3A_421 : memref<1x8x50xi32, #tpu.memory_space<hbm>> -> memref<8x50xi32, #tpu.memory_space<hbm>>
        tpu.wait_dma2 semaphore(%run_scoped3A : memref<!tpu.dma_semaphore, #tpu.memory_space<semaphore_mem>>) src(%dma_wait3A_422 : memref<8x50xi32, #tpu.memory_space<hbm>>) dst(%arg9 : memref<8x50xi32, #tpu.memory_space<vmem>>)
        tpu.yield
      }) : () -> ()
      %dma_start3A = arith.constant 0 : i32
      %dma_start3A_28 = arith.constant 0 : i32
      %dma_start3A_29 = arith.constant 0 : i32
      %dma_start3A_30 = arith.constant 0 : i32
      %dma_start3A_31 = tpu.memref_slice %arg10[%dma_start3A_28, %dma_start3A_29, %dma_start3A_30] : memref<4x50x128xf32, #tpu.memory_space<vmem>> -> memref<1x50x128xf32, #tpu.memory_space<vmem>>
      %dma_start3A_32 = tpu.memref_squeeze %dma_start3A_31 : memref<1x50x128xf32, #tpu.memory_space<vmem>> -> memref<50x128xf32, #tpu.memory_space<vmem>>
      %dma_start3A_33 = arith.constant 0 : i32
      %dma_start3A_34 = tpu.memref_slice %arg8[%dma_start3A, %dma_start3A_33] : memref<8x50xi32, #tpu.memory_space<vmem>> -> memref<1x50xi32, #tpu.memory_space<vmem>>
      %dma_start3A_35 = tpu.memref_squeeze %dma_start3A_34 : memref<1x50xi32, #tpu.memory_space<vmem>> -> memref<50xi32, #tpu.memory_space<vmem>>
      %dma_start3A_36 = arith.constant 0 : i32
      %dma_start3A_37 = arith.constant 0 : i32
      %dma_start3A_38 = tpu.memref_slice %arg4[%dma_start3A_36, %dma_start3A_37] : memref<100000x128xf32, #tpu.memory_space<hbm>> -> memref<100000x128xf32, #tpu.memory_space<hbm>>
      tpu.enqueue_indirect_dma source(%dma_start3A_38 : memref<100000x128xf32, #tpu.memory_space<hbm>>) target(%dma_start3A_32 : memref<50x128xf32, #tpu.memory_space<vmem>>) offsets(%dma_start3A_35 : memref<50xi32, #tpu.memory_space<vmem>>) semaphore(%arg11 : memref<!tpu.dma_semaphore, #tpu.memory_space<semaphore_mem>>)
      %dma_start3A_39 = arith.constant 1 : i32
      %dma_start3A_40 = arith.constant 1 : i32
      %dma_start3A_41 = arith.constant 0 : i32
      %dma_start3A_42 = arith.constant 0 : i32
      %dma_start3A_43 = tpu.memref_slice %arg10[%dma_start3A_40, %dma_start3A_41, %dma_start3A_42] : memref<4x50x128xf32, #tpu.memory_space<vmem>> -> memref<1x50x128xf32, #tpu.memory_space<vmem>>
      %dma_start3A_44 = tpu.memref_squeeze %dma_start3A_43 : memref<1x50x128xf32, #tpu.memory_space<vmem>> -> memref<50x128xf32, #tpu.memory_space<vmem>>
      %dma_start3A_45 = arith.constant 0 : i32
      %dma_start3A_46 = tpu.memref_slice %arg8[%dma_start3A_39, %dma_start3A_45] : memref<8x50xi32, #tpu.memory_space<vmem>> -> memref<1x50xi32, #tpu.memory_space<vmem>>
      %dma_start3A_47 = tpu.memref_squeeze %dma_start3A_46 : memref<1x50xi32, #tpu.memory_space<vmem>> -> memref<50xi32, #tpu.memory_space<vmem>>
      %dma_start3A_48 = arith.constant 0 : i32
      %dma_start3A_49 = arith.constant 0 : i32
      %dma_start3A_50 = tpu.memref_slice %arg4[%dma_start3A_48, %dma_start3A_49] : memref<100000x128xf32, #tpu.memory_space<hbm>> -> memref<100000x128xf32, #tpu.memory_space<hbm>>
      tpu.enqueue_indirect_dma source(%dma_start3A_50 : memref<100000x128xf32, #tpu.memory_space<hbm>>) target(%dma_start3A_44 : memref<50x128xf32, #tpu.memory_space<vmem>>) offsets(%dma_start3A_47 : memref<50xi32, #tpu.memory_space<vmem>>) semaphore(%arg12 : memref<!tpu.dma_semaphore, #tpu.memory_space<semaphore_mem>>)
      %dma_start3A_51 = arith.constant 2 : i32
      %dma_start3A_52 = arith.constant 2 : i32
      %dma_start3A_53 = arith.constant 0 : i32
      %dma_start3A_54 = arith.constant 0 : i32
      %dma_start3A_55 = tpu.memref_slice %arg10[%dma_start3A_52, %dma_start3A_53, %dma_start3A_54] : memref<4x50x128xf32, #tpu.memory_space<vmem>> -> memref<1x50x128xf32, #tpu.memory_space<vmem>>
      %dma_start3A_56 = tpu.memref_squeeze %dma_start3A_55 : memref<1x50x128xf32, #tpu.memory_space<vmem>> -> memref<50x128xf32, #tpu.memory_space<vmem>>
      %dma_start3A_57 = arith.constant 0 : i32
      %dma_start3A_58 = tpu.memref_slice %arg8[%dma_start3A_51, %dma_start3A_57] : memref<8x50xi32, #tpu.memory_space<vmem>> -> memref<1x50xi32, #tpu.memory_space<vmem>>
      %dma_start3A_59 = tpu.memref_squeeze %dma_start3A_58 : memref<1x50xi32, #tpu.memory_space<vmem>> -> memref<50xi32, #tpu.memory_space<vmem>>
      %dma_start3A_60 = arith.constant 0 : i32
      %dma_start3A_61 = arith.constant 0 : i32
      %dma_start3A_62 = tpu.memref_slice %arg4[%dma_start3A_60, %dma_start3A_61] : memref<100000x128xf32, #tpu.memory_space<hbm>> -> memref<100000x128xf32, #tpu.memory_space<hbm>>
      tpu.enqueue_indirect_dma source(%dma_start3A_62 : memref<100000x128xf32, #tpu.memory_space<hbm>>) target(%dma_start3A_56 : memref<50x128xf32, #tpu.memory_space<vmem>>) offsets(%dma_start3A_59 : memref<50xi32, #tpu.memory_space<vmem>>) semaphore(%arg13 : memref<!tpu.dma_semaphore, #tpu.memory_space<semaphore_mem>>)
      %dma_start3A_63 = arith.constant 3 : i32
      %dma_start3A_64 = arith.constant 3 : i32
      %dma_start3A_65 = arith.constant 0 : i32
      %dma_start3A_66 = arith.constant 0 : i32
      %dma_start3A_67 = tpu.memref_slice %arg10[%dma_start3A_64, %dma_start3A_65, %dma_start3A_66] : memref<4x50x128xf32, #tpu.memory_space<vmem>> -> memref<1x50x128xf32, #tpu.memory_space<vmem>>
      %dma_start3A_68 = tpu.memref_squeeze %dma_start3A_67 : memref<1x50x128xf32, #tpu.memory_space<vmem>> -> memref<50x128xf32, #tpu.memory_space<vmem>>
      %dma_start3A_69 = arith.constant 0 : i32
      %dma_start3A_70 = tpu.memref_slice %arg8[%dma_start3A_63, %dma_start3A_69] : memref<8x50xi32, #tpu.memory_space<vmem>> -> memref<1x50xi32, #tpu.memory_space<vmem>>
      %dma_start3A_71 = tpu.memref_squeeze %dma_start3A_70 : memref<1x50xi32, #tpu.memory_space<vmem>> -> memref<50xi32, #tpu.memory_space<vmem>>
      %dma_start3A_72 = arith.constant 0 : i32
      %dma_start3A_73 = arith.constant 0 : i32
      %dma_start3A_74 = tpu.memref_slice %arg4[%dma_start3A_72, %dma_start3A_73] : memref<100000x128xf32, #tpu.memory_space<hbm>> -> memref<100000x128xf32, #tpu.memory_space<hbm>>
      tpu.enqueue_indirect_dma source(%dma_start3A_74 : memref<100000x128xf32, #tpu.memory_space<hbm>>) target(%dma_start3A_68 : memref<50x128xf32, #tpu.memory_space<vmem>>) offsets(%dma_start3A_71 : memref<50xi32, #tpu.memory_space<vmem>>) semaphore(%arg14 : memref<!tpu.dma_semaphore, #tpu.memory_space<semaphore_mem>>)
      %dma_wait3A = arith.constant 0 : i32
      %dma_wait3A_75 = arith.constant 0 : i32
      %dma_wait3A_76 = arith.constant 0 : i32
      %dma_wait3A_77 = arith.constant 0 : i32
      %dma_wait3A_78 = tpu.memref_slice %arg10[%dma_wait3A_75, %dma_wait3A_76, %dma_wait3A_77] : memref<4x50x128xf32, #tpu.memory_space<vmem>> -> memref<1x50x128xf32, #tpu.memory_space<vmem>>
      %dma_wait3A_79 = tpu.memref_squeeze %dma_wait3A_78 : memref<1x50x128xf32, #tpu.memory_space<vmem>> -> memref<50x128xf32, #tpu.memory_space<vmem>>
      %dma_wait3A_80 = arith.constant 0 : i32
      %dma_wait3A_81 = tpu.memref_slice %arg8[%dma_wait3A, %dma_wait3A_80] : memref<8x50xi32, #tpu.memory_space<vmem>> -> memref<1x50xi32, #tpu.memory_space<vmem>>
      %dma_wait3A_82 = tpu.memref_squeeze %dma_wait3A_81 : memref<1x50xi32, #tpu.memory_space<vmem>> -> memref<50xi32, #tpu.memory_space<vmem>>
      %dma_wait3A_83 = arith.constant 0 : i32
      %dma_wait3A_84 = arith.constant 0 : i32
      %dma_wait3A_85 = tpu.memref_slice %arg4[%dma_wait3A_83, %dma_wait3A_84] : memref<100000x128xf32, #tpu.memory_space<hbm>> -> memref<100000x128xf32, #tpu.memory_space<hbm>>
      tpu.wait_indirect_dma semaphore(%arg11 : memref<!tpu.dma_semaphore, #tpu.memory_space<semaphore_mem>>) src(%dma_wait3A_85 : memref<100000x128xf32, #tpu.memory_space<hbm>>) dst(%dma_wait3A_79 : memref<50x128xf32, #tpu.memory_space<vmem>>)
      %dma_start3A_86 = arith.constant 0 : i32
      %dma_start3A_87 = arith.constant 0 : i32
      %dma_start3A_88 = arith.constant 0 : i32
      %dma_start3A_89 = arith.constant 0 : i32
      %dma_start3A_90 = tpu.memref_slice %arg10[%dma_start3A_86, %dma_start3A_88, %dma_start3A_89] : memref<4x50x128xf32, #tpu.memory_space<vmem>> -> memref<1x50x128xf32, #tpu.memory_space<vmem>>
      %dma_start3A_91 = tpu.memref_squeeze %dma_start3A_90 : memref<1x50x128xf32, #tpu.memory_space<vmem>> -> memref<50x128xf32, #tpu.memory_space<vmem>>
      %dma_start3A_92 = arith.constant 0 : i32
      %dma_start3A_93 = tpu.memref_slice %arg9[%dma_start3A_87, %dma_start3A_92] : memref<8x50xi32, #tpu.memory_space<vmem>> -> memref<1x50xi32, #tpu.memory_space<vmem>>
      %dma_start3A_94 = tpu.memref_squeeze %dma_start3A_93 : memref<1x50xi32, #tpu.memory_space<vmem>> -> memref<50xi32, #tpu.memory_space<vmem>>
      %dma_start3A_95 = arith.constant 0 : i32
      %dma_start3A_96 = arith.constant 0 : i32
      %dma_start3A_97 = tpu.memref_slice %arg7[%dma_start3A_95, %dma_start3A_96] : memref<12544x128xf32, #tpu.memory_space<vmem_shared>> -> memref<12544x128xf32, #tpu.memory_space<vmem_shared>>
      tpu.enqueue_indirect_dma source(%dma_start3A_91 : memref<50x128xf32, #tpu.memory_space<vmem>>) target(%dma_start3A_97 : memref<12544x128xf32, #tpu.memory_space<vmem_shared>>) offsets(%dma_start3A_94 : memref<50xi32, #tpu.memory_space<vmem>>) semaphore(%arg15 : memref<!tpu.dma_semaphore, #tpu.memory_space<semaphore_mem>>) {add = true}
      %dma_wait3A_98 = arith.constant 0 : i32
      %dma_wait3A_99 = arith.constant 0 : i32
      %dma_wait3A_100 = arith.constant 0 : i32
      %dma_wait3A_101 = arith.constant 0 : i32
      %dma_wait3A_102 = tpu.memref_slice %arg10[%dma_wait3A_99, %dma_wait3A_100, %dma_wait3A_101] : memref<4x50x128xf32, #tpu.memory_space<vmem>> -> memref<1x50x128xf32, #tpu.memory_space<vmem>>
      %dma_wait3A_103 = tpu.memref_squeeze %dma_wait3A_102 : memref<1x50x128xf32, #tpu.memory_space<vmem>> -> memref<50x128xf32, #tpu.memory_space<vmem>>
      %dma_wait3A_104 = arith.constant 0 : i32
      %dma_wait3A_105 = tpu.memref_slice %arg8[%dma_wait3A_98, %dma_wait3A_104] : memref<8x50xi32, #tpu.memory_space<vmem>> -> memref<1x50xi32, #tpu.memory_space<vmem>>
      %dma_wait3A_106 = tpu.memref_squeeze %dma_wait3A_105 : memref<1x50xi32, #tpu.memory_space<vmem>> -> memref<50xi32, #tpu.memory_space<vmem>>
      %dma_wait3A_107 = arith.constant 0 : i32
      %dma_wait3A_108 = arith.constant 0 : i32
      %dma_wait3A_109 = tpu.memref_slice %arg4[%dma_wait3A_107, %dma_wait3A_108] : memref<100000x128xf32, #tpu.memory_space<hbm>> -> memref<100000x128xf32, #tpu.memory_space<hbm>>
      tpu.wait_indirect_dma semaphore(%arg12 : memref<!tpu.dma_semaphore, #tpu.memory_space<semaphore_mem>>) src(%dma_wait3A_109 : memref<100000x128xf32, #tpu.memory_space<hbm>>) dst(%dma_wait3A_103 : memref<50x128xf32, #tpu.memory_space<vmem>>)
      %dma_start3A_110 = arith.constant 1 : i32
      %dma_start3A_111 = arith.constant 1 : i32
      %dma_start3A_112 = arith.constant 0 : i32
      %dma_start3A_113 = arith.constant 0 : i32
      %dma_start3A_114 = tpu.memref_slice %arg10[%dma_start3A_110, %dma_start3A_112, %dma_start3A_113] : memref<4x50x128xf32, #tpu.memory_space<vmem>> -> memref<1x50x128xf32, #tpu.memory_space<vmem>>
      %dma_start3A_115 = tpu.memref_squeeze %dma_start3A_114 : memref<1x50x128xf32, #tpu.memory_space<vmem>> -> memref<50x128xf32, #tpu.memory_space<vmem>>
      %dma_start3A_116 = arith.constant 0 : i32
      %dma_start3A_117 = tpu.memref_slice %arg9[%dma_start3A_111, %dma_start3A_116] : memref<8x50xi32, #tpu.memory_space<vmem>> -> memref<1x50xi32, #tpu.memory_space<vmem>>
      %dma_start3A_118 = tpu.memref_squeeze %dma_start3A_117 : memref<1x50xi32, #tpu.memory_space<vmem>> -> memref<50xi32, #tpu.memory_space<vmem>>
      %dma_start3A_119 = arith.constant 0 : i32
      %dma_start3A_120 = arith.constant 0 : i32
      %dma_start3A_121 = tpu.memref_slice %arg7[%dma_start3A_119, %dma_start3A_120] : memref<12544x128xf32, #tpu.memory_space<vmem_shared>> -> memref<12544x128xf32, #tpu.memory_space<vmem_shared>>
      tpu.enqueue_indirect_dma source(%dma_start3A_115 : memref<50x128xf32, #tpu.memory_space<vmem>>) target(%dma_start3A_121 : memref<12544x128xf32, #tpu.memory_space<vmem_shared>>) offsets(%dma_start3A_118 : memref<50xi32, #tpu.memory_space<vmem>>) semaphore(%arg16 : memref<!tpu.dma_semaphore, #tpu.memory_space<semaphore_mem>>) {add = true}
      %dma_wait3A_122 = arith.constant 0 : i32
      %dma_wait3A_123 = arith.constant 0 : i32
      %dma_wait3A_124 = arith.constant 0 : i32
      %dma_wait3A_125 = arith.constant 0 : i32
      %dma_wait3A_126 = tpu.memref_slice %arg10[%dma_wait3A_123, %dma_wait3A_124, %dma_wait3A_125] : memref<4x50x128xf32, #tpu.memory_space<vmem>> -> memref<1x50x128xf32, #tpu.memory_space<vmem>>
      %dma_wait3A_127 = tpu.memref_squeeze %dma_wait3A_126 : memref<1x50x128xf32, #tpu.memory_space<vmem>> -> memref<50x128xf32, #tpu.memory_space<vmem>>
      %dma_wait3A_128 = arith.constant 0 : i32
      %dma_wait3A_129 = tpu.memref_slice %arg8[%dma_wait3A_122, %dma_wait3A_128] : memref<8x50xi32, #tpu.memory_space<vmem>> -> memref<1x50xi32, #tpu.memory_space<vmem>>
      %dma_wait3A_130 = tpu.memref_squeeze %dma_wait3A_129 : memref<1x50xi32, #tpu.memory_space<vmem>> -> memref<50xi32, #tpu.memory_space<vmem>>
      %dma_wait3A_131 = arith.constant 0 : i32
      %dma_wait3A_132 = arith.constant 0 : i32
      %dma_wait3A_133 = tpu.memref_slice %arg4[%dma_wait3A_131, %dma_wait3A_132] : memref<100000x128xf32, #tpu.memory_space<hbm>> -> memref<100000x128xf32, #tpu.memory_space<hbm>>
      tpu.wait_indirect_dma semaphore(%arg13 : memref<!tpu.dma_semaphore, #tpu.memory_space<semaphore_mem>>) src(%dma_wait3A_133 : memref<100000x128xf32, #tpu.memory_space<hbm>>) dst(%dma_wait3A_127 : memref<50x128xf32, #tpu.memory_space<vmem>>)
      %dma_start3A_134 = arith.constant 2 : i32
      %dma_start3A_135 = arith.constant 2 : i32
      %dma_start3A_136 = arith.constant 0 : i32
      %dma_start3A_137 = arith.constant 0 : i32
      %dma_start3A_138 = tpu.memref_slice %arg10[%dma_start3A_134, %dma_start3A_136, %dma_start3A_137] : memref<4x50x128xf32, #tpu.memory_space<vmem>> -> memref<1x50x128xf32, #tpu.memory_space<vmem>>
      %dma_start3A_139 = tpu.memref_squeeze %dma_start3A_138 : memref<1x50x128xf32, #tpu.memory_space<vmem>> -> memref<50x128xf32, #tpu.memory_space<vmem>>
      %dma_start3A_140 = arith.constant 0 : i32
      %dma_start3A_141 = tpu.memref_slice %arg9[%dma_start3A_135, %dma_start3A_140] : memref<8x50xi32, #tpu.memory_space<vmem>> -> memref<1x50xi32, #tpu.memory_space<vmem>>
      %dma_start3A_142 = tpu.memref_squeeze %dma_start3A_141 : memref<1x50xi32, #tpu.memory_space<vmem>> -> memref<50xi32, #tpu.memory_space<vmem>>
      %dma_start3A_143 = arith.constant 0 : i32
      %dma_start3A_144 = arith.constant 0 : i32
      %dma_start3A_145 = tpu.memref_slice %arg7[%dma_start3A_143, %dma_start3A_144] : memref<12544x128xf32, #tpu.memory_space<vmem_shared>> -> memref<12544x128xf32, #tpu.memory_space<vmem_shared>>
      tpu.enqueue_indirect_dma source(%dma_start3A_139 : memref<50x128xf32, #tpu.memory_space<vmem>>) target(%dma_start3A_145 : memref<12544x128xf32, #tpu.memory_space<vmem_shared>>) offsets(%dma_start3A_142 : memref<50xi32, #tpu.memory_space<vmem>>) semaphore(%arg17 : memref<!tpu.dma_semaphore, #tpu.memory_space<semaphore_mem>>) {add = true}
      %dma_wait3A_146 = arith.constant 0 : i32
      %dma_wait3A_147 = arith.constant 0 : i32
      %dma_wait3A_148 = arith.constant 0 : i32
      %dma_wait3A_149 = arith.constant 0 : i32
      %dma_wait3A_150 = tpu.memref_slice %arg10[%dma_wait3A_147, %dma_wait3A_148, %dma_wait3A_149] : memref<4x50x128xf32, #tpu.memory_space<vmem>> -> memref<1x50x128xf32, #tpu.memory_space<vmem>>
      %dma_wait3A_151 = tpu.memref_squeeze %dma_wait3A_150 : memref<1x50x128xf32, #tpu.memory_space<vmem>> -> memref<50x128xf32, #tpu.memory_space<vmem>>
      %dma_wait3A_152 = arith.constant 0 : i32
      %dma_wait3A_153 = tpu.memref_slice %arg8[%dma_wait3A_146, %dma_wait3A_152] : memref<8x50xi32, #tpu.memory_space<vmem>> -> memref<1x50xi32, #tpu.memory_space<vmem>>
      %dma_wait3A_154 = tpu.memref_squeeze %dma_wait3A_153 : memref<1x50xi32, #tpu.memory_space<vmem>> -> memref<50xi32, #tpu.memory_space<vmem>>
      %dma_wait3A_155 = arith.constant 0 : i32
      %dma_wait3A_156 = arith.constant 0 : i32
      %dma_wait3A_157 = tpu.memref_slice %arg4[%dma_wait3A_155, %dma_wait3A_156] : memref<100000x128xf32, #tpu.memory_space<hbm>> -> memref<100000x128xf32, #tpu.memory_space<hbm>>
      tpu.wait_indirect_dma semaphore(%arg14 : memref<!tpu.dma_semaphore, #tpu.memory_space<semaphore_mem>>) src(%dma_wait3A_157 : memref<100000x128xf32, #tpu.memory_space<hbm>>) dst(%dma_wait3A_151 : memref<50x128xf32, #tpu.memory_space<vmem>>)
      %dma_start3A_158 = arith.constant 3 : i32
      %dma_start3A_159 = arith.constant 3 : i32
      %dma_start3A_160 = arith.constant 0 : i32
      %dma_start3A_161 = arith.constant 0 : i32
      %dma_start3A_162 = tpu.memref_slice %arg10[%dma_start3A_158, %dma_start3A_160, %dma_start3A_161] : memref<4x50x128xf32, #tpu.memory_space<vmem>> -> memref<1x50x128xf32, #tpu.memory_space<vmem>>
      %dma_start3A_163 = tpu.memref_squeeze %dma_start3A_162 : memref<1x50x128xf32, #tpu.memory_space<vmem>> -> memref<50x128xf32, #tpu.memory_space<vmem>>
      %dma_start3A_164 = arith.constant 0 : i32
      %dma_start3A_165 = tpu.memref_slice %arg9[%dma_start3A_159, %dma_start3A_164] : memref<8x50xi32, #tpu.memory_space<vmem>> -> memref<1x50xi32, #tpu.memory_space<vmem>>
      %dma_start3A_166 = tpu.memref_squeeze %dma_start3A_165 : memref<1x50xi32, #tpu.memory_space<vmem>> -> memref<50xi32, #tpu.memory_space<vmem>>
      %dma_start3A_167 = arith.constant 0 : i32
      %dma_start3A_168 = arith.constant 0 : i32
      %dma_start3A_169 = tpu.memref_slice %arg7[%dma_start3A_167, %dma_start3A_168] : memref<12544x128xf32, #tpu.memory_space<vmem_shared>> -> memref<12544x128xf32, #tpu.memory_space<vmem_shared>>
      tpu.enqueue_indirect_dma source(%dma_start3A_163 : memref<50x128xf32, #tpu.memory_space<vmem>>) target(%dma_start3A_169 : memref<12544x128xf32, #tpu.memory_space<vmem_shared>>) offsets(%dma_start3A_166 : memref<50xi32, #tpu.memory_space<vmem>>) semaphore(%arg18 : memref<!tpu.dma_semaphore, #tpu.memory_space<semaphore_mem>>) {add = true}
      %dma_wait3A_170 = arith.constant 0 : i32
      %dma_wait3A_171 = arith.constant 0 : i32
      %dma_wait3A_172 = arith.constant 0 : i32
      %dma_wait3A_173 = arith.constant 0 : i32
      %dma_wait3A_174 = tpu.memref_slice %arg10[%dma_wait3A_170, %dma_wait3A_172, %dma_wait3A_173] : memref<4x50x128xf32, #tpu.memory_space<vmem>> -> memref<1x50x128xf32, #tpu.memory_space<vmem>>
      %dma_wait3A_175 = tpu.memref_squeeze %dma_wait3A_174 : memref<1x50x128xf32, #tpu.memory_space<vmem>> -> memref<50x128xf32, #tpu.memory_space<vmem>>
      %dma_wait3A_176 = arith.constant 0 : i32
      %dma_wait3A_177 = tpu.memref_slice %arg9[%dma_wait3A_171, %dma_wait3A_176] : memref<8x50xi32, #tpu.memory_space<vmem>> -> memref<1x50xi32, #tpu.memory_space<vmem>>
      %dma_wait3A_178 = tpu.memref_squeeze %dma_wait3A_177 : memref<1x50xi32, #tpu.memory_space<vmem>> -> memref<50xi32, #tpu.memory_space<vmem>>
      %dma_wait3A_179 = arith.constant 0 : i32
      %dma_wait3A_180 = arith.constant 0 : i32
      %dma_wait3A_181 = tpu.memref_slice %arg7[%dma_wait3A_179, %dma_wait3A_180] : memref<12544x128xf32, #tpu.memory_space<vmem_shared>> -> memref<12544x128xf32, #tpu.memory_space<vmem_shared>>
      tpu.wait_indirect_dma semaphore(%arg15 : memref<!tpu.dma_semaphore, #tpu.memory_space<semaphore_mem>>) src(%dma_wait3A_175 : memref<50x128xf32, #tpu.memory_space<vmem>>) dst(%dma_wait3A_181 : memref<12544x128xf32, #tpu.memory_space<vmem_shared>>)
      %dma_start3A_182 = arith.constant 4 : i32
      %dma_start3A_183 = arith.constant 0 : i32
      %dma_start3A_184 = arith.constant 0 : i32
      %dma_start3A_185 = arith.constant 0 : i32
      %dma_start3A_186 = tpu.memref_slice %arg10[%dma_start3A_183, %dma_start3A_184, %dma_start3A_185] : memref<4x50x128xf32, #tpu.memory_space<vmem>> -> memref<1x50x128xf32, #tpu.memory_space<vmem>>
      %dma_start3A_187 = tpu.memref_squeeze %dma_start3A_186 : memref<1x50x128xf32, #tpu.memory_space<vmem>> -> memref<50x128xf32, #tpu.memory_space<vmem>>
      %dma_start3A_188 = arith.constant 0 : i32
      %dma_start3A_189 = tpu.memref_slice %arg8[%dma_start3A_182, %dma_start3A_188] : memref<8x50xi32, #tpu.memory_space<vmem>> -> memref<1x50xi32, #tpu.memory_space<vmem>>
      %dma_start3A_190 = tpu.memref_squeeze %dma_start3A_189 : memref<1x50xi32, #tpu.memory_space<vmem>> -> memref<50xi32, #tpu.memory_space<vmem>>
      %dma_start3A_191 = arith.constant 0 : i32
      %dma_start3A_192 = arith.constant 0 : i32
      %dma_start3A_193 = tpu.memref_slice %arg4[%dma_start3A_191, %dma_start3A_192] : memref<100000x128xf32, #tpu.memory_space<hbm>> -> memref<100000x128xf32, #tpu.memory_space<hbm>>
      tpu.enqueue_indirect_dma source(%dma_start3A_193 : memref<100000x128xf32, #tpu.memory_space<hbm>>) target(%dma_start3A_187 : memref<50x128xf32, #tpu.memory_space<vmem>>) offsets(%dma_start3A_190 : memref<50xi32, #tpu.memory_space<vmem>>) semaphore(%arg11 : memref<!tpu.dma_semaphore, #tpu.memory_space<semaphore_mem>>)
      %dma_wait3A_194 = arith.constant 0 : i32
      %dma_wait3A_195 = arith.constant 0 : i32
      %dma_wait3A_196 = arith.constant 0 : i32
      %dma_wait3A_197 = arith.constant 0 : i32
      %dma_wait3A_198 = tpu.memref_slice %arg10[%dma_wait3A_194, %dma_wait3A_196, %dma_wait3A_197] : memref<4x50x128xf32, #tpu.memory_space<vmem>> -> memref<1x50x128xf32, #tpu.memory_space<vmem>>
      %dma_wait3A_199 = tpu.memref_squeeze %dma_wait3A_198 : memref<1x50x128xf32, #tpu.memory_space<vmem>> -> memref<50x128xf32, #tpu.memory_space<vmem>>
      %dma_wait3A_200 = arith.constant 0 : i32
      %dma_wait3A_201 = tpu.memref_slice %arg9[%dma_wait3A_195, %dma_wait3A_200] : memref<8x50xi32, #tpu.memory_space<vmem>> -> memref<1x50xi32, #tpu.memory_space<vmem>>
      %dma_wait3A_202 = tpu.memref_squeeze %dma_wait3A_201 : memref<1x50xi32, #tpu.memory_space<vmem>> -> memref<50xi32, #tpu.memory_space<vmem>>
      %dma_wait3A_203 = arith.constant 0 : i32
      %dma_wait3A_204 = arith.constant 0 : i32
      %dma_wait3A_205 = tpu.memref_slice %arg7[%dma_wait3A_203, %dma_wait3A_204] : memref<12544x128xf32, #tpu.memory_space<vmem_shared>> -> memref<12544x128xf32, #tpu.memory_space<vmem_shared>>
      tpu.wait_indirect_dma semaphore(%arg16 : memref<!tpu.dma_semaphore, #tpu.memory_space<semaphore_mem>>) src(%dma_wait3A_199 : memref<50x128xf32, #tpu.memory_space<vmem>>) dst(%dma_wait3A_205 : memref<12544x128xf32, #tpu.memory_space<vmem_shared>>)
      %dma_start3A_206 = arith.constant 5 : i32
      %dma_start3A_207 = arith.constant 1 : i32
      %dma_start3A_208 = arith.constant 0 : i32
      %dma_start3A_209 = arith.constant 0 : i32
      %dma_start3A_210 = tpu.memref_slice %arg10[%dma_start3A_207, %dma_start3A_208, %dma_start3A_209] : memref<4x50x128xf32, #tpu.memory_space<vmem>> -> memref<1x50x128xf32, #tpu.memory_space<vmem>>
      %dma_start3A_211 = tpu.memref_squeeze %dma_start3A_210 : memref<1x50x128xf32, #tpu.memory_space<vmem>> -> memref<50x128xf32, #tpu.memory_space<vmem>>
      %dma_start3A_212 = arith.constant 0 : i32
      %dma_start3A_213 = tpu.memref_slice %arg8[%dma_start3A_206, %dma_start3A_212] : memref<8x50xi32, #tpu.memory_space<vmem>> -> memref<1x50xi32, #tpu.memory_space<vmem>>
      %dma_start3A_214 = tpu.memref_squeeze %dma_start3A_213 : memref<1x50xi32, #tpu.memory_space<vmem>> -> memref<50xi32, #tpu.memory_space<vmem>>
      %dma_start3A_215 = arith.constant 0 : i32
      %dma_start3A_216 = arith.constant 0 : i32
      %dma_start3A_217 = tpu.memref_slice %arg4[%dma_start3A_215, %dma_start3A_216] : memref<100000x128xf32, #tpu.memory_space<hbm>> -> memref<100000x128xf32, #tpu.memory_space<hbm>>
      tpu.enqueue_indirect_dma source(%dma_start3A_217 : memref<100000x128xf32, #tpu.memory_space<hbm>>) target(%dma_start3A_211 : memref<50x128xf32, #tpu.memory_space<vmem>>) offsets(%dma_start3A_214 : memref<50xi32, #tpu.memory_space<vmem>>) semaphore(%arg12 : memref<!tpu.dma_semaphore, #tpu.memory_space<semaphore_mem>>)
      %dma_wait3A_218 = arith.constant 0 : i32
      %dma_wait3A_219 = arith.constant 0 : i32
      %dma_wait3A_220 = arith.constant 0 : i32
      %dma_wait3A_221 = arith.constant 0 : i32
      %dma_wait3A_222 = tpu.memref_slice %arg10[%dma_wait3A_218, %dma_wait3A_220, %dma_wait3A_221] : memref<4x50x128xf32, #tpu.memory_space<vmem>> -> memref<1x50x128xf32, #tpu.memory_space<vmem>>
      %dma_wait3A_223 = tpu.memref_squeeze %dma_wait3A_222 : memref<1x50x128xf32, #tpu.memory_space<vmem>> -> memref<50x128xf32, #tpu.memory_space<vmem>>
      %dma_wait3A_224 = arith.constant 0 : i32
      %dma_wait3A_225 = tpu.memref_slice %arg9[%dma_wait3A_219, %dma_wait3A_224] : memref<8x50xi32, #tpu.memory_space<vmem>> -> memref<1x50xi32, #tpu.memory_space<vmem>>
      %dma_wait3A_226 = tpu.memref_squeeze %dma_wait3A_225 : memref<1x50xi32, #tpu.memory_space<vmem>> -> memref<50xi32, #tpu.memory_space<vmem>>
      %dma_wait3A_227 = arith.constant 0 : i32
      %dma_wait3A_228 = arith.constant 0 : i32
      %dma_wait3A_229 = tpu.memref_slice %arg7[%dma_wait3A_227, %dma_wait3A_228] : memref<12544x128xf32, #tpu.memory_space<vmem_shared>> -> memref<12544x128xf32, #tpu.memory_space<vmem_shared>>
      tpu.wait_indirect_dma semaphore(%arg17 : memref<!tpu.dma_semaphore, #tpu.memory_space<semaphore_mem>>) src(%dma_wait3A_223 : memref<50x128xf32, #tpu.memory_space<vmem>>) dst(%dma_wait3A_229 : memref<12544x128xf32, #tpu.memory_space<vmem_shared>>)
      %dma_start3A_230 = arith.constant 6 : i32
      %dma_start3A_231 = arith.constant 2 : i32
      %dma_start3A_232 = arith.constant 0 : i32
      %dma_start3A_233 = arith.constant 0 : i32
      %dma_start3A_234 = tpu.memref_slice %arg10[%dma_start3A_231, %dma_start3A_232, %dma_start3A_233] : memref<4x50x128xf32, #tpu.memory_space<vmem>> -> memref<1x50x128xf32, #tpu.memory_space<vmem>>
      %dma_start3A_235 = tpu.memref_squeeze %dma_start3A_234 : memref<1x50x128xf32, #tpu.memory_space<vmem>> -> memref<50x128xf32, #tpu.memory_space<vmem>>
      %dma_start3A_236 = arith.constant 0 : i32
      %dma_start3A_237 = tpu.memref_slice %arg8[%dma_start3A_230, %dma_start3A_236] : memref<8x50xi32, #tpu.memory_space<vmem>> -> memref<1x50xi32, #tpu.memory_space<vmem>>
      %dma_start3A_238 = tpu.memref_squeeze %dma_start3A_237 : memref<1x50xi32, #tpu.memory_space<vmem>> -> memref<50xi32, #tpu.memory_space<vmem>>
      %dma_start3A_239 = arith.constant 0 : i32
      %dma_start3A_240 = arith.constant 0 : i32
      %dma_start3A_241 = tpu.memref_slice %arg4[%dma_start3A_239, %dma_start3A_240] : memref<100000x128xf32, #tpu.memory_space<hbm>> -> memref<100000x128xf32, #tpu.memory_space<hbm>>
      tpu.enqueue_indirect_dma source(%dma_start3A_241 : memref<100000x128xf32, #tpu.memory_space<hbm>>) target(%dma_start3A_235 : memref<50x128xf32, #tpu.memory_space<vmem>>) offsets(%dma_start3A_238 : memref<50xi32, #tpu.memory_space<vmem>>) semaphore(%arg13 : memref<!tpu.dma_semaphore, #tpu.memory_space<semaphore_mem>>)
      %dma_wait3A_242 = arith.constant 0 : i32
      %dma_wait3A_243 = arith.constant 0 : i32
      %dma_wait3A_244 = arith.constant 0 : i32
      %dma_wait3A_245 = arith.constant 0 : i32
      %dma_wait3A_246 = tpu.memref_slice %arg10[%dma_wait3A_242, %dma_wait3A_244, %dma_wait3A_245] : memref<4x50x128xf32, #tpu.memory_space<vmem>> -> memref<1x50x128xf32, #tpu.memory_space<vmem>>
      %dma_wait3A_247 = tpu.memref_squeeze %dma_wait3A_246 : memref<1x50x128xf32, #tpu.memory_space<vmem>> -> memref<50x128xf32, #tpu.memory_space<vmem>>
      %dma_wait3A_248 = arith.constant 0 : i32
      %dma_wait3A_249 = tpu.memref_slice %arg9[%dma_wait3A_243, %dma_wait3A_248] : memref<8x50xi32, #tpu.memory_space<vmem>> -> memref<1x50xi32, #tpu.memory_space<vmem>>
      %dma_wait3A_250 = tpu.memref_squeeze %dma_wait3A_249 : memref<1x50xi32, #tpu.memory_space<vmem>> -> memref<50xi32, #tpu.memory_space<vmem>>
      %dma_wait3A_251 = arith.constant 0 : i32
      %dma_wait3A_252 = arith.constant 0 : i32
      %dma_wait3A_253 = tpu.memref_slice %arg7[%dma_wait3A_251, %dma_wait3A_252] : memref<12544x128xf32, #tpu.memory_space<vmem_shared>> -> memref<12544x128xf32, #tpu.memory_space<vmem_shared>>
      tpu.wait_indirect_dma semaphore(%arg18 : memref<!tpu.dma_semaphore, #tpu.memory_space<semaphore_mem>>) src(%dma_wait3A_247 : memref<50x128xf32, #tpu.memory_space<vmem>>) dst(%dma_wait3A_253 : memref<12544x128xf32, #tpu.memory_space<vmem_shared>>)
      %dma_start3A_254 = arith.constant 7 : i32
      %dma_start3A_255 = arith.constant 3 : i32
      %dma_start3A_256 = arith.constant 0 : i32
      %dma_start3A_257 = arith.constant 0 : i32
      %dma_start3A_258 = tpu.memref_slice %arg10[%dma_start3A_255, %dma_start3A_256, %dma_start3A_257] : memref<4x50x128xf32, #tpu.memory_space<vmem>> -> memref<1x50x128xf32, #tpu.memory_space<vmem>>
      %dma_start3A_259 = tpu.memref_squeeze %dma_start3A_258 : memref<1x50x128xf32, #tpu.memory_space<vmem>> -> memref<50x128xf32, #tpu.memory_space<vmem>>
      %dma_start3A_260 = arith.constant 0 : i32
      %dma_start3A_261 = tpu.memref_slice %arg8[%dma_start3A_254, %dma_start3A_260] : memref<8x50xi32, #tpu.memory_space<vmem>> -> memref<1x50xi32, #tpu.memory_space<vmem>>
      %dma_start3A_262 = tpu.memref_squeeze %dma_start3A_261 : memref<1x50xi32, #tpu.memory_space<vmem>> -> memref<50xi32, #tpu.memory_space<vmem>>
      %dma_start3A_263 = arith.constant 0 : i32
      %dma_start3A_264 = arith.constant 0 : i32
      %dma_start3A_265 = tpu.memref_slice %arg4[%dma_start3A_263, %dma_start3A_264] : memref<100000x128xf32, #tpu.memory_space<hbm>> -> memref<100000x128xf32, #tpu.memory_space<hbm>>
      tpu.enqueue_indirect_dma source(%dma_start3A_265 : memref<100000x128xf32, #tpu.memory_space<hbm>>) target(%dma_start3A_259 : memref<50x128xf32, #tpu.memory_space<vmem>>) offsets(%dma_start3A_262 : memref<50xi32, #tpu.memory_space<vmem>>) semaphore(%arg14 : memref<!tpu.dma_semaphore, #tpu.memory_space<semaphore_mem>>)
      %dma_wait3A_266 = arith.constant 0 : i32
      %dma_wait3A_267 = arith.constant 0 : i32
      %dma_wait3A_268 = arith.constant 0 : i32
      %dma_wait3A_269 = arith.constant 0 : i32
      %dma_wait3A_270 = tpu.memref_slice %arg10[%dma_wait3A_267, %dma_wait3A_268, %dma_wait3A_269] : memref<4x50x128xf32, #tpu.memory_space<vmem>> -> memref<1x50x128xf32, #tpu.memory_space<vmem>>
      %dma_wait3A_271 = tpu.memref_squeeze %dma_wait3A_270 : memref<1x50x128xf32, #tpu.memory_space<vmem>> -> memref<50x128xf32, #tpu.memory_space<vmem>>
      %dma_wait3A_272 = arith.constant 0 : i32
      %dma_wait3A_273 = tpu.memref_slice %arg8[%dma_wait3A_266, %dma_wait3A_272] : memref<8x50xi32, #tpu.memory_space<vmem>> -> memref<1x50xi32, #tpu.memory_space<vmem>>
      %dma_wait3A_274 = tpu.memref_squeeze %dma_wait3A_273 : memref<1x50xi32, #tpu.memory_space<vmem>> -> memref<50xi32, #tpu.memory_space<vmem>>
      %dma_wait3A_275 = arith.constant 0 : i32
      %dma_wait3A_276 = arith.constant 0 : i32
      %dma_wait3A_277 = tpu.memref_slice %arg4[%dma_wait3A_275, %dma_wait3A_276] : memref<100000x128xf32, #tpu.memory_space<hbm>> -> memref<100000x128xf32, #tpu.memory_space<hbm>>
      tpu.wait_indirect_dma semaphore(%arg11 : memref<!tpu.dma_semaphore, #tpu.memory_space<semaphore_mem>>) src(%dma_wait3A_277 : memref<100000x128xf32, #tpu.memory_space<hbm>>) dst(%dma_wait3A_271 : memref<50x128xf32, #tpu.memory_space<vmem>>)
      %dma_start3A_278 = arith.constant 0 : i32
      %dma_start3A_279 = arith.constant 4 : i32
      %dma_start3A_280 = arith.constant 0 : i32
      %dma_start3A_281 = arith.constant 0 : i32
      %dma_start3A_282 = tpu.memref_slice %arg10[%dma_start3A_278, %dma_start3A_280, %dma_start3A_281] : memref<4x50x128xf32, #tpu.memory_space<vmem>> -> memref<1x50x128xf32, #tpu.memory_space<vmem>>
      %dma_start3A_283 = tpu.memref_squeeze %dma_start3A_282 : memref<1x50x128xf32, #tpu.memory_space<vmem>> -> memref<50x128xf32, #tpu.memory_space<vmem>>
      %dma_start3A_284 = arith.constant 0 : i32
      %dma_start3A_285 = tpu.memref_slice %arg9[%dma_start3A_279, %dma_start3A_284] : memref<8x50xi32, #tpu.memory_space<vmem>> -> memref<1x50xi32, #tpu.memory_space<vmem>>
      %dma_start3A_286 = tpu.memref_squeeze %dma_start3A_285 : memref<1x50xi32, #tpu.memory_space<vmem>> -> memref<50xi32, #tpu.memory_space<vmem>>
      %dma_start3A_287 = arith.constant 0 : i32
      %dma_start3A_288 = arith.constant 0 : i32
      %dma_start3A_289 = tpu.memref_slice %arg7[%dma_start3A_287, %dma_start3A_288] : memref<12544x128xf32, #tpu.memory_space<vmem_shared>> -> memref<12544x128xf32, #tpu.memory_space<vmem_shared>>
      tpu.enqueue_indirect_dma source(%dma_start3A_283 : memref<50x128xf32, #tpu.memory_space<vmem>>) target(%dma_start3A_289 : memref<12544x128xf32, #tpu.memory_space<vmem_shared>>) offsets(%dma_start3A_286 : memref<50xi32, #tpu.memory_space<vmem>>) semaphore(%arg15 : memref<!tpu.dma_semaphore, #tpu.memory_space<semaphore_mem>>) {add = true}
      %dma_wait3A_290 = arith.constant 0 : i32
      %dma_wait3A_291 = arith.constant 0 : i32
      %dma_wait3A_292 = arith.constant 0 : i32
      %dma_wait3A_293 = arith.constant 0 : i32
      %dma_wait3A_294 = tpu.memref_slice %arg10[%dma_wait3A_291, %dma_wait3A_292, %dma_wait3A_293] : memref<4x50x128xf32, #tpu.memory_space<vmem>> -> memref<1x50x128xf32, #tpu.memory_space<vmem>>
      %dma_wait3A_295 = tpu.memref_squeeze %dma_wait3A_294 : memref<1x50x128xf32, #tpu.memory_space<vmem>> -> memref<50x128xf32, #tpu.memory_space<vmem>>
      %dma_wait3A_296 = arith.constant 0 : i32
      %dma_wait3A_297 = tpu.memref_slice %arg8[%dma_wait3A_290, %dma_wait3A_296] : memref<8x50xi32, #tpu.memory_space<vmem>> -> memref<1x50xi32, #tpu.memory_space<vmem>>
      %dma_wait3A_298 = tpu.memref_squeeze %dma_wait3A_297 : memref<1x50xi32, #tpu.memory_space<vmem>> -> memref<50xi32, #tpu.memory_space<vmem>>
      %dma_wait3A_299 = arith.constant 0 : i32
      %dma_wait3A_300 = arith.constant 0 : i32
      %dma_wait3A_301 = tpu.memref_slice %arg4[%dma_wait3A_299, %dma_wait3A_300] : memref<100000x128xf32, #tpu.memory_space<hbm>> -> memref<100000x128xf32, #tpu.memory_space<hbm>>
      tpu.wait_indirect_dma semaphore(%arg12 : memref<!tpu.dma_semaphore, #tpu.memory_space<semaphore_mem>>) src(%dma_wait3A_301 : memref<100000x128xf32, #tpu.memory_space<hbm>>) dst(%dma_wait3A_295 : memref<50x128xf32, #tpu.memory_space<vmem>>)
      %dma_start3A_302 = arith.constant 1 : i32
      %dma_start3A_303 = arith.constant 5 : i32
      %dma_start3A_304 = arith.constant 0 : i32
      %dma_start3A_305 = arith.constant 0 : i32
      %dma_start3A_306 = tpu.memref_slice %arg10[%dma_start3A_302, %dma_start3A_304, %dma_start3A_305] : memref<4x50x128xf32, #tpu.memory_space<vmem>> -> memref<1x50x128xf32, #tpu.memory_space<vmem>>
      %dma_start3A_307 = tpu.memref_squeeze %dma_start3A_306 : memref<1x50x128xf32, #tpu.memory_space<vmem>> -> memref<50x128xf32, #tpu.memory_space<vmem>>
      %dma_start3A_308 = arith.constant 0 : i32
      %dma_start3A_309 = tpu.memref_slice %arg9[%dma_start3A_303, %dma_start3A_308] : memref<8x50xi32, #tpu.memory_space<vmem>> -> memref<1x50xi32, #tpu.memory_space<vmem>>
      %dma_start3A_310 = tpu.memref_squeeze %dma_start3A_309 : memref<1x50xi32, #tpu.memory_space<vmem>> -> memref<50xi32, #tpu.memory_space<vmem>>
      %dma_start3A_311 = arith.constant 0 : i32
      %dma_start3A_312 = arith.constant 0 : i32
      %dma_start3A_313 = tpu.memref_slice %arg7[%dma_start3A_311, %dma_start3A_312] : memref<12544x128xf32, #tpu.memory_space<vmem_shared>> -> memref<12544x128xf32, #tpu.memory_space<vmem_shared>>
      tpu.enqueue_indirect_dma source(%dma_start3A_307 : memref<50x128xf32, #tpu.memory_space<vmem>>) target(%dma_start3A_313 : memref<12544x128xf32, #tpu.memory_space<vmem_shared>>) offsets(%dma_start3A_310 : memref<50xi32, #tpu.memory_space<vmem>>) semaphore(%arg16 : memref<!tpu.dma_semaphore, #tpu.memory_space<semaphore_mem>>) {add = true}
      %dma_wait3A_314 = arith.constant 0 : i32
      %dma_wait3A_315 = arith.constant 0 : i32
      %dma_wait3A_316 = arith.constant 0 : i32
      %dma_wait3A_317 = arith.constant 0 : i32
      %dma_wait3A_318 = tpu.memref_slice %arg10[%dma_wait3A_315, %dma_wait3A_316, %dma_wait3A_317] : memref<4x50x128xf32, #tpu.memory_space<vmem>> -> memref<1x50x128xf32, #tpu.memory_space<vmem>>
      %dma_wait3A_319 = tpu.memref_squeeze %dma_wait3A_318 : memref<1x50x128xf32, #tpu.memory_space<vmem>> -> memref<50x128xf32, #tpu.memory_space<vmem>>
      %dma_wait3A_320 = arith.constant 0 : i32
      %dma_wait3A_321 = tpu.memref_slice %arg8[%dma_wait3A_314, %dma_wait3A_320] : memref<8x50xi32, #tpu.memory_space<vmem>> -> memref<1x50xi32, #tpu.memory_space<vmem>>
      %dma_wait3A_322 = tpu.memref_squeeze %dma_wait3A_321 : memref<1x50xi32, #tpu.memory_space<vmem>> -> memref<50xi32, #tpu.memory_space<vmem>>
      %dma_wait3A_323 = arith.constant 0 : i32
      %dma_wait3A_324 = arith.constant 0 : i32
      %dma_wait3A_325 = tpu.memref_slice %arg4[%dma_wait3A_323, %dma_wait3A_324] : memref<100000x128xf32, #tpu.memory_space<hbm>> -> memref<100000x128xf32, #tpu.memory_space<hbm>>
      tpu.wait_indirect_dma semaphore(%arg13 : memref<!tpu.dma_semaphore, #tpu.memory_space<semaphore_mem>>) src(%dma_wait3A_325 : memref<100000x128xf32, #tpu.memory_space<hbm>>) dst(%dma_wait3A_319 : memref<50x128xf32, #tpu.memory_space<vmem>>)
      %dma_start3A_326 = arith.constant 2 : i32
      %dma_start3A_327 = arith.constant 6 : i32
      %dma_start3A_328 = arith.constant 0 : i32
      %dma_start3A_329 = arith.constant 0 : i32
      %dma_start3A_330 = tpu.memref_slice %arg10[%dma_start3A_326, %dma_start3A_328, %dma_start3A_329] : memref<4x50x128xf32, #tpu.memory_space<vmem>> -> memref<1x50x128xf32, #tpu.memory_space<vmem>>
      %dma_start3A_331 = tpu.memref_squeeze %dma_start3A_330 : memref<1x50x128xf32, #tpu.memory_space<vmem>> -> memref<50x128xf32, #tpu.memory_space<vmem>>
      %dma_start3A_332 = arith.constant 0 : i32
      %dma_start3A_333 = tpu.memref_slice %arg9[%dma_start3A_327, %dma_start3A_332] : memref<8x50xi32, #tpu.memory_space<vmem>> -> memref<1x50xi32, #tpu.memory_space<vmem>>
      %dma_start3A_334 = tpu.memref_squeeze %dma_start3A_333 : memref<1x50xi32, #tpu.memory_space<vmem>> -> memref<50xi32, #tpu.memory_space<vmem>>
      %dma_start3A_335 = arith.constant 0 : i32
      %dma_start3A_336 = arith.constant 0 : i32
      %dma_start3A_337 = tpu.memref_slice %arg7[%dma_start3A_335, %dma_start3A_336] : memref<12544x128xf32, #tpu.memory_space<vmem_shared>> -> memref<12544x128xf32, #tpu.memory_space<vmem_shared>>
      tpu.enqueue_indirect_dma source(%dma_start3A_331 : memref<50x128xf32, #tpu.memory_space<vmem>>) target(%dma_start3A_337 : memref<12544x128xf32, #tpu.memory_space<vmem_shared>>) offsets(%dma_start3A_334 : memref<50xi32, #tpu.memory_space<vmem>>) semaphore(%arg17 : memref<!tpu.dma_semaphore, #tpu.memory_space<semaphore_mem>>) {add = true}
      %dma_wait3A_338 = arith.constant 0 : i32
      %dma_wait3A_339 = arith.constant 0 : i32
      %dma_wait3A_340 = arith.constant 0 : i32
      %dma_wait3A_341 = arith.constant 0 : i32
      %dma_wait3A_342 = tpu.memref_slice %arg10[%dma_wait3A_339, %dma_wait3A_340, %dma_wait3A_341] : memref<4x50x128xf32, #tpu.memory_space<vmem>> -> memref<1x50x128xf32, #tpu.memory_space<vmem>>
      %dma_wait3A_343 = tpu.memref_squeeze %dma_wait3A_342 : memref<1x50x128xf32, #tpu.memory_space<vmem>> -> memref<50x128xf32, #tpu.memory_space<vmem>>
      %dma_wait3A_344 = arith.constant 0 : i32
      %dma_wait3A_345 = tpu.memref_slice %arg8[%dma_wait3A_338, %dma_wait3A_344] : memref<8x50xi32, #tpu.memory_space<vmem>> -> memref<1x50xi32, #tpu.memory_space<vmem>>
      %dma_wait3A_346 = tpu.memref_squeeze %dma_wait3A_345 : memref<1x50xi32, #tpu.memory_space<vmem>> -> memref<50xi32, #tpu.memory_space<vmem>>
      %dma_wait3A_347 = arith.constant 0 : i32
      %dma_wait3A_348 = arith.constant 0 : i32
      %dma_wait3A_349 = tpu.memref_slice %arg4[%dma_wait3A_347, %dma_wait3A_348] : memref<100000x128xf32, #tpu.memory_space<hbm>> -> memref<100000x128xf32, #tpu.memory_space<hbm>>
      tpu.wait_indirect_dma semaphore(%arg14 : memref<!tpu.dma_semaphore, #tpu.memory_space<semaphore_mem>>) src(%dma_wait3A_349 : memref<100000x128xf32, #tpu.memory_space<hbm>>) dst(%dma_wait3A_343 : memref<50x128xf32, #tpu.memory_space<vmem>>)
      %dma_start3A_350 = arith.constant 3 : i32
      %dma_start3A_351 = arith.constant 7 : i32
      %dma_start3A_352 = arith.constant 0 : i32
      %dma_start3A_353 = arith.constant 0 : i32
      %dma_start3A_354 = tpu.memref_slice %arg10[%dma_start3A_350, %dma_start3A_352, %dma_start3A_353] : memref<4x50x128xf32, #tpu.memory_space<vmem>> -> memref<1x50x128xf32, #tpu.memory_space<vmem>>
      %dma_start3A_355 = tpu.memref_squeeze %dma_start3A_354 : memref<1x50x128xf32, #tpu.memory_space<vmem>> -> memref<50x128xf32, #tpu.memory_space<vmem>>
      %dma_start3A_356 = arith.constant 0 : i32
      %dma_start3A_357 = tpu.memref_slice %arg9[%dma_start3A_351, %dma_start3A_356] : memref<8x50xi32, #tpu.memory_space<vmem>> -> memref<1x50xi32, #tpu.memory_space<vmem>>
      %dma_start3A_358 = tpu.memref_squeeze %dma_start3A_357 : memref<1x50xi32, #tpu.memory_space<vmem>> -> memref<50xi32, #tpu.memory_space<vmem>>
      %dma_start3A_359 = arith.constant 0 : i32
      %dma_start3A_360 = arith.constant 0 : i32
      %dma_start3A_361 = tpu.memref_slice %arg7[%dma_start3A_359, %dma_start3A_360] : memref<12544x128xf32, #tpu.memory_space<vmem_shared>> -> memref<12544x128xf32, #tpu.memory_space<vmem_shared>>
      tpu.enqueue_indirect_dma source(%dma_start3A_355 : memref<50x128xf32, #tpu.memory_space<vmem>>) target(%dma_start3A_361 : memref<12544x128xf32, #tpu.memory_space<vmem_shared>>) offsets(%dma_start3A_358 : memref<50xi32, #tpu.memory_space<vmem>>) semaphore(%arg18 : memref<!tpu.dma_semaphore, #tpu.memory_space<semaphore_mem>>) {add = true}
      %dma_wait3A_362 = arith.constant 0 : i32
      %dma_wait3A_363 = arith.constant 0 : i32
      %dma_wait3A_364 = arith.constant 0 : i32
      %dma_wait3A_365 = arith.constant 0 : i32
      %dma_wait3A_366 = tpu.memref_slice %arg10[%dma_wait3A_362, %dma_wait3A_364, %dma_wait3A_365] : memref<4x50x128xf32, #tpu.memory_space<vmem>> -> memref<1x50x128xf32, #tpu.memory_space<vmem>>
      %dma_wait3A_367 = tpu.memref_squeeze %dma_wait3A_366 : memref<1x50x128xf32, #tpu.memory_space<vmem>> -> memref<50x128xf32, #tpu.memory_space<vmem>>
      %dma_wait3A_368 = arith.constant 0 : i32
      %dma_wait3A_369 = tpu.memref_slice %arg9[%dma_wait3A_363, %dma_wait3A_368] : memref<8x50xi32, #tpu.memory_space<vmem>> -> memref<1x50xi32, #tpu.memory_space<vmem>>
      %dma_wait3A_370 = tpu.memref_squeeze %dma_wait3A_369 : memref<1x50xi32, #tpu.memory_space<vmem>> -> memref<50xi32, #tpu.memory_space<vmem>>
      %dma_wait3A_371 = arith.constant 0 : i32
      %dma_wait3A_372 = arith.constant 0 : i32
      %dma_wait3A_373 = tpu.memref_slice %arg7[%dma_wait3A_371, %dma_wait3A_372] : memref<12544x128xf32, #tpu.memory_space<vmem_shared>> -> memref<12544x128xf32, #tpu.memory_space<vmem_shared>>
      tpu.wait_indirect_dma semaphore(%arg15 : memref<!tpu.dma_semaphore, #tpu.memory_space<semaphore_mem>>) src(%dma_wait3A_367 : memref<50x128xf32, #tpu.memory_space<vmem>>) dst(%dma_wait3A_373 : memref<12544x128xf32, #tpu.memory_space<vmem_shared>>)
      %dma_wait3A_374 = arith.constant 0 : i32
      %dma_wait3A_375 = arith.constant 0 : i32
      %dma_wait3A_376 = arith.constant 0 : i32
      %dma_wait3A_377 = arith.constant 0 : i32
      %dma_wait3A_378 = tpu.memref_slice %arg10[%dma_wait3A_374, %dma_wait3A_376, %dma_wait3A_377] : memref<4x50x128xf32, #tpu.memory_space<vmem>> -> memref<1x50x128xf32, #tpu.memory_space<vmem>>
      %dma_wait3A_379 = tpu.memref_squeeze %dma_wait3A_378 : memref<1x50x128xf32, #tpu.memory_space<vmem>> -> memref<50x128xf32, #tpu.memory_space<vmem>>
      %dma_wait3A_380 = arith.constant 0 : i32
      %dma_wait3A_381 = tpu.memref_slice %arg9[%dma_wait3A_375, %dma_wait3A_380] : memref<8x50xi32, #tpu.memory_space<vmem>> -> memref<1x50xi32, #tpu.memory_space<vmem>>
      %dma_wait3A_382 = tpu.memref_squeeze %dma_wait3A_381 : memref<1x50xi32, #tpu.memory_space<vmem>> -> memref<50xi32, #tpu.memory_space<vmem>>
      %dma_wait3A_383 = arith.constant 0 : i32
      %dma_wait3A_384 = arith.constant 0 : i32
      %dma_wait3A_385 = tpu.memref_slice %arg7[%dma_wait3A_383, %dma_wait3A_384] : memref<12544x128xf32, #tpu.memory_space<vmem_shared>> -> memref<12544x128xf32, #tpu.memory_space<vmem_shared>>
      tpu.wait_indirect_dma semaphore(%arg16 : memref<!tpu.dma_semaphore, #tpu.memory_space<semaphore_mem>>) src(%dma_wait3A_379 : memref<50x128xf32, #tpu.memory_space<vmem>>) dst(%dma_wait3A_385 : memref<12544x128xf32, #tpu.memory_space<vmem_shared>>)
      %dma_wait3A_386 = arith.constant 0 : i32
      %dma_wait3A_387 = arith.constant 0 : i32
      %dma_wait3A_388 = arith.constant 0 : i32
      %dma_wait3A_389 = arith.constant 0 : i32
      %dma_wait3A_390 = tpu.memref_slice %arg10[%dma_wait3A_386, %dma_wait3A_388, %dma_wait3A_389] : memref<4x50x128xf32, #tpu.memory_space<vmem>> -> memref<1x50x128xf32, #tpu.memory_space<vmem>>
      %dma_wait3A_391 = tpu.memref_squeeze %dma_wait3A_390 : memref<1x50x128xf32, #tpu.memory_space<vmem>> -> memref<50x128xf32, #tpu.memory_space<vmem>>
      %dma_wait3A_392 = arith.constant 0 : i32
      %dma_wait3A_393 = tpu.memref_slice %arg9[%dma_wait3A_387, %dma_wait3A_392] : memref<8x50xi32, #tpu.memory_space<vmem>> -> memref<1x50xi32, #tpu.memory_space<vmem>>
      %dma_wait3A_394 = tpu.memref_squeeze %dma_wait3A_393 : memref<1x50xi32, #tpu.memory_space<vmem>> -> memref<50xi32, #tpu.memory_space<vmem>>
      %dma_wait3A_395 = arith.constant 0 : i32
      %dma_wait3A_396 = arith.constant 0 : i32
      %dma_wait3A_397 = tpu.memref_slice %arg7[%dma_wait3A_395, %dma_wait3A_396] : memref<12544x128xf32, #tpu.memory_space<vmem_shared>> -> memref<12544x128xf32, #tpu.memory_space<vmem_shared>>
      tpu.wait_indirect_dma semaphore(%arg17 : memref<!tpu.dma_semaphore, #tpu.memory_space<semaphore_mem>>) src(%dma_wait3A_391 : memref<50x128xf32, #tpu.memory_space<vmem>>) dst(%dma_wait3A_397 : memref<12544x128xf32, #tpu.memory_space<vmem_shared>>)
      %dma_wait3A_398 = arith.constant 0 : i32
      %dma_wait3A_399 = arith.constant 0 : i32
      %dma_wait3A_400 = arith.constant 0 : i32
      %dma_wait3A_401 = arith.constant 0 : i32
      %dma_wait3A_402 = tpu.memref_slice %arg10[%dma_wait3A_398, %dma_wait3A_400, %dma_wait3A_401] : memref<4x50x128xf32, #tpu.memory_space<vmem>> -> memref<1x50x128xf32, #tpu.memory_space<vmem>>
      %dma_wait3A_403 = tpu.memref_squeeze %dma_wait3A_402 : memref<1x50x128xf32, #tpu.memory_space<vmem>> -> memref<50x128xf32, #tpu.memory_space<vmem>>
      %dma_wait3A_404 = arith.constant 0 : i32
      %dma_wait3A_405 = tpu.memref_slice %arg9[%dma_wait3A_399, %dma_wait3A_404] : memref<8x50xi32, #tpu.memory_space<vmem>> -> memref<1x50xi32, #tpu.memory_space<vmem>>
      %dma_wait3A_406 = tpu.memref_squeeze %dma_wait3A_405 : memref<1x50xi32, #tpu.memory_space<vmem>> -> memref<50xi32, #tpu.memory_space<vmem>>
      %dma_wait3A_407 = arith.constant 0 : i32
      %dma_wait3A_408 = arith.constant 0 : i32
      %dma_wait3A_409 = tpu.memref_slice %arg7[%dma_wait3A_407, %dma_wait3A_408] : memref<12544x128xf32, #tpu.memory_space<vmem_shared>> -> memref<12544x128xf32, #tpu.memory_space<vmem_shared>>
      tpu.wait_indirect_dma semaphore(%arg18 : memref<!tpu.dma_semaphore, #tpu.memory_space<semaphore_mem>>) src(%dma_wait3A_403 : memref<50x128xf32, #tpu.memory_space<vmem>>) dst(%dma_wait3A_409 : memref<12544x128xf32, #tpu.memory_space<vmem_shared>>)
      %scan3A_410 = arith.constant 0 : i32
      scf.yield %scan3A_410 : i32
    }
    %scan3A_11 = arith.constant 125 : i32
    %barrier3A_12 = arith.constant 0 : index
    tpu.barrier barrier_id(%barrier3A_12)
    %mul3A_13 = arith.constant 784 : i32
    %mul3A_14 = arith.muli %arg1, %mul3A_13 : i32
    %add3A_15 = arith.constant 0 : i32
    %add3A_16 = arith.addi %mul3A_14, %add3A_15 : i32
    "tpu.region"() ({
      %run_scoped3A = tpu.sem_alloc : memref<!tpu.dma_semaphore, #tpu.memory_space<semaphore_mem>>
      %dma_start3A = arith.constant 0 : i32
      %dma_start3A_21 = tpu.memref_slice %arg6[%arg0, %add3A_16, %dma_start3A] : memref<2x12544x128xf32, #tpu.memory_space<hbm>> -> memref<1x392x128xf32, #tpu.memory_space<hbm>>
      %dma_start3A_22 = tpu.memref_squeeze %dma_start3A_21 : memref<1x392x128xf32, #tpu.memory_space<hbm>> -> memref<392x128xf32, #tpu.memory_space<hbm>>
      %dma_start3A_23 = arith.constant 0 : i32
      %dma_start3A_24 = tpu.memref_slice %arg7[%add3A_16, %dma_start3A_23] : memref<12544x128xf32, #tpu.memory_space<vmem_shared>> -> memref<392x128xf32, #tpu.memory_space<vmem_shared>>
      tpu.enqueue_dma source(%dma_start3A_24 : memref<392x128xf32, #tpu.memory_space<vmem_shared>>) target(%dma_start3A_22 : memref<392x128xf32, #tpu.memory_space<hbm>>) target_semaphore(%run_scoped3A : memref<!tpu.dma_semaphore, #tpu.memory_space<semaphore_mem>>)
      %dma_wait3A = arith.constant 0 : i32
      %dma_wait3A_25 = tpu.memref_slice %arg6[%arg0, %add3A_16, %dma_wait3A] : memref<2x12544x128xf32, #tpu.memory_space<hbm>> -> memref<1x392x128xf32, #tpu.memory_space<hbm>>
      %dma_wait3A_26 = tpu.memref_squeeze %dma_wait3A_25 : memref<1x392x128xf32, #tpu.memory_space<hbm>> -> memref<392x128xf32, #tpu.memory_space<hbm>>
      %dma_wait3A_27 = arith.constant 0 : i32
      %dma_wait3A_28 = tpu.memref_slice %arg7[%add3A_16, %dma_wait3A_27] : memref<12544x128xf32, #tpu.memory_space<vmem_shared>> -> memref<392x128xf32, #tpu.memory_space<vmem_shared>>
      tpu.wait_dma2 semaphore(%run_scoped3A : memref<!tpu.dma_semaphore, #tpu.memory_space<semaphore_mem>>) src(%dma_wait3A_28 : memref<392x128xf32, #tpu.memory_space<vmem_shared>>) dst(%dma_wait3A_26 : memref<392x128xf32, #tpu.memory_space<hbm>>)
      tpu.yield
    }) : () -> ()
    %mul3A_17 = arith.constant 784 : i32
    %mul3A_18 = arith.muli %arg1, %mul3A_17 : i32
    %add3A_19 = arith.constant 392 : i32
    %add3A_20 = arith.addi %mul3A_18, %add3A_19 : i32
    "tpu.region"() ({
      %run_scoped3A = tpu.sem_alloc : memref<!tpu.dma_semaphore, #tpu.memory_space<semaphore_mem>>
      %dma_start3A = arith.constant 0 : i32
      %dma_start3A_21 = tpu.memref_slice %arg6[%arg0, %add3A_20, %dma_start3A] : memref<2x12544x128xf32, #tpu.memory_space<hbm>> -> memref<1x392x128xf32, #tpu.memory_space<hbm>>
      %dma_start3A_22 = tpu.memref_squeeze %dma_start3A_21 : memref<1x392x128xf32, #tpu.memory_space<hbm>> -> memref<392x128xf32, #tpu.memory_space<hbm>>
      %dma_start3A_23 = arith.constant 0 : i32
      %dma_start3A_24 = tpu.memref_slice %arg7[%add3A_20, %dma_start3A_23] : memref<12544x128xf32, #tpu.memory_space<vmem_shared>> -> memref<392x128xf32, #tpu.memory_space<vmem_shared>>
      tpu.enqueue_dma source(%dma_start3A_24 : memref<392x128xf32, #tpu.memory_space<vmem_shared>>) target(%dma_start3A_22 : memref<392x128xf32, #tpu.memory_space<hbm>>) target_semaphore(%run_scoped3A : memref<!tpu.dma_semaphore, #tpu.memory_space<semaphore_mem>>)
      %dma_wait3A = arith.constant 0 : i32
      %dma_wait3A_25 = tpu.memref_slice %arg6[%arg0, %add3A_20, %dma_wait3A] : memref<2x12544x128xf32, #tpu.memory_space<hbm>> -> memref<1x392x128xf32, #tpu.memory_space<hbm>>
      %dma_wait3A_26 = tpu.memref_squeeze %dma_wait3A_25 : memref<1x392x128xf32, #tpu.memory_space<hbm>> -> memref<392x128xf32, #tpu.memory_space<hbm>>
      %dma_wait3A_27 = arith.constant 0 : i32
      %dma_wait3A_28 = tpu.memref_slice %arg7[%add3A_20, %dma_wait3A_27] : memref<12544x128xf32, #tpu.memory_space<vmem_shared>> -> memref<392x128xf32, #tpu.memory_space<vmem_shared>>
      tpu.wait_dma2 semaphore(%run_scoped3A : memref<!tpu.dma_semaphore, #tpu.memory_space<semaphore_mem>>) src(%dma_wait3A_28 : memref<392x128xf32, #tpu.memory_space<vmem_shared>>) dst(%dma_wait3A_26 : memref<392x128xf32, #tpu.memory_space<hbm>>)
      tpu.yield
    }) : () -> ()
    return
  }
}

#map = affine_map<(d0, d1) -> (0, 0)>
#map1 = affine_map<(d0, d1) -> (0, 0, 0)>
module attributes {stable_mosaic.version = 14 : i64} {
  func.func @_layer_kernel(%arg0: i32, %arg1: i32, %arg2: memref<16000x50xi32, #tpu.memory_space<hbm>>, %arg3: memref<2x16000x50xi32, #tpu.memory_space<hbm>>, %arg4: memref<100000x128xf32, #tpu.memory_space<hbm>>, %arg5: memref<392x128xf32, #tpu.memory_space<hbm>>, %arg6: memref<2x12544x128xf32, #tpu.memory_space<hbm>>, %arg7: memref<12544x128xf32, #tpu.memory_space<vmem_shared>>, %arg8: memref<8x50xi32, #tpu.memory_space<vmem>>, %arg9: memref<8x50xi32, #tpu.memory_space<vmem>>, %arg10: memref<4x50x128xf32, #tpu.memory_space<vmem>>, %arg11: memref<!tpu.dma_semaphore, #tpu.memory_space<semaphore_mem>>, %arg12: memref<!tpu.dma_semaphore, #tpu.memory_space<semaphore_mem>>, %arg13: memref<!tpu.dma_semaphore, #tpu.memory_space<semaphore_mem>>, %arg14: memref<!tpu.dma_semaphore, #tpu.memory_space<semaphore_mem>>, %arg15: memref<!tpu.dma_semaphore, #tpu.memory_space<semaphore_mem>>, %arg16: memref<!tpu.dma_semaphore, #tpu.memory_space<semaphore_mem>>, %arg17: memref<!tpu.dma_semaphore, #tpu.memory_space<semaphore_mem>>, %arg18: memref<!tpu.dma_semaphore, #tpu.memory_space<semaphore_mem>>) attributes {dimension_semantics = [#tpu.dimension_semantics<core_parallel>, #tpu.dimension_semantics<subcore_parallel>], iteration_bounds = array<i64: 2, 16>, scalar_prefetch = 0 : i64, scratch_operands = 12 : i64, tpu.core_type = #tpu.core_type<sc_vector_subcore>, window_params = [{transform_indices = #map}, {transform_indices = #map1}, {transform_indices = #map}, {transform_indices = #map}, {transform_indices = #map1}]} {
    %mul3A = arith.constant 784 : i32
    %mul3A_0 = arith.muli %arg1, %mul3A : i32
    %add3A = arith.constant 0 : i32
    %add3A_1 = arith.addi %mul3A_0, %add3A : i32
    "tpu.region"() ({
      %run_scoped3A = tpu.sem_alloc : memref<!tpu.dma_semaphore, #tpu.memory_space<semaphore_mem>>
      %dma_start3A = arith.constant 0 : i32
      %dma_start3A_21 = tpu.memref_slice %arg7[%add3A_1, %dma_start3A] : memref<12544x128xf32, #tpu.memory_space<vmem_shared>> -> memref<392x128xf32, #tpu.memory_space<vmem_shared>>
      tpu.enqueue_dma source(%arg5 : memref<392x128xf32, #tpu.memory_space<hbm>>) target(%dma_start3A_21 : memref<392x128xf32, #tpu.memory_space<vmem_shared>>) target_semaphore(%run_scoped3A : memref<!tpu.dma_semaphore, #tpu.memory_space<semaphore_mem>>)
      %dma_wait3A = arith.constant 0 : i32
      %dma_wait3A_22 = tpu.memref_slice %arg7[%add3A_1, %dma_wait3A] : memref<12544x128xf32, #tpu.memory_space<vmem_shared>> -> memref<392x128xf32, #tpu.memory_space<vmem_shared>>
      tpu.wait_dma2 semaphore(%run_scoped3A : memref<!tpu.dma_semaphore, #tpu.memory_space<semaphore_mem>>) src(%arg5 : memref<392x128xf32, #tpu.memory_space<hbm>>) dst(%dma_wait3A_22 : memref<392x128xf32, #tpu.memory_space<vmem_shared>>)
      tpu.yield
    }) : () -> ()
    %mul3A_2 = arith.constant 784 : i32
    %mul3A_3 = arith.muli %arg1, %mul3A_2 : i32
    %add3A_4 = arith.constant 392 : i32
    %add3A_5 = arith.addi %mul3A_3, %add3A_4 : i32
    "tpu.region"() ({
      %run_scoped3A = tpu.sem_alloc : memref<!tpu.dma_semaphore, #tpu.memory_space<semaphore_mem>>
      %dma_start3A = arith.constant 0 : i32
      %dma_start3A_21 = tpu.memref_slice %arg7[%add3A_5, %dma_start3A] : memref<12544x128xf32, #tpu.memory_space<vmem_shared>> -> memref<392x128xf32, #tpu.memory_space<vmem_shared>>
      tpu.enqueue_dma source(%arg5 : memref<392x128xf32, #tpu.memory_space<hbm>>) target(%dma_start3A_21 : memref<392x128xf32, #tpu.memory_space<vmem_shared>>) target_semaphore(%run_scoped3A : memref<!tpu.dma_semaphore, #tpu.memory_space<semaphore_mem>>)
      %dma_wait3A = arith.constant 0 : i32
      %dma_wait3A_22 = tpu.memref_slice %arg7[%add3A_5, %dma_wait3A] : memref<12544x128xf32, #tpu.memory_space<vmem_shared>> -> memref<392x128xf32, #tpu.memory_space<vmem_shared>>
      tpu.wait_dma2 semaphore(%run_scoped3A : memref<!tpu.dma_semaphore, #tpu.memory_space<semaphore_mem>>) src(%arg5 : memref<392x128xf32, #tpu.memory_space<hbm>>) dst(%dma_wait3A_22 : memref<392x128xf32, #tpu.memory_space<vmem_shared>>)
      tpu.yield
    }) : () -> ()
    %barrier3A = arith.constant 0 : index
    tpu.barrier barrier_id(%barrier3A)
    %scan3A = arith.constant 0 : i32
    %scan3A_6 = arith.constant 0 : i32
    %scan3A_7 = arith.constant 125 : i32
    %scan3A_8 = arith.addi %scan3A_6, %scan3A_7 : i32
    %scan3A_9 = arith.constant 1 : i32
    %scan3A_10 = scf.for %scan3A_21 = %scan3A_6 to %scan3A_8 step %scan3A_9 iter_args(%scan3A_22 = %scan3A) -> (i32)  : i32 {
      %mul3A_23 = arith.constant 1000 : i32
      %mul3A_24 = arith.muli %arg1, %mul3A_23 : i32
      %mul3A_25 = arith.constant 8 : i32
      %mul3A_26 = arith.muli %scan3A_21, %mul3A_25 : i32
      %add3A_27 = arith.addi %mul3A_24, %mul3A_26 : i32
      "tpu.region"() ({
        %run_scoped3A = tpu.sem_alloc : memref<!tpu.dma_semaphore, #tpu.memory_space<semaphore_mem>>
        %dma_start3A_411 = arith.constant 0 : i32
        %dma_start3A_412 = tpu.memref_slice %arg2[%add3A_27, %dma_start3A_411] : memref<16000x50xi32, #tpu.memory_space<hbm>> -> memref<8x50xi32, #tpu.memory_space<hbm>>
        %dma_start3A_413 = arith.constant 0 : i32
        %dma_start3A_414 = tpu.memref_slice %arg2[%add3A_27, %dma_start3A_413] : memref<16000x50xi32, #tpu.memory_space<hbm>> -> memref<8x50xi32, #tpu.memory_space<hbm>>
        tpu.enqueue_dma source(%dma_start3A_414 : memref<8x50xi32, #tpu.memory_space<hbm>>) target(%arg8 : memref<8x50xi32, #tpu.memory_space<vmem>>) target_semaphore(%run_scoped3A : memref<!tpu.dma_semaphore, #tpu.memory_space<semaphore_mem>>)
        %dma_wait3A_415 = arith.constant 0 : i32
        %dma_wait3A_416 = tpu.memref_slice %arg2[%add3A_27, %dma_wait3A_415] : memref<16000x50xi32, #tpu.memory_space<hbm>> -> memref<8x50xi32, #tpu.memory_space<hbm>>
        %dma_wait3A_417 = arith.constant 0 : i32
        %dma_wait3A_418 = tpu.memref_slice %arg2[%add3A_27, %dma_wait3A_417] : memref<16000x50xi32, #tpu.memory_space<hbm>> -> memref<8x50xi32, #tpu.memory_space<hbm>>
        tpu.wait_dma2 semaphore(%run_scoped3A : memref<!tpu.dma_semaphore, #tpu.memory_space<semaphore_mem>>) src(%dma_wait3A_418 : memref<8x50xi32, #tpu.memory_space<hbm>>) dst(%arg8 : memref<8x50xi32, #tpu.memory_space<vmem>>)
        tpu.yield
      }) : () -> ()
      "tpu.region"() ({
        %run_scoped3A = tpu.sem_alloc : memref<!tpu.dma_semaphore, #tpu.memory_space<semaphore_mem>>
        %dma_start3A_411 = arith.constant 0 : i32
        %dma_start3A_412 = tpu.memref_slice %arg3[%arg0, %add3A_27, %dma_start3A_411] : memref<2x16000x50xi32, #tpu.memory_space<hbm>> -> memref<1x8x50xi32, #tpu.memory_space<hbm>>
        %dma_start3A_413 = tpu.memref_squeeze %dma_start3A_412 : memref<1x8x50xi32, #tpu.memory_space<hbm>> -> memref<8x50xi32, #tpu.memory_space<hbm>>
        %dma_start3A_414 = arith.constant 0 : i32
        %dma_start3A_415 = tpu.memref_slice %arg3[%arg0, %add3A_27, %dma_start3A_414] : memref<2x16000x50xi32, #tpu.memory_space<hbm>> -> memref<1x8x50xi32, #tpu.memory_space<hbm>>
        %dma_start3A_416 = tpu.memref_squeeze %dma_start3A_415 : memref<1x8x50xi32, #tpu.memory_space<hbm>> -> memref<8x50xi32, #tpu.memory_space<hbm>>
        tpu.enqueue_dma source(%dma_start3A_416 : memref<8x50xi32, #tpu.memory_space<hbm>>) target(%arg9 : memref<8x50xi32, #tpu.memory_space<vmem>>) target_semaphore(%run_scoped3A : memref<!tpu.dma_semaphore, #tpu.memory_space<semaphore_mem>>)
        %dma_wait3A_417 = arith.constant 0 : i32
        %dma_wait3A_418 = tpu.memref_slice %arg3[%arg0, %add3A_27, %dma_wait3A_417] : memref<2x16000x50xi32, #tpu.memory_space<hbm>> -> memref<1x8x50xi32, #tpu.memory_space<hbm>>
        %dma_wait3A_419 = tpu.memref_squeeze %dma_wait3A_418 : memref<1x8x50xi32, #tpu.memory_space<hbm>> -> memref<8x50xi32, #tpu.memory_space<hbm>>
        %dma_wait3A_420 = arith.constant 0 : i32
        %dma_wait3A_421 = tpu.memref_slice %arg3[%arg0, %add3A_27, %dma_wait3A_420] : memref<2x16000x50xi32, #tpu.memory_space<hbm>> -> memref<1x8x50xi32, #tpu.memory_space<hbm>>
        %dma_wait3A_422 = tpu.memref_squeeze %dma_wait3A_421 : memref<1x8x50xi32, #tpu.memory_space<hbm>> -> memref<8x50xi32, #tpu.memory_space<hbm>>
        tpu.wait_dma2 semaphore(%run_scoped3A : memref<!tpu.dma_semaphore, #tpu.memory_space<semaphore_mem>>) src(%dma_wait3A_422 : memref<8x50xi32, #tpu.memory_space<hbm>>) dst(%arg9 : memref<8x50xi32, #tpu.memory_space<vmem>>)
        tpu.yield
      }) : () -> ()
      %dma_start3A = arith.constant 0 : i32
      %dma_start3A_28 = arith.constant 0 : i32
      %dma_start3A_29 = arith.constant 0 : i32
      %dma_start3A_30 = arith.constant 0 : i32
      %dma_start3A_31 = tpu.memref_slice %arg10[%dma_start3A_28, %dma_start3A_29, %dma_start3A_30] : memref<4x50x128xf32, #tpu.memory_space<vmem>> -> memref<1x50x128xf32, #tpu.memory_space<vmem>>
      %dma_start3A_32 = tpu.memref_squeeze %dma_start3A_31 : memref<1x50x128xf32, #tpu.memory_space<vmem>> -> memref<50x128xf32, #tpu.memory_space<vmem>>
      %dma_start3A_33 = arith.constant 0 : i32
      %dma_start3A_34 = tpu.memref_slice %arg8[%dma_start3A, %dma_start3A_33] : memref<8x50xi32, #tpu.memory_space<vmem>> -> memref<1x50xi32, #tpu.memory_space<vmem>>
      %dma_start3A_35 = tpu.memref_squeeze %dma_start3A_34 : memref<1x50xi32, #tpu.memory_space<vmem>> -> memref<50xi32, #tpu.memory_space<vmem>>
      %dma_start3A_36 = arith.constant 0 : i32
      %dma_start3A_37 = arith.constant 0 : i32
      %dma_start3A_38 = tpu.memref_slice %arg4[%dma_start3A_36, %dma_start3A_37] : memref<100000x128xf32, #tpu.memory_space<hbm>> -> memref<100000x128xf32, #tpu.memory_space<hbm>>
      tpu.enqueue_indirect_dma source(%dma_start3A_38 : memref<100000x128xf32, #tpu.memory_space<hbm>>) target(%dma_start3A_32 : memref<50x128xf32, #tpu.memory_space<vmem>>) offsets(%dma_start3A_35 : memref<50xi32, #tpu.memory_space<vmem>>) semaphore(%arg11 : memref<!tpu.dma_semaphore, #tpu.memory_space<semaphore_mem>>)
      %dma_start3A_39 = arith.constant 1 : i32
      %dma_start3A_40 = arith.constant 1 : i32
      %dma_start3A_41 = arith.constant 0 : i32
      %dma_start3A_42 = arith.constant 0 : i32
      %dma_start3A_43 = tpu.memref_slice %arg10[%dma_start3A_40, %dma_start3A_41, %dma_start3A_42] : memref<4x50x128xf32, #tpu.memory_space<vmem>> -> memref<1x50x128xf32, #tpu.memory_space<vmem>>
      %dma_start3A_44 = tpu.memref_squeeze %dma_start3A_43 : memref<1x50x128xf32, #tpu.memory_space<vmem>> -> memref<50x128xf32, #tpu.memory_space<vmem>>
      %dma_start3A_45 = arith.constant 0 : i32
      %dma_start3A_46 = tpu.memref_slice %arg8[%dma_start3A_39, %dma_start3A_45] : memref<8x50xi32, #tpu.memory_space<vmem>> -> memref<1x50xi32, #tpu.memory_space<vmem>>
      %dma_start3A_47 = tpu.memref_squeeze %dma_start3A_46 : memref<1x50xi32, #tpu.memory_space<vmem>> -> memref<50xi32, #tpu.memory_space<vmem>>
      %dma_start3A_48 = arith.constant 0 : i32
      %dma_start3A_49 = arith.constant 0 : i32
      %dma_start3A_50 = tpu.memref_slice %arg4[%dma_start3A_48, %dma_start3A_49] : memref<100000x128xf32, #tpu.memory_space<hbm>> -> memref<100000x128xf32, #tpu.memory_space<hbm>>
      tpu.enqueue_indirect_dma source(%dma_start3A_50 : memref<100000x128xf32, #tpu.memory_space<hbm>>) target(%dma_start3A_44 : memref<50x128xf32, #tpu.memory_space<vmem>>) offsets(%dma_start3A_47 : memref<50xi32, #tpu.memory_space<vmem>>) semaphore(%arg12 : memref<!tpu.dma_semaphore, #tpu.memory_space<semaphore_mem>>)
      %dma_start3A_51 = arith.constant 2 : i32
      %dma_start3A_52 = arith.constant 2 : i32
      %dma_start3A_53 = arith.constant 0 : i32
      %dma_start3A_54 = arith.constant 0 : i32
      %dma_start3A_55 = tpu.memref_slice %arg10[%dma_start3A_52, %dma_start3A_53, %dma_start3A_54] : memref<4x50x128xf32, #tpu.memory_space<vmem>> -> memref<1x50x128xf32, #tpu.memory_space<vmem>>
      %dma_start3A_56 = tpu.memref_squeeze %dma_start3A_55 : memref<1x50x128xf32, #tpu.memory_space<vmem>> -> memref<50x128xf32, #tpu.memory_space<vmem>>
      %dma_start3A_57 = arith.constant 0 : i32
      %dma_start3A_58 = tpu.memref_slice %arg8[%dma_start3A_51, %dma_start3A_57] : memref<8x50xi32, #tpu.memory_space<vmem>> -> memref<1x50xi32, #tpu.memory_space<vmem>>
      %dma_start3A_59 = tpu.memref_squeeze %dma_start3A_58 : memref<1x50xi32, #tpu.memory_space<vmem>> -> memref<50xi32, #tpu.memory_space<vmem>>
      %dma_start3A_60 = arith.constant 0 : i32
      %dma_start3A_61 = arith.constant 0 : i32
      %dma_start3A_62 = tpu.memref_slice %arg4[%dma_start3A_60, %dma_start3A_61] : memref<100000x128xf32, #tpu.memory_space<hbm>> -> memref<100000x128xf32, #tpu.memory_space<hbm>>
      tpu.enqueue_indirect_dma source(%dma_start3A_62 : memref<100000x128xf32, #tpu.memory_space<hbm>>) target(%dma_start3A_56 : memref<50x128xf32, #tpu.memory_space<vmem>>) offsets(%dma_start3A_59 : memref<50xi32, #tpu.memory_space<vmem>>) semaphore(%arg13 : memref<!tpu.dma_semaphore, #tpu.memory_space<semaphore_mem>>)
      %dma_start3A_63 = arith.constant 3 : i32
      %dma_start3A_64 = arith.constant 3 : i32
      %dma_start3A_65 = arith.constant 0 : i32
      %dma_start3A_66 = arith.constant 0 : i32
      %dma_start3A_67 = tpu.memref_slice %arg10[%dma_start3A_64, %dma_start3A_65, %dma_start3A_66] : memref<4x50x128xf32, #tpu.memory_space<vmem>> -> memref<1x50x128xf32, #tpu.memory_space<vmem>>
      %dma_start3A_68 = tpu.memref_squeeze %dma_start3A_67 : memref<1x50x128xf32, #tpu.memory_space<vmem>> -> memref<50x128xf32, #tpu.memory_space<vmem>>
      %dma_start3A_69 = arith.constant 0 : i32
      %dma_start3A_70 = tpu.memref_slice %arg8[%dma_start3A_63, %dma_start3A_69] : memref<8x50xi32, #tpu.memory_space<vmem>> -> memref<1x50xi32, #tpu.memory_space<vmem>>
      %dma_start3A_71 = tpu.memref_squeeze %dma_start3A_70 : memref<1x50xi32, #tpu.memory_space<vmem>> -> memref<50xi32, #tpu.memory_space<vmem>>
      %dma_start3A_72 = arith.constant 0 : i32
      %dma_start3A_73 = arith.constant 0 : i32
      %dma_start3A_74 = tpu.memref_slice %arg4[%dma_start3A_72, %dma_start3A_73] : memref<100000x128xf32, #tpu.memory_space<hbm>> -> memref<100000x128xf32, #tpu.memory_space<hbm>>
      tpu.enqueue_indirect_dma source(%dma_start3A_74 : memref<100000x128xf32, #tpu.memory_space<hbm>>) target(%dma_start3A_68 : memref<50x128xf32, #tpu.memory_space<vmem>>) offsets(%dma_start3A_71 : memref<50xi32, #tpu.memory_space<vmem>>) semaphore(%arg14 : memref<!tpu.dma_semaphore, #tpu.memory_space<semaphore_mem>>)
      %dma_wait3A = arith.constant 0 : i32
      %dma_wait3A_75 = arith.constant 0 : i32
      %dma_wait3A_76 = arith.constant 0 : i32
      %dma_wait3A_77 = arith.constant 0 : i32
      %dma_wait3A_78 = tpu.memref_slice %arg10[%dma_wait3A_75, %dma_wait3A_76, %dma_wait3A_77] : memref<4x50x128xf32, #tpu.memory_space<vmem>> -> memref<1x50x128xf32, #tpu.memory_space<vmem>>
      %dma_wait3A_79 = tpu.memref_squeeze %dma_wait3A_78 : memref<1x50x128xf32, #tpu.memory_space<vmem>> -> memref<50x128xf32, #tpu.memory_space<vmem>>
      %dma_wait3A_80 = arith.constant 0 : i32
      %dma_wait3A_81 = tpu.memref_slice %arg8[%dma_wait3A, %dma_wait3A_80] : memref<8x50xi32, #tpu.memory_space<vmem>> -> memref<1x50xi32, #tpu.memory_space<vmem>>
      %dma_wait3A_82 = tpu.memref_squeeze %dma_wait3A_81 : memref<1x50xi32, #tpu.memory_space<vmem>> -> memref<50xi32, #tpu.memory_space<vmem>>
      %dma_wait3A_83 = arith.constant 0 : i32
      %dma_wait3A_84 = arith.constant 0 : i32
      %dma_wait3A_85 = tpu.memref_slice %arg4[%dma_wait3A_83, %dma_wait3A_84] : memref<100000x128xf32, #tpu.memory_space<hbm>> -> memref<100000x128xf32, #tpu.memory_space<hbm>>
      tpu.wait_indirect_dma semaphore(%arg11 : memref<!tpu.dma_semaphore, #tpu.memory_space<semaphore_mem>>) src(%dma_wait3A_85 : memref<100000x128xf32, #tpu.memory_space<hbm>>) dst(%dma_wait3A_79 : memref<50x128xf32, #tpu.memory_space<vmem>>)
      %dma_start3A_86 = arith.constant 0 : i32
      %dma_start3A_87 = arith.constant 0 : i32
      %dma_start3A_88 = arith.constant 0 : i32
      %dma_start3A_89 = arith.constant 0 : i32
      %dma_start3A_90 = tpu.memref_slice %arg10[%dma_start3A_86, %dma_start3A_88, %dma_start3A_89] : memref<4x50x128xf32, #tpu.memory_space<vmem>> -> memref<1x50x128xf32, #tpu.memory_space<vmem>>
      %dma_start3A_91 = tpu.memref_squeeze %dma_start3A_90 : memref<1x50x128xf32, #tpu.memory_space<vmem>> -> memref<50x128xf32, #tpu.memory_space<vmem>>
      %dma_start3A_92 = arith.constant 0 : i32
      %dma_start3A_93 = tpu.memref_slice %arg9[%dma_start3A_87, %dma_start3A_92] : memref<8x50xi32, #tpu.memory_space<vmem>> -> memref<1x50xi32, #tpu.memory_space<vmem>>
      %dma_start3A_94 = tpu.memref_squeeze %dma_start3A_93 : memref<1x50xi32, #tpu.memory_space<vmem>> -> memref<50xi32, #tpu.memory_space<vmem>>
      %dma_start3A_95 = arith.constant 0 : i32
      %dma_start3A_96 = arith.constant 0 : i32
      %dma_start3A_97 = tpu.memref_slice %arg7[%dma_start3A_95, %dma_start3A_96] : memref<12544x128xf32, #tpu.memory_space<vmem_shared>> -> memref<12544x128xf32, #tpu.memory_space<vmem_shared>>
      tpu.enqueue_indirect_dma source(%dma_start3A_91 : memref<50x128xf32, #tpu.memory_space<vmem>>) target(%dma_start3A_97 : memref<12544x128xf32, #tpu.memory_space<vmem_shared>>) offsets(%dma_start3A_94 : memref<50xi32, #tpu.memory_space<vmem>>) semaphore(%arg15 : memref<!tpu.dma_semaphore, #tpu.memory_space<semaphore_mem>>) {add = true}
      %dma_wait3A_98 = arith.constant 0 : i32
      %dma_wait3A_99 = arith.constant 0 : i32
      %dma_wait3A_100 = arith.constant 0 : i32
      %dma_wait3A_101 = arith.constant 0 : i32
      %dma_wait3A_102 = tpu.memref_slice %arg10[%dma_wait3A_99, %dma_wait3A_100, %dma_wait3A_101] : memref<4x50x128xf32, #tpu.memory_space<vmem>> -> memref<1x50x128xf32, #tpu.memory_space<vmem>>
      %dma_wait3A_103 = tpu.memref_squeeze %dma_wait3A_102 : memref<1x50x128xf32, #tpu.memory_space<vmem>> -> memref<50x128xf32, #tpu.memory_space<vmem>>
      %dma_wait3A_104 = arith.constant 0 : i32
      %dma_wait3A_105 = tpu.memref_slice %arg8[%dma_wait3A_98, %dma_wait3A_104] : memref<8x50xi32, #tpu.memory_space<vmem>> -> memref<1x50xi32, #tpu.memory_space<vmem>>
      %dma_wait3A_106 = tpu.memref_squeeze %dma_wait3A_105 : memref<1x50xi32, #tpu.memory_space<vmem>> -> memref<50xi32, #tpu.memory_space<vmem>>
      %dma_wait3A_107 = arith.constant 0 : i32
      %dma_wait3A_108 = arith.constant 0 : i32
      %dma_wait3A_109 = tpu.memref_slice %arg4[%dma_wait3A_107, %dma_wait3A_108] : memref<100000x128xf32, #tpu.memory_space<hbm>> -> memref<100000x128xf32, #tpu.memory_space<hbm>>
      tpu.wait_indirect_dma semaphore(%arg12 : memref<!tpu.dma_semaphore, #tpu.memory_space<semaphore_mem>>) src(%dma_wait3A_109 : memref<100000x128xf32, #tpu.memory_space<hbm>>) dst(%dma_wait3A_103 : memref<50x128xf32, #tpu.memory_space<vmem>>)
      %dma_start3A_110 = arith.constant 1 : i32
      %dma_start3A_111 = arith.constant 1 : i32
      %dma_start3A_112 = arith.constant 0 : i32
      %dma_start3A_113 = arith.constant 0 : i32
      %dma_start3A_114 = tpu.memref_slice %arg10[%dma_start3A_110, %dma_start3A_112, %dma_start3A_113] : memref<4x50x128xf32, #tpu.memory_space<vmem>> -> memref<1x50x128xf32, #tpu.memory_space<vmem>>
      %dma_start3A_115 = tpu.memref_squeeze %dma_start3A_114 : memref<1x50x128xf32, #tpu.memory_space<vmem>> -> memref<50x128xf32, #tpu.memory_space<vmem>>
      %dma_start3A_116 = arith.constant 0 : i32
      %dma_start3A_117 = tpu.memref_slice %arg9[%dma_start3A_111, %dma_start3A_116] : memref<8x50xi32, #tpu.memory_space<vmem>> -> memref<1x50xi32, #tpu.memory_space<vmem>>
      %dma_start3A_118 = tpu.memref_squeeze %dma_start3A_117 : memref<1x50xi32, #tpu.memory_space<vmem>> -> memref<50xi32, #tpu.memory_space<vmem>>
      %dma_start3A_119 = arith.constant 0 : i32
      %dma_start3A_120 = arith.constant 0 : i32
      %dma_start3A_121 = tpu.memref_slice %arg7[%dma_start3A_119, %dma_start3A_120] : memref<12544x128xf32, #tpu.memory_space<vmem_shared>> -> memref<12544x128xf32, #tpu.memory_space<vmem_shared>>
      tpu.enqueue_indirect_dma source(%dma_start3A_115 : memref<50x128xf32, #tpu.memory_space<vmem>>) target(%dma_start3A_121 : memref<12544x128xf32, #tpu.memory_space<vmem_shared>>) offsets(%dma_start3A_118 : memref<50xi32, #tpu.memory_space<vmem>>) semaphore(%arg16 : memref<!tpu.dma_semaphore, #tpu.memory_space<semaphore_mem>>) {add = true}
      %dma_wait3A_122 = arith.constant 0 : i32
      %dma_wait3A_123 = arith.constant 0 : i32
      %dma_wait3A_124 = arith.constant 0 : i32
      %dma_wait3A_125 = arith.constant 0 : i32
      %dma_wait3A_126 = tpu.memref_slice %arg10[%dma_wait3A_123, %dma_wait3A_124, %dma_wait3A_125] : memref<4x50x128xf32, #tpu.memory_space<vmem>> -> memref<1x50x128xf32, #tpu.memory_space<vmem>>
      %dma_wait3A_127 = tpu.memref_squeeze %dma_wait3A_126 : memref<1x50x128xf32, #tpu.memory_space<vmem>> -> memref<50x128xf32, #tpu.memory_space<vmem>>
      %dma_wait3A_128 = arith.constant 0 : i32
      %dma_wait3A_129 = tpu.memref_slice %arg8[%dma_wait3A_122, %dma_wait3A_128] : memref<8x50xi32, #tpu.memory_space<vmem>> -> memref<1x50xi32, #tpu.memory_space<vmem>>
      %dma_wait3A_130 = tpu.memref_squeeze %dma_wait3A_129 : memref<1x50xi32, #tpu.memory_space<vmem>> -> memref<50xi32, #tpu.memory_space<vmem>>
      %dma_wait3A_131 = arith.constant 0 : i32
      %dma_wait3A_132 = arith.constant 0 : i32
      %dma_wait3A_133 = tpu.memref_slice %arg4[%dma_wait3A_131, %dma_wait3A_132] : memref<100000x128xf32, #tpu.memory_space<hbm>> -> memref<100000x128xf32, #tpu.memory_space<hbm>>
      tpu.wait_indirect_dma semaphore(%arg13 : memref<!tpu.dma_semaphore, #tpu.memory_space<semaphore_mem>>) src(%dma_wait3A_133 : memref<100000x128xf32, #tpu.memory_space<hbm>>) dst(%dma_wait3A_127 : memref<50x128xf32, #tpu.memory_space<vmem>>)
      %dma_start3A_134 = arith.constant 2 : i32
      %dma_start3A_135 = arith.constant 2 : i32
      %dma_start3A_136 = arith.constant 0 : i32
      %dma_start3A_137 = arith.constant 0 : i32
      %dma_start3A_138 = tpu.memref_slice %arg10[%dma_start3A_134, %dma_start3A_136, %dma_start3A_137] : memref<4x50x128xf32, #tpu.memory_space<vmem>> -> memref<1x50x128xf32, #tpu.memory_space<vmem>>
      %dma_start3A_139 = tpu.memref_squeeze %dma_start3A_138 : memref<1x50x128xf32, #tpu.memory_space<vmem>> -> memref<50x128xf32, #tpu.memory_space<vmem>>
      %dma_start3A_140 = arith.constant 0 : i32
      %dma_start3A_141 = tpu.memref_slice %arg9[%dma_start3A_135, %dma_start3A_140] : memref<8x50xi32, #tpu.memory_space<vmem>> -> memref<1x50xi32, #tpu.memory_space<vmem>>
      %dma_start3A_142 = tpu.memref_squeeze %dma_start3A_141 : memref<1x50xi32, #tpu.memory_space<vmem>> -> memref<50xi32, #tpu.memory_space<vmem>>
      %dma_start3A_143 = arith.constant 0 : i32
      %dma_start3A_144 = arith.constant 0 : i32
      %dma_start3A_145 = tpu.memref_slice %arg7[%dma_start3A_143, %dma_start3A_144] : memref<12544x128xf32, #tpu.memory_space<vmem_shared>> -> memref<12544x128xf32, #tpu.memory_space<vmem_shared>>
      tpu.enqueue_indirect_dma source(%dma_start3A_139 : memref<50x128xf32, #tpu.memory_space<vmem>>) target(%dma_start3A_145 : memref<12544x128xf32, #tpu.memory_space<vmem_shared>>) offsets(%dma_start3A_142 : memref<50xi32, #tpu.memory_space<vmem>>) semaphore(%arg17 : memref<!tpu.dma_semaphore, #tpu.memory_space<semaphore_mem>>) {add = true}
      %dma_wait3A_146 = arith.constant 0 : i32
      %dma_wait3A_147 = arith.constant 0 : i32
      %dma_wait3A_148 = arith.constant 0 : i32
      %dma_wait3A_149 = arith.constant 0 : i32
      %dma_wait3A_150 = tpu.memref_slice %arg10[%dma_wait3A_147, %dma_wait3A_148, %dma_wait3A_149] : memref<4x50x128xf32, #tpu.memory_space<vmem>> -> memref<1x50x128xf32, #tpu.memory_space<vmem>>
      %dma_wait3A_151 = tpu.memref_squeeze %dma_wait3A_150 : memref<1x50x128xf32, #tpu.memory_space<vmem>> -> memref<50x128xf32, #tpu.memory_space<vmem>>
      %dma_wait3A_152 = arith.constant 0 : i32
      %dma_wait3A_153 = tpu.memref_slice %arg8[%dma_wait3A_146, %dma_wait3A_152] : memref<8x50xi32, #tpu.memory_space<vmem>> -> memref<1x50xi32, #tpu.memory_space<vmem>>
      %dma_wait3A_154 = tpu.memref_squeeze %dma_wait3A_153 : memref<1x50xi32, #tpu.memory_space<vmem>> -> memref<50xi32, #tpu.memory_space<vmem>>
      %dma_wait3A_155 = arith.constant 0 : i32
      %dma_wait3A_156 = arith.constant 0 : i32
      %dma_wait3A_157 = tpu.memref_slice %arg4[%dma_wait3A_155, %dma_wait3A_156] : memref<100000x128xf32, #tpu.memory_space<hbm>> -> memref<100000x128xf32, #tpu.memory_space<hbm>>
      tpu.wait_indirect_dma semaphore(%arg14 : memref<!tpu.dma_semaphore, #tpu.memory_space<semaphore_mem>>) src(%dma_wait3A_157 : memref<100000x128xf32, #tpu.memory_space<hbm>>) dst(%dma_wait3A_151 : memref<50x128xf32, #tpu.memory_space<vmem>>)
      %dma_start3A_158 = arith.constant 3 : i32
      %dma_start3A_159 = arith.constant 3 : i32
      %dma_start3A_160 = arith.constant 0 : i32
      %dma_start3A_161 = arith.constant 0 : i32
      %dma_start3A_162 = tpu.memref_slice %arg10[%dma_start3A_158, %dma_start3A_160, %dma_start3A_161] : memref<4x50x128xf32, #tpu.memory_space<vmem>> -> memref<1x50x128xf32, #tpu.memory_space<vmem>>
      %dma_start3A_163 = tpu.memref_squeeze %dma_start3A_162 : memref<1x50x128xf32, #tpu.memory_space<vmem>> -> memref<50x128xf32, #tpu.memory_space<vmem>>
      %dma_start3A_164 = arith.constant 0 : i32
      %dma_start3A_165 = tpu.memref_slice %arg9[%dma_start3A_159, %dma_start3A_164] : memref<8x50xi32, #tpu.memory_space<vmem>> -> memref<1x50xi32, #tpu.memory_space<vmem>>
      %dma_start3A_166 = tpu.memref_squeeze %dma_start3A_165 : memref<1x50xi32, #tpu.memory_space<vmem>> -> memref<50xi32, #tpu.memory_space<vmem>>
      %dma_start3A_167 = arith.constant 0 : i32
      %dma_start3A_168 = arith.constant 0 : i32
      %dma_start3A_169 = tpu.memref_slice %arg7[%dma_start3A_167, %dma_start3A_168] : memref<12544x128xf32, #tpu.memory_space<vmem_shared>> -> memref<12544x128xf32, #tpu.memory_space<vmem_shared>>
      tpu.enqueue_indirect_dma source(%dma_start3A_163 : memref<50x128xf32, #tpu.memory_space<vmem>>) target(%dma_start3A_169 : memref<12544x128xf32, #tpu.memory_space<vmem_shared>>) offsets(%dma_start3A_166 : memref<50xi32, #tpu.memory_space<vmem>>) semaphore(%arg18 : memref<!tpu.dma_semaphore, #tpu.memory_space<semaphore_mem>>) {add = true}
      %dma_wait3A_170 = arith.constant 0 : i32
      %dma_wait3A_171 = arith.constant 0 : i32
      %dma_wait3A_172 = arith.constant 0 : i32
      %dma_wait3A_173 = arith.constant 0 : i32
      %dma_wait3A_174 = tpu.memref_slice %arg10[%dma_wait3A_170, %dma_wait3A_172, %dma_wait3A_173] : memref<4x50x128xf32, #tpu.memory_space<vmem>> -> memref<1x50x128xf32, #tpu.memory_space<vmem>>
      %dma_wait3A_175 = tpu.memref_squeeze %dma_wait3A_174 : memref<1x50x128xf32, #tpu.memory_space<vmem>> -> memref<50x128xf32, #tpu.memory_space<vmem>>
      %dma_wait3A_176 = arith.constant 0 : i32
      %dma_wait3A_177 = tpu.memref_slice %arg9[%dma_wait3A_171, %dma_wait3A_176] : memref<8x50xi32, #tpu.memory_space<vmem>> -> memref<1x50xi32, #tpu.memory_space<vmem>>
      %dma_wait3A_178 = tpu.memref_squeeze %dma_wait3A_177 : memref<1x50xi32, #tpu.memory_space<vmem>> -> memref<50xi32, #tpu.memory_space<vmem>>
      %dma_wait3A_179 = arith.constant 0 : i32
      %dma_wait3A_180 = arith.constant 0 : i32
      %dma_wait3A_181 = tpu.memref_slice %arg7[%dma_wait3A_179, %dma_wait3A_180] : memref<12544x128xf32, #tpu.memory_space<vmem_shared>> -> memref<12544x128xf32, #tpu.memory_space<vmem_shared>>
      tpu.wait_indirect_dma semaphore(%arg15 : memref<!tpu.dma_semaphore, #tpu.memory_space<semaphore_mem>>) src(%dma_wait3A_175 : memref<50x128xf32, #tpu.memory_space<vmem>>) dst(%dma_wait3A_181 : memref<12544x128xf32, #tpu.memory_space<vmem_shared>>)
      %dma_start3A_182 = arith.constant 4 : i32
      %dma_start3A_183 = arith.constant 0 : i32
      %dma_start3A_184 = arith.constant 0 : i32
      %dma_start3A_185 = arith.constant 0 : i32
      %dma_start3A_186 = tpu.memref_slice %arg10[%dma_start3A_183, %dma_start3A_184, %dma_start3A_185] : memref<4x50x128xf32, #tpu.memory_space<vmem>> -> memref<1x50x128xf32, #tpu.memory_space<vmem>>
      %dma_start3A_187 = tpu.memref_squeeze %dma_start3A_186 : memref<1x50x128xf32, #tpu.memory_space<vmem>> -> memref<50x128xf32, #tpu.memory_space<vmem>>
      %dma_start3A_188 = arith.constant 0 : i32
      %dma_start3A_189 = tpu.memref_slice %arg8[%dma_start3A_182, %dma_start3A_188] : memref<8x50xi32, #tpu.memory_space<vmem>> -> memref<1x50xi32, #tpu.memory_space<vmem>>
      %dma_start3A_190 = tpu.memref_squeeze %dma_start3A_189 : memref<1x50xi32, #tpu.memory_space<vmem>> -> memref<50xi32, #tpu.memory_space<vmem>>
      %dma_start3A_191 = arith.constant 0 : i32
      %dma_start3A_192 = arith.constant 0 : i32
      %dma_start3A_193 = tpu.memref_slice %arg4[%dma_start3A_191, %dma_start3A_192] : memref<100000x128xf32, #tpu.memory_space<hbm>> -> memref<100000x128xf32, #tpu.memory_space<hbm>>
      tpu.enqueue_indirect_dma source(%dma_start3A_193 : memref<100000x128xf32, #tpu.memory_space<hbm>>) target(%dma_start3A_187 : memref<50x128xf32, #tpu.memory_space<vmem>>) offsets(%dma_start3A_190 : memref<50xi32, #tpu.memory_space<vmem>>) semaphore(%arg11 : memref<!tpu.dma_semaphore, #tpu.memory_space<semaphore_mem>>)
      %dma_wait3A_194 = arith.constant 0 : i32
      %dma_wait3A_195 = arith.constant 0 : i32
      %dma_wait3A_196 = arith.constant 0 : i32
      %dma_wait3A_197 = arith.constant 0 : i32
      %dma_wait3A_198 = tpu.memref_slice %arg10[%dma_wait3A_194, %dma_wait3A_196, %dma_wait3A_197] : memref<4x50x128xf32, #tpu.memory_space<vmem>> -> memref<1x50x128xf32, #tpu.memory_space<vmem>>
      %dma_wait3A_199 = tpu.memref_squeeze %dma_wait3A_198 : memref<1x50x128xf32, #tpu.memory_space<vmem>> -> memref<50x128xf32, #tpu.memory_space<vmem>>
      %dma_wait3A_200 = arith.constant 0 : i32
      %dma_wait3A_201 = tpu.memref_slice %arg9[%dma_wait3A_195, %dma_wait3A_200] : memref<8x50xi32, #tpu.memory_space<vmem>> -> memref<1x50xi32, #tpu.memory_space<vmem>>
      %dma_wait3A_202 = tpu.memref_squeeze %dma_wait3A_201 : memref<1x50xi32, #tpu.memory_space<vmem>> -> memref<50xi32, #tpu.memory_space<vmem>>
      %dma_wait3A_203 = arith.constant 0 : i32
      %dma_wait3A_204 = arith.constant 0 : i32
      %dma_wait3A_205 = tpu.memref_slice %arg7[%dma_wait3A_203, %dma_wait3A_204] : memref<12544x128xf32, #tpu.memory_space<vmem_shared>> -> memref<12544x128xf32, #tpu.memory_space<vmem_shared>>
      tpu.wait_indirect_dma semaphore(%arg16 : memref<!tpu.dma_semaphore, #tpu.memory_space<semaphore_mem>>) src(%dma_wait3A_199 : memref<50x128xf32, #tpu.memory_space<vmem>>) dst(%dma_wait3A_205 : memref<12544x128xf32, #tpu.memory_space<vmem_shared>>)
      %dma_start3A_206 = arith.constant 5 : i32
      %dma_start3A_207 = arith.constant 1 : i32
      %dma_start3A_208 = arith.constant 0 : i32
      %dma_start3A_209 = arith.constant 0 : i32
      %dma_start3A_210 = tpu.memref_slice %arg10[%dma_start3A_207, %dma_start3A_208, %dma_start3A_209] : memref<4x50x128xf32, #tpu.memory_space<vmem>> -> memref<1x50x128xf32, #tpu.memory_space<vmem>>
      %dma_start3A_211 = tpu.memref_squeeze %dma_start3A_210 : memref<1x50x128xf32, #tpu.memory_space<vmem>> -> memref<50x128xf32, #tpu.memory_space<vmem>>
      %dma_start3A_212 = arith.constant 0 : i32
      %dma_start3A_213 = tpu.memref_slice %arg8[%dma_start3A_206, %dma_start3A_212] : memref<8x50xi32, #tpu.memory_space<vmem>> -> memref<1x50xi32, #tpu.memory_space<vmem>>
      %dma_start3A_214 = tpu.memref_squeeze %dma_start3A_213 : memref<1x50xi32, #tpu.memory_space<vmem>> -> memref<50xi32, #tpu.memory_space<vmem>>
      %dma_start3A_215 = arith.constant 0 : i32
      %dma_start3A_216 = arith.constant 0 : i32
      %dma_start3A_217 = tpu.memref_slice %arg4[%dma_start3A_215, %dma_start3A_216] : memref<100000x128xf32, #tpu.memory_space<hbm>> -> memref<100000x128xf32, #tpu.memory_space<hbm>>
      tpu.enqueue_indirect_dma source(%dma_start3A_217 : memref<100000x128xf32, #tpu.memory_space<hbm>>) target(%dma_start3A_211 : memref<50x128xf32, #tpu.memory_space<vmem>>) offsets(%dma_start3A_214 : memref<50xi32, #tpu.memory_space<vmem>>) semaphore(%arg12 : memref<!tpu.dma_semaphore, #tpu.memory_space<semaphore_mem>>)
      %dma_wait3A_218 = arith.constant 0 : i32
      %dma_wait3A_219 = arith.constant 0 : i32
      %dma_wait3A_220 = arith.constant 0 : i32
      %dma_wait3A_221 = arith.constant 0 : i32
      %dma_wait3A_222 = tpu.memref_slice %arg10[%dma_wait3A_218, %dma_wait3A_220, %dma_wait3A_221] : memref<4x50x128xf32, #tpu.memory_space<vmem>> -> memref<1x50x128xf32, #tpu.memory_space<vmem>>
      %dma_wait3A_223 = tpu.memref_squeeze %dma_wait3A_222 : memref<1x50x128xf32, #tpu.memory_space<vmem>> -> memref<50x128xf32, #tpu.memory_space<vmem>>
      %dma_wait3A_224 = arith.constant 0 : i32
      %dma_wait3A_225 = tpu.memref_slice %arg9[%dma_wait3A_219, %dma_wait3A_224] : memref<8x50xi32, #tpu.memory_space<vmem>> -> memref<1x50xi32, #tpu.memory_space<vmem>>
      %dma_wait3A_226 = tpu.memref_squeeze %dma_wait3A_225 : memref<1x50xi32, #tpu.memory_space<vmem>> -> memref<50xi32, #tpu.memory_space<vmem>>
      %dma_wait3A_227 = arith.constant 0 : i32
      %dma_wait3A_228 = arith.constant 0 : i32
      %dma_wait3A_229 = tpu.memref_slice %arg7[%dma_wait3A_227, %dma_wait3A_228] : memref<12544x128xf32, #tpu.memory_space<vmem_shared>> -> memref<12544x128xf32, #tpu.memory_space<vmem_shared>>
      tpu.wait_indirect_dma semaphore(%arg17 : memref<!tpu.dma_semaphore, #tpu.memory_space<semaphore_mem>>) src(%dma_wait3A_223 : memref<50x128xf32, #tpu.memory_space<vmem>>) dst(%dma_wait3A_229 : memref<12544x128xf32, #tpu.memory_space<vmem_shared>>)
      %dma_start3A_230 = arith.constant 6 : i32
      %dma_start3A_231 = arith.constant 2 : i32
      %dma_start3A_232 = arith.constant 0 : i32
      %dma_start3A_233 = arith.constant 0 : i32
      %dma_start3A_234 = tpu.memref_slice %arg10[%dma_start3A_231, %dma_start3A_232, %dma_start3A_233] : memref<4x50x128xf32, #tpu.memory_space<vmem>> -> memref<1x50x128xf32, #tpu.memory_space<vmem>>
      %dma_start3A_235 = tpu.memref_squeeze %dma_start3A_234 : memref<1x50x128xf32, #tpu.memory_space<vmem>> -> memref<50x128xf32, #tpu.memory_space<vmem>>
      %dma_start3A_236 = arith.constant 0 : i32
      %dma_start3A_237 = tpu.memref_slice %arg8[%dma_start3A_230, %dma_start3A_236] : memref<8x50xi32, #tpu.memory_space<vmem>> -> memref<1x50xi32, #tpu.memory_space<vmem>>
      %dma_start3A_238 = tpu.memref_squeeze %dma_start3A_237 : memref<1x50xi32, #tpu.memory_space<vmem>> -> memref<50xi32, #tpu.memory_space<vmem>>
      %dma_start3A_239 = arith.constant 0 : i32
      %dma_start3A_240 = arith.constant 0 : i32
      %dma_start3A_241 = tpu.memref_slice %arg4[%dma_start3A_239, %dma_start3A_240] : memref<100000x128xf32, #tpu.memory_space<hbm>> -> memref<100000x128xf32, #tpu.memory_space<hbm>>
      tpu.enqueue_indirect_dma source(%dma_start3A_241 : memref<100000x128xf32, #tpu.memory_space<hbm>>) target(%dma_start3A_235 : memref<50x128xf32, #tpu.memory_space<vmem>>) offsets(%dma_start3A_238 : memref<50xi32, #tpu.memory_space<vmem>>) semaphore(%arg13 : memref<!tpu.dma_semaphore, #tpu.memory_space<semaphore_mem>>)
      %dma_wait3A_242 = arith.constant 0 : i32
      %dma_wait3A_243 = arith.constant 0 : i32
      %dma_wait3A_244 = arith.constant 0 : i32
      %dma_wait3A_245 = arith.constant 0 : i32
      %dma_wait3A_246 = tpu.memref_slice %arg10[%dma_wait3A_242, %dma_wait3A_244, %dma_wait3A_245] : memref<4x50x128xf32, #tpu.memory_space<vmem>> -> memref<1x50x128xf32, #tpu.memory_space<vmem>>
      %dma_wait3A_247 = tpu.memref_squeeze %dma_wait3A_246 : memref<1x50x128xf32, #tpu.memory_space<vmem>> -> memref<50x128xf32, #tpu.memory_space<vmem>>
      %dma_wait3A_248 = arith.constant 0 : i32
      %dma_wait3A_249 = tpu.memref_slice %arg9[%dma_wait3A_243, %dma_wait3A_248] : memref<8x50xi32, #tpu.memory_space<vmem>> -> memref<1x50xi32, #tpu.memory_space<vmem>>
      %dma_wait3A_250 = tpu.memref_squeeze %dma_wait3A_249 : memref<1x50xi32, #tpu.memory_space<vmem>> -> memref<50xi32, #tpu.memory_space<vmem>>
      %dma_wait3A_251 = arith.constant 0 : i32
      %dma_wait3A_252 = arith.constant 0 : i32
      %dma_wait3A_253 = tpu.memref_slice %arg7[%dma_wait3A_251, %dma_wait3A_252] : memref<12544x128xf32, #tpu.memory_space<vmem_shared>> -> memref<12544x128xf32, #tpu.memory_space<vmem_shared>>
      tpu.wait_indirect_dma semaphore(%arg18 : memref<!tpu.dma_semaphore, #tpu.memory_space<semaphore_mem>>) src(%dma_wait3A_247 : memref<50x128xf32, #tpu.memory_space<vmem>>) dst(%dma_wait3A_253 : memref<12544x128xf32, #tpu.memory_space<vmem_shared>>)
      %dma_start3A_254 = arith.constant 7 : i32
      %dma_start3A_255 = arith.constant 3 : i32
      %dma_start3A_256 = arith.constant 0 : i32
      %dma_start3A_257 = arith.constant 0 : i32
      %dma_start3A_258 = tpu.memref_slice %arg10[%dma_start3A_255, %dma_start3A_256, %dma_start3A_257] : memref<4x50x128xf32, #tpu.memory_space<vmem>> -> memref<1x50x128xf32, #tpu.memory_space<vmem>>
      %dma_start3A_259 = tpu.memref_squeeze %dma_start3A_258 : memref<1x50x128xf32, #tpu.memory_space<vmem>> -> memref<50x128xf32, #tpu.memory_space<vmem>>
      %dma_start3A_260 = arith.constant 0 : i32
      %dma_start3A_261 = tpu.memref_slice %arg8[%dma_start3A_254, %dma_start3A_260] : memref<8x50xi32, #tpu.memory_space<vmem>> -> memref<1x50xi32, #tpu.memory_space<vmem>>
      %dma_start3A_262 = tpu.memref_squeeze %dma_start3A_261 : memref<1x50xi32, #tpu.memory_space<vmem>> -> memref<50xi32, #tpu.memory_space<vmem>>
      %dma_start3A_263 = arith.constant 0 : i32
      %dma_start3A_264 = arith.constant 0 : i32
      %dma_start3A_265 = tpu.memref_slice %arg4[%dma_start3A_263, %dma_start3A_264] : memref<100000x128xf32, #tpu.memory_space<hbm>> -> memref<100000x128xf32, #tpu.memory_space<hbm>>
      tpu.enqueue_indirect_dma source(%dma_start3A_265 : memref<100000x128xf32, #tpu.memory_space<hbm>>) target(%dma_start3A_259 : memref<50x128xf32, #tpu.memory_space<vmem>>) offsets(%dma_start3A_262 : memref<50xi32, #tpu.memory_space<vmem>>) semaphore(%arg14 : memref<!tpu.dma_semaphore, #tpu.memory_space<semaphore_mem>>)
      %dma_wait3A_266 = arith.constant 0 : i32
      %dma_wait3A_267 = arith.constant 0 : i32
      %dma_wait3A_268 = arith.constant 0 : i32
      %dma_wait3A_269 = arith.constant 0 : i32
      %dma_wait3A_270 = tpu.memref_slice %arg10[%dma_wait3A_267, %dma_wait3A_268, %dma_wait3A_269] : memref<4x50x128xf32, #tpu.memory_space<vmem>> -> memref<1x50x128xf32, #tpu.memory_space<vmem>>
      %dma_wait3A_271 = tpu.memref_squeeze %dma_wait3A_270 : memref<1x50x128xf32, #tpu.memory_space<vmem>> -> memref<50x128xf32, #tpu.memory_space<vmem>>
      %dma_wait3A_272 = arith.constant 0 : i32
      %dma_wait3A_273 = tpu.memref_slice %arg8[%dma_wait3A_266, %dma_wait3A_272] : memref<8x50xi32, #tpu.memory_space<vmem>> -> memref<1x50xi32, #tpu.memory_space<vmem>>
      %dma_wait3A_274 = tpu.memref_squeeze %dma_wait3A_273 : memref<1x50xi32, #tpu.memory_space<vmem>> -> memref<50xi32, #tpu.memory_space<vmem>>
      %dma_wait3A_275 = arith.constant 0 : i32
      %dma_wait3A_276 = arith.constant 0 : i32
      %dma_wait3A_277 = tpu.memref_slice %arg4[%dma_wait3A_275, %dma_wait3A_276] : memref<100000x128xf32, #tpu.memory_space<hbm>> -> memref<100000x128xf32, #tpu.memory_space<hbm>>
      tpu.wait_indirect_dma semaphore(%arg11 : memref<!tpu.dma_semaphore, #tpu.memory_space<semaphore_mem>>) src(%dma_wait3A_277 : memref<100000x128xf32, #tpu.memory_space<hbm>>) dst(%dma_wait3A_271 : memref<50x128xf32, #tpu.memory_space<vmem>>)
      %dma_start3A_278 = arith.constant 0 : i32
      %dma_start3A_279 = arith.constant 4 : i32
      %dma_start3A_280 = arith.constant 0 : i32
      %dma_start3A_281 = arith.constant 0 : i32
      %dma_start3A_282 = tpu.memref_slice %arg10[%dma_start3A_278, %dma_start3A_280, %dma_start3A_281] : memref<4x50x128xf32, #tpu.memory_space<vmem>> -> memref<1x50x128xf32, #tpu.memory_space<vmem>>
      %dma_start3A_283 = tpu.memref_squeeze %dma_start3A_282 : memref<1x50x128xf32, #tpu.memory_space<vmem>> -> memref<50x128xf32, #tpu.memory_space<vmem>>
      %dma_start3A_284 = arith.constant 0 : i32
      %dma_start3A_285 = tpu.memref_slice %arg9[%dma_start3A_279, %dma_start3A_284] : memref<8x50xi32, #tpu.memory_space<vmem>> -> memref<1x50xi32, #tpu.memory_space<vmem>>
      %dma_start3A_286 = tpu.memref_squeeze %dma_start3A_285 : memref<1x50xi32, #tpu.memory_space<vmem>> -> memref<50xi32, #tpu.memory_space<vmem>>
      %dma_start3A_287 = arith.constant 0 : i32
      %dma_start3A_288 = arith.constant 0 : i32
      %dma_start3A_289 = tpu.memref_slice %arg7[%dma_start3A_287, %dma_start3A_288] : memref<12544x128xf32, #tpu.memory_space<vmem_shared>> -> memref<12544x128xf32, #tpu.memory_space<vmem_shared>>
      tpu.enqueue_indirect_dma source(%dma_start3A_283 : memref<50x128xf32, #tpu.memory_space<vmem>>) target(%dma_start3A_289 : memref<12544x128xf32, #tpu.memory_space<vmem_shared>>) offsets(%dma_start3A_286 : memref<50xi32, #tpu.memory_space<vmem>>) semaphore(%arg15 : memref<!tpu.dma_semaphore, #tpu.memory_space<semaphore_mem>>) {add = true}
      %dma_wait3A_290 = arith.constant 0 : i32
      %dma_wait3A_291 = arith.constant 0 : i32
      %dma_wait3A_292 = arith.constant 0 : i32
      %dma_wait3A_293 = arith.constant 0 : i32
      %dma_wait3A_294 = tpu.memref_slice %arg10[%dma_wait3A_291, %dma_wait3A_292, %dma_wait3A_293] : memref<4x50x128xf32, #tpu.memory_space<vmem>> -> memref<1x50x128xf32, #tpu.memory_space<vmem>>
      %dma_wait3A_295 = tpu.memref_squeeze %dma_wait3A_294 : memref<1x50x128xf32, #tpu.memory_space<vmem>> -> memref<50x128xf32, #tpu.memory_space<vmem>>
      %dma_wait3A_296 = arith.constant 0 : i32
      %dma_wait3A_297 = tpu.memref_slice %arg8[%dma_wait3A_290, %dma_wait3A_296] : memref<8x50xi32, #tpu.memory_space<vmem>> -> memref<1x50xi32, #tpu.memory_space<vmem>>
      %dma_wait3A_298 = tpu.memref_squeeze %dma_wait3A_297 : memref<1x50xi32, #tpu.memory_space<vmem>> -> memref<50xi32, #tpu.memory_space<vmem>>
      %dma_wait3A_299 = arith.constant 0 : i32
      %dma_wait3A_300 = arith.constant 0 : i32
      %dma_wait3A_301 = tpu.memref_slice %arg4[%dma_wait3A_299, %dma_wait3A_300] : memref<100000x128xf32, #tpu.memory_space<hbm>> -> memref<100000x128xf32, #tpu.memory_space<hbm>>
      tpu.wait_indirect_dma semaphore(%arg12 : memref<!tpu.dma_semaphore, #tpu.memory_space<semaphore_mem>>) src(%dma_wait3A_301 : memref<100000x128xf32, #tpu.memory_space<hbm>>) dst(%dma_wait3A_295 : memref<50x128xf32, #tpu.memory_space<vmem>>)
      %dma_start3A_302 = arith.constant 1 : i32
      %dma_start3A_303 = arith.constant 5 : i32
      %dma_start3A_304 = arith.constant 0 : i32
      %dma_start3A_305 = arith.constant 0 : i32
      %dma_start3A_306 = tpu.memref_slice %arg10[%dma_start3A_302, %dma_start3A_304, %dma_start3A_305] : memref<4x50x128xf32, #tpu.memory_space<vmem>> -> memref<1x50x128xf32, #tpu.memory_space<vmem>>
      %dma_start3A_307 = tpu.memref_squeeze %dma_start3A_306 : memref<1x50x128xf32, #tpu.memory_space<vmem>> -> memref<50x128xf32, #tpu.memory_space<vmem>>
      %dma_start3A_308 = arith.constant 0 : i32
      %dma_start3A_309 = tpu.memref_slice %arg9[%dma_start3A_303, %dma_start3A_308] : memref<8x50xi32, #tpu.memory_space<vmem>> -> memref<1x50xi32, #tpu.memory_space<vmem>>
      %dma_start3A_310 = tpu.memref_squeeze %dma_start3A_309 : memref<1x50xi32, #tpu.memory_space<vmem>> -> memref<50xi32, #tpu.memory_space<vmem>>
      %dma_start3A_311 = arith.constant 0 : i32
      %dma_start3A_312 = arith.constant 0 : i32
      %dma_start3A_313 = tpu.memref_slice %arg7[%dma_start3A_311, %dma_start3A_312] : memref<12544x128xf32, #tpu.memory_space<vmem_shared>> -> memref<12544x128xf32, #tpu.memory_space<vmem_shared>>
      tpu.enqueue_indirect_dma source(%dma_start3A_307 : memref<50x128xf32, #tpu.memory_space<vmem>>) target(%dma_start3A_313 : memref<12544x128xf32, #tpu.memory_space<vmem_shared>>) offsets(%dma_start3A_310 : memref<50xi32, #tpu.memory_space<vmem>>) semaphore(%arg16 : memref<!tpu.dma_semaphore, #tpu.memory_space<semaphore_mem>>) {add = true}
      %dma_wait3A_314 = arith.constant 0 : i32
      %dma_wait3A_315 = arith.constant 0 : i32
      %dma_wait3A_316 = arith.constant 0 : i32
      %dma_wait3A_317 = arith.constant 0 : i32
      %dma_wait3A_318 = tpu.memref_slice %arg10[%dma_wait3A_315, %dma_wait3A_316, %dma_wait3A_317] : memref<4x50x128xf32, #tpu.memory_space<vmem>> -> memref<1x50x128xf32, #tpu.memory_space<vmem>>
      %dma_wait3A_319 = tpu.memref_squeeze %dma_wait3A_318 : memref<1x50x128xf32, #tpu.memory_space<vmem>> -> memref<50x128xf32, #tpu.memory_space<vmem>>
      %dma_wait3A_320 = arith.constant 0 : i32
      %dma_wait3A_321 = tpu.memref_slice %arg8[%dma_wait3A_314, %dma_wait3A_320] : memref<8x50xi32, #tpu.memory_space<vmem>> -> memref<1x50xi32, #tpu.memory_space<vmem>>
      %dma_wait3A_322 = tpu.memref_squeeze %dma_wait3A_321 : memref<1x50xi32, #tpu.memory_space<vmem>> -> memref<50xi32, #tpu.memory_space<vmem>>
      %dma_wait3A_323 = arith.constant 0 : i32
      %dma_wait3A_324 = arith.constant 0 : i32
      %dma_wait3A_325 = tpu.memref_slice %arg4[%dma_wait3A_323, %dma_wait3A_324] : memref<100000x128xf32, #tpu.memory_space<hbm>> -> memref<100000x128xf32, #tpu.memory_space<hbm>>
      tpu.wait_indirect_dma semaphore(%arg13 : memref<!tpu.dma_semaphore, #tpu.memory_space<semaphore_mem>>) src(%dma_wait3A_325 : memref<100000x128xf32, #tpu.memory_space<hbm>>) dst(%dma_wait3A_319 : memref<50x128xf32, #tpu.memory_space<vmem>>)
      %dma_start3A_326 = arith.constant 2 : i32
      %dma_start3A_327 = arith.constant 6 : i32
      %dma_start3A_328 = arith.constant 0 : i32
      %dma_start3A_329 = arith.constant 0 : i32
      %dma_start3A_330 = tpu.memref_slice %arg10[%dma_start3A_326, %dma_start3A_328, %dma_start3A_329] : memref<4x50x128xf32, #tpu.memory_space<vmem>> -> memref<1x50x128xf32, #tpu.memory_space<vmem>>
      %dma_start3A_331 = tpu.memref_squeeze %dma_start3A_330 : memref<1x50x128xf32, #tpu.memory_space<vmem>> -> memref<50x128xf32, #tpu.memory_space<vmem>>
      %dma_start3A_332 = arith.constant 0 : i32
      %dma_start3A_333 = tpu.memref_slice %arg9[%dma_start3A_327, %dma_start3A_332] : memref<8x50xi32, #tpu.memory_space<vmem>> -> memref<1x50xi32, #tpu.memory_space<vmem>>
      %dma_start3A_334 = tpu.memref_squeeze %dma_start3A_333 : memref<1x50xi32, #tpu.memory_space<vmem>> -> memref<50xi32, #tpu.memory_space<vmem>>
      %dma_start3A_335 = arith.constant 0 : i32
      %dma_start3A_336 = arith.constant 0 : i32
      %dma_start3A_337 = tpu.memref_slice %arg7[%dma_start3A_335, %dma_start3A_336] : memref<12544x128xf32, #tpu.memory_space<vmem_shared>> -> memref<12544x128xf32, #tpu.memory_space<vmem_shared>>
      tpu.enqueue_indirect_dma source(%dma_start3A_331 : memref<50x128xf32, #tpu.memory_space<vmem>>) target(%dma_start3A_337 : memref<12544x128xf32, #tpu.memory_space<vmem_shared>>) offsets(%dma_start3A_334 : memref<50xi32, #tpu.memory_space<vmem>>) semaphore(%arg17 : memref<!tpu.dma_semaphore, #tpu.memory_space<semaphore_mem>>) {add = true}
      %dma_wait3A_338 = arith.constant 0 : i32
      %dma_wait3A_339 = arith.constant 0 : i32
      %dma_wait3A_340 = arith.constant 0 : i32
      %dma_wait3A_341 = arith.constant 0 : i32
      %dma_wait3A_342 = tpu.memref_slice %arg10[%dma_wait3A_339, %dma_wait3A_340, %dma_wait3A_341] : memref<4x50x128xf32, #tpu.memory_space<vmem>> -> memref<1x50x128xf32, #tpu.memory_space<vmem>>
      %dma_wait3A_343 = tpu.memref_squeeze %dma_wait3A_342 : memref<1x50x128xf32, #tpu.memory_space<vmem>> -> memref<50x128xf32, #tpu.memory_space<vmem>>
      %dma_wait3A_344 = arith.constant 0 : i32
      %dma_wait3A_345 = tpu.memref_slice %arg8[%dma_wait3A_338, %dma_wait3A_344] : memref<8x50xi32, #tpu.memory_space<vmem>> -> memref<1x50xi32, #tpu.memory_space<vmem>>
      %dma_wait3A_346 = tpu.memref_squeeze %dma_wait3A_345 : memref<1x50xi32, #tpu.memory_space<vmem>> -> memref<50xi32, #tpu.memory_space<vmem>>
      %dma_wait3A_347 = arith.constant 0 : i32
      %dma_wait3A_348 = arith.constant 0 : i32
      %dma_wait3A_349 = tpu.memref_slice %arg4[%dma_wait3A_347, %dma_wait3A_348] : memref<100000x128xf32, #tpu.memory_space<hbm>> -> memref<100000x128xf32, #tpu.memory_space<hbm>>
      tpu.wait_indirect_dma semaphore(%arg14 : memref<!tpu.dma_semaphore, #tpu.memory_space<semaphore_mem>>) src(%dma_wait3A_349 : memref<100000x128xf32, #tpu.memory_space<hbm>>) dst(%dma_wait3A_343 : memref<50x128xf32, #tpu.memory_space<vmem>>)
      %dma_start3A_350 = arith.constant 3 : i32
      %dma_start3A_351 = arith.constant 7 : i32
      %dma_start3A_352 = arith.constant 0 : i32
      %dma_start3A_353 = arith.constant 0 : i32
      %dma_start3A_354 = tpu.memref_slice %arg10[%dma_start3A_350, %dma_start3A_352, %dma_start3A_353] : memref<4x50x128xf32, #tpu.memory_space<vmem>> -> memref<1x50x128xf32, #tpu.memory_space<vmem>>
      %dma_start3A_355 = tpu.memref_squeeze %dma_start3A_354 : memref<1x50x128xf32, #tpu.memory_space<vmem>> -> memref<50x128xf32, #tpu.memory_space<vmem>>
      %dma_start3A_356 = arith.constant 0 : i32
      %dma_start3A_357 = tpu.memref_slice %arg9[%dma_start3A_351, %dma_start3A_356] : memref<8x50xi32, #tpu.memory_space<vmem>> -> memref<1x50xi32, #tpu.memory_space<vmem>>
      %dma_start3A_358 = tpu.memref_squeeze %dma_start3A_357 : memref<1x50xi32, #tpu.memory_space<vmem>> -> memref<50xi32, #tpu.memory_space<vmem>>
      %dma_start3A_359 = arith.constant 0 : i32
      %dma_start3A_360 = arith.constant 0 : i32
      %dma_start3A_361 = tpu.memref_slice %arg7[%dma_start3A_359, %dma_start3A_360] : memref<12544x128xf32, #tpu.memory_space<vmem_shared>> -> memref<12544x128xf32, #tpu.memory_space<vmem_shared>>
      tpu.enqueue_indirect_dma source(%dma_start3A_355 : memref<50x128xf32, #tpu.memory_space<vmem>>) target(%dma_start3A_361 : memref<12544x128xf32, #tpu.memory_space<vmem_shared>>) offsets(%dma_start3A_358 : memref<50xi32, #tpu.memory_space<vmem>>) semaphore(%arg18 : memref<!tpu.dma_semaphore, #tpu.memory_space<semaphore_mem>>) {add = true}
      %dma_wait3A_362 = arith.constant 0 : i32
      %dma_wait3A_363 = arith.constant 0 : i32
      %dma_wait3A_364 = arith.constant 0 : i32
      %dma_wait3A_365 = arith.constant 0 : i32
      %dma_wait3A_366 = tpu.memref_slice %arg10[%dma_wait3A_362, %dma_wait3A_364, %dma_wait3A_365] : memref<4x50x128xf32, #tpu.memory_space<vmem>> -> memref<1x50x128xf32, #tpu.memory_space<vmem>>
      %dma_wait3A_367 = tpu.memref_squeeze %dma_wait3A_366 : memref<1x50x128xf32, #tpu.memory_space<vmem>> -> memref<50x128xf32, #tpu.memory_space<vmem>>
      %dma_wait3A_368 = arith.constant 0 : i32
      %dma_wait3A_369 = tpu.memref_slice %arg9[%dma_wait3A_363, %dma_wait3A_368] : memref<8x50xi32, #tpu.memory_space<vmem>> -> memref<1x50xi32, #tpu.memory_space<vmem>>
      %dma_wait3A_370 = tpu.memref_squeeze %dma_wait3A_369 : memref<1x50xi32, #tpu.memory_space<vmem>> -> memref<50xi32, #tpu.memory_space<vmem>>
      %dma_wait3A_371 = arith.constant 0 : i32
      %dma_wait3A_372 = arith.constant 0 : i32
      %dma_wait3A_373 = tpu.memref_slice %arg7[%dma_wait3A_371, %dma_wait3A_372] : memref<12544x128xf32, #tpu.memory_space<vmem_shared>> -> memref<12544x128xf32, #tpu.memory_space<vmem_shared>>
      tpu.wait_indirect_dma semaphore(%arg15 : memref<!tpu.dma_semaphore, #tpu.memory_space<semaphore_mem>>) src(%dma_wait3A_367 : memref<50x128xf32, #tpu.memory_space<vmem>>) dst(%dma_wait3A_373 : memref<12544x128xf32, #tpu.memory_space<vmem_shared>>)
      %dma_wait3A_374 = arith.constant 0 : i32
      %dma_wait3A_375 = arith.constant 0 : i32
      %dma_wait3A_376 = arith.constant 0 : i32
      %dma_wait3A_377 = arith.constant 0 : i32
      %dma_wait3A_378 = tpu.memref_slice %arg10[%dma_wait3A_374, %dma_wait3A_376, %dma_wait3A_377] : memref<4x50x128xf32, #tpu.memory_space<vmem>> -> memref<1x50x128xf32, #tpu.memory_space<vmem>>
      %dma_wait3A_379 = tpu.memref_squeeze %dma_wait3A_378 : memref<1x50x128xf32, #tpu.memory_space<vmem>> -> memref<50x128xf32, #tpu.memory_space<vmem>>
      %dma_wait3A_380 = arith.constant 0 : i32
      %dma_wait3A_381 = tpu.memref_slice %arg9[%dma_wait3A_375, %dma_wait3A_380] : memref<8x50xi32, #tpu.memory_space<vmem>> -> memref<1x50xi32, #tpu.memory_space<vmem>>
      %dma_wait3A_382 = tpu.memref_squeeze %dma_wait3A_381 : memref<1x50xi32, #tpu.memory_space<vmem>> -> memref<50xi32, #tpu.memory_space<vmem>>
      %dma_wait3A_383 = arith.constant 0 : i32
      %dma_wait3A_384 = arith.constant 0 : i32
      %dma_wait3A_385 = tpu.memref_slice %arg7[%dma_wait3A_383, %dma_wait3A_384] : memref<12544x128xf32, #tpu.memory_space<vmem_shared>> -> memref<12544x128xf32, #tpu.memory_space<vmem_shared>>
      tpu.wait_indirect_dma semaphore(%arg16 : memref<!tpu.dma_semaphore, #tpu.memory_space<semaphore_mem>>) src(%dma_wait3A_379 : memref<50x128xf32, #tpu.memory_space<vmem>>) dst(%dma_wait3A_385 : memref<12544x128xf32, #tpu.memory_space<vmem_shared>>)
      %dma_wait3A_386 = arith.constant 0 : i32
      %dma_wait3A_387 = arith.constant 0 : i32
      %dma_wait3A_388 = arith.constant 0 : i32
      %dma_wait3A_389 = arith.constant 0 : i32
      %dma_wait3A_390 = tpu.memref_slice %arg10[%dma_wait3A_386, %dma_wait3A_388, %dma_wait3A_389] : memref<4x50x128xf32, #tpu.memory_space<vmem>> -> memref<1x50x128xf32, #tpu.memory_space<vmem>>
      %dma_wait3A_391 = tpu.memref_squeeze %dma_wait3A_390 : memref<1x50x128xf32, #tpu.memory_space<vmem>> -> memref<50x128xf32, #tpu.memory_space<vmem>>
      %dma_wait3A_392 = arith.constant 0 : i32
      %dma_wait3A_393 = tpu.memref_slice %arg9[%dma_wait3A_387, %dma_wait3A_392] : memref<8x50xi32, #tpu.memory_space<vmem>> -> memref<1x50xi32, #tpu.memory_space<vmem>>
      %dma_wait3A_394 = tpu.memref_squeeze %dma_wait3A_393 : memref<1x50xi32, #tpu.memory_space<vmem>> -> memref<50xi32, #tpu.memory_space<vmem>>
      %dma_wait3A_395 = arith.constant 0 : i32
      %dma_wait3A_396 = arith.constant 0 : i32
      %dma_wait3A_397 = tpu.memref_slice %arg7[%dma_wait3A_395, %dma_wait3A_396] : memref<12544x128xf32, #tpu.memory_space<vmem_shared>> -> memref<12544x128xf32, #tpu.memory_space<vmem_shared>>
      tpu.wait_indirect_dma semaphore(%arg17 : memref<!tpu.dma_semaphore, #tpu.memory_space<semaphore_mem>>) src(%dma_wait3A_391 : memref<50x128xf32, #tpu.memory_space<vmem>>) dst(%dma_wait3A_397 : memref<12544x128xf32, #tpu.memory_space<vmem_shared>>)
      %dma_wait3A_398 = arith.constant 0 : i32
      %dma_wait3A_399 = arith.constant 0 : i32
      %dma_wait3A_400 = arith.constant 0 : i32
      %dma_wait3A_401 = arith.constant 0 : i32
      %dma_wait3A_402 = tpu.memref_slice %arg10[%dma_wait3A_398, %dma_wait3A_400, %dma_wait3A_401] : memref<4x50x128xf32, #tpu.memory_space<vmem>> -> memref<1x50x128xf32, #tpu.memory_space<vmem>>
      %dma_wait3A_403 = tpu.memref_squeeze %dma_wait3A_402 : memref<1x50x128xf32, #tpu.memory_space<vmem>> -> memref<50x128xf32, #tpu.memory_space<vmem>>
      %dma_wait3A_404 = arith.constant 0 : i32
      %dma_wait3A_405 = tpu.memref_slice %arg9[%dma_wait3A_399, %dma_wait3A_404] : memref<8x50xi32, #tpu.memory_space<vmem>> -> memref<1x50xi32, #tpu.memory_space<vmem>>
      %dma_wait3A_406 = tpu.memref_squeeze %dma_wait3A_405 : memref<1x50xi32, #tpu.memory_space<vmem>> -> memref<50xi32, #tpu.memory_space<vmem>>
      %dma_wait3A_407 = arith.constant 0 : i32
      %dma_wait3A_408 = arith.constant 0 : i32
      %dma_wait3A_409 = tpu.memref_slice %arg7[%dma_wait3A_407, %dma_wait3A_408] : memref<12544x128xf32, #tpu.memory_space<vmem_shared>> -> memref<12544x128xf32, #tpu.memory_space<vmem_shared>>
      tpu.wait_indirect_dma semaphore(%arg18 : memref<!tpu.dma_semaphore, #tpu.memory_space<semaphore_mem>>) src(%dma_wait3A_403 : memref<50x128xf32, #tpu.memory_space<vmem>>) dst(%dma_wait3A_409 : memref<12544x128xf32, #tpu.memory_space<vmem_shared>>)
      %scan3A_410 = arith.constant 0 : i32
      scf.yield %scan3A_410 : i32
    }
    %scan3A_11 = arith.constant 125 : i32
    %barrier3A_12 = arith.constant 0 : index
    tpu.barrier barrier_id(%barrier3A_12)
    %mul3A_13 = arith.constant 784 : i32
    %mul3A_14 = arith.muli %arg1, %mul3A_13 : i32
    %add3A_15 = arith.constant 0 : i32
    %add3A_16 = arith.addi %mul3A_14, %add3A_15 : i32
    "tpu.region"() ({
      %run_scoped3A = tpu.sem_alloc : memref<!tpu.dma_semaphore, #tpu.memory_space<semaphore_mem>>
      %dma_start3A = arith.constant 0 : i32
      %dma_start3A_21 = tpu.memref_slice %arg6[%arg0, %add3A_16, %dma_start3A] : memref<2x12544x128xf32, #tpu.memory_space<hbm>> -> memref<1x392x128xf32, #tpu.memory_space<hbm>>
      %dma_start3A_22 = tpu.memref_squeeze %dma_start3A_21 : memref<1x392x128xf32, #tpu.memory_space<hbm>> -> memref<392x128xf32, #tpu.memory_space<hbm>>
      %dma_start3A_23 = arith.constant 0 : i32
      %dma_start3A_24 = tpu.memref_slice %arg7[%add3A_16, %dma_start3A_23] : memref<12544x128xf32, #tpu.memory_space<vmem_shared>> -> memref<392x128xf32, #tpu.memory_space<vmem_shared>>
      tpu.enqueue_dma source(%dma_start3A_24 : memref<392x128xf32, #tpu.memory_space<vmem_shared>>) target(%dma_start3A_22 : memref<392x128xf32, #tpu.memory_space<hbm>>) target_semaphore(%run_scoped3A : memref<!tpu.dma_semaphore, #tpu.memory_space<semaphore_mem>>)
      %dma_wait3A = arith.constant 0 : i32
      %dma_wait3A_25 = tpu.memref_slice %arg6[%arg0, %add3A_16, %dma_wait3A] : memref<2x12544x128xf32, #tpu.memory_space<hbm>> -> memref<1x392x128xf32, #tpu.memory_space<hbm>>
      %dma_wait3A_26 = tpu.memref_squeeze %dma_wait3A_25 : memref<1x392x128xf32, #tpu.memory_space<hbm>> -> memref<392x128xf32, #tpu.memory_space<hbm>>
      %dma_wait3A_27 = arith.constant 0 : i32
      %dma_wait3A_28 = tpu.memref_slice %arg7[%add3A_16, %dma_wait3A_27] : memref<12544x128xf32, #tpu.memory_space<vmem_shared>> -> memref<392x128xf32, #tpu.memory_space<vmem_shared>>
      tpu.wait_dma2 semaphore(%run_scoped3A : memref<!tpu.dma_semaphore, #tpu.memory_space<semaphore_mem>>) src(%dma_wait3A_28 : memref<392x128xf32, #tpu.memory_space<vmem_shared>>) dst(%dma_wait3A_26 : memref<392x128xf32, #tpu.memory_space<hbm>>)
      tpu.yield
    }) : () -> ()
    %mul3A_17 = arith.constant 784 : i32
    %mul3A_18 = arith.muli %arg1, %mul3A_17 : i32
    %add3A_19 = arith.constant 392 : i32
    %add3A_20 = arith.addi %mul3A_18, %add3A_19 : i32
    "tpu.region"() ({
      %run_scoped3A = tpu.sem_alloc : memref<!tpu.dma_semaphore, #tpu.memory_space<semaphore_mem>>
      %dma_start3A = arith.constant 0 : i32
      %dma_start3A_21 = tpu.memref_slice %arg6[%arg0, %add3A_20, %dma_start3A] : memref<2x12544x128xf32, #tpu.memory_space<hbm>> -> memref<1x392x128xf32, #tpu.memory_space<hbm>>
      %dma_start3A_22 = tpu.memref_squeeze %dma_start3A_21 : memref<1x392x128xf32, #tpu.memory_space<hbm>> -> memref<392x128xf32, #tpu.memory_space<hbm>>
      %dma_start3A_23 = arith.constant 0 : i32
      %dma_start3A_24 = tpu.memref_slice %arg7[%add3A_20, %dma_start3A_23] : memref<12544x128xf32, #tpu.memory_space<vmem_shared>> -> memref<392x128xf32, #tpu.memory_space<vmem_shared>>
      tpu.enqueue_dma source(%dma_start3A_24 : memref<392x128xf32, #tpu.memory_space<vmem_shared>>) target(%dma_start3A_22 : memref<392x128xf32, #tpu.memory_space<hbm>>) target_semaphore(%run_scoped3A : memref<!tpu.dma_semaphore, #tpu.memory_space<semaphore_mem>>)
      %dma_wait3A = arith.constant 0 : i32
      %dma_wait3A_25 = tpu.memref_slice %arg6[%arg0, %add3A_20, %dma_wait3A] : memref<2x12544x128xf32, #tpu.memory_space<hbm>> -> memref<1x392x128xf32, #tpu.memory_space<hbm>>
      %dma_wait3A_26 = tpu.memref_squeeze %dma_wait3A_25 : memref<1x392x128xf32, #tpu.memory_space<hbm>> -> memref<392x128xf32, #tpu.memory_space<hbm>>
      %dma_wait3A_27 = arith.constant 0 : i32
      %dma_wait3A_28 = tpu.memref_slice %arg7[%add3A_20, %dma_wait3A_27] : memref<12544x128xf32, #tpu.memory_space<vmem_shared>> -> memref<392x128xf32, #tpu.memory_space<vmem_shared>>
      tpu.wait_dma2 semaphore(%run_scoped3A : memref<!tpu.dma_semaphore, #tpu.memory_space<semaphore_mem>>) src(%dma_wait3A_28 : memref<392x128xf32, #tpu.memory_space<vmem_shared>>) dst(%dma_wait3A_26 : memref<392x128xf32, #tpu.memory_space<hbm>>)
      tpu.yield
    }) : () -> ()
    return
  }
}

#map = affine_map<(d0, d1) -> (0, 0)>
#map1 = affine_map<(d0, d1) -> (0, 0, 0)>
module attributes {stable_mosaic.version = 14 : i64} {
  func.func @_layer_kernel(%arg0: i32, %arg1: i32, %arg2: memref<16000x50xi32, #tpu.memory_space<hbm>>, %arg3: memref<2x16000x50xi32, #tpu.memory_space<hbm>>, %arg4: memref<100000x128xf32, #tpu.memory_space<hbm>>, %arg5: memref<392x128xf32, #tpu.memory_space<hbm>>, %arg6: memref<2x12544x128xf32, #tpu.memory_space<hbm>>, %arg7: memref<12544x128xf32, #tpu.memory_space<vmem_shared>>, %arg8: memref<8x50xi32, #tpu.memory_space<vmem>>, %arg9: memref<8x50xi32, #tpu.memory_space<vmem>>, %arg10: memref<4x50x128xf32, #tpu.memory_space<vmem>>, %arg11: memref<!tpu.dma_semaphore, #tpu.memory_space<semaphore_mem>>, %arg12: memref<!tpu.dma_semaphore, #tpu.memory_space<semaphore_mem>>, %arg13: memref<!tpu.dma_semaphore, #tpu.memory_space<semaphore_mem>>, %arg14: memref<!tpu.dma_semaphore, #tpu.memory_space<semaphore_mem>>, %arg15: memref<!tpu.dma_semaphore, #tpu.memory_space<semaphore_mem>>, %arg16: memref<!tpu.dma_semaphore, #tpu.memory_space<semaphore_mem>>, %arg17: memref<!tpu.dma_semaphore, #tpu.memory_space<semaphore_mem>>, %arg18: memref<!tpu.dma_semaphore, #tpu.memory_space<semaphore_mem>>) attributes {dimension_semantics = [#tpu.dimension_semantics<core_parallel>, #tpu.dimension_semantics<subcore_parallel>], iteration_bounds = array<i64: 2, 16>, scalar_prefetch = 0 : i64, scratch_operands = 12 : i64, tpu.core_type = #tpu.core_type<sc_vector_subcore>, window_params = [{transform_indices = #map}, {transform_indices = #map1}, {transform_indices = #map}, {transform_indices = #map}, {transform_indices = #map1}]} {
    %mul3A = arith.constant 784 : i32
    %mul3A_0 = arith.muli %arg1, %mul3A : i32
    %add3A = arith.constant 0 : i32
    %add3A_1 = arith.addi %mul3A_0, %add3A : i32
    "tpu.region"() ({
      %run_scoped3A = tpu.sem_alloc : memref<!tpu.dma_semaphore, #tpu.memory_space<semaphore_mem>>
      %dma_start3A = arith.constant 0 : i32
      %dma_start3A_21 = tpu.memref_slice %arg7[%add3A_1, %dma_start3A] : memref<12544x128xf32, #tpu.memory_space<vmem_shared>> -> memref<392x128xf32, #tpu.memory_space<vmem_shared>>
      tpu.enqueue_dma source(%arg5 : memref<392x128xf32, #tpu.memory_space<hbm>>) target(%dma_start3A_21 : memref<392x128xf32, #tpu.memory_space<vmem_shared>>) target_semaphore(%run_scoped3A : memref<!tpu.dma_semaphore, #tpu.memory_space<semaphore_mem>>)
      %dma_wait3A = arith.constant 0 : i32
      %dma_wait3A_22 = tpu.memref_slice %arg7[%add3A_1, %dma_wait3A] : memref<12544x128xf32, #tpu.memory_space<vmem_shared>> -> memref<392x128xf32, #tpu.memory_space<vmem_shared>>
      tpu.wait_dma2 semaphore(%run_scoped3A : memref<!tpu.dma_semaphore, #tpu.memory_space<semaphore_mem>>) src(%arg5 : memref<392x128xf32, #tpu.memory_space<hbm>>) dst(%dma_wait3A_22 : memref<392x128xf32, #tpu.memory_space<vmem_shared>>)
      tpu.yield
    }) : () -> ()
    %mul3A_2 = arith.constant 784 : i32
    %mul3A_3 = arith.muli %arg1, %mul3A_2 : i32
    %add3A_4 = arith.constant 392 : i32
    %add3A_5 = arith.addi %mul3A_3, %add3A_4 : i32
    "tpu.region"() ({
      %run_scoped3A = tpu.sem_alloc : memref<!tpu.dma_semaphore, #tpu.memory_space<semaphore_mem>>
      %dma_start3A = arith.constant 0 : i32
      %dma_start3A_21 = tpu.memref_slice %arg7[%add3A_5, %dma_start3A] : memref<12544x128xf32, #tpu.memory_space<vmem_shared>> -> memref<392x128xf32, #tpu.memory_space<vmem_shared>>
      tpu.enqueue_dma source(%arg5 : memref<392x128xf32, #tpu.memory_space<hbm>>) target(%dma_start3A_21 : memref<392x128xf32, #tpu.memory_space<vmem_shared>>) target_semaphore(%run_scoped3A : memref<!tpu.dma_semaphore, #tpu.memory_space<semaphore_mem>>)
      %dma_wait3A = arith.constant 0 : i32
      %dma_wait3A_22 = tpu.memref_slice %arg7[%add3A_5, %dma_wait3A] : memref<12544x128xf32, #tpu.memory_space<vmem_shared>> -> memref<392x128xf32, #tpu.memory_space<vmem_shared>>
      tpu.wait_dma2 semaphore(%run_scoped3A : memref<!tpu.dma_semaphore, #tpu.memory_space<semaphore_mem>>) src(%arg5 : memref<392x128xf32, #tpu.memory_space<hbm>>) dst(%dma_wait3A_22 : memref<392x128xf32, #tpu.memory_space<vmem_shared>>)
      tpu.yield
    }) : () -> ()
    %barrier3A = arith.constant 0 : index
    tpu.barrier barrier_id(%barrier3A)
    %scan3A = arith.constant 0 : i32
    %scan3A_6 = arith.constant 0 : i32
    %scan3A_7 = arith.constant 125 : i32
    %scan3A_8 = arith.addi %scan3A_6, %scan3A_7 : i32
    %scan3A_9 = arith.constant 1 : i32
    %scan3A_10 = scf.for %scan3A_21 = %scan3A_6 to %scan3A_8 step %scan3A_9 iter_args(%scan3A_22 = %scan3A) -> (i32)  : i32 {
      %mul3A_23 = arith.constant 1000 : i32
      %mul3A_24 = arith.muli %arg1, %mul3A_23 : i32
      %mul3A_25 = arith.constant 8 : i32
      %mul3A_26 = arith.muli %scan3A_21, %mul3A_25 : i32
      %add3A_27 = arith.addi %mul3A_24, %mul3A_26 : i32
      "tpu.region"() ({
        %run_scoped3A = tpu.sem_alloc : memref<!tpu.dma_semaphore, #tpu.memory_space<semaphore_mem>>
        %dma_start3A_411 = arith.constant 0 : i32
        %dma_start3A_412 = tpu.memref_slice %arg2[%add3A_27, %dma_start3A_411] : memref<16000x50xi32, #tpu.memory_space<hbm>> -> memref<8x50xi32, #tpu.memory_space<hbm>>
        %dma_start3A_413 = arith.constant 0 : i32
        %dma_start3A_414 = tpu.memref_slice %arg2[%add3A_27, %dma_start3A_413] : memref<16000x50xi32, #tpu.memory_space<hbm>> -> memref<8x50xi32, #tpu.memory_space<hbm>>
        tpu.enqueue_dma source(%dma_start3A_414 : memref<8x50xi32, #tpu.memory_space<hbm>>) target(%arg8 : memref<8x50xi32, #tpu.memory_space<vmem>>) target_semaphore(%run_scoped3A : memref<!tpu.dma_semaphore, #tpu.memory_space<semaphore_mem>>)
        %dma_wait3A_415 = arith.constant 0 : i32
        %dma_wait3A_416 = tpu.memref_slice %arg2[%add3A_27, %dma_wait3A_415] : memref<16000x50xi32, #tpu.memory_space<hbm>> -> memref<8x50xi32, #tpu.memory_space<hbm>>
        %dma_wait3A_417 = arith.constant 0 : i32
        %dma_wait3A_418 = tpu.memref_slice %arg2[%add3A_27, %dma_wait3A_417] : memref<16000x50xi32, #tpu.memory_space<hbm>> -> memref<8x50xi32, #tpu.memory_space<hbm>>
        tpu.wait_dma2 semaphore(%run_scoped3A : memref<!tpu.dma_semaphore, #tpu.memory_space<semaphore_mem>>) src(%dma_wait3A_418 : memref<8x50xi32, #tpu.memory_space<hbm>>) dst(%arg8 : memref<8x50xi32, #tpu.memory_space<vmem>>)
        tpu.yield
      }) : () -> ()
      "tpu.region"() ({
        %run_scoped3A = tpu.sem_alloc : memref<!tpu.dma_semaphore, #tpu.memory_space<semaphore_mem>>
        %dma_start3A_411 = arith.constant 0 : i32
        %dma_start3A_412 = tpu.memref_slice %arg3[%arg0, %add3A_27, %dma_start3A_411] : memref<2x16000x50xi32, #tpu.memory_space<hbm>> -> memref<1x8x50xi32, #tpu.memory_space<hbm>>
        %dma_start3A_413 = tpu.memref_squeeze %dma_start3A_412 : memref<1x8x50xi32, #tpu.memory_space<hbm>> -> memref<8x50xi32, #tpu.memory_space<hbm>>
        %dma_start3A_414 = arith.constant 0 : i32
        %dma_start3A_415 = tpu.memref_slice %arg3[%arg0, %add3A_27, %dma_start3A_414] : memref<2x16000x50xi32, #tpu.memory_space<hbm>> -> memref<1x8x50xi32, #tpu.memory_space<hbm>>
        %dma_start3A_416 = tpu.memref_squeeze %dma_start3A_415 : memref<1x8x50xi32, #tpu.memory_space<hbm>> -> memref<8x50xi32, #tpu.memory_space<hbm>>
        tpu.enqueue_dma source(%dma_start3A_416 : memref<8x50xi32, #tpu.memory_space<hbm>>) target(%arg9 : memref<8x50xi32, #tpu.memory_space<vmem>>) target_semaphore(%run_scoped3A : memref<!tpu.dma_semaphore, #tpu.memory_space<semaphore_mem>>)
        %dma_wait3A_417 = arith.constant 0 : i32
        %dma_wait3A_418 = tpu.memref_slice %arg3[%arg0, %add3A_27, %dma_wait3A_417] : memref<2x16000x50xi32, #tpu.memory_space<hbm>> -> memref<1x8x50xi32, #tpu.memory_space<hbm>>
        %dma_wait3A_419 = tpu.memref_squeeze %dma_wait3A_418 : memref<1x8x50xi32, #tpu.memory_space<hbm>> -> memref<8x50xi32, #tpu.memory_space<hbm>>
        %dma_wait3A_420 = arith.constant 0 : i32
        %dma_wait3A_421 = tpu.memref_slice %arg3[%arg0, %add3A_27, %dma_wait3A_420] : memref<2x16000x50xi32, #tpu.memory_space<hbm>> -> memref<1x8x50xi32, #tpu.memory_space<hbm>>
        %dma_wait3A_422 = tpu.memref_squeeze %dma_wait3A_421 : memref<1x8x50xi32, #tpu.memory_space<hbm>> -> memref<8x50xi32, #tpu.memory_space<hbm>>
        tpu.wait_dma2 semaphore(%run_scoped3A : memref<!tpu.dma_semaphore, #tpu.memory_space<semaphore_mem>>) src(%dma_wait3A_422 : memref<8x50xi32, #tpu.memory_space<hbm>>) dst(%arg9 : memref<8x50xi32, #tpu.memory_space<vmem>>)
        tpu.yield
      }) : () -> ()
      %dma_start3A = arith.constant 0 : i32
      %dma_start3A_28 = arith.constant 0 : i32
      %dma_start3A_29 = arith.constant 0 : i32
      %dma_start3A_30 = arith.constant 0 : i32
      %dma_start3A_31 = tpu.memref_slice %arg10[%dma_start3A_28, %dma_start3A_29, %dma_start3A_30] : memref<4x50x128xf32, #tpu.memory_space<vmem>> -> memref<1x50x128xf32, #tpu.memory_space<vmem>>
      %dma_start3A_32 = tpu.memref_squeeze %dma_start3A_31 : memref<1x50x128xf32, #tpu.memory_space<vmem>> -> memref<50x128xf32, #tpu.memory_space<vmem>>
      %dma_start3A_33 = arith.constant 0 : i32
      %dma_start3A_34 = tpu.memref_slice %arg8[%dma_start3A, %dma_start3A_33] : memref<8x50xi32, #tpu.memory_space<vmem>> -> memref<1x50xi32, #tpu.memory_space<vmem>>
      %dma_start3A_35 = tpu.memref_squeeze %dma_start3A_34 : memref<1x50xi32, #tpu.memory_space<vmem>> -> memref<50xi32, #tpu.memory_space<vmem>>
      %dma_start3A_36 = arith.constant 0 : i32
      %dma_start3A_37 = arith.constant 0 : i32
      %dma_start3A_38 = tpu.memref_slice %arg4[%dma_start3A_36, %dma_start3A_37] : memref<100000x128xf32, #tpu.memory_space<hbm>> -> memref<100000x128xf32, #tpu.memory_space<hbm>>
      tpu.enqueue_indirect_dma source(%dma_start3A_38 : memref<100000x128xf32, #tpu.memory_space<hbm>>) target(%dma_start3A_32 : memref<50x128xf32, #tpu.memory_space<vmem>>) offsets(%dma_start3A_35 : memref<50xi32, #tpu.memory_space<vmem>>) semaphore(%arg11 : memref<!tpu.dma_semaphore, #tpu.memory_space<semaphore_mem>>)
      %dma_start3A_39 = arith.constant 1 : i32
      %dma_start3A_40 = arith.constant 1 : i32
      %dma_start3A_41 = arith.constant 0 : i32
      %dma_start3A_42 = arith.constant 0 : i32
      %dma_start3A_43 = tpu.memref_slice %arg10[%dma_start3A_40, %dma_start3A_41, %dma_start3A_42] : memref<4x50x128xf32, #tpu.memory_space<vmem>> -> memref<1x50x128xf32, #tpu.memory_space<vmem>>
      %dma_start3A_44 = tpu.memref_squeeze %dma_start3A_43 : memref<1x50x128xf32, #tpu.memory_space<vmem>> -> memref<50x128xf32, #tpu.memory_space<vmem>>
      %dma_start3A_45 = arith.constant 0 : i32
      %dma_start3A_46 = tpu.memref_slice %arg8[%dma_start3A_39, %dma_start3A_45] : memref<8x50xi32, #tpu.memory_space<vmem>> -> memref<1x50xi32, #tpu.memory_space<vmem>>
      %dma_start3A_47 = tpu.memref_squeeze %dma_start3A_46 : memref<1x50xi32, #tpu.memory_space<vmem>> -> memref<50xi32, #tpu.memory_space<vmem>>
      %dma_start3A_48 = arith.constant 0 : i32
      %dma_start3A_49 = arith.constant 0 : i32
      %dma_start3A_50 = tpu.memref_slice %arg4[%dma_start3A_48, %dma_start3A_49] : memref<100000x128xf32, #tpu.memory_space<hbm>> -> memref<100000x128xf32, #tpu.memory_space<hbm>>
      tpu.enqueue_indirect_dma source(%dma_start3A_50 : memref<100000x128xf32, #tpu.memory_space<hbm>>) target(%dma_start3A_44 : memref<50x128xf32, #tpu.memory_space<vmem>>) offsets(%dma_start3A_47 : memref<50xi32, #tpu.memory_space<vmem>>) semaphore(%arg12 : memref<!tpu.dma_semaphore, #tpu.memory_space<semaphore_mem>>)
      %dma_start3A_51 = arith.constant 2 : i32
      %dma_start3A_52 = arith.constant 2 : i32
      %dma_start3A_53 = arith.constant 0 : i32
      %dma_start3A_54 = arith.constant 0 : i32
      %dma_start3A_55 = tpu.memref_slice %arg10[%dma_start3A_52, %dma_start3A_53, %dma_start3A_54] : memref<4x50x128xf32, #tpu.memory_space<vmem>> -> memref<1x50x128xf32, #tpu.memory_space<vmem>>
      %dma_start3A_56 = tpu.memref_squeeze %dma_start3A_55 : memref<1x50x128xf32, #tpu.memory_space<vmem>> -> memref<50x128xf32, #tpu.memory_space<vmem>>
      %dma_start3A_57 = arith.constant 0 : i32
      %dma_start3A_58 = tpu.memref_slice %arg8[%dma_start3A_51, %dma_start3A_57] : memref<8x50xi32, #tpu.memory_space<vmem>> -> memref<1x50xi32, #tpu.memory_space<vmem>>
      %dma_start3A_59 = tpu.memref_squeeze %dma_start3A_58 : memref<1x50xi32, #tpu.memory_space<vmem>> -> memref<50xi32, #tpu.memory_space<vmem>>
      %dma_start3A_60 = arith.constant 0 : i32
      %dma_start3A_61 = arith.constant 0 : i32
      %dma_start3A_62 = tpu.memref_slice %arg4[%dma_start3A_60, %dma_start3A_61] : memref<100000x128xf32, #tpu.memory_space<hbm>> -> memref<100000x128xf32, #tpu.memory_space<hbm>>
      tpu.enqueue_indirect_dma source(%dma_start3A_62 : memref<100000x128xf32, #tpu.memory_space<hbm>>) target(%dma_start3A_56 : memref<50x128xf32, #tpu.memory_space<vmem>>) offsets(%dma_start3A_59 : memref<50xi32, #tpu.memory_space<vmem>>) semaphore(%arg13 : memref<!tpu.dma_semaphore, #tpu.memory_space<semaphore_mem>>)
      %dma_start3A_63 = arith.constant 3 : i32
      %dma_start3A_64 = arith.constant 3 : i32
      %dma_start3A_65 = arith.constant 0 : i32
      %dma_start3A_66 = arith.constant 0 : i32
      %dma_start3A_67 = tpu.memref_slice %arg10[%dma_start3A_64, %dma_start3A_65, %dma_start3A_66] : memref<4x50x128xf32, #tpu.memory_space<vmem>> -> memref<1x50x128xf32, #tpu.memory_space<vmem>>
      %dma_start3A_68 = tpu.memref_squeeze %dma_start3A_67 : memref<1x50x128xf32, #tpu.memory_space<vmem>> -> memref<50x128xf32, #tpu.memory_space<vmem>>
      %dma_start3A_69 = arith.constant 0 : i32
      %dma_start3A_70 = tpu.memref_slice %arg8[%dma_start3A_63, %dma_start3A_69] : memref<8x50xi32, #tpu.memory_space<vmem>> -> memref<1x50xi32, #tpu.memory_space<vmem>>
      %dma_start3A_71 = tpu.memref_squeeze %dma_start3A_70 : memref<1x50xi32, #tpu.memory_space<vmem>> -> memref<50xi32, #tpu.memory_space<vmem>>
      %dma_start3A_72 = arith.constant 0 : i32
      %dma_start3A_73 = arith.constant 0 : i32
      %dma_start3A_74 = tpu.memref_slice %arg4[%dma_start3A_72, %dma_start3A_73] : memref<100000x128xf32, #tpu.memory_space<hbm>> -> memref<100000x128xf32, #tpu.memory_space<hbm>>
      tpu.enqueue_indirect_dma source(%dma_start3A_74 : memref<100000x128xf32, #tpu.memory_space<hbm>>) target(%dma_start3A_68 : memref<50x128xf32, #tpu.memory_space<vmem>>) offsets(%dma_start3A_71 : memref<50xi32, #tpu.memory_space<vmem>>) semaphore(%arg14 : memref<!tpu.dma_semaphore, #tpu.memory_space<semaphore_mem>>)
      %dma_wait3A = arith.constant 0 : i32
      %dma_wait3A_75 = arith.constant 0 : i32
      %dma_wait3A_76 = arith.constant 0 : i32
      %dma_wait3A_77 = arith.constant 0 : i32
      %dma_wait3A_78 = tpu.memref_slice %arg10[%dma_wait3A_75, %dma_wait3A_76, %dma_wait3A_77] : memref<4x50x128xf32, #tpu.memory_space<vmem>> -> memref<1x50x128xf32, #tpu.memory_space<vmem>>
      %dma_wait3A_79 = tpu.memref_squeeze %dma_wait3A_78 : memref<1x50x128xf32, #tpu.memory_space<vmem>> -> memref<50x128xf32, #tpu.memory_space<vmem>>
      %dma_wait3A_80 = arith.constant 0 : i32
      %dma_wait3A_81 = tpu.memref_slice %arg8[%dma_wait3A, %dma_wait3A_80] : memref<8x50xi32, #tpu.memory_space<vmem>> -> memref<1x50xi32, #tpu.memory_space<vmem>>
      %dma_wait3A_82 = tpu.memref_squeeze %dma_wait3A_81 : memref<1x50xi32, #tpu.memory_space<vmem>> -> memref<50xi32, #tpu.memory_space<vmem>>
      %dma_wait3A_83 = arith.constant 0 : i32
      %dma_wait3A_84 = arith.constant 0 : i32
      %dma_wait3A_85 = tpu.memref_slice %arg4[%dma_wait3A_83, %dma_wait3A_84] : memref<100000x128xf32, #tpu.memory_space<hbm>> -> memref<100000x128xf32, #tpu.memory_space<hbm>>
      tpu.wait_indirect_dma semaphore(%arg11 : memref<!tpu.dma_semaphore, #tpu.memory_space<semaphore_mem>>) src(%dma_wait3A_85 : memref<100000x128xf32, #tpu.memory_space<hbm>>) dst(%dma_wait3A_79 : memref<50x128xf32, #tpu.memory_space<vmem>>)
      %dma_start3A_86 = arith.constant 0 : i32
      %dma_start3A_87 = arith.constant 0 : i32
      %dma_start3A_88 = arith.constant 0 : i32
      %dma_start3A_89 = arith.constant 0 : i32
      %dma_start3A_90 = tpu.memref_slice %arg10[%dma_start3A_86, %dma_start3A_88, %dma_start3A_89] : memref<4x50x128xf32, #tpu.memory_space<vmem>> -> memref<1x50x128xf32, #tpu.memory_space<vmem>>
      %dma_start3A_91 = tpu.memref_squeeze %dma_start3A_90 : memref<1x50x128xf32, #tpu.memory_space<vmem>> -> memref<50x128xf32, #tpu.memory_space<vmem>>
      %dma_start3A_92 = arith.constant 0 : i32
      %dma_start3A_93 = tpu.memref_slice %arg9[%dma_start3A_87, %dma_start3A_92] : memref<8x50xi32, #tpu.memory_space<vmem>> -> memref<1x50xi32, #tpu.memory_space<vmem>>
      %dma_start3A_94 = tpu.memref_squeeze %dma_start3A_93 : memref<1x50xi32, #tpu.memory_space<vmem>> -> memref<50xi32, #tpu.memory_space<vmem>>
      %dma_start3A_95 = arith.constant 0 : i32
      %dma_start3A_96 = arith.constant 0 : i32
      %dma_start3A_97 = tpu.memref_slice %arg7[%dma_start3A_95, %dma_start3A_96] : memref<12544x128xf32, #tpu.memory_space<vmem_shared>> -> memref<12544x128xf32, #tpu.memory_space<vmem_shared>>
      tpu.enqueue_indirect_dma source(%dma_start3A_91 : memref<50x128xf32, #tpu.memory_space<vmem>>) target(%dma_start3A_97 : memref<12544x128xf32, #tpu.memory_space<vmem_shared>>) offsets(%dma_start3A_94 : memref<50xi32, #tpu.memory_space<vmem>>) semaphore(%arg15 : memref<!tpu.dma_semaphore, #tpu.memory_space<semaphore_mem>>) {add = true}
      %dma_wait3A_98 = arith.constant 0 : i32
      %dma_wait3A_99 = arith.constant 0 : i32
      %dma_wait3A_100 = arith.constant 0 : i32
      %dma_wait3A_101 = arith.constant 0 : i32
      %dma_wait3A_102 = tpu.memref_slice %arg10[%dma_wait3A_99, %dma_wait3A_100, %dma_wait3A_101] : memref<4x50x128xf32, #tpu.memory_space<vmem>> -> memref<1x50x128xf32, #tpu.memory_space<vmem>>
      %dma_wait3A_103 = tpu.memref_squeeze %dma_wait3A_102 : memref<1x50x128xf32, #tpu.memory_space<vmem>> -> memref<50x128xf32, #tpu.memory_space<vmem>>
      %dma_wait3A_104 = arith.constant 0 : i32
      %dma_wait3A_105 = tpu.memref_slice %arg8[%dma_wait3A_98, %dma_wait3A_104] : memref<8x50xi32, #tpu.memory_space<vmem>> -> memref<1x50xi32, #tpu.memory_space<vmem>>
      %dma_wait3A_106 = tpu.memref_squeeze %dma_wait3A_105 : memref<1x50xi32, #tpu.memory_space<vmem>> -> memref<50xi32, #tpu.memory_space<vmem>>
      %dma_wait3A_107 = arith.constant 0 : i32
      %dma_wait3A_108 = arith.constant 0 : i32
      %dma_wait3A_109 = tpu.memref_slice %arg4[%dma_wait3A_107, %dma_wait3A_108] : memref<100000x128xf32, #tpu.memory_space<hbm>> -> memref<100000x128xf32, #tpu.memory_space<hbm>>
      tpu.wait_indirect_dma semaphore(%arg12 : memref<!tpu.dma_semaphore, #tpu.memory_space<semaphore_mem>>) src(%dma_wait3A_109 : memref<100000x128xf32, #tpu.memory_space<hbm>>) dst(%dma_wait3A_103 : memref<50x128xf32, #tpu.memory_space<vmem>>)
      %dma_start3A_110 = arith.constant 1 : i32
      %dma_start3A_111 = arith.constant 1 : i32
      %dma_start3A_112 = arith.constant 0 : i32
      %dma_start3A_113 = arith.constant 0 : i32
      %dma_start3A_114 = tpu.memref_slice %arg10[%dma_start3A_110, %dma_start3A_112, %dma_start3A_113] : memref<4x50x128xf32, #tpu.memory_space<vmem>> -> memref<1x50x128xf32, #tpu.memory_space<vmem>>
      %dma_start3A_115 = tpu.memref_squeeze %dma_start3A_114 : memref<1x50x128xf32, #tpu.memory_space<vmem>> -> memref<50x128xf32, #tpu.memory_space<vmem>>
      %dma_start3A_116 = arith.constant 0 : i32
      %dma_start3A_117 = tpu.memref_slice %arg9[%dma_start3A_111, %dma_start3A_116] : memref<8x50xi32, #tpu.memory_space<vmem>> -> memref<1x50xi32, #tpu.memory_space<vmem>>
      %dma_start3A_118 = tpu.memref_squeeze %dma_start3A_117 : memref<1x50xi32, #tpu.memory_space<vmem>> -> memref<50xi32, #tpu.memory_space<vmem>>
      %dma_start3A_119 = arith.constant 0 : i32
      %dma_start3A_120 = arith.constant 0 : i32
      %dma_start3A_121 = tpu.memref_slice %arg7[%dma_start3A_119, %dma_start3A_120] : memref<12544x128xf32, #tpu.memory_space<vmem_shared>> -> memref<12544x128xf32, #tpu.memory_space<vmem_shared>>
      tpu.enqueue_indirect_dma source(%dma_start3A_115 : memref<50x128xf32, #tpu.memory_space<vmem>>) target(%dma_start3A_121 : memref<12544x128xf32, #tpu.memory_space<vmem_shared>>) offsets(%dma_start3A_118 : memref<50xi32, #tpu.memory_space<vmem>>) semaphore(%arg16 : memref<!tpu.dma_semaphore, #tpu.memory_space<semaphore_mem>>) {add = true}
      %dma_wait3A_122 = arith.constant 0 : i32
      %dma_wait3A_123 = arith.constant 0 : i32
      %dma_wait3A_124 = arith.constant 0 : i32
      %dma_wait3A_125 = arith.constant 0 : i32
      %dma_wait3A_126 = tpu.memref_slice %arg10[%dma_wait3A_123, %dma_wait3A_124, %dma_wait3A_125] : memref<4x50x128xf32, #tpu.memory_space<vmem>> -> memref<1x50x128xf32, #tpu.memory_space<vmem>>
      %dma_wait3A_127 = tpu.memref_squeeze %dma_wait3A_126 : memref<1x50x128xf32, #tpu.memory_space<vmem>> -> memref<50x128xf32, #tpu.memory_space<vmem>>
      %dma_wait3A_128 = arith.constant 0 : i32
      %dma_wait3A_129 = tpu.memref_slice %arg8[%dma_wait3A_122, %dma_wait3A_128] : memref<8x50xi32, #tpu.memory_space<vmem>> -> memref<1x50xi32, #tpu.memory_space<vmem>>
      %dma_wait3A_130 = tpu.memref_squeeze %dma_wait3A_129 : memref<1x50xi32, #tpu.memory_space<vmem>> -> memref<50xi32, #tpu.memory_space<vmem>>
      %dma_wait3A_131 = arith.constant 0 : i32
      %dma_wait3A_132 = arith.constant 0 : i32
      %dma_wait3A_133 = tpu.memref_slice %arg4[%dma_wait3A_131, %dma_wait3A_132] : memref<100000x128xf32, #tpu.memory_space<hbm>> -> memref<100000x128xf32, #tpu.memory_space<hbm>>
      tpu.wait_indirect_dma semaphore(%arg13 : memref<!tpu.dma_semaphore, #tpu.memory_space<semaphore_mem>>) src(%dma_wait3A_133 : memref<100000x128xf32, #tpu.memory_space<hbm>>) dst(%dma_wait3A_127 : memref<50x128xf32, #tpu.memory_space<vmem>>)
      %dma_start3A_134 = arith.constant 2 : i32
      %dma_start3A_135 = arith.constant 2 : i32
      %dma_start3A_136 = arith.constant 0 : i32
      %dma_start3A_137 = arith.constant 0 : i32
      %dma_start3A_138 = tpu.memref_slice %arg10[%dma_start3A_134, %dma_start3A_136, %dma_start3A_137] : memref<4x50x128xf32, #tpu.memory_space<vmem>> -> memref<1x50x128xf32, #tpu.memory_space<vmem>>
      %dma_start3A_139 = tpu.memref_squeeze %dma_start3A_138 : memref<1x50x128xf32, #tpu.memory_space<vmem>> -> memref<50x128xf32, #tpu.memory_space<vmem>>
      %dma_start3A_140 = arith.constant 0 : i32
      %dma_start3A_141 = tpu.memref_slice %arg9[%dma_start3A_135, %dma_start3A_140] : memref<8x50xi32, #tpu.memory_space<vmem>> -> memref<1x50xi32, #tpu.memory_space<vmem>>
      %dma_start3A_142 = tpu.memref_squeeze %dma_start3A_141 : memref<1x50xi32, #tpu.memory_space<vmem>> -> memref<50xi32, #tpu.memory_space<vmem>>
      %dma_start3A_143 = arith.constant 0 : i32
      %dma_start3A_144 = arith.constant 0 : i32
      %dma_start3A_145 = tpu.memref_slice %arg7[%dma_start3A_143, %dma_start3A_144] : memref<12544x128xf32, #tpu.memory_space<vmem_shared>> -> memref<12544x128xf32, #tpu.memory_space<vmem_shared>>
      tpu.enqueue_indirect_dma source(%dma_start3A_139 : memref<50x128xf32, #tpu.memory_space<vmem>>) target(%dma_start3A_145 : memref<12544x128xf32, #tpu.memory_space<vmem_shared>>) offsets(%dma_start3A_142 : memref<50xi32, #tpu.memory_space<vmem>>) semaphore(%arg17 : memref<!tpu.dma_semaphore, #tpu.memory_space<semaphore_mem>>) {add = true}
      %dma_wait3A_146 = arith.constant 0 : i32
      %dma_wait3A_147 = arith.constant 0 : i32
      %dma_wait3A_148 = arith.constant 0 : i32
      %dma_wait3A_149 = arith.constant 0 : i32
      %dma_wait3A_150 = tpu.memref_slice %arg10[%dma_wait3A_147, %dma_wait3A_148, %dma_wait3A_149] : memref<4x50x128xf32, #tpu.memory_space<vmem>> -> memref<1x50x128xf32, #tpu.memory_space<vmem>>
      %dma_wait3A_151 = tpu.memref_squeeze %dma_wait3A_150 : memref<1x50x128xf32, #tpu.memory_space<vmem>> -> memref<50x128xf32, #tpu.memory_space<vmem>>
      %dma_wait3A_152 = arith.constant 0 : i32
      %dma_wait3A_153 = tpu.memref_slice %arg8[%dma_wait3A_146, %dma_wait3A_152] : memref<8x50xi32, #tpu.memory_space<vmem>> -> memref<1x50xi32, #tpu.memory_space<vmem>>
      %dma_wait3A_154 = tpu.memref_squeeze %dma_wait3A_153 : memref<1x50xi32, #tpu.memory_space<vmem>> -> memref<50xi32, #tpu.memory_space<vmem>>
      %dma_wait3A_155 = arith.constant 0 : i32
      %dma_wait3A_156 = arith.constant 0 : i32
      %dma_wait3A_157 = tpu.memref_slice %arg4[%dma_wait3A_155, %dma_wait3A_156] : memref<100000x128xf32, #tpu.memory_space<hbm>> -> memref<100000x128xf32, #tpu.memory_space<hbm>>
      tpu.wait_indirect_dma semaphore(%arg14 : memref<!tpu.dma_semaphore, #tpu.memory_space<semaphore_mem>>) src(%dma_wait3A_157 : memref<100000x128xf32, #tpu.memory_space<hbm>>) dst(%dma_wait3A_151 : memref<50x128xf32, #tpu.memory_space<vmem>>)
      %dma_start3A_158 = arith.constant 3 : i32
      %dma_start3A_159 = arith.constant 3 : i32
      %dma_start3A_160 = arith.constant 0 : i32
      %dma_start3A_161 = arith.constant 0 : i32
      %dma_start3A_162 = tpu.memref_slice %arg10[%dma_start3A_158, %dma_start3A_160, %dma_start3A_161] : memref<4x50x128xf32, #tpu.memory_space<vmem>> -> memref<1x50x128xf32, #tpu.memory_space<vmem>>
      %dma_start3A_163 = tpu.memref_squeeze %dma_start3A_162 : memref<1x50x128xf32, #tpu.memory_space<vmem>> -> memref<50x128xf32, #tpu.memory_space<vmem>>
      %dma_start3A_164 = arith.constant 0 : i32
      %dma_start3A_165 = tpu.memref_slice %arg9[%dma_start3A_159, %dma_start3A_164] : memref<8x50xi32, #tpu.memory_space<vmem>> -> memref<1x50xi32, #tpu.memory_space<vmem>>
      %dma_start3A_166 = tpu.memref_squeeze %dma_start3A_165 : memref<1x50xi32, #tpu.memory_space<vmem>> -> memref<50xi32, #tpu.memory_space<vmem>>
      %dma_start3A_167 = arith.constant 0 : i32
      %dma_start3A_168 = arith.constant 0 : i32
      %dma_start3A_169 = tpu.memref_slice %arg7[%dma_start3A_167, %dma_start3A_168] : memref<12544x128xf32, #tpu.memory_space<vmem_shared>> -> memref<12544x128xf32, #tpu.memory_space<vmem_shared>>
      tpu.enqueue_indirect_dma source(%dma_start3A_163 : memref<50x128xf32, #tpu.memory_space<vmem>>) target(%dma_start3A_169 : memref<12544x128xf32, #tpu.memory_space<vmem_shared>>) offsets(%dma_start3A_166 : memref<50xi32, #tpu.memory_space<vmem>>) semaphore(%arg18 : memref<!tpu.dma_semaphore, #tpu.memory_space<semaphore_mem>>) {add = true}
      %dma_wait3A_170 = arith.constant 0 : i32
      %dma_wait3A_171 = arith.constant 0 : i32
      %dma_wait3A_172 = arith.constant 0 : i32
      %dma_wait3A_173 = arith.constant 0 : i32
      %dma_wait3A_174 = tpu.memref_slice %arg10[%dma_wait3A_170, %dma_wait3A_172, %dma_wait3A_173] : memref<4x50x128xf32, #tpu.memory_space<vmem>> -> memref<1x50x128xf32, #tpu.memory_space<vmem>>
      %dma_wait3A_175 = tpu.memref_squeeze %dma_wait3A_174 : memref<1x50x128xf32, #tpu.memory_space<vmem>> -> memref<50x128xf32, #tpu.memory_space<vmem>>
      %dma_wait3A_176 = arith.constant 0 : i32
      %dma_wait3A_177 = tpu.memref_slice %arg9[%dma_wait3A_171, %dma_wait3A_176] : memref<8x50xi32, #tpu.memory_space<vmem>> -> memref<1x50xi32, #tpu.memory_space<vmem>>
      %dma_wait3A_178 = tpu.memref_squeeze %dma_wait3A_177 : memref<1x50xi32, #tpu.memory_space<vmem>> -> memref<50xi32, #tpu.memory_space<vmem>>
      %dma_wait3A_179 = arith.constant 0 : i32
      %dma_wait3A_180 = arith.constant 0 : i32
      %dma_wait3A_181 = tpu.memref_slice %arg7[%dma_wait3A_179, %dma_wait3A_180] : memref<12544x128xf32, #tpu.memory_space<vmem_shared>> -> memref<12544x128xf32, #tpu.memory_space<vmem_shared>>
      tpu.wait_indirect_dma semaphore(%arg15 : memref<!tpu.dma_semaphore, #tpu.memory_space<semaphore_mem>>) src(%dma_wait3A_175 : memref<50x128xf32, #tpu.memory_space<vmem>>) dst(%dma_wait3A_181 : memref<12544x128xf32, #tpu.memory_space<vmem_shared>>)
      %dma_start3A_182 = arith.constant 4 : i32
      %dma_start3A_183 = arith.constant 0 : i32
      %dma_start3A_184 = arith.constant 0 : i32
      %dma_start3A_185 = arith.constant 0 : i32
      %dma_start3A_186 = tpu.memref_slice %arg10[%dma_start3A_183, %dma_start3A_184, %dma_start3A_185] : memref<4x50x128xf32, #tpu.memory_space<vmem>> -> memref<1x50x128xf32, #tpu.memory_space<vmem>>
      %dma_start3A_187 = tpu.memref_squeeze %dma_start3A_186 : memref<1x50x128xf32, #tpu.memory_space<vmem>> -> memref<50x128xf32, #tpu.memory_space<vmem>>
      %dma_start3A_188 = arith.constant 0 : i32
      %dma_start3A_189 = tpu.memref_slice %arg8[%dma_start3A_182, %dma_start3A_188] : memref<8x50xi32, #tpu.memory_space<vmem>> -> memref<1x50xi32, #tpu.memory_space<vmem>>
      %dma_start3A_190 = tpu.memref_squeeze %dma_start3A_189 : memref<1x50xi32, #tpu.memory_space<vmem>> -> memref<50xi32, #tpu.memory_space<vmem>>
      %dma_start3A_191 = arith.constant 0 : i32
      %dma_start3A_192 = arith.constant 0 : i32
      %dma_start3A_193 = tpu.memref_slice %arg4[%dma_start3A_191, %dma_start3A_192] : memref<100000x128xf32, #tpu.memory_space<hbm>> -> memref<100000x128xf32, #tpu.memory_space<hbm>>
      tpu.enqueue_indirect_dma source(%dma_start3A_193 : memref<100000x128xf32, #tpu.memory_space<hbm>>) target(%dma_start3A_187 : memref<50x128xf32, #tpu.memory_space<vmem>>) offsets(%dma_start3A_190 : memref<50xi32, #tpu.memory_space<vmem>>) semaphore(%arg11 : memref<!tpu.dma_semaphore, #tpu.memory_space<semaphore_mem>>)
      %dma_wait3A_194 = arith.constant 0 : i32
      %dma_wait3A_195 = arith.constant 0 : i32
      %dma_wait3A_196 = arith.constant 0 : i32
      %dma_wait3A_197 = arith.constant 0 : i32
      %dma_wait3A_198 = tpu.memref_slice %arg10[%dma_wait3A_194, %dma_wait3A_196, %dma_wait3A_197] : memref<4x50x128xf32, #tpu.memory_space<vmem>> -> memref<1x50x128xf32, #tpu.memory_space<vmem>>
      %dma_wait3A_199 = tpu.memref_squeeze %dma_wait3A_198 : memref<1x50x128xf32, #tpu.memory_space<vmem>> -> memref<50x128xf32, #tpu.memory_space<vmem>>
      %dma_wait3A_200 = arith.constant 0 : i32
      %dma_wait3A_201 = tpu.memref_slice %arg9[%dma_wait3A_195, %dma_wait3A_200] : memref<8x50xi32, #tpu.memory_space<vmem>> -> memref<1x50xi32, #tpu.memory_space<vmem>>
      %dma_wait3A_202 = tpu.memref_squeeze %dma_wait3A_201 : memref<1x50xi32, #tpu.memory_space<vmem>> -> memref<50xi32, #tpu.memory_space<vmem>>
      %dma_wait3A_203 = arith.constant 0 : i32
      %dma_wait3A_204 = arith.constant 0 : i32
      %dma_wait3A_205 = tpu.memref_slice %arg7[%dma_wait3A_203, %dma_wait3A_204] : memref<12544x128xf32, #tpu.memory_space<vmem_shared>> -> memref<12544x128xf32, #tpu.memory_space<vmem_shared>>
      tpu.wait_indirect_dma semaphore(%arg16 : memref<!tpu.dma_semaphore, #tpu.memory_space<semaphore_mem>>) src(%dma_wait3A_199 : memref<50x128xf32, #tpu.memory_space<vmem>>) dst(%dma_wait3A_205 : memref<12544x128xf32, #tpu.memory_space<vmem_shared>>)
      %dma_start3A_206 = arith.constant 5 : i32
      %dma_start3A_207 = arith.constant 1 : i32
      %dma_start3A_208 = arith.constant 0 : i32
      %dma_start3A_209 = arith.constant 0 : i32
      %dma_start3A_210 = tpu.memref_slice %arg10[%dma_start3A_207, %dma_start3A_208, %dma_start3A_209] : memref<4x50x128xf32, #tpu.memory_space<vmem>> -> memref<1x50x128xf32, #tpu.memory_space<vmem>>
      %dma_start3A_211 = tpu.memref_squeeze %dma_start3A_210 : memref<1x50x128xf32, #tpu.memory_space<vmem>> -> memref<50x128xf32, #tpu.memory_space<vmem>>
      %dma_start3A_212 = arith.constant 0 : i32
      %dma_start3A_213 = tpu.memref_slice %arg8[%dma_start3A_206, %dma_start3A_212] : memref<8x50xi32, #tpu.memory_space<vmem>> -> memref<1x50xi32, #tpu.memory_space<vmem>>
      %dma_start3A_214 = tpu.memref_squeeze %dma_start3A_213 : memref<1x50xi32, #tpu.memory_space<vmem>> -> memref<50xi32, #tpu.memory_space<vmem>>
      %dma_start3A_215 = arith.constant 0 : i32
      %dma_start3A_216 = arith.constant 0 : i32
      %dma_start3A_217 = tpu.memref_slice %arg4[%dma_start3A_215, %dma_start3A_216] : memref<100000x128xf32, #tpu.memory_space<hbm>> -> memref<100000x128xf32, #tpu.memory_space<hbm>>
      tpu.enqueue_indirect_dma source(%dma_start3A_217 : memref<100000x128xf32, #tpu.memory_space<hbm>>) target(%dma_start3A_211 : memref<50x128xf32, #tpu.memory_space<vmem>>) offsets(%dma_start3A_214 : memref<50xi32, #tpu.memory_space<vmem>>) semaphore(%arg12 : memref<!tpu.dma_semaphore, #tpu.memory_space<semaphore_mem>>)
      %dma_wait3A_218 = arith.constant 0 : i32
      %dma_wait3A_219 = arith.constant 0 : i32
      %dma_wait3A_220 = arith.constant 0 : i32
      %dma_wait3A_221 = arith.constant 0 : i32
      %dma_wait3A_222 = tpu.memref_slice %arg10[%dma_wait3A_218, %dma_wait3A_220, %dma_wait3A_221] : memref<4x50x128xf32, #tpu.memory_space<vmem>> -> memref<1x50x128xf32, #tpu.memory_space<vmem>>
      %dma_wait3A_223 = tpu.memref_squeeze %dma_wait3A_222 : memref<1x50x128xf32, #tpu.memory_space<vmem>> -> memref<50x128xf32, #tpu.memory_space<vmem>>
      %dma_wait3A_224 = arith.constant 0 : i32
      %dma_wait3A_225 = tpu.memref_slice %arg9[%dma_wait3A_219, %dma_wait3A_224] : memref<8x50xi32, #tpu.memory_space<vmem>> -> memref<1x50xi32, #tpu.memory_space<vmem>>
      %dma_wait3A_226 = tpu.memref_squeeze %dma_wait3A_225 : memref<1x50xi32, #tpu.memory_space<vmem>> -> memref<50xi32, #tpu.memory_space<vmem>>
      %dma_wait3A_227 = arith.constant 0 : i32
      %dma_wait3A_228 = arith.constant 0 : i32
      %dma_wait3A_229 = tpu.memref_slice %arg7[%dma_wait3A_227, %dma_wait3A_228] : memref<12544x128xf32, #tpu.memory_space<vmem_shared>> -> memref<12544x128xf32, #tpu.memory_space<vmem_shared>>
      tpu.wait_indirect_dma semaphore(%arg17 : memref<!tpu.dma_semaphore, #tpu.memory_space<semaphore_mem>>) src(%dma_wait3A_223 : memref<50x128xf32, #tpu.memory_space<vmem>>) dst(%dma_wait3A_229 : memref<12544x128xf32, #tpu.memory_space<vmem_shared>>)
      %dma_start3A_230 = arith.constant 6 : i32
      %dma_start3A_231 = arith.constant 2 : i32
      %dma_start3A_232 = arith.constant 0 : i32
      %dma_start3A_233 = arith.constant 0 : i32
      %dma_start3A_234 = tpu.memref_slice %arg10[%dma_start3A_231, %dma_start3A_232, %dma_start3A_233] : memref<4x50x128xf32, #tpu.memory_space<vmem>> -> memref<1x50x128xf32, #tpu.memory_space<vmem>>
      %dma_start3A_235 = tpu.memref_squeeze %dma_start3A_234 : memref<1x50x128xf32, #tpu.memory_space<vmem>> -> memref<50x128xf32, #tpu.memory_space<vmem>>
      %dma_start3A_236 = arith.constant 0 : i32
      %dma_start3A_237 = tpu.memref_slice %arg8[%dma_start3A_230, %dma_start3A_236] : memref<8x50xi32, #tpu.memory_space<vmem>> -> memref<1x50xi32, #tpu.memory_space<vmem>>
      %dma_start3A_238 = tpu.memref_squeeze %dma_start3A_237 : memref<1x50xi32, #tpu.memory_space<vmem>> -> memref<50xi32, #tpu.memory_space<vmem>>
      %dma_start3A_239 = arith.constant 0 : i32
      %dma_start3A_240 = arith.constant 0 : i32
      %dma_start3A_241 = tpu.memref_slice %arg4[%dma_start3A_239, %dma_start3A_240] : memref<100000x128xf32, #tpu.memory_space<hbm>> -> memref<100000x128xf32, #tpu.memory_space<hbm>>
      tpu.enqueue_indirect_dma source(%dma_start3A_241 : memref<100000x128xf32, #tpu.memory_space<hbm>>) target(%dma_start3A_235 : memref<50x128xf32, #tpu.memory_space<vmem>>) offsets(%dma_start3A_238 : memref<50xi32, #tpu.memory_space<vmem>>) semaphore(%arg13 : memref<!tpu.dma_semaphore, #tpu.memory_space<semaphore_mem>>)
      %dma_wait3A_242 = arith.constant 0 : i32
      %dma_wait3A_243 = arith.constant 0 : i32
      %dma_wait3A_244 = arith.constant 0 : i32
      %dma_wait3A_245 = arith.constant 0 : i32
      %dma_wait3A_246 = tpu.memref_slice %arg10[%dma_wait3A_242, %dma_wait3A_244, %dma_wait3A_245] : memref<4x50x128xf32, #tpu.memory_space<vmem>> -> memref<1x50x128xf32, #tpu.memory_space<vmem>>
      %dma_wait3A_247 = tpu.memref_squeeze %dma_wait3A_246 : memref<1x50x128xf32, #tpu.memory_space<vmem>> -> memref<50x128xf32, #tpu.memory_space<vmem>>
      %dma_wait3A_248 = arith.constant 0 : i32
      %dma_wait3A_249 = tpu.memref_slice %arg9[%dma_wait3A_243, %dma_wait3A_248] : memref<8x50xi32, #tpu.memory_space<vmem>> -> memref<1x50xi32, #tpu.memory_space<vmem>>
      %dma_wait3A_250 = tpu.memref_squeeze %dma_wait3A_249 : memref<1x50xi32, #tpu.memory_space<vmem>> -> memref<50xi32, #tpu.memory_space<vmem>>
      %dma_wait3A_251 = arith.constant 0 : i32
      %dma_wait3A_252 = arith.constant 0 : i32
      %dma_wait3A_253 = tpu.memref_slice %arg7[%dma_wait3A_251, %dma_wait3A_252] : memref<12544x128xf32, #tpu.memory_space<vmem_shared>> -> memref<12544x128xf32, #tpu.memory_space<vmem_shared>>
      tpu.wait_indirect_dma semaphore(%arg18 : memref<!tpu.dma_semaphore, #tpu.memory_space<semaphore_mem>>) src(%dma_wait3A_247 : memref<50x128xf32, #tpu.memory_space<vmem>>) dst(%dma_wait3A_253 : memref<12544x128xf32, #tpu.memory_space<vmem_shared>>)
      %dma_start3A_254 = arith.constant 7 : i32
      %dma_start3A_255 = arith.constant 3 : i32
      %dma_start3A_256 = arith.constant 0 : i32
      %dma_start3A_257 = arith.constant 0 : i32
      %dma_start3A_258 = tpu.memref_slice %arg10[%dma_start3A_255, %dma_start3A_256, %dma_start3A_257] : memref<4x50x128xf32, #tpu.memory_space<vmem>> -> memref<1x50x128xf32, #tpu.memory_space<vmem>>
      %dma_start3A_259 = tpu.memref_squeeze %dma_start3A_258 : memref<1x50x128xf32, #tpu.memory_space<vmem>> -> memref<50x128xf32, #tpu.memory_space<vmem>>
      %dma_start3A_260 = arith.constant 0 : i32
      %dma_start3A_261 = tpu.memref_slice %arg8[%dma_start3A_254, %dma_start3A_260] : memref<8x50xi32, #tpu.memory_space<vmem>> -> memref<1x50xi32, #tpu.memory_space<vmem>>
      %dma_start3A_262 = tpu.memref_squeeze %dma_start3A_261 : memref<1x50xi32, #tpu.memory_space<vmem>> -> memref<50xi32, #tpu.memory_space<vmem>>
      %dma_start3A_263 = arith.constant 0 : i32
      %dma_start3A_264 = arith.constant 0 : i32
      %dma_start3A_265 = tpu.memref_slice %arg4[%dma_start3A_263, %dma_start3A_264] : memref<100000x128xf32, #tpu.memory_space<hbm>> -> memref<100000x128xf32, #tpu.memory_space<hbm>>
      tpu.enqueue_indirect_dma source(%dma_start3A_265 : memref<100000x128xf32, #tpu.memory_space<hbm>>) target(%dma_start3A_259 : memref<50x128xf32, #tpu.memory_space<vmem>>) offsets(%dma_start3A_262 : memref<50xi32, #tpu.memory_space<vmem>>) semaphore(%arg14 : memref<!tpu.dma_semaphore, #tpu.memory_space<semaphore_mem>>)
      %dma_wait3A_266 = arith.constant 0 : i32
      %dma_wait3A_267 = arith.constant 0 : i32
      %dma_wait3A_268 = arith.constant 0 : i32
      %dma_wait3A_269 = arith.constant 0 : i32
      %dma_wait3A_270 = tpu.memref_slice %arg10[%dma_wait3A_267, %dma_wait3A_268, %dma_wait3A_269] : memref<4x50x128xf32, #tpu.memory_space<vmem>> -> memref<1x50x128xf32, #tpu.memory_space<vmem>>
      %dma_wait3A_271 = tpu.memref_squeeze %dma_wait3A_270 : memref<1x50x128xf32, #tpu.memory_space<vmem>> -> memref<50x128xf32, #tpu.memory_space<vmem>>
      %dma_wait3A_272 = arith.constant 0 : i32
      %dma_wait3A_273 = tpu.memref_slice %arg8[%dma_wait3A_266, %dma_wait3A_272] : memref<8x50xi32, #tpu.memory_space<vmem>> -> memref<1x50xi32, #tpu.memory_space<vmem>>
      %dma_wait3A_274 = tpu.memref_squeeze %dma_wait3A_273 : memref<1x50xi32, #tpu.memory_space<vmem>> -> memref<50xi32, #tpu.memory_space<vmem>>
      %dma_wait3A_275 = arith.constant 0 : i32
      %dma_wait3A_276 = arith.constant 0 : i32
      %dma_wait3A_277 = tpu.memref_slice %arg4[%dma_wait3A_275, %dma_wait3A_276] : memref<100000x128xf32, #tpu.memory_space<hbm>> -> memref<100000x128xf32, #tpu.memory_space<hbm>>
      tpu.wait_indirect_dma semaphore(%arg11 : memref<!tpu.dma_semaphore, #tpu.memory_space<semaphore_mem>>) src(%dma_wait3A_277 : memref<100000x128xf32, #tpu.memory_space<hbm>>) dst(%dma_wait3A_271 : memref<50x128xf32, #tpu.memory_space<vmem>>)
      %dma_start3A_278 = arith.constant 0 : i32
      %dma_start3A_279 = arith.constant 4 : i32
      %dma_start3A_280 = arith.constant 0 : i32
      %dma_start3A_281 = arith.constant 0 : i32
      %dma_start3A_282 = tpu.memref_slice %arg10[%dma_start3A_278, %dma_start3A_280, %dma_start3A_281] : memref<4x50x128xf32, #tpu.memory_space<vmem>> -> memref<1x50x128xf32, #tpu.memory_space<vmem>>
      %dma_start3A_283 = tpu.memref_squeeze %dma_start3A_282 : memref<1x50x128xf32, #tpu.memory_space<vmem>> -> memref<50x128xf32, #tpu.memory_space<vmem>>
      %dma_start3A_284 = arith.constant 0 : i32
      %dma_start3A_285 = tpu.memref_slice %arg9[%dma_start3A_279, %dma_start3A_284] : memref<8x50xi32, #tpu.memory_space<vmem>> -> memref<1x50xi32, #tpu.memory_space<vmem>>
      %dma_start3A_286 = tpu.memref_squeeze %dma_start3A_285 : memref<1x50xi32, #tpu.memory_space<vmem>> -> memref<50xi32, #tpu.memory_space<vmem>>
      %dma_start3A_287 = arith.constant 0 : i32
      %dma_start3A_288 = arith.constant 0 : i32
      %dma_start3A_289 = tpu.memref_slice %arg7[%dma_start3A_287, %dma_start3A_288] : memref<12544x128xf32, #tpu.memory_space<vmem_shared>> -> memref<12544x128xf32, #tpu.memory_space<vmem_shared>>
      tpu.enqueue_indirect_dma source(%dma_start3A_283 : memref<50x128xf32, #tpu.memory_space<vmem>>) target(%dma_start3A_289 : memref<12544x128xf32, #tpu.memory_space<vmem_shared>>) offsets(%dma_start3A_286 : memref<50xi32, #tpu.memory_space<vmem>>) semaphore(%arg15 : memref<!tpu.dma_semaphore, #tpu.memory_space<semaphore_mem>>) {add = true}
      %dma_wait3A_290 = arith.constant 0 : i32
      %dma_wait3A_291 = arith.constant 0 : i32
      %dma_wait3A_292 = arith.constant 0 : i32
      %dma_wait3A_293 = arith.constant 0 : i32
      %dma_wait3A_294 = tpu.memref_slice %arg10[%dma_wait3A_291, %dma_wait3A_292, %dma_wait3A_293] : memref<4x50x128xf32, #tpu.memory_space<vmem>> -> memref<1x50x128xf32, #tpu.memory_space<vmem>>
      %dma_wait3A_295 = tpu.memref_squeeze %dma_wait3A_294 : memref<1x50x128xf32, #tpu.memory_space<vmem>> -> memref<50x128xf32, #tpu.memory_space<vmem>>
      %dma_wait3A_296 = arith.constant 0 : i32
      %dma_wait3A_297 = tpu.memref_slice %arg8[%dma_wait3A_290, %dma_wait3A_296] : memref<8x50xi32, #tpu.memory_space<vmem>> -> memref<1x50xi32, #tpu.memory_space<vmem>>
      %dma_wait3A_298 = tpu.memref_squeeze %dma_wait3A_297 : memref<1x50xi32, #tpu.memory_space<vmem>> -> memref<50xi32, #tpu.memory_space<vmem>>
      %dma_wait3A_299 = arith.constant 0 : i32
      %dma_wait3A_300 = arith.constant 0 : i32
      %dma_wait3A_301 = tpu.memref_slice %arg4[%dma_wait3A_299, %dma_wait3A_300] : memref<100000x128xf32, #tpu.memory_space<hbm>> -> memref<100000x128xf32, #tpu.memory_space<hbm>>
      tpu.wait_indirect_dma semaphore(%arg12 : memref<!tpu.dma_semaphore, #tpu.memory_space<semaphore_mem>>) src(%dma_wait3A_301 : memref<100000x128xf32, #tpu.memory_space<hbm>>) dst(%dma_wait3A_295 : memref<50x128xf32, #tpu.memory_space<vmem>>)
      %dma_start3A_302 = arith.constant 1 : i32
      %dma_start3A_303 = arith.constant 5 : i32
      %dma_start3A_304 = arith.constant 0 : i32
      %dma_start3A_305 = arith.constant 0 : i32
      %dma_start3A_306 = tpu.memref_slice %arg10[%dma_start3A_302, %dma_start3A_304, %dma_start3A_305] : memref<4x50x128xf32, #tpu.memory_space<vmem>> -> memref<1x50x128xf32, #tpu.memory_space<vmem>>
      %dma_start3A_307 = tpu.memref_squeeze %dma_start3A_306 : memref<1x50x128xf32, #tpu.memory_space<vmem>> -> memref<50x128xf32, #tpu.memory_space<vmem>>
      %dma_start3A_308 = arith.constant 0 : i32
      %dma_start3A_309 = tpu.memref_slice %arg9[%dma_start3A_303, %dma_start3A_308] : memref<8x50xi32, #tpu.memory_space<vmem>> -> memref<1x50xi32, #tpu.memory_space<vmem>>
      %dma_start3A_310 = tpu.memref_squeeze %dma_start3A_309 : memref<1x50xi32, #tpu.memory_space<vmem>> -> memref<50xi32, #tpu.memory_space<vmem>>
      %dma_start3A_311 = arith.constant 0 : i32
      %dma_start3A_312 = arith.constant 0 : i32
      %dma_start3A_313 = tpu.memref_slice %arg7[%dma_start3A_311, %dma_start3A_312] : memref<12544x128xf32, #tpu.memory_space<vmem_shared>> -> memref<12544x128xf32, #tpu.memory_space<vmem_shared>>
      tpu.enqueue_indirect_dma source(%dma_start3A_307 : memref<50x128xf32, #tpu.memory_space<vmem>>) target(%dma_start3A_313 : memref<12544x128xf32, #tpu.memory_space<vmem_shared>>) offsets(%dma_start3A_310 : memref<50xi32, #tpu.memory_space<vmem>>) semaphore(%arg16 : memref<!tpu.dma_semaphore, #tpu.memory_space<semaphore_mem>>) {add = true}
      %dma_wait3A_314 = arith.constant 0 : i32
      %dma_wait3A_315 = arith.constant 0 : i32
      %dma_wait3A_316 = arith.constant 0 : i32
      %dma_wait3A_317 = arith.constant 0 : i32
      %dma_wait3A_318 = tpu.memref_slice %arg10[%dma_wait3A_315, %dma_wait3A_316, %dma_wait3A_317] : memref<4x50x128xf32, #tpu.memory_space<vmem>> -> memref<1x50x128xf32, #tpu.memory_space<vmem>>
      %dma_wait3A_319 = tpu.memref_squeeze %dma_wait3A_318 : memref<1x50x128xf32, #tpu.memory_space<vmem>> -> memref<50x128xf32, #tpu.memory_space<vmem>>
      %dma_wait3A_320 = arith.constant 0 : i32
      %dma_wait3A_321 = tpu.memref_slice %arg8[%dma_wait3A_314, %dma_wait3A_320] : memref<8x50xi32, #tpu.memory_space<vmem>> -> memref<1x50xi32, #tpu.memory_space<vmem>>
      %dma_wait3A_322 = tpu.memref_squeeze %dma_wait3A_321 : memref<1x50xi32, #tpu.memory_space<vmem>> -> memref<50xi32, #tpu.memory_space<vmem>>
      %dma_wait3A_323 = arith.constant 0 : i32
      %dma_wait3A_324 = arith.constant 0 : i32
      %dma_wait3A_325 = tpu.memref_slice %arg4[%dma_wait3A_323, %dma_wait3A_324] : memref<100000x128xf32, #tpu.memory_space<hbm>> -> memref<100000x128xf32, #tpu.memory_space<hbm>>
      tpu.wait_indirect_dma semaphore(%arg13 : memref<!tpu.dma_semaphore, #tpu.memory_space<semaphore_mem>>) src(%dma_wait3A_325 : memref<100000x128xf32, #tpu.memory_space<hbm>>) dst(%dma_wait3A_319 : memref<50x128xf32, #tpu.memory_space<vmem>>)
      %dma_start3A_326 = arith.constant 2 : i32
      %dma_start3A_327 = arith.constant 6 : i32
      %dma_start3A_328 = arith.constant 0 : i32
      %dma_start3A_329 = arith.constant 0 : i32
      %dma_start3A_330 = tpu.memref_slice %arg10[%dma_start3A_326, %dma_start3A_328, %dma_start3A_329] : memref<4x50x128xf32, #tpu.memory_space<vmem>> -> memref<1x50x128xf32, #tpu.memory_space<vmem>>
      %dma_start3A_331 = tpu.memref_squeeze %dma_start3A_330 : memref<1x50x128xf32, #tpu.memory_space<vmem>> -> memref<50x128xf32, #tpu.memory_space<vmem>>
      %dma_start3A_332 = arith.constant 0 : i32
      %dma_start3A_333 = tpu.memref_slice %arg9[%dma_start3A_327, %dma_start3A_332] : memref<8x50xi32, #tpu.memory_space<vmem>> -> memref<1x50xi32, #tpu.memory_space<vmem>>
      %dma_start3A_334 = tpu.memref_squeeze %dma_start3A_333 : memref<1x50xi32, #tpu.memory_space<vmem>> -> memref<50xi32, #tpu.memory_space<vmem>>
      %dma_start3A_335 = arith.constant 0 : i32
      %dma_start3A_336 = arith.constant 0 : i32
      %dma_start3A_337 = tpu.memref_slice %arg7[%dma_start3A_335, %dma_start3A_336] : memref<12544x128xf32, #tpu.memory_space<vmem_shared>> -> memref<12544x128xf32, #tpu.memory_space<vmem_shared>>
      tpu.enqueue_indirect_dma source(%dma_start3A_331 : memref<50x128xf32, #tpu.memory_space<vmem>>) target(%dma_start3A_337 : memref<12544x128xf32, #tpu.memory_space<vmem_shared>>) offsets(%dma_start3A_334 : memref<50xi32, #tpu.memory_space<vmem>>) semaphore(%arg17 : memref<!tpu.dma_semaphore, #tpu.memory_space<semaphore_mem>>) {add = true}
      %dma_wait3A_338 = arith.constant 0 : i32
      %dma_wait3A_339 = arith.constant 0 : i32
      %dma_wait3A_340 = arith.constant 0 : i32
      %dma_wait3A_341 = arith.constant 0 : i32
      %dma_wait3A_342 = tpu.memref_slice %arg10[%dma_wait3A_339, %dma_wait3A_340, %dma_wait3A_341] : memref<4x50x128xf32, #tpu.memory_space<vmem>> -> memref<1x50x128xf32, #tpu.memory_space<vmem>>
      %dma_wait3A_343 = tpu.memref_squeeze %dma_wait3A_342 : memref<1x50x128xf32, #tpu.memory_space<vmem>> -> memref<50x128xf32, #tpu.memory_space<vmem>>
      %dma_wait3A_344 = arith.constant 0 : i32
      %dma_wait3A_345 = tpu.memref_slice %arg8[%dma_wait3A_338, %dma_wait3A_344] : memref<8x50xi32, #tpu.memory_space<vmem>> -> memref<1x50xi32, #tpu.memory_space<vmem>>
      %dma_wait3A_346 = tpu.memref_squeeze %dma_wait3A_345 : memref<1x50xi32, #tpu.memory_space<vmem>> -> memref<50xi32, #tpu.memory_space<vmem>>
      %dma_wait3A_347 = arith.constant 0 : i32
      %dma_wait3A_348 = arith.constant 0 : i32
      %dma_wait3A_349 = tpu.memref_slice %arg4[%dma_wait3A_347, %dma_wait3A_348] : memref<100000x128xf32, #tpu.memory_space<hbm>> -> memref<100000x128xf32, #tpu.memory_space<hbm>>
      tpu.wait_indirect_dma semaphore(%arg14 : memref<!tpu.dma_semaphore, #tpu.memory_space<semaphore_mem>>) src(%dma_wait3A_349 : memref<100000x128xf32, #tpu.memory_space<hbm>>) dst(%dma_wait3A_343 : memref<50x128xf32, #tpu.memory_space<vmem>>)
      %dma_start3A_350 = arith.constant 3 : i32
      %dma_start3A_351 = arith.constant 7 : i32
      %dma_start3A_352 = arith.constant 0 : i32
      %dma_start3A_353 = arith.constant 0 : i32
      %dma_start3A_354 = tpu.memref_slice %arg10[%dma_start3A_350, %dma_start3A_352, %dma_start3A_353] : memref<4x50x128xf32, #tpu.memory_space<vmem>> -> memref<1x50x128xf32, #tpu.memory_space<vmem>>
      %dma_start3A_355 = tpu.memref_squeeze %dma_start3A_354 : memref<1x50x128xf32, #tpu.memory_space<vmem>> -> memref<50x128xf32, #tpu.memory_space<vmem>>
      %dma_start3A_356 = arith.constant 0 : i32
      %dma_start3A_357 = tpu.memref_slice %arg9[%dma_start3A_351, %dma_start3A_356] : memref<8x50xi32, #tpu.memory_space<vmem>> -> memref<1x50xi32, #tpu.memory_space<vmem>>
      %dma_start3A_358 = tpu.memref_squeeze %dma_start3A_357 : memref<1x50xi32, #tpu.memory_space<vmem>> -> memref<50xi32, #tpu.memory_space<vmem>>
      %dma_start3A_359 = arith.constant 0 : i32
      %dma_start3A_360 = arith.constant 0 : i32
      %dma_start3A_361 = tpu.memref_slice %arg7[%dma_start3A_359, %dma_start3A_360] : memref<12544x128xf32, #tpu.memory_space<vmem_shared>> -> memref<12544x128xf32, #tpu.memory_space<vmem_shared>>
      tpu.enqueue_indirect_dma source(%dma_start3A_355 : memref<50x128xf32, #tpu.memory_space<vmem>>) target(%dma_start3A_361 : memref<12544x128xf32, #tpu.memory_space<vmem_shared>>) offsets(%dma_start3A_358 : memref<50xi32, #tpu.memory_space<vmem>>) semaphore(%arg18 : memref<!tpu.dma_semaphore, #tpu.memory_space<semaphore_mem>>) {add = true}
      %dma_wait3A_362 = arith.constant 0 : i32
      %dma_wait3A_363 = arith.constant 0 : i32
      %dma_wait3A_364 = arith.constant 0 : i32
      %dma_wait3A_365 = arith.constant 0 : i32
      %dma_wait3A_366 = tpu.memref_slice %arg10[%dma_wait3A_362, %dma_wait3A_364, %dma_wait3A_365] : memref<4x50x128xf32, #tpu.memory_space<vmem>> -> memref<1x50x128xf32, #tpu.memory_space<vmem>>
      %dma_wait3A_367 = tpu.memref_squeeze %dma_wait3A_366 : memref<1x50x128xf32, #tpu.memory_space<vmem>> -> memref<50x128xf32, #tpu.memory_space<vmem>>
      %dma_wait3A_368 = arith.constant 0 : i32
      %dma_wait3A_369 = tpu.memref_slice %arg9[%dma_wait3A_363, %dma_wait3A_368] : memref<8x50xi32, #tpu.memory_space<vmem>> -> memref<1x50xi32, #tpu.memory_space<vmem>>
      %dma_wait3A_370 = tpu.memref_squeeze %dma_wait3A_369 : memref<1x50xi32, #tpu.memory_space<vmem>> -> memref<50xi32, #tpu.memory_space<vmem>>
      %dma_wait3A_371 = arith.constant 0 : i32
      %dma_wait3A_372 = arith.constant 0 : i32
      %dma_wait3A_373 = tpu.memref_slice %arg7[%dma_wait3A_371, %dma_wait3A_372] : memref<12544x128xf32, #tpu.memory_space<vmem_shared>> -> memref<12544x128xf32, #tpu.memory_space<vmem_shared>>
      tpu.wait_indirect_dma semaphore(%arg15 : memref<!tpu.dma_semaphore, #tpu.memory_space<semaphore_mem>>) src(%dma_wait3A_367 : memref<50x128xf32, #tpu.memory_space<vmem>>) dst(%dma_wait3A_373 : memref<12544x128xf32, #tpu.memory_space<vmem_shared>>)
      %dma_wait3A_374 = arith.constant 0 : i32
      %dma_wait3A_375 = arith.constant 0 : i32
      %dma_wait3A_376 = arith.constant 0 : i32
      %dma_wait3A_377 = arith.constant 0 : i32
      %dma_wait3A_378 = tpu.memref_slice %arg10[%dma_wait3A_374, %dma_wait3A_376, %dma_wait3A_377] : memref<4x50x128xf32, #tpu.memory_space<vmem>> -> memref<1x50x128xf32, #tpu.memory_space<vmem>>
      %dma_wait3A_379 = tpu.memref_squeeze %dma_wait3A_378 : memref<1x50x128xf32, #tpu.memory_space<vmem>> -> memref<50x128xf32, #tpu.memory_space<vmem>>
      %dma_wait3A_380 = arith.constant 0 : i32
      %dma_wait3A_381 = tpu.memref_slice %arg9[%dma_wait3A_375, %dma_wait3A_380] : memref<8x50xi32, #tpu.memory_space<vmem>> -> memref<1x50xi32, #tpu.memory_space<vmem>>
      %dma_wait3A_382 = tpu.memref_squeeze %dma_wait3A_381 : memref<1x50xi32, #tpu.memory_space<vmem>> -> memref<50xi32, #tpu.memory_space<vmem>>
      %dma_wait3A_383 = arith.constant 0 : i32
      %dma_wait3A_384 = arith.constant 0 : i32
      %dma_wait3A_385 = tpu.memref_slice %arg7[%dma_wait3A_383, %dma_wait3A_384] : memref<12544x128xf32, #tpu.memory_space<vmem_shared>> -> memref<12544x128xf32, #tpu.memory_space<vmem_shared>>
      tpu.wait_indirect_dma semaphore(%arg16 : memref<!tpu.dma_semaphore, #tpu.memory_space<semaphore_mem>>) src(%dma_wait3A_379 : memref<50x128xf32, #tpu.memory_space<vmem>>) dst(%dma_wait3A_385 : memref<12544x128xf32, #tpu.memory_space<vmem_shared>>)
      %dma_wait3A_386 = arith.constant 0 : i32
      %dma_wait3A_387 = arith.constant 0 : i32
      %dma_wait3A_388 = arith.constant 0 : i32
      %dma_wait3A_389 = arith.constant 0 : i32
      %dma_wait3A_390 = tpu.memref_slice %arg10[%dma_wait3A_386, %dma_wait3A_388, %dma_wait3A_389] : memref<4x50x128xf32, #tpu.memory_space<vmem>> -> memref<1x50x128xf32, #tpu.memory_space<vmem>>
      %dma_wait3A_391 = tpu.memref_squeeze %dma_wait3A_390 : memref<1x50x128xf32, #tpu.memory_space<vmem>> -> memref<50x128xf32, #tpu.memory_space<vmem>>
      %dma_wait3A_392 = arith.constant 0 : i32
      %dma_wait3A_393 = tpu.memref_slice %arg9[%dma_wait3A_387, %dma_wait3A_392] : memref<8x50xi32, #tpu.memory_space<vmem>> -> memref<1x50xi32, #tpu.memory_space<vmem>>
      %dma_wait3A_394 = tpu.memref_squeeze %dma_wait3A_393 : memref<1x50xi32, #tpu.memory_space<vmem>> -> memref<50xi32, #tpu.memory_space<vmem>>
      %dma_wait3A_395 = arith.constant 0 : i32
      %dma_wait3A_396 = arith.constant 0 : i32
      %dma_wait3A_397 = tpu.memref_slice %arg7[%dma_wait3A_395, %dma_wait3A_396] : memref<12544x128xf32, #tpu.memory_space<vmem_shared>> -> memref<12544x128xf32, #tpu.memory_space<vmem_shared>>
      tpu.wait_indirect_dma semaphore(%arg17 : memref<!tpu.dma_semaphore, #tpu.memory_space<semaphore_mem>>) src(%dma_wait3A_391 : memref<50x128xf32, #tpu.memory_space<vmem>>) dst(%dma_wait3A_397 : memref<12544x128xf32, #tpu.memory_space<vmem_shared>>)
      %dma_wait3A_398 = arith.constant 0 : i32
      %dma_wait3A_399 = arith.constant 0 : i32
      %dma_wait3A_400 = arith.constant 0 : i32
      %dma_wait3A_401 = arith.constant 0 : i32
      %dma_wait3A_402 = tpu.memref_slice %arg10[%dma_wait3A_398, %dma_wait3A_400, %dma_wait3A_401] : memref<4x50x128xf32, #tpu.memory_space<vmem>> -> memref<1x50x128xf32, #tpu.memory_space<vmem>>
      %dma_wait3A_403 = tpu.memref_squeeze %dma_wait3A_402 : memref<1x50x128xf32, #tpu.memory_space<vmem>> -> memref<50x128xf32, #tpu.memory_space<vmem>>
      %dma_wait3A_404 = arith.constant 0 : i32
      %dma_wait3A_405 = tpu.memref_slice %arg9[%dma_wait3A_399, %dma_wait3A_404] : memref<8x50xi32, #tpu.memory_space<vmem>> -> memref<1x50xi32, #tpu.memory_space<vmem>>
      %dma_wait3A_406 = tpu.memref_squeeze %dma_wait3A_405 : memref<1x50xi32, #tpu.memory_space<vmem>> -> memref<50xi32, #tpu.memory_space<vmem>>
      %dma_wait3A_407 = arith.constant 0 : i32
      %dma_wait3A_408 = arith.constant 0 : i32
      %dma_wait3A_409 = tpu.memref_slice %arg7[%dma_wait3A_407, %dma_wait3A_408] : memref<12544x128xf32, #tpu.memory_space<vmem_shared>> -> memref<12544x128xf32, #tpu.memory_space<vmem_shared>>
      tpu.wait_indirect_dma semaphore(%arg18 : memref<!tpu.dma_semaphore, #tpu.memory_space<semaphore_mem>>) src(%dma_wait3A_403 : memref<50x128xf32, #tpu.memory_space<vmem>>) dst(%dma_wait3A_409 : memref<12544x128xf32, #tpu.memory_space<vmem_shared>>)
      %scan3A_410 = arith.constant 0 : i32
      scf.yield %scan3A_410 : i32
    }
    %scan3A_11 = arith.constant 125 : i32
    %barrier3A_12 = arith.constant 0 : index
    tpu.barrier barrier_id(%barrier3A_12)
    %mul3A_13 = arith.constant 784 : i32
    %mul3A_14 = arith.muli %arg1, %mul3A_13 : i32
    %add3A_15 = arith.constant 0 : i32
    %add3A_16 = arith.addi %mul3A_14, %add3A_15 : i32
    "tpu.region"() ({
      %run_scoped3A = tpu.sem_alloc : memref<!tpu.dma_semaphore, #tpu.memory_space<semaphore_mem>>
      %dma_start3A = arith.constant 0 : i32
      %dma_start3A_21 = tpu.memref_slice %arg6[%arg0, %add3A_16, %dma_start3A] : memref<2x12544x128xf32, #tpu.memory_space<hbm>> -> memref<1x392x128xf32, #tpu.memory_space<hbm>>
      %dma_start3A_22 = tpu.memref_squeeze %dma_start3A_21 : memref<1x392x128xf32, #tpu.memory_space<hbm>> -> memref<392x128xf32, #tpu.memory_space<hbm>>
      %dma_start3A_23 = arith.constant 0 : i32
      %dma_start3A_24 = tpu.memref_slice %arg7[%add3A_16, %dma_start3A_23] : memref<12544x128xf32, #tpu.memory_space<vmem_shared>> -> memref<392x128xf32, #tpu.memory_space<vmem_shared>>
      tpu.enqueue_dma source(%dma_start3A_24 : memref<392x128xf32, #tpu.memory_space<vmem_shared>>) target(%dma_start3A_22 : memref<392x128xf32, #tpu.memory_space<hbm>>) target_semaphore(%run_scoped3A : memref<!tpu.dma_semaphore, #tpu.memory_space<semaphore_mem>>)
      %dma_wait3A = arith.constant 0 : i32
      %dma_wait3A_25 = tpu.memref_slice %arg6[%arg0, %add3A_16, %dma_wait3A] : memref<2x12544x128xf32, #tpu.memory_space<hbm>> -> memref<1x392x128xf32, #tpu.memory_space<hbm>>
      %dma_wait3A_26 = tpu.memref_squeeze %dma_wait3A_25 : memref<1x392x128xf32, #tpu.memory_space<hbm>> -> memref<392x128xf32, #tpu.memory_space<hbm>>
      %dma_wait3A_27 = arith.constant 0 : i32
      %dma_wait3A_28 = tpu.memref_slice %arg7[%add3A_16, %dma_wait3A_27] : memref<12544x128xf32, #tpu.memory_space<vmem_shared>> -> memref<392x128xf32, #tpu.memory_space<vmem_shared>>
      tpu.wait_dma2 semaphore(%run_scoped3A : memref<!tpu.dma_semaphore, #tpu.memory_space<semaphore_mem>>) src(%dma_wait3A_28 : memref<392x128xf32, #tpu.memory_space<vmem_shared>>) dst(%dma_wait3A_26 : memref<392x128xf32, #tpu.memory_space<hbm>>)
      tpu.yield
    }) : () -> ()
    %mul3A_17 = arith.constant 784 : i32
    %mul3A_18 = arith.muli %arg1, %mul3A_17 : i32
    %add3A_19 = arith.constant 392 : i32
    %add3A_20 = arith.addi %mul3A_18, %add3A_19 : i32
    "tpu.region"() ({
      %run_scoped3A = tpu.sem_alloc : memref<!tpu.dma_semaphore, #tpu.memory_space<semaphore_mem>>
      %dma_start3A = arith.constant 0 : i32
      %dma_start3A_21 = tpu.memref_slice %arg6[%arg0, %add3A_20, %dma_start3A] : memref<2x12544x128xf32, #tpu.memory_space<hbm>> -> memref<1x392x128xf32, #tpu.memory_space<hbm>>
      %dma_start3A_22 = tpu.memref_squeeze %dma_start3A_21 : memref<1x392x128xf32, #tpu.memory_space<hbm>> -> memref<392x128xf32, #tpu.memory_space<hbm>>
      %dma_start3A_23 = arith.constant 0 : i32
      %dma_start3A_24 = tpu.memref_slice %arg7[%add3A_20, %dma_start3A_23] : memref<12544x128xf32, #tpu.memory_space<vmem_shared>> -> memref<392x128xf32, #tpu.memory_space<vmem_shared>>
      tpu.enqueue_dma source(%dma_start3A_24 : memref<392x128xf32, #tpu.memory_space<vmem_shared>>) target(%dma_start3A_22 : memref<392x128xf32, #tpu.memory_space<hbm>>) target_semaphore(%run_scoped3A : memref<!tpu.dma_semaphore, #tpu.memory_space<semaphore_mem>>)
      %dma_wait3A = arith.constant 0 : i32
      %dma_wait3A_25 = tpu.memref_slice %arg6[%arg0, %add3A_20, %dma_wait3A] : memref<2x12544x128xf32, #tpu.memory_space<hbm>> -> memref<1x392x128xf32, #tpu.memory_space<hbm>>
      %dma_wait3A_26 = tpu.memref_squeeze %dma_wait3A_25 : memref<1x392x128xf32, #tpu.memory_space<hbm>> -> memref<392x128xf32, #tpu.memory_space<hbm>>
      %dma_wait3A_27 = arith.constant 0 : i32
      %dma_wait3A_28 = tpu.memref_slice %arg7[%add3A_20, %dma_wait3A_27] : memref<12544x128xf32, #tpu.memory_space<vmem_shared>> -> memref<392x128xf32, #tpu.memory_space<vmem_shared>>
      tpu.wait_dma2 semaphore(%run_scoped3A : memref<!tpu.dma_semaphore, #tpu.memory_space<semaphore_mem>>) src(%dma_wait3A_28 : memref<392x128xf32, #tpu.memory_space<vmem_shared>>) dst(%dma_wait3A_26 : memref<392x128xf32, #tpu.memory_space<hbm>>)
      tpu.yield
    }) : () -> ()
    return
  }
}

module attributes {stable_mosaic.version = 14 : i64} {
  func.func @_finalize_body(%arg0: i32, %arg1: i32, %arg2: memref<2000x32xf32, #tpu.memory_space<vmem>>, %arg3: memref<2000x64xf32, #tpu.memory_space<vmem>>, %arg4: memref<2000x64xf32, #tpu.memory_space<vmem>>, %arg5: memref<1x2000x128xf32, #tpu.memory_space<vmem>>) attributes {dimension_semantics = [#tpu.dimension_semantics<arbitrary>, #tpu.dimension_semantics<arbitrary>], iteration_bounds = array<i64: 2, 25>, scalar_prefetch = 0 : i64, scratch_operands = 0 : i64, tpu.core_type = #tpu.core_type<tc>, window_params = [{transform_indices = @transform_0, window_bounds = array<i64: 2000, 32>}, {transform_indices = @transform_1, window_bounds = array<i64: 2000, 64>}, {transform_indices = @transform_2, window_bounds = array<i64: 2000, 64>}, {transform_indices = @transform_3, window_bounds = array<i64: 1, 2000, 128>}]} {
    %get3A = arith.constant 0 : index
    %get3A_0 = arith.constant 0 : index
    %get3A_1 = vector.load %arg2[%get3A, %get3A_0] : memref<2000x32xf32, #tpu.memory_space<vmem>>, vector<2000x32xf32>
    %reduce_sum3A = arith.constant dense<0.000000e+00> : vector<2000xf32>
    %reduce_sum3A_2 = vector.multi_reduction <add>, %get3A_1, %reduce_sum3A [1] : vector<2000x32xf32> to vector<2000xf32>
    %broadcast_in_dim3A = vector.shape_cast %reduce_sum3A_2 : vector<2000xf32> to vector<2000x1xf32>
    %gt3A = arith.constant 0.000000e+00 : f32
    %gt3A_3 = vector.broadcast %gt3A : f32 to vector<2000x1xf32>
    %gt3A_4 = arith.cmpf ogt, %broadcast_in_dim3A, %gt3A_3 : vector<2000x1xf32>
    %jit3A = arith.constant 1.000000e+00 : f32
    %broadcast_in_dim3A_5 = vector.broadcast %jit3A : f32 to vector<2000x1xf32>
    %select_n3A = arith.select %gt3A_4, %broadcast_in_dim3A, %broadcast_in_dim3A_5 : vector<2000x1xi1>, vector<2000x1xf32>
    %gt3A_6 = arith.constant 0.000000e+00 : f32
    %gt3A_7 = vector.broadcast %gt3A_6 : f32 to vector<2000x1xf32>
    %gt3A_8 = arith.cmpf ogt, %broadcast_in_dim3A, %gt3A_7 : vector<2000x1xf32>
    %rsqrt3A = math.rsqrt %select_n3A : vector<2000x1xf32>
    %jit3A_9 = arith.constant 0.000000e+00 : f32
    %broadcast_in_dim3A_10 = vector.broadcast %jit3A_9 : f32 to vector<2000x1xf32>
    %select_n3A_11 = arith.select %gt3A_8, %rsqrt3A, %broadcast_in_dim3A_10 : vector<2000x1xi1>, vector<2000x1xf32>
    %broadcast_in_dim3A_12 = vector.shape_cast %select_n3A_11 : vector<2000x1xf32> to vector<2000x1xf32>
    %broadcast_in_dim3A_13 = vector.broadcast %broadcast_in_dim3A_12 : vector<2000x1xf32> to vector<2000x64xf32>
    %swap3A = arith.constant 0 : index
    %swap3A_14 = arith.constant 0 : index
    %swap3A_15 = vector.load %arg4[%swap3A, %swap3A_14] : memref<2000x64xf32, #tpu.memory_space<vmem>>, vector<2000x64xf32>
    tpu.vector_store %arg4[%swap3A, %swap3A_14], %broadcast_in_dim3A_13 {strides = array<i32>} : memref<2000x64xf32, #tpu.memory_space<vmem>>, vector<2000x64xf32>,
    %get3A_16 = arith.constant 0 : index
    %get3A_17 = arith.constant 0 : index
    %get3A_18 = vector.load %arg3[%get3A_16, %get3A_17] : memref<2000x64xf32, #tpu.memory_space<vmem>>, vector<2000x64xf32>
    %mul3A = arith.mulf %broadcast_in_dim3A_13, %get3A_18 : vector<2000x64xf32>
    %broadcast_in_dim3A_19 = arith.constant 0.000000e+00 : f32
    %broadcast_in_dim3A_20 = vector.broadcast %broadcast_in_dim3A_19 : f32 to vector<2000x64xf32>
    %concatenate3A = tpu.concatenate %mul3A, %broadcast_in_dim3A_20 in 1 : vector<2000x64xf32>, vector<2000x64xf32> -> vector<2000x128xf32>
    %concatenate3A_21 = tpu.concatenate %broadcast_in_dim3A_20, %mul3A in 1 : vector<2000x64xf32>, vector<2000x64xf32> -> vector<2000x128xf32>
    %eq3A = arith.constant 0 : i32
    %eq3A_22 = arith.cmpi eq, %arg0, %eq3A : i32
    %select_n3A_23 = arith.select %eq3A_22, %concatenate3A, %concatenate3A_21 : vector<2000x128xf32>
    %broadcast_in_dim3A_24 = vector.shape_cast %select_n3A_23 : vector<2000x128xf32> to vector<1x2000x128xf32>
    %swap3A_25 = arith.constant 0 : index
    %swap3A_26 = arith.constant 0 : index
    %swap3A_27 = arith.constant 0 : index
    %swap3A_28 = vector.load %arg5[%swap3A_25, %swap3A_26, %swap3A_27] : memref<1x2000x128xf32, #tpu.memory_space<vmem>>, vector<1x2000x128xf32>
    tpu.vector_store %arg5[%swap3A_25, %swap3A_26, %swap3A_27], %broadcast_in_dim3A_24 {strides = array<i32>} : memref<1x2000x128xf32, #tpu.memory_space<vmem>>, vector<1x2000x128xf32>,
    return
  }
  func.func @transform_0(%arg0: i32, %arg1: i32) -> (i32, i32) {
    %c0_i32 = arith.constant 0 : i32
    %c0_i32_0 = arith.constant 0 : i32
    return %arg1, %c0_i32 : i32, i32
  }
  func.func @transform_1(%arg0: i32, %arg1: i32) -> (i32, i32) {
    %c0_i32 = arith.constant 0 : i32
    %c0_i32_0 = arith.constant 0 : i32
    return %arg1, %c0_i32 : i32, i32
  }
  func.func @transform_2(%arg0: i32, %arg1: i32) -> (i32, i32) {
    %c0_i32 = arith.constant 0 : i32
    %c0_i32_0 = arith.constant 0 : i32
    return %arg1, %c0_i32 : i32, i32
  }
  func.func @transform_3(%arg0: i32, %arg1: i32) -> (i32, i32, i32) {
    %c0_i32 = arith.constant 0 : i32
    %c0_i32_0 = arith.constant 0 : i32
    return %arg0, %arg1, %c0_i32 : i32, i32, i32
  }
}

module attributes {stable_mosaic.version = 14 : i64} {
  func.func @_scale_body(%arg0: i32, %arg1: i32, %arg2: memref<2000x64xf32, #tpu.memory_space<vmem>>, %arg3: memref<2000x64xf32, #tpu.memory_space<vmem>>, %arg4: memref<1x2000x128xf32, #tpu.memory_space<vmem>>) attributes {dimension_semantics = [#tpu.dimension_semantics<arbitrary>, #tpu.dimension_semantics<arbitrary>], iteration_bounds = array<i64: 2, 25>, scalar_prefetch = 0 : i64, scratch_operands = 0 : i64, tpu.core_type = #tpu.core_type<tc>, window_params = [{transform_indices = @transform_0, window_bounds = array<i64: 2000, 64>}, {transform_indices = @transform_1, window_bounds = array<i64: 2000, 64>}, {transform_indices = @transform_2, window_bounds = array<i64: 1, 2000, 128>}]} {
    %get3A = arith.constant 0 : index
    %get3A_0 = arith.constant 0 : index
    %get3A_1 = vector.load %arg3[%get3A, %get3A_0] : memref<2000x64xf32, #tpu.memory_space<vmem>>, vector<2000x64xf32>
    %mul3A = arith.mulf %get3A_1, %get3A_1 : vector<2000x64xf32>
    %get3A_2 = arith.constant 0 : index
    %get3A_3 = arith.constant 0 : index
    %get3A_4 = vector.load %arg2[%get3A_2, %get3A_3] : memref<2000x64xf32, #tpu.memory_space<vmem>>, vector<2000x64xf32>
    %mul3A_5 = arith.mulf %mul3A, %get3A_4 : vector<2000x64xf32>
    %broadcast_in_dim3A = arith.constant 0.000000e+00 : f32
    %broadcast_in_dim3A_6 = vector.broadcast %broadcast_in_dim3A : f32 to vector<2000x64xf32>
    %concatenate3A = tpu.concatenate %mul3A_5, %broadcast_in_dim3A_6 in 1 : vector<2000x64xf32>, vector<2000x64xf32> -> vector<2000x128xf32>
    %concatenate3A_7 = tpu.concatenate %broadcast_in_dim3A_6, %mul3A_5 in 1 : vector<2000x64xf32>, vector<2000x64xf32> -> vector<2000x128xf32>
    %eq3A = arith.constant 0 : i32
    %eq3A_8 = arith.cmpi eq, %arg0, %eq3A : i32
    %select_n3A = arith.select %eq3A_8, %concatenate3A, %concatenate3A_7 : vector<2000x128xf32>
    %broadcast_in_dim3A_9 = vector.shape_cast %select_n3A : vector<2000x128xf32> to vector<1x2000x128xf32>
    %swap3A = arith.constant 0 : index
    %swap3A_10 = arith.constant 0 : index
    %swap3A_11 = arith.constant 0 : index
    %swap3A_12 = vector.load %arg4[%swap3A, %swap3A_10, %swap3A_11] : memref<1x2000x128xf32, #tpu.memory_space<vmem>>, vector<1x2000x128xf32>
    tpu.vector_store %arg4[%swap3A, %swap3A_10, %swap3A_11], %broadcast_in_dim3A_9 {strides = array<i32>} : memref<1x2000x128xf32, #tpu.memory_space<vmem>>, vector<1x2000x128xf32>,
    return
  }
  func.func @transform_0(%arg0: i32, %arg1: i32) -> (i32, i32) {
    %c0_i32 = arith.constant 0 : i32
    %c0_i32_0 = arith.constant 0 : i32
    return %arg1, %c0_i32 : i32, i32
  }
  func.func @transform_1(%arg0: i32, %arg1: i32) -> (i32, i32) {
    %c0_i32 = arith.constant 0 : i32
    %c0_i32_0 = arith.constant 0 : i32
    return %arg1, %c0_i32 : i32, i32
  }
  func.func @transform_2(%arg0: i32, %arg1: i32) -> (i32, i32, i32) {
    %c0_i32 = arith.constant 0 : i32
    %c0_i32_0 = arith.constant 0 : i32
    return %arg0, %arg1, %c0_i32 : i32, i32, i32
  }
}

module attributes {stable_mosaic.version = 14 : i64} {
  func.func @_final_body(%arg0: i32, %arg1: memref<2000x64xf32, #tpu.memory_space<vmem>>, %arg2: memref<2000x64xf32, #tpu.memory_space<vmem>>, %arg3: memref<2000x64xf32, #tpu.memory_space<vmem>>, %arg4: memref<2000x64xf32, #tpu.memory_space<vmem>>, %arg5: memref<2000x64xf32, #tpu.memory_space<vmem>>, %arg6: memref<2000x64xf32, #tpu.memory_space<vmem>>) attributes {dimension_semantics = [#tpu.dimension_semantics<arbitrary>], iteration_bounds = array<i64: 25>, scalar_prefetch = 0 : i64, scratch_operands = 0 : i64, tpu.core_type = #tpu.core_type<tc>, window_params = [{transform_indices = @transform_0, window_bounds = array<i64: 2000, 64>}, {transform_indices = @transform_1, window_bounds = array<i64: 2000, 64>}, {transform_indices = @transform_2, window_bounds = array<i64: 2000, 64>}, {transform_indices = @transform_3, window_bounds = array<i64: 2000, 64>}, {transform_indices = @transform_4, window_bounds = array<i64: 2000, 64>}, {transform_indices = @transform_5, window_bounds = array<i64: 2000, 64>}]} {
    %get3A = arith.constant 0 : index
    %get3A_0 = arith.constant 0 : index
    %get3A_1 = vector.load %arg1[%get3A, %get3A_0] : memref<2000x64xf32, #tpu.memory_space<vmem>>, vector<2000x64xf32>
    %get3A_2 = arith.constant 0 : index
    %get3A_3 = arith.constant 0 : index
    %get3A_4 = vector.load %arg2[%get3A_2, %get3A_3] : memref<2000x64xf32, #tpu.memory_space<vmem>>, vector<2000x64xf32>
    %add3A = arith.addf %get3A_1, %get3A_4 : vector<2000x64xf32>
    %get3A_5 = arith.constant 0 : index
    %get3A_6 = arith.constant 0 : index
    %get3A_7 = vector.load %arg3[%get3A_5, %get3A_6] : memref<2000x64xf32, #tpu.memory_space<vmem>>, vector<2000x64xf32>
    %add3A_8 = arith.addf %add3A, %get3A_7 : vector<2000x64xf32>
    %get3A_9 = arith.constant 0 : index
    %get3A_10 = arith.constant 0 : index
    %get3A_11 = vector.load %arg5[%get3A_9, %get3A_10] : memref<2000x64xf32, #tpu.memory_space<vmem>>, vector<2000x64xf32>
    %get3A_12 = arith.constant 0 : index
    %get3A_13 = arith.constant 0 : index
    %get3A_14 = vector.load %arg4[%get3A_12, %get3A_13] : memref<2000x64xf32, #tpu.memory_space<vmem>>, vector<2000x64xf32>
    %mul3A = arith.mulf %get3A_14, %add3A_8 : vector<2000x64xf32>
    %add3A_15 = arith.addf %get3A_11, %mul3A : vector<2000x64xf32>
    %mul3A_16 = arith.constant 2.500000e-01 : f32
    %mul3A_17 = vector.broadcast %mul3A_16 : f32 to vector<2000x64xf32>
    %mul3A_18 = arith.mulf %add3A_15, %mul3A_17 : vector<2000x64xf32>
    %swap3A = arith.constant 0 : index
    %swap3A_19 = arith.constant 0 : index
    %swap3A_20 = vector.load %arg6[%swap3A, %swap3A_19] : memref<2000x64xf32, #tpu.memory_space<vmem>>, vector<2000x64xf32>
    tpu.vector_store %arg6[%swap3A, %swap3A_19], %mul3A_18 {strides = array<i32>} : memref<2000x64xf32, #tpu.memory_space<vmem>>, vector<2000x64xf32>,
    return
  }
  func.func @transform_0(%arg0: i32) -> (i32, i32) {
    %c0_i32 = arith.constant 0 : i32
    %c0_i32_0 = arith.constant 0 : i32
    return %arg0, %c0_i32 : i32, i32
  }
  func.func @transform_1(%arg0: i32) -> (i32, i32) {
    %c0_i32 = arith.constant 0 : i32
    %c0_i32_0 = arith.constant 0 : i32
    return %arg0, %c0_i32 : i32, i32
  }
  func.func @transform_2(%arg0: i32) -> (i32, i32) {
    %c0_i32 = arith.constant 0 : i32
    %c0_i32_0 = arith.constant 0 : i32
    return %arg0, %c0_i32 : i32, i32
  }
  func.func @transform_3(%arg0: i32) -> (i32, i32) {
    %c0_i32 = arith.constant 0 : i32
    %c0_i32_0 = arith.constant 0 : i32
    return %arg0, %c0_i32 : i32, i32
  }
  func.func @transform_4(%arg0: i32) -> (i32, i32) {
    %c0_i32 = arith.constant 0 : i32
    %c0_i32_0 = arith.constant 0 : i32
    return %arg0, %c0_i32 : i32, i32
  }
  func.func @transform_5(%arg0: i32) -> (i32, i32) {
    %c0_i32 = arith.constant 0 : i32
    %c0_i32_0 = arith.constant 0 : i32
    return %arg0, %c0_i32 : i32, i32
  }
}

</mosaic_0001>

<sc_bundles>
// kernel: kernel.10.cloned.1.call-start
scs
__scs_entry_jumppad:
0x0: {  	(pc) =	sbr.rel $0x88, $3  }
0x1: {  	(tag) =	ssettag $0x0;
	lr =	simm.s32 $0x1  }
0x2: {  	[smem:$0x3F9F] =	sst lr;
	_ =	strace $0xD0000000  }
0x3: {  	_ = 	snop  }
0x4: {  	_ = 	snop  }
0x5: {  	_ = 	snop  }
0x6: {  	_ = 	snop  }
0x7: {  	_ = 	snop  }
__scs_overlays_trampoline_lowered:
0x8: {  	[smem:$0x3FAE] =	sst s0  }
0x9: {  	[smem:$0x3FAF] =	sst s1  }
0xa: {  	[smem:$0x3FB0] =	sst s2  }
0xb: {  	[smem:$0x3FB1] =	sst s3  }
0xc: {  	[smem:$0x3FB2] =	sst s4  }
0xd: {  	[smem:$0x3FB3] =	sst s5  }
0xe: {  	[smem:$0x3FB4] =	sst s6  }
0xf: {  	[smem:$0x3FB5] =	sst s7  }
0x10: {  	[smem:$0x3FB6] =	sst s8  }
0x11: {  	[smem:$0x3FB7] =	sst s9;
	s0 =	simm.s32 @!p0 $0x0  }
0x12: {  	s1 =	sld [smem:$0x3F9D];
	s0 =	simm.s32 @p0 $0x1  }
0x13: {  	[smem:$0x3FB8] =	sst s0;
	s0 =	simm.s32 @!p1 $0x0  }
0x14: {  	s2 =	sld [smem:$0x3F9C];
	s0 =	simm.s32 @p1 $0x1  }
0x15: {  	[smem:$0x3FB9] =	sst s0;
	s0 =	simm.s32 @!p2 $0x0  }
0x16: {  	s3 =	sld [smem:$0x3FDB];
	s0 =	simm.s32 @p2 $0x1  }
0x17: {  	s4 =	simm.s32 $0x1BF5;
	[smem:$0x3FBB] =	sst s0  }
0x18: {  	s0 =	sld [smem:$0x3F9E];
	_ =	swait.ge [sflag:s4], $0x0  }
0x19: {  	s7 =	sld [smem:$0x3F9F]  }
0x1a: {  	s8 =	sadd.s32 $0xFFFFE003, lr  }
0x1b: {  	s9 =	sadd.s32 $0xFFFFFEF7, lr;
	s5 =	simm.s32 $0xFFFFFFFF;
	p2 =	slt.u32 s8, $0xFFFFF086  }
0x1c: {  	p1 =	slt.u32 s9, $0xF7A;
	s5 =	simm.s32 @!p2 $0x0  }
0x1d: {  	s5 =	simm.s32 @p1 $0x1;
	p0 =	seq.s32 s7, s2  }
0x1e: {  	s7 =	smul.u32 @!p0 $0xF7A, s2;
	p2 =	seq.s32 @!p0 s5, $0x0  }
0x1f: {  	s9 =	smul.u32 $0xF7A, s1;
	s8 =	simm.s32 @!p0 $0x1BF5;
	p2 =	por !p2, p0  }
0x20: {  	[sflag:s8] =	ssyncset.s32 @!p0 $0xFFFFF086;
	s6 =	sadd.s32 @!p0 s3, s7;
	s7 =	simm.s32 @!p0 $0x108  }
0x21: {  	s3 =	sadd.s32 s3, s9;
	s6 =	sadd.s32 @!p0 $0x88, s6;
	s7 =	simm.s32 @p2 $0x1082  }
0x22: {  	[simem:s7], [sflag:s8] =	dma.local @!p0 [hbm:s6], $0xF7A  }
0x23: {  	s9 =	sor.u32 $0xD0000000, s2;
	s6 =	simm.s32 $0x108;
	_ =	swait.ge @!p0 [sflag:s8], $0x0  }
0x24: {  	s3 =	sadd.s32 $0x88, s3;
	s6 =	simm.s32 @!p1 $0x1082;
	[sflag:s4] =	ssyncset.s32 $0xFFFFF086  }
0x25: {  	[simem:s6], [sflag:s4] =	dma.local [hbm:s3], $0xF7A  }
0x26: {  	[smem:$0x3F9F] =	sst s1;
	(tag) =	ssettag s2;
	_ =	strace s9  }
0x27: {  	s1 =	sld [smem:$0x3FAF]  }
0x28: {  	s2 =	sld [smem:$0x3FB0]  }
0x29: {  	s4 =	sld [smem:$0x3FB2]  }
0x2a: {  	p0 =	seq.s32 s5, $0x0;
	s5 =	sld [smem:$0x3FB3]  }
0x2b: {  	s6 =	sld [smem:$0x3FB4]  }
0x2c: {  	s7 =	sld [smem:$0x3FB5]  }
0x2d: {  	s3 =	simm.s32 $0x108;
	s8 =	sld [smem:$0x3FB6]  }
0x2e: {  	s3 =	simm.s32 @!p0 $0x1082;
	s9 =	sld [smem:$0x3FB7]  }
0x2f: {  	lr =	sadd.s32 s0, s3;
	s0 =	sld [smem:$0x3FAE]  }
0x30: {  	s3 =	sld [smem:$0x3FB1]  }
0x31: {  	[smem:$0x3FBA] =	sst s10  }
0x32: {  	s10 =	sld [smem:$0x3FB8];
	_ =	sdelay $0x3  }
0x33: {  	p0 =	seq.s32 s10, $0x1;
	s10 =	sld [smem:$0x3FBA];
	_ =	sdelay $0x3  }
0x34: {  	[smem:$0x3FBA] =	sst s10  }
0x35: {  	s10 =	sld [smem:$0x3FB9];
	_ =	sdelay $0x3  }
0x36: {  	p1 =	seq.s32 s10, $0x1;
	s10 =	sld [smem:$0x3FBA];
	_ =	sdelay $0x3  }
0x37: {  	[smem:$0x3FBA] =	sst s10  }
0x38: {  	s10 =	sld [smem:$0x3FBB]  }
0x39: {  	_ = 	snop;
	(pc) =	sbr.ind lr, $3  }
0x3a: {  	_ = 	snop  }
0x3b: {  	_ = 	snop  }
0x3c: {  	p2 =	seq.s32 s10, $0x1;
	s10 =	sld [smem:$0x3FBA]  }
0x3d: {  	_ =	shalt  }
0x3e: {  	_ =	shalt  }
0x3f: {  	_ =	shalt  }
0x40: {  	_ =	shalt  }
0x41: {  	_ =	shalt  }
0x42: {  	_ =	shalt  }
0x43: {  	_ =	shalt  }
0x44: {  	_ =	shalt  }
0x45: {  	_ =	shalt  }
0x46: {  	_ =	shalt  }
0x47: {  	_ =	shalt  }
0x48: {  	_ =	shalt  }
0x49: {  	_ =	shalt  }
0x4a: {  	_ =	shalt  }
0x4b: {  	_ =	shalt  }
0x4c: {  	_ =	shalt  }
0x4d: {  	_ =	shalt  }
0x4e: {  	_ =	shalt  }
0x4f: {  	_ =	shalt  }
0x50: {  	_ =	shalt  }
0x51: {  	_ =	shalt  }
0x52: {  	_ =	shalt  }
0x53: {  	_ =	shalt  }
0x54: {  	_ =	shalt  }
0x55: {  	_ =	shalt  }
0x56: {  	_ =	shalt  }
0x57: {  	_ =	shalt  }
0x58: {  	_ =	shalt  }
0x59: {  	_ =	shalt  }
0x5a: {  	_ =	shalt  }
0x5b: {  	_ =	shalt  }
0x5c: {  	_ =	shalt  }
0x5d: {  	_ =	shalt  }
0x5e: {  	_ =	shalt  }
0x5f: {  	_ =	shalt  }
0x60: {  	_ =	shalt  }
0x61: {  	_ =	shalt  }
0x62: {  	_ =	shalt  }
0x63: {  	_ =	shalt  }
0x64: {  	_ =	shalt  }
0x65: {  	_ =	shalt  }
0x66: {  	_ =	shalt  }
0x67: {  	_ =	shalt  }
0x68: {  	_ =	shalt  }
0x69: {  	_ =	shalt  }
0x6a: {  	_ =	shalt  }
0x6b: {  	_ =	shalt  }
0x6c: {  	_ =	shalt  }
0x6d: {  	_ =	shalt  }
0x6e: {  	_ =	shalt  }
0x6f: {  	_ =	shalt  }
0x70: {  	_ =	shalt  }
0x71: {  	_ =	shalt  }
0x72: {  	_ =	shalt  }
0x73: {  	_ =	shalt  }
0x74: {  	_ =	shalt  }
0x75: {  	_ =	shalt  }
0x76: {  	_ =	shalt  }
0x77: {  	_ =	shalt  }
0x78: {  	_ =	shalt  }
0x79: {  	_ =	shalt  }
0x7a: {  	_ =	shalt  }
0x7b: {  	_ =	shalt  }
0x7c: {  	_ =	shalt  }
0x7d: {  	_ =	shalt  }
0x7e: {  	_ =	shalt  }
0x7f: {  	_ =	shalt  }
0x80: {  	_ =	shalt  }
0x81: {  	_ =	shalt  }
0x82: {  	_ =	shalt  }
0x83: {  	_ =	shalt  }
0x84: {  	_ =	shalt  }
0x85: {  	_ =	shalt  }
0x86: {  	_ =	shalt  }
0x87: {  	_ =	shalt  }
.Lfunc_end0:
.L_simem_size_0:
called_computation_lowered:
.L_overlay_start_0:
0x88: {  	s2 =	sld [smem:$0x3FD9]  }
0x89: {  	s3 =	sld [smem:$0x3FFE];
	_ =	sdelay $0x1  }
0x8a: {  	s1 =	srdreg.scid  }
0x8b: {  	s0 =	sand.u32 $0x1, s1  }
0x8c: {  	s14 =	sshll.u32 s0, $0xA;
	s2 =	sadd.s32 s3, s2  }
0x8d: {  	s2 =	sadd.s32 s2, s14  }
0x8e: {  	[smem:$0x3FC6] =	sst s2  }
0x8f: {  	_ = 	snop  }
0x90: {  	s2 =	sld [smem:$0x3FD0];
	_ =	sdelay $0x2  }
0x91: {  	s15 =	simm.s32 $0xA;
	s4 =	simm.s32 $0x10  }
0x92: {  	[smem:s4], [sflag:s15] =	dma.local [hbm:s2], $0x1  }
0x93: {  	_ =	swait.eq [sflag:s15], $0x1  }
0x94: {  	[sflag:s15] =	ssyncset.done $0x0  }
0x95: {  	[sflag:s15] =	ssyncadd.s32 $0xFFFFFFFF  }
0x96: {  	s16 =	sld [smem:$0x10];
	(tm) =	ssettm $0x1  }
0x97: {  	s17 =	sld [smem:$0x3FFB];
	_ =	sdelay $0x3  }
0x98: {  	_ =	strace s17  }
0x99: {  	s3 =	sld [smem:$0x3FFC];
	_ =	sdelay $0x3  }
0x9a: {  	_ =	strace s3  }
0x9b: {  	s3 =	sld [smem:$0x3FFD];
	_ =	sdelay $0x3  }
0x9c: {  	_ =	strace s3  }
0x9d: {  	_ =	strace $0x8FFFFFFF  }
0x9e: {  	s18 =	sld [smem:$0x3FDB];
	_ =	sdelay $0x1  }
0x9f: {  	s19 =	simm.s32 $_scs_section_size  }
0xa0: {  	s5 =	simm.s32 $_size__tile_overlayer_lowered;
	s6 =	simm.s32 $_tile_overlayer_lowered  }
0xa1: {  	s22 =	simm.s32 $0x1BFF;
	s21 =	sshll.u32 s6, $0x1;
	s3 =	sadd.s32 s19, s18  }
0xa2: {  	s7 =	simm.s32 $0x0;
	s20 =	sshll.u32 s5, $0x1;
	s5 =	sadd.s32 s21, s3  }
0xa3: {  	[timem:s7], [sflag:s22] =	dma.local [hbm:s5], s20  }
0xa4: {  	_ =	swait.ge [sflag:s22], s20  }
0xa5: {  	s4 =	ssub.s32 $0x0, s20;
	[sflag:s22] =	ssyncset.done $0x0  }
0xa6: {  	[sflag:s22] =	ssyncadd.s32 s4;
	_ =	sdelay $0x1  }
0xa7: {  	s23 =	simm.s32 $0x1B8B  }
0xa8: {  	_ =	swait.ge [sflag:s23], $0x1  }
0xa9: {  	[sflag:s23] =	ssyncset.done $0x0  }
0xaa: {  	s25 =	simm.s32 $0x1B8E;
	s24 =	sld [smem:$0x3FFE];
	[sflag:s23] =	ssyncadd.s32 $0xFFFFFFFF  }
0xab: {  	s26 =	simm.s32 $execute0_lowered;
	[smem:$0x3FD2] =	sst s25  }
0xac: {  	s5 =	sshll.u32 s26, $0x1;
	_ =	strace $0x80000046;
	[dreg:$0x1] =	wrdreg $0xFFFFFFFF  }
0xad: {  	s28 =	simm.s32 $_size_execute0_lowered;
	s3 =	sadd.s32 s3, s5;
	[dreg:$0x0] =	wrdreg $0x0  }
0xae: {  	s5 =	sshll.u32 s28, $0x1;
	[dreg:$0x2] =	wrdreg s3  }
0xaf: {  	[dreg:$0x3] =	wrdreg s5  }
0xb0: {  	[dreg:$0x4] =	wrdreg $0xC0  }
0xb1: {  	_ =	task [dreg:s7], $0x5FFFF  }
0xb2: {  	[dreg:$0x1] =	wrdreg $0xFFFFFFFF  }
0xb3: {  	[dreg:$0x0] =	wrdreg $0x60  }
0xb4: {  	[dreg:$0x2] =	wrdreg s24  }
0xb5: {  	[dreg:$0x3] =	wrdreg s16  }
0xb6: {  	[dreg:$0x4] =	wrdreg $0x9  }
0xb7: {  	_ =	task.clear_ibuf [dreg:s7], $0x5FFFF;
	_ =	strace $0x90000046  }
0xb8: {  	s29 =	simm.s32 $0x9;
	_ =	strace $0x80000048  }
0xb9: {  	_ =	swait.ge [sflag:s29], $0x1  }
0xba: {  	[sflag:s29] =	ssyncadd.s32 $0xFFFFFFFF  }
0xbb: {  	_ =	strace $0x90000048  }
0xbc: {  	_ =	sfence  }
0xbd: {  	s30 =	sld [smem:$0x0];
	_ =	sdelay $0x2  }
0xbe: {  	s31 =	sshll.u32 s1, $0xD;
	s1 =	sshrl.u32 s1, $0x2  }
0xbf: {  	s3 =	sand.u32 $0x4000, s31;
	s1 =	sadd.s32 s1, s30  }
0xc0: {  	s0 =	sor.u32 s3, s0;
	s1 =	sshll.u32 s1, $0x11  }
0xc1: {  	s0 =	sor.u32 s1, s0  }
0xc2: {  	s0 =	sadd.s32 $0x8F2B, s0  }
0xc3: {  	[sflag:s0] =	ssyncadd.remote.s32 $0x1  }
0xc4: {  	_ =	sfence.sel $0xFFFF  }
0xc5: {  	[dreg:$0x0] =	wrdreg $0xFFFFFFFF;
	(pc) =	sbr.abs _section_cstart, $3  }
0xc6: {  	[dreg:$0x1] =	wrdreg $0xFFFFFFFF  }
0xc7: {  	_ =	task.clear_ibuf [dreg:s7], $0x2FFFF;
	_ =	strace $0x9FFFFFFF  }
0xc8: {  	(tm) =	ssettm $0x7FFFFFFF  }
0xc9: {  	_ =	shalt  }
tec
execute0_lowered:
.L_overlay_start_1:
0x0: {  	(tag) =	ssettag $0x1  }
0x1: {  	s3 =	rddreg [dreg:$0x0];
	s1 =	srdreg.scid  }
0x2: {  	s0 =	stileid.u32;
	s4 =	rddreg [dreg:$0x1];
	s10 =	simm.s32 $0x80  }
0x3: {  	s11 =	simm.s32 $0x400;
	s5 =	sand.u32 $0x1, s1;
	s2 =	sshll.u32 s0, $0x1  }
0x4: {  	s1 =	rddreg [dreg:$0x2];
	s8 =	sshrl.u32 s0, $0x2;
	s6 =	sor.u32 s5, s2  }
0x5: {  	s2 =	simm.s32 $0x0;
	s8 =	smul.u32 $0x64000, s8;
	s5 =	ssub.s32 $0x2, s5  }
0x6: {  	s7 =	smul.u32 $0x61B0, s6;
	[smem:$0x7FF] =	sst s2;
	s6 =	sshll.u32 s6, $0x7  }
0x7: {  	s9 =	sshrl.u32 s5, $0x1;
	_ =	strace $0x80000047;
	s6 =	sand.u32 $0x380, s6  }
0x8: {  	s5 =	ssub.s32 s5, s9;
	s9 =	simm.s32 $0x2100;
	s6 =	sor.u32 s8, s6  }
0x9: {  	s7 =	sshrl.u32 s7, $0x3;
	s8 =	simm.s32 $0x1;
	s31 =	sshrl.u32 s6, $0x3  }
0xa: {  	s7 =	sadd.s32 s7, s3;
	s3 =	sadd.s32 s4, s31;
	s4 =	smax.u32 s5, $0x1  }
0xb: {  	v0 =	vimm.f32 $0.0e+00;
	v1 =	vimm.f32 $1.000000000e+00;
	s5 =	sadd.s32 $0x3600, s7;
	s6 =	sadd.s32 $0x3A12, s7;
	s7 =	sadd.s32 $0x3E24, s7  }
.LBB2_1:
0xc: {  	s12 =	simm.s32 $0x40;
	s13 =	simm.s32 $0x0  }
.LBB2_2:
0xd: {  	p0 =	sne.s32 s12, $0x31FC0;
	[tilespmem:s13+$0x2100] =	vst v0;
	s13 =	smov.u32 s12;
	s12 =	sadd.s32 $0x40, s12  }
.Ltmp0:
0xe: {  	(pc) =	sbr.rel @p0 .LBB2_2-.Ltmp0, $2  }
0xf: {  	_ =	sdelay $0x2  }
0x10: {  	s13 =	sshra.s32 s13, $0x2  }
0x11: {  	[tilespmem:s13+$0x2100] =	vst v0;
	s12 =	simm.s32 $0x0  }
0x12: {  	[tilespmem:s12], [sflag:$0x1] =	stream.linear.gather [hbm4b:s5+s12], $0x2090, $0x38;
	[tilespmem:$0xE900] =	vst v63  }
0x13: {  	_ =	swait.ge [sflag:s8], $0x2090  }
0x14: {  	[sflag:s8] =	ssyncset.done $0x0  }
0x15: {  	s13 =	simm.s32 $0x0;
	s12 =	simm.s32 $0x40;
	[sflag:s8] =	ssyncadd.s32 $0xFFFFDF70  }
.LBB2_4:
0x16: {  	p0 =	sne.s32 s12, $0x8200;
	v2 =	vld [tilespmem:s13+$0x0];
	_ =	sdelay $0x3  }
.Ltmp1:
0x17: {  	(pc) =	sbr.rel @p0 .LBB2_4-.Ltmp1, $2  }
0x18: {  	_ =	sdelay $0x2  }
0x19: {  	s13 =	sshra.s32 s12, $0x2;
	s12 =	sadd.s32 $0x40, s12;
	[tilespmem:v2+s9+$0x0] =	vst.idx.add.f32.msk $0xffff, v1  }
0x1a: {  	v2 =	vld [tilespmem:s13+$0x0];
	_ =	sdelay $0x7  }
0x1b: {  	s12 =	simm.s32 $0x0;
	[tilespmem:v2+s9+$0x0] =	vst.idx.add.f32.msk $0xffff, v1  }
0x1c: {  	[tilespmem:s12], [sflag:$0x1] =	stream.linear.gather [hbm4b:s6+s12], $0x2090, $0x38;
	[tilespmem:$0xE900] =	vst v63  }
0x1d: {  	_ =	swait.ge [sflag:s8], $0x2090  }
0x1e: {  	[sflag:s8] =	ssyncset.done $0x0  }
0x1f: {  	s13 =	simm.s32 $0x0;
	s12 =	simm.s32 $0x40;
	[sflag:s8] =	ssyncadd.s32 $0xFFFFDF70  }
.LBB2_6:
0x20: {  	p0 =	sne.s32 s12, $0x8200;
	v2 =	vld [tilespmem:s13+$0x0];
	_ =	sdelay $0x3  }
.Ltmp2:
0x21: {  	(pc) =	sbr.rel @p0 .LBB2_6-.Ltmp2, $2  }
0x22: {  	_ =	sdelay $0x2  }
0x23: {  	s13 =	sshra.s32 s12, $0x2;
	s12 =	sadd.s32 $0x40, s12;
	[tilespmem:v2+s9+$0x0] =	vst.idx.add.f32.msk $0xffff, v1  }
0x24: {  	v2 =	vld [tilespmem:s13+$0x0];
	_ =	sdelay $0x7  }
0x25: {  	s12 =	simm.s32 $0x0;
	[tilespmem:v2+s9+$0x0] =	vst.idx.add.f32.msk $0xffff, v1  }
0x26: {  	[tilespmem:s12], [sflag:$0x1] =	stream.linear.gather [hbm4b:s7+s12], $0x2090, $0x38;
	[tilespmem:$0xE900] =	vst v63  }
0x27: {  	_ =	swait.ge [sflag:s8], $0x2090  }
0x28: {  	[sflag:s8] =	ssyncset.done $0x0  }
0x29: {  	s13 =	simm.s32 $0x0;
	s12 =	simm.s32 $0x40;
	[sflag:s8] =	ssyncadd.s32 $0xFFFFDF70  }
.LBB2_8:
0x2a: {  	p0 =	sne.s32 s12, $0x8200;
	v2 =	vld [tilespmem:s13+$0x0];
	_ =	sdelay $0x3  }
.Ltmp3:
0x2b: {  	(pc) =	sbr.rel @p0 .LBB2_8-.Ltmp3, $2  }
0x2c: {  	_ =	sdelay $0x2  }
0x2d: {  	s13 =	sshra.s32 s12, $0x2;
	s12 =	sadd.s32 $0x40, s12;
	[tilespmem:v2+s9+$0x0] =	vst.idx.add.f32.msk $0xffff, v1  }
0x2e: {  	v2 =	vld [tilespmem:s13+$0x0];
	_ =	sdelay $0x5  }
0x2f: {  	s2 =	sadd.s32 $0x1, s2  }
0x30: {  	p0 =	sne.s32 s2, s4  }
.Ltmp4:
0x31: {  	[tilespmem:v2+s9+$0x0] =	vst.idx.add.f32.msk $0xffff, v1;
	(pc) =	sbr.rel @p0 .LBB2_1-.Ltmp4, $4  }
0x32: {  	[hbm4b:s3+s10] =	stream.strided.scatter [tilespmem:s9], [sflag:$0x1], $0xC800, s11, s10, $0x38;
	[tilespmem:$0xE900] =	vst v63  }
0x33: {  	_ =	swait.ge [sflag:s8], $0xC800  }
0x34: {  	[sflag:s8] =	ssyncset.done $0x0  }
0x35: {  	[sflag:s8] =	ssyncadd.s32 $0xFFFF3800  }
0x36: {  	_ =	sfence.sel $0x180000  }
0x37: {  	[bflag:$0x0] =	sbarrier.arrive $0xFFFF  }
0x38: {  	p0 =	sne.s32 s0, $0x0;
	_ =	strace $0x90000047  }
0x39: {  	s0 =	sadd.s32 @!p0 $0x100000, s1;
	[bflag:$0x2] =	sbarrier.arrive $0xFFFF  }
0x3a: {  	[sflag:s0] =	ssyncadd.tile.s32 @!p0 $0x1;
	_ =	shalt  }
.Lfunc_end2:
_tile_overlayer_lowered:
.L_overlay_start_2:
0x3b: {  	(tag) =	ssettag $0x2  }
0x3c: {  	s0 =	rddreg [dreg:$0x0];
	s2 =	stileid.u32  }
0x3d: {  	s1 =	rddreg [dreg:$0x1];
	p0 =	sne.s32 s2, $0x0  }
0x3e: {  	s3 =	rddreg [dreg:$0x2];
	[bflag:$0x3] =	sbarrier.arrive $0xFFFF;
	s2 =	simm.s32 @!p0 $0x1C01  }
0x3f: {  	[timem:s3], [sflag:s2] =	dma.local @!p0 [hbm:s0], s1  }
0x40: {  	s0 =	simm.s32 @!p0 $0x1  }
0x41: {  	_ =	swait.ge @!p0 [sflag:s0], s1  }
0x42: {  	s1 =	ssub.s32 @!p0 $0x0, s1;
	[sflag:s0] =	ssyncset.done @!p0 $0x0  }
0x43: {  	[sflag:s0] =	ssyncadd.s32 @!p0 s1  }
0x44: {  	[bflag:$0x3] =	sbarrier.arrive $0xFFFF  }
0x45: {  	_ =	shalt  }

// kernel: kernel.13.cloned.1.call-start
scs
__scs_entry_jumppad:
0x0: {  	(pc) =	sbr.rel $0x88, $3  }
0x1: {  	(tag) =	ssettag $0x0;
	lr =	simm.s32 $0x1  }
0x2: {  	[smem:$0x3F9F] =	sst lr;
	_ =	strace $0xD0000000  }
0x3: {  	_ = 	snop  }
0x4: {  	_ = 	snop  }
0x5: {  	_ = 	snop  }
0x6: {  	_ = 	snop  }
0x7: {  	_ = 	snop  }
__scs_overlays_trampoline_lowered:
0x8: {  	[smem:$0x3FAE] =	sst s0  }
0x9: {  	[smem:$0x3FAF] =	sst s1  }
0xa: {  	[smem:$0x3FB0] =	sst s2  }
0xb: {  	[smem:$0x3FB1] =	sst s3  }
0xc: {  	[smem:$0x3FB2] =	sst s4  }
0xd: {  	[smem:$0x3FB3] =	sst s5  }
0xe: {  	[smem:$0x3FB4] =	sst s6  }
0xf: {  	[smem:$0x3FB5] =	sst s7  }
0x10: {  	[smem:$0x3FB6] =	sst s8  }
0x11: {  	[smem:$0x3FB7] =	sst s9;
	s0 =	simm.s32 @!p0 $0x0  }
0x12: {  	s1 =	sld [smem:$0x3F9D];
	s0 =	simm.s32 @p0 $0x1  }
0x13: {  	[smem:$0x3FB8] =	sst s0;
	s0 =	simm.s32 @!p1 $0x0  }
0x14: {  	s2 =	sld [smem:$0x3F9C];
	s0 =	simm.s32 @p1 $0x1  }
0x15: {  	[smem:$0x3FB9] =	sst s0;
	s0 =	simm.s32 @!p2 $0x0  }
0x16: {  	s3 =	sld [smem:$0x3FDB];
	s0 =	simm.s32 @p2 $0x1  }
0x17: {  	s4 =	simm.s32 $0x1BF5;
	[smem:$0x3FBB] =	sst s0  }
0x18: {  	s0 =	sld [smem:$0x3F9E];
	_ =	swait.ge [sflag:s4], $0x0  }
0x19: {  	s7 =	sld [smem:$0x3F9F]  }
0x1a: {  	s8 =	sadd.s32 $0xFFFFE003, lr  }
0x1b: {  	s9 =	sadd.s32 $0xFFFFFEF7, lr;
	s5 =	simm.s32 $0xFFFFFFFF;
	p2 =	slt.u32 s8, $0xFFFFF086  }
0x1c: {  	p1 =	slt.u32 s9, $0xF7A;
	s5 =	simm.s32 @!p2 $0x0  }
0x1d: {  	s5 =	simm.s32 @p1 $0x1;
	p0 =	seq.s32 s7, s2  }
0x1e: {  	s7 =	smul.u32 @!p0 $0xF7A, s2;
	p2 =	seq.s32 @!p0 s5, $0x0  }
0x1f: {  	s9 =	smul.u32 $0xF7A, s1;
	s8 =	simm.s32 @!p0 $0x1BF5;
	p2 =	por !p2, p0  }
0x20: {  	[sflag:s8] =	ssyncset.s32 @!p0 $0xFFFFF086;
	s6 =	sadd.s32 @!p0 s3, s7;
	s7 =	simm.s32 @!p0 $0x108  }
0x21: {  	s3 =	sadd.s32 s3, s9;
	s6 =	sadd.s32 @!p0 $0x88, s6;
	s7 =	simm.s32 @p2 $0x1082  }
0x22: {  	[simem:s7], [sflag:s8] =	dma.local @!p0 [hbm:s6], $0xF7A  }
0x23: {  	s9 =	sor.u32 $0xD0000000, s2;
	s6 =	simm.s32 $0x108;
	_ =	swait.ge @!p0 [sflag:s8], $0x0  }
0x24: {  	s3 =	sadd.s32 $0x88, s3;
	s6 =	simm.s32 @!p1 $0x1082;
	[sflag:s4] =	ssyncset.s32 $0xFFFFF086  }
0x25: {  	[simem:s6], [sflag:s4] =	dma.local [hbm:s3], $0xF7A  }
0x26: {  	[smem:$0x3F9F] =	sst s1;
	(tag) =	ssettag s2;
	_ =	strace s9  }
0x27: {  	s1 =	sld [smem:$0x3FAF]  }
0x28: {  	s2 =	sld [smem:$0x3FB0]  }
0x29: {  	s4 =	sld [smem:$0x3FB2]  }
0x2a: {  	p0 =	seq.s32 s5, $0x0;
	s5 =	sld [smem:$0x3FB3]  }
0x2b: {  	s6 =	sld [smem:$0x3FB4]  }
0x2c: {  	s7 =	sld [smem:$0x3FB5]  }
0x2d: {  	s3 =	simm.s32 $0x108;
	s8 =	sld [smem:$0x3FB6]  }
0x2e: {  	s3 =	simm.s32 @!p0 $0x1082;
	s9 =	sld [smem:$0x3FB7]  }
0x2f: {  	lr =	sadd.s32 s0, s3;
	s0 =	sld [smem:$0x3FAE]  }
0x30: {  	s3 =	sld [smem:$0x3FB1]  }
0x31: {  	[smem:$0x3FBA] =	sst s10  }
0x32: {  	s10 =	sld [smem:$0x3FB8];
	_ =	sdelay $0x3  }
0x33: {  	p0 =	seq.s32 s10, $0x1;
	s10 =	sld [smem:$0x3FBA];
	_ =	sdelay $0x3  }
0x34: {  	[smem:$0x3FBA] =	sst s10  }
0x35: {  	s10 =	sld [smem:$0x3FB9];
	_ =	sdelay $0x3  }
0x36: {  	p1 =	seq.s32 s10, $0x1;
	s10 =	sld [smem:$0x3FBA];
	_ =	sdelay $0x3  }
0x37: {  	[smem:$0x3FBA] =	sst s10  }
0x38: {  	s10 =	sld [smem:$0x3FBB]  }
0x39: {  	_ = 	snop;
	(pc) =	sbr.ind lr, $3  }
0x3a: {  	_ = 	snop  }
0x3b: {  	_ = 	snop  }
0x3c: {  	p2 =	seq.s32 s10, $0x1;
	s10 =	sld [smem:$0x3FBA]  }
0x3d: {  	_ =	shalt  }
0x3e: {  	_ =	shalt  }
0x3f: {  	_ =	shalt  }
0x40: {  	_ =	shalt  }
0x41: {  	_ =	shalt  }
0x42: {  	_ =	shalt  }
0x43: {  	_ =	shalt  }
0x44: {  	_ =	shalt  }
0x45: {  	_ =	shalt  }
0x46: {  	_ =	shalt  }
0x47: {  	_ =	shalt  }
0x48: {  	_ =	shalt  }
0x49: {  	_ =	shalt  }
0x4a: {  	_ =	shalt  }
0x4b: {  	_ =	shalt  }
0x4c: {  	_ =	shalt  }
0x4d: {  	_ =	shalt  }
0x4e: {  	_ =	shalt  }
0x4f: {  	_ =	shalt  }
0x50: {  	_ =	shalt  }
0x51: {  	_ =	shalt  }
0x52: {  	_ =	shalt  }
0x53: {  	_ =	shalt  }
0x54: {  	_ =	shalt  }
0x55: {  	_ =	shalt  }
0x56: {  	_ =	shalt  }
0x57: {  	_ =	shalt  }
0x58: {  	_ =	shalt  }
0x59: {  	_ =	shalt  }
0x5a: {  	_ =	shalt  }
0x5b: {  	_ =	shalt  }
0x5c: {  	_ =	shalt  }
0x5d: {  	_ =	shalt  }
0x5e: {  	_ =	shalt  }
0x5f: {  	_ =	shalt  }
0x60: {  	_ =	shalt  }
0x61: {  	_ =	shalt  }
0x62: {  	_ =	shalt  }
0x63: {  	_ =	shalt  }
0x64: {  	_ =	shalt  }
0x65: {  	_ =	shalt  }
0x66: {  	_ =	shalt  }
0x67: {  	_ =	shalt  }
0x68: {  	_ =	shalt  }
0x69: {  	_ =	shalt  }
0x6a: {  	_ =	shalt  }
0x6b: {  	_ =	shalt  }
0x6c: {  	_ =	shalt  }
0x6d: {  	_ =	shalt  }
0x6e: {  	_ =	shalt  }
0x6f: {  	_ =	shalt  }
0x70: {  	_ =	shalt  }
0x71: {  	_ =	shalt  }
0x72: {  	_ =	shalt  }
0x73: {  	_ =	shalt  }
0x74: {  	_ =	shalt  }
0x75: {  	_ =	shalt  }
0x76: {  	_ =	shalt  }
0x77: {  	_ =	shalt  }
0x78: {  	_ =	shalt  }
0x79: {  	_ =	shalt  }
0x7a: {  	_ =	shalt  }
0x7b: {  	_ =	shalt  }
0x7c: {  	_ =	shalt  }
0x7d: {  	_ =	shalt  }
0x7e: {  	_ =	shalt  }
0x7f: {  	_ =	shalt  }
0x80: {  	_ =	shalt  }
0x81: {  	_ =	shalt  }
0x82: {  	_ =	shalt  }
0x83: {  	_ =	shalt  }
0x84: {  	_ =	shalt  }
0x85: {  	_ =	shalt  }
0x86: {  	_ =	shalt  }
0x87: {  	_ =	shalt  }
.Lfunc_end0:
.L_simem_size_0:
called_computation.1_lowered:
.L_overlay_start_0:
0x88: {  	s2 =	sld [smem:$0x3FD9]  }
0x89: {  	s3 =	sld [smem:$0x3FFE];
	_ =	sdelay $0x1  }
0x8a: {  	s1 =	srdreg.scid  }
0x8b: {  	s0 =	sand.u32 $0x1, s1  }
0x8c: {  	s14 =	sshll.u32 s0, $0xA;
	s2 =	sadd.s32 s3, s2  }
0x8d: {  	s2 =	sadd.s32 s2, s14  }
0x8e: {  	[smem:$0x3FC6] =	sst s2  }
0x8f: {  	_ = 	snop  }
0x90: {  	s2 =	sld [smem:$0x3FD0];
	_ =	sdelay $0x2  }
0x91: {  	s15 =	simm.s32 $0xA;
	s4 =	simm.s32 $0x10  }
0x92: {  	[smem:s4], [sflag:s15] =	dma.local [hbm:s2], $0x1  }
0x93: {  	_ =	swait.eq [sflag:s15], $0x1  }
0x94: {  	[sflag:s15] =	ssyncset.done $0x0  }
0x95: {  	s16 =	sld [smem:$0x10];
	[sflag:s15] =	ssyncadd.s32 $0xFFFFFFFF  }
0x96: {  	s17 =	sld [smem:$0x11];
	(tm) =	ssettm $0x1  }
0x97: {  	s18 =	sld [smem:$0x3FFB];
	_ =	sdelay $0x3  }
0x98: {  	_ =	strace s18  }
0x99: {  	s4 =	sld [smem:$0x3FFC];
	_ =	sdelay $0x3  }
0x9a: {  	_ =	strace s4  }
0x9b: {  	s4 =	sld [smem:$0x3FFD];
	_ =	sdelay $0x3  }
0x9c: {  	_ =	strace s4  }
0x9d: {  	_ =	strace $0x8FFFFFFF  }
0x9e: {  	s19 =	sld [smem:$0x3FDB];
	_ =	sdelay $0x1  }
0x9f: {  	s5 =	simm.s32 $_scs_section_size  }
0xa0: {  	s6 =	simm.s32 $_size__tile_overlayer_lowered;
	s7 =	simm.s32 $_tile_overlayer_lowered  }
0xa1: {  	s22 =	simm.s32 $0x1BFF;
	s21 =	sshll.u32 s7, $0x1;
	s4 =	sadd.s32 s5, s19  }
0xa2: {  	s8 =	simm.s32 $0x0;
	s20 =	sshll.u32 s6, $0x1;
	s6 =	sadd.s32 s21, s4  }
0xa3: {  	[timem:s8], [sflag:s22] =	dma.local [hbm:s6], s20  }
0xa4: {  	_ =	swait.ge [sflag:s22], s20  }
0xa5: {  	s5 =	ssub.s32 $0x0, s20;
	[sflag:s22] =	ssyncset.done $0x0  }
0xa6: {  	[sflag:s22] =	ssyncadd.s32 s5;
	_ =	sdelay $0x1  }
0xa7: {  	s23 =	simm.s32 $0x1B8B  }
0xa8: {  	_ =	swait.ge [sflag:s23], $0x1  }
0xa9: {  	[sflag:s23] =	ssyncset.done $0x0  }
0xaa: {  	s25 =	simm.s32 $0x1B8E;
	s24 =	sld [smem:$0x3FFE];
	[sflag:s23] =	ssyncadd.s32 $0xFFFFFFFF  }
0xab: {  	s26 =	simm.s32 $execute0_lowered;
	[smem:$0x3FD2] =	sst s25  }
0xac: {  	s6 =	sshll.u32 s26, $0x1;
	_ =	strace $0x80000049;
	[dreg:$0x1] =	wrdreg $0xFFFFFFFF  }
0xad: {  	s28 =	simm.s32 $_size_execute0_lowered;
	s4 =	sadd.s32 s4, s6;
	[dreg:$0x0] =	wrdreg $0x0  }
0xae: {  	s6 =	sshll.u32 s28, $0x1;
	[dreg:$0x2] =	wrdreg s4  }
0xaf: {  	[dreg:$0x3] =	wrdreg s6  }
0xb0: {  	[dreg:$0x4] =	wrdreg $0xC0  }
0xb1: {  	_ =	task [dreg:s8], $0x5FFFF  }
0xb2: {  	[dreg:$0x1] =	wrdreg $0xFFFFFFFF  }
0xb3: {  	[dreg:$0x0] =	wrdreg $0x60  }
0xb4: {  	[dreg:$0x2] =	wrdreg s17  }
0xb5: {  	[dreg:$0x3] =	wrdreg s24  }
0xb6: {  	[dreg:$0x4] =	wrdreg s16  }
0xb7: {  	[dreg:$0x5] =	wrdreg $0x0  }
0xb8: {  	[dreg:$0x6] =	wrdreg $0x9  }
0xb9: {  	_ =	task.clear_ibuf [dreg:s8], $0x7FFFF;
	_ =	strace $0x90000049  }
0xba: {  	s29 =	simm.s32 $0x9;
	_ =	strace $0x8000004B  }
0xbb: {  	_ =	swait.ge [sflag:s29], $0x1  }
0xbc: {  	[sflag:s29] =	ssyncadd.s32 $0xFFFFFFFF  }
0xbd: {  	_ =	strace $0x9000004B  }
0xbe: {  	_ =	sfence  }
0xbf: {  	s30 =	sld [smem:$0x0];
	_ =	sdelay $0x2  }
0xc0: {  	s31 =	sshll.u32 s1, $0xD;
	s1 =	sshrl.u32 s1, $0x2  }
0xc1: {  	s3 =	sand.u32 $0x4000, s31;
	s1 =	sadd.s32 s1, s30  }
0xc2: {  	s0 =	sor.u32 s3, s0;
	s1 =	sshll.u32 s1, $0x11  }
0xc3: {  	s0 =	sor.u32 s1, s0  }
0xc4: {  	s0 =	sadd.s32 $0x8F2B, s0  }
0xc5: {  	[sflag:s0] =	ssyncadd.remote.s32 $0x1  }
0xc6: {  	_ =	sfence.sel $0xFFFF  }
0xc7: {  	[dreg:$0x0] =	wrdreg $0xFFFFFFFF;
	(pc) =	sbr.abs _section_cstart, $3  }
0xc8: {  	[dreg:$0x1] =	wrdreg $0xFFFFFFFF  }
0xc9: {  	_ =	task.clear_ibuf [dreg:s8], $0x2FFFF;
	_ =	strace $0x9FFFFFFF  }
0xca: {  	(tm) =	ssettm $0x7FFFFFFF  }
0xcb: {  	_ =	shalt  }
tec
execute0_lowered:
.L_overlay_start_1:
0x0: {  	(tag) =	ssettag $0x1  }
0x1: {  	s0 =	rddreg [dreg:$0x0]  }
0x2: {  	s1 =	rddreg [dreg:$0x1];
	s2 =	srdreg.scid  }
0x3: {  	s11 =	stileid.u32;
	s3 =	rddreg [dreg:$0x3];
	s4 =	simm.s32 $0x0  }
0x4: {  	s14 =	simm.s32 $0x18C00;
	s21 =	simm.s32 $0x18880;
	s15 =	simm.s32 $0x32  }
0x5: {  	s22 =	simm.s32 $0x18900;
	s16 =	simm.s32 $0x19000;
	s23 =	simm.s32 $0x18980  }
0x6: {  	s24 =	simm.s32 $0x18C80;
	s25 =	simm.s32 $0x18D00;
	s26 =	simm.s32 $0x18D80  }
0x7: {  	s28 =	simm.s32 $0x18A80;
	s29 =	simm.s32 $0x7;
	s6 =	smul.u32 $0x1F400, s11  }
0x8: {  	s30 =	simm.s32 $0x18B00;
	s2 =	sand.u32 $0x1, s2;
	s7 =	smul.u32 $0x62000, s11  }
0x9: {  	[smem:$0x7FF] =	sst s4;
	s9 =	smul.u32 $0x18800, s11;
	s18 =	sshll.u32 s11, $0x6  }
0xa: {  	s11 =	smul.u32 $0x3E80, s11;
	_ =	strace $0x8000004A;
	[dreg:$0x7] =	wrdreg s21  }
0xb: {  	s31 =	simm.s32 $0x8;
	s5 =	smul.u32 $0x1F4000, s2;
	[dreg:$0x8] =	wrdreg s22  }
0xc: {  	s8 =	ssub.s32 $0x2, s2;
	s2 =	smul.u32 $0x188000, s2;
	[dreg:$0x9] =	wrdreg s23  }
0xd: {  	s13 =	sor.u32 $0x1C09, s18;
	s18 =	simm.s32 $0x1C800;
	[dreg:$0xa] =	wrdreg s24  }
0xe: {  	s21 =	simm.s32 $0x2;
	s22 =	simm.s32 $0x3;
	[dreg:$0xb] =	wrdreg s25  }
0xf: {  	s23 =	simm.s32 $0x4;
	[dreg:$0xc] =	wrdreg s26;
	s24 =	simm.s32 $0x5  }
0x10: {  	s25 =	simm.s32 $0x18A00;
	s26 =	simm.s32 $0x6;
	s10 =	sshrl.u32 s8, $0x1  }
0x11: {  	s7 =	sshrl.u32 s7, $0x2;
	s19 =	sadd.s32 $0xC400, s9;
	s0 =	sadd.s32 s11, s0  }
0x12: {  	s11 =	simm.s32 $0x9;
	s5 =	sadd.s32 s6, s5;
	s8 =	ssub.s32 s8, s10  }
0x13: {  	s7 =	sadd.s32 s7, s3;
	s9 =	sadd.s32 s9, s2;
	s12 =	sadd.s32 s19, s3  }
0x14: {  	s2 =	sadd.s32 s2, s19;
	[dreg:$0x6] =	wrdreg s0;
	s19 =	simm.s32 $0x1E400  }
0x15: {  	s0 =	simm.s32 $0x18E00;
	s5 =	sshrl.u32 s5, $0x3;
	s9 =	sshrl.u32 s9, $0x3  }
0x16: {  	s2 =	sshrl.u32 s2, $0x3;
	s20 =	smax.u32 s8, $0x1;
	s10 =	sshrl.u32 s7, $0x3  }
0x17: {  	s12 =	sshrl.u32 s12, $0x3;
	s17 =	sadd.s32 s5, s1;
	[dreg:$0x10] =	wrdreg s20  }
0x18: {  	s5 =	sadd.s32 $0x21FA00, s1;
	s1 =	sadd.s32 $0x15C400, s1;
	[dreg:$0x11] =	wrdreg s10  }
0x19: {  	s7 =	simm.s32 $0x18F00;
	[dreg:$0x12] =	wrdreg s12;
	s9 =	sadd.s32 s1, s9  }
0x1a: {  	s8 =	simm.s32 $0x18F80;
	s6 =	sadd.s32 $0xDF400, s17;
	[dreg:$0xe] =	wrdreg s9  }
0x1b: {  	s20 =	simm.s32 $0x1;
	s1 =	sadd.s32 s1, s2;
	[dreg:$0x5] =	wrdreg s6  }
0x1c: {  	s17 =	simm.s32 $0x1AC00;
	[dreg:$0xf] =	wrdreg s1;
	s6 =	simm.s32 $0x0  }
0x1d: {  	s2 =	simm.s32 $0x18E80;
	s9 =	smov.u32 s13;
	[dreg:$0x13] =	wrdreg s6  }
0x1e: {  	s13 =	simm.s32 $0x18800;
	s1 =	simm.s32 $0x18B80;
	[dreg:$0xd] =	wrdreg s9  }
.LBB2_1:
0x1f: {  	s6 =	rddreg [dreg:$0x2]  }
0x20: {  	[spmem:s10], [sflag:s9] =	dma.local [hbm:s6], $0x1880  }
0x21: {  	_ =	swait.ge [sflag:s11], $0x1880  }
0x22: {  	[sflag:s11] =	ssyncset.done $0x0  }
0x23: {  	[sflag:s11] =	ssyncadd.s32 $0xFFFFE780  }
0x24: {  	[spmem:s12], [sflag:s9] =	dma.local [hbm:s6], $0x1880  }
0x25: {  	_ =	swait.ge [sflag:s11], $0x1880  }
0x26: {  	[sflag:s11] =	ssyncset.done $0x0  }
0x27: {  	[sflag:s11] =	ssyncadd.s32 $0xFFFFE780  }
0x28: {  	[bflag:$0x0] =	sbarrier.arrive $0xFFFF  }
0x29: {  	s9 =	rddreg [dreg:$0x6]  }
0x2a: {  	s6 =	sadd.s32 $0x0, s9  }
0x2b: {  	[tilespmem:s13], [sflag:$0x9] =	stream.linear.gather [hbm4b:s6+s4], $0x400, $0x38;
	v63 =	vld [tilespmem:$0x0]  }
0x2c: {  	_ =	swait.ge [sflag:s11], $0x400  }
0x2d: {  	s10 =	rddreg [dreg:$0x5];
	[sflag:s11] =	ssyncset.done $0x0  }
0x2e: {  	[sflag:s11] =	ssyncadd.s32 $0xFFFFFC00;
	s6 =	sadd.s32 $0x0, s10  }
0x2f: {  	[tilespmem:s14], [sflag:$0x9] =	stream.linear.gather [hbm4b:s6+s4], $0x400, $0x38;
	v63 =	vld [tilespmem:$0x0]  }
0x30: {  	_ =	swait.ge [sflag:s11], $0x400  }
0x31: {  	[sflag:s11] =	ssyncset.done $0x0  }
0x32: {  	[sflag:s11] =	ssyncadd.s32 $0xFFFFFC00  }
0x33: {  	[tilespmem:s16], [sflag:$0x1] =	stream.indirect.gather [hbm4b:s5+s15], $0x80, s13, s15, $0xb8;
	v63 =	vld [tilespmem:$0x0]  }
0x34: {  	s12 =	rddreg [dreg:$0x7]  }
0x35: {  	[tilespmem:s17], [sflag:$0x2] =	stream.indirect.gather [hbm4b:s5+s15], $0x80, s12, s15, $0xb8;
	v63 =	vld [tilespmem:$0x0]  }
0x36: {  	s9 =	rddreg [dreg:$0x8]  }
0x37: {  	[tilespmem:s18], [sflag:$0x3] =	stream.indirect.gather [hbm4b:s5+s15], $0x80, s9, s15, $0xb8;
	v63 =	vld [tilespmem:$0x0]  }
0x38: {  	s12 =	rddreg [dreg:$0x9]  }
0x39: {  	[tilespmem:s19], [sflag:$0x4] =	stream.indirect.gather [hbm4b:s5+s15], $0x80, s12, s15, $0xb8;
	v63 =	vld [tilespmem:$0x0]  }
0x3a: {  	_ =	swait.ge [sflag:s20], $0x1900  }
0x3b: {  	[sflag:s20] =	ssyncset.done $0x0  }
0x3c: {  	[sflag:s20] =	ssyncadd.s32 $0xFFFFE700  }
0x3d: {  	[spmem:s3] =	stream.indirect.scatter.add.f32 [tilespmem:s16], [sflag:$0x5], $0x80, s14, s15, $0xb8;
	v63 =	vld [tilespmem:$0x0]  }
0x3e: {  	_ =	swait.ge [sflag:s21], $0x1900  }
0x3f: {  	[sflag:s21] =	ssyncset.done $0x0  }
0x40: {  	s9 =	rddreg [dreg:$0xa];
	[sflag:s21] =	ssyncadd.s32 $0xFFFFE700  }
0x41: {  	[spmem:s3] =	stream.indirect.scatter.add.f32 [tilespmem:s17], [sflag:$0x6], $0x80, s9, s15, $0xb8;
	v63 =	vld [tilespmem:$0x0]  }
0x42: {  	_ =	swait.ge [sflag:s22], $0x1900  }
0x43: {  	[sflag:s22] =	ssyncset.done $0x0  }
0x44: {  	s10 =	rddreg [dreg:$0xb];
	[sflag:s22] =	ssyncadd.s32 $0xFFFFE700  }
0x45: {  	[spmem:s3] =	stream.indirect.scatter.add.f32 [tilespmem:s18], [sflag:$0x7], $0x80, s10, s15, $0xb8;
	v63 =	vld [tilespmem:$0x0]  }
0x46: {  	_ =	swait.ge [sflag:s23], $0x1900  }
0x47: {  	[sflag:s23] =	ssyncset.done $0x0  }
0x48: {  	s12 =	rddreg [dreg:$0xc];
	[sflag:s23] =	ssyncadd.s32 $0xFFFFE700  }
0x49: {  	[spmem:s3] =	stream.indirect.scatter.add.f32 [tilespmem:s19], [sflag:$0x8], $0x80, s12, s15, $0xb8;
	v63 =	vld [tilespmem:$0x0]  }
0x4a: {  	_ =	swait.ge [sflag:s24], $0x1900  }
0x4b: {  	[sflag:s24] =	ssyncset.done $0x0  }
0x4c: {  	[sflag:s24] =	ssyncadd.s32 $0xFFFFE700  }
0x4d: {  	[tilespmem:s16], [sflag:$0x1] =	stream.indirect.gather [hbm4b:s5+s15], $0x80, s25, s15, $0xb8;
	v63 =	vld [tilespmem:$0x0]  }
0x4e: {  	_ =	swait.ge [sflag:s26], $0x1900  }
0x4f: {  	[sflag:s26] =	ssyncset.done $0x0  }
0x50: {  	[sflag:s26] =	ssyncadd.s32 $0xFFFFE700  }
0x51: {  	[tilespmem:s17], [sflag:$0x2] =	stream.indirect.gather [hbm4b:s5+s15], $0x80, s28, s15, $0xb8;
	v63 =	vld [tilespmem:$0x0]  }
0x52: {  	_ =	swait.ge [sflag:s29], $0x1900  }
0x53: {  	[sflag:s29] =	ssyncset.done $0x0  }
0x54: {  	[sflag:s29] =	ssyncadd.s32 $0xFFFFE700  }
0x55: {  	[tilespmem:s18], [sflag:$0x3] =	stream.indirect.gather [hbm4b:s5+s15], $0x80, s30, s15, $0xb8;
	v63 =	vld [tilespmem:$0x0]  }
0x56: {  	_ =	swait.ge [sflag:s31], $0x1900  }
0x57: {  	[sflag:s31] =	ssyncset.done $0x0  }
0x58: {  	[sflag:s31] =	ssyncadd.s32 $0xFFFFE700  }
0x59: {  	[tilespmem:s19], [sflag:$0x4] =	stream.indirect.gather [hbm4b:s5+s15], $0x80, s1, s15, $0xb8;
	v63 =	vld [tilespmem:$0x0]  }
0x5a: {  	_ =	swait.ge [sflag:s20], $0x1900  }
0x5b: {  	[sflag:s20] =	ssyncset.done $0x0  }
0x5c: {  	[sflag:s20] =	ssyncadd.s32 $0xFFFFE700  }
0x5d: {  	[spmem:s3] =	stream.indirect.scatter.add.f32 [tilespmem:s16], [sflag:$0x5], $0x80, s0, s15, $0xb8;
	v63 =	vld [tilespmem:$0x0]  }
0x5e: {  	_ =	swait.ge [sflag:s21], $0x1900  }
0x5f: {  	[sflag:s21] =	ssyncset.done $0x0  }
0x60: {  	[sflag:s21] =	ssyncadd.s32 $0xFFFFE700  }
0x61: {  	[spmem:s3] =	stream.indirect.scatter.add.f32 [tilespmem:s17], [sflag:$0x6], $0x80, s2, s15, $0xb8;
	v63 =	vld [tilespmem:$0x0]  }
0x62: {  	_ =	swait.ge [sflag:s22], $0x1900  }
0x63: {  	[sflag:s22] =	ssyncset.done $0x0  }
0x64: {  	[sflag:s22] =	ssyncadd.s32 $0xFFFFE700  }
0x65: {  	[spmem:s3] =	stream.indirect.scatter.add.f32 [tilespmem:s18], [sflag:$0x7], $0x80, s7, s15, $0xb8;
	v63 =	vld [tilespmem:$0x0]  }
0x66: {  	_ =	swait.ge [sflag:s23], $0x1900  }
0x67: {  	[sflag:s23] =	ssyncset.done $0x0  }
0x68: {  	[sflag:s23] =	ssyncadd.s32 $0xFFFFE700  }
0x69: {  	[spmem:s3] =	stream.indirect.scatter.add.f32 [tilespmem:s19], [sflag:$0x8], $0x80, s8, s15, $0xb8;
	v63 =	vld [tilespmem:$0x0]  }
0x6a: {  	_ =	swait.ge [sflag:s24], $0x1900  }
0x6b: {  	[sflag:s24] =	ssyncset.done $0x0  }
0x6c: {  	[sflag:s24] =	ssyncadd.s32 $0xFFFFE700  }
0x6d: {  	_ =	swait.ge [sflag:s26], $0x1900  }
0x6e: {  	[sflag:s26] =	ssyncset.done $0x0  }
0x6f: {  	[sflag:s26] =	ssyncadd.s32 $0xFFFFE700  }
0x70: {  	_ =	swait.ge [sflag:s29], $0x1900  }
0x71: {  	[sflag:s29] =	ssyncset.done $0x0  }
0x72: {  	[sflag:s29] =	ssyncadd.s32 $0xFFFFE700  }
0x73: {  	s10 =	simm.s32 $0x80;
	_ =	swait.ge [sflag:s31], $0x1900  }
0x74: {  	s12 =	simm.s32 $0x100;
	s6 =	rddreg [dreg:$0x6];
	[sflag:s31] =	ssyncset.done $0x0  }
.LBB2_2:
0x75: {  	[sflag:s31] =	ssyncadd.s32 $0xFFFFE700;
	s6 =	sadd.s32 s10, s6  }
0x76: {  	[tilespmem:s13], [sflag:$0x9] =	stream.linear.gather [hbm4b:s6+s4], $0x400, $0x38;
	v63 =	vld [tilespmem:$0x0]  }
0x77: {  	_ =	swait.ge [sflag:s11], $0x400  }
0x78: {  	s6 =	rddreg [dreg:$0x5];
	[sflag:s11] =	ssyncset.done $0x0  }
0x79: {  	[sflag:s11] =	ssyncadd.s32 $0xFFFFFC00;
	s6 =	sadd.s32 s10, s6  }
0x7a: {  	[tilespmem:s14], [sflag:$0x9] =	stream.linear.gather [hbm4b:s6+s4], $0x400, $0x38;
	v63 =	vld [tilespmem:$0x0]  }
0x7b: {  	_ =	swait.ge [sflag:s11], $0x400  }
0x7c: {  	[sflag:s11] =	ssyncset.done $0x0  }
0x7d: {  	[sflag:s11] =	ssyncadd.s32 $0xFFFFFC00  }
0x7e: {  	[tilespmem:s16], [sflag:$0x1] =	stream.indirect.gather [hbm4b:s5+s15], $0x80, s13, s15, $0xb8;
	v63 =	vld [tilespmem:$0x0]  }
0x7f: {  	s9 =	smov.u32 s12;
	s6 =	rddreg [dreg:$0x7]  }
0x80: {  	[tilespmem:s17], [sflag:$0x2] =	stream.indirect.gather [hbm4b:s5+s15], $0x80, s6, s15, $0xb8;
	v63 =	vld [tilespmem:$0x0]  }
0x81: {  	s10 =	smov.u32 s9;
	s9 =	rddreg [dreg:$0x8]  }
0x82: {  	[tilespmem:s18], [sflag:$0x3] =	stream.indirect.gather [hbm4b:s5+s15], $0x80, s9, s15, $0xb8;
	v63 =	vld [tilespmem:$0x0]  }
0x83: {  	s6 =	rddreg [dreg:$0x9]  }
0x84: {  	[tilespmem:s19], [sflag:$0x4] =	stream.indirect.gather [hbm4b:s5+s15], $0x80, s6, s15, $0xb8;
	v63 =	vld [tilespmem:$0x0]  }
0x85: {  	_ =	swait.ge [sflag:s20], $0x1900  }
0x86: {  	[sflag:s20] =	ssyncset.done $0x0  }
0x87: {  	[sflag:s20] =	ssyncadd.s32 $0xFFFFE700  }
0x88: {  	[spmem:s3] =	stream.indirect.scatter.add.f32 [tilespmem:s16], [sflag:$0x5], $0x80, s14, s15, $0xb8;
	v63 =	vld [tilespmem:$0x0]  }
0x89: {  	_ =	swait.ge [sflag:s21], $0x1900  }
0x8a: {  	[sflag:s21] =	ssyncset.done $0x0  }
0x8b: {  	s9 =	rddreg [dreg:$0xa];
	[sflag:s21] =	ssyncadd.s32 $0xFFFFE700  }
0x8c: {  	[spmem:s3] =	stream.indirect.scatter.add.f32 [tilespmem:s17], [sflag:$0x6], $0x80, s9, s15, $0xb8;
	v63 =	vld [tilespmem:$0x0]  }
0x8d: {  	_ =	swait.ge [sflag:s22], $0x1900  }
0x8e: {  	[sflag:s22] =	ssyncset.done $0x0  }
0x8f: {  	s9 =	rddreg [dreg:$0xb];
	[sflag:s22] =	ssyncadd.s32 $0xFFFFE700  }
0x90: {  	[spmem:s3] =	stream.indirect.scatter.add.f32 [tilespmem:s18], [sflag:$0x7], $0x80, s9, s15, $0xb8;
	v63 =	vld [tilespmem:$0x0]  }
0x91: {  	_ =	swait.ge [sflag:s23], $0x1900  }
0x92: {  	[sflag:s23] =	ssyncset.done $0x0  }
0x93: {  	s9 =	rddreg [dreg:$0xc];
	[sflag:s23] =	ssyncadd.s32 $0xFFFFE700  }
0x94: {  	[spmem:s3] =	stream.indirect.scatter.add.f32 [tilespmem:s19], [sflag:$0x8], $0x80, s9, s15, $0xb8;
	v63 =	vld [tilespmem:$0x0]  }
0x95: {  	_ =	swait.ge [sflag:s24], $0x1900  }
0x96: {  	[sflag:s24] =	ssyncset.done $0x0  }
0x97: {  	[sflag:s24] =	ssyncadd.s32 $0xFFFFE700  }
0x98: {  	[tilespmem:s16], [sflag:$0x1] =	stream.indirect.gather [hbm4b:s5+s15], $0x80, s25, s15, $0xb8;
	v63 =	vld [tilespmem:$0x0]  }
0x99: {  	_ =	swait.ge [sflag:s26], $0x1900  }
0x9a: {  	[sflag:s26] =	ssyncset.done $0x0  }
0x9b: {  	[sflag:s26] =	ssyncadd.s32 $0xFFFFE700  }
0x9c: {  	[tilespmem:s17], [sflag:$0x2] =	stream.indirect.gather [hbm4b:s5+s15], $0x80, s28, s15, $0xb8;
	v63 =	vld [tilespmem:$0x0]  }
0x9d: {  	_ =	swait.ge [sflag:s29], $0x1900  }
0x9e: {  	[sflag:s29] =	ssyncset.done $0x0  }
0x9f: {  	[sflag:s29] =	ssyncadd.s32 $0xFFFFE700  }
0xa0: {  	[tilespmem:s18], [sflag:$0x3] =	stream.indirect.gather [hbm4b:s5+s15], $0x80, s30, s15, $0xb8;
	v63 =	vld [tilespmem:$0x0]  }
0xa1: {  	_ =	swait.ge [sflag:s31], $0x1900  }
0xa2: {  	[sflag:s31] =	ssyncset.done $0x0  }
0xa3: {  	[sflag:s31] =	ssyncadd.s32 $0xFFFFE700  }
0xa4: {  	[tilespmem:s19], [sflag:$0x4] =	stream.indirect.gather [hbm4b:s5+s15], $0x80, s1, s15, $0xb8;
	v63 =	vld [tilespmem:$0x0]  }
0xa5: {  	_ =	swait.ge [sflag:s20], $0x1900  }
0xa6: {  	[sflag:s20] =	ssyncset.done $0x0  }
0xa7: {  	[sflag:s20] =	ssyncadd.s32 $0xFFFFE700  }
0xa8: {  	[spmem:s3] =	stream.indirect.scatter.add.f32 [tilespmem:s16], [sflag:$0x5], $0x80, s0, s15, $0xb8;
	v63 =	vld [tilespmem:$0x0]  }
0xa9: {  	_ =	swait.ge [sflag:s21], $0x1900  }
0xaa: {  	[sflag:s21] =	ssyncset.done $0x0  }
0xab: {  	[sflag:s21] =	ssyncadd.s32 $0xFFFFE700  }
0xac: {  	[spmem:s3] =	stream.indirect.scatter.add.f32 [tilespmem:s17], [sflag:$0x6], $0x80, s2, s15, $0xb8;
	v63 =	vld [tilespmem:$0x0]  }
0xad: {  	_ =	swait.ge [sflag:s22], $0x1900  }
0xae: {  	[sflag:s22] =	ssyncset.done $0x0  }
0xaf: {  	[sflag:s22] =	ssyncadd.s32 $0xFFFFE700  }
0xb0: {  	[spmem:s3] =	stream.indirect.scatter.add.f32 [tilespmem:s18], [sflag:$0x7], $0x80, s7, s15, $0xb8;
	v63 =	vld [tilespmem:$0x0]  }
0xb1: {  	_ =	swait.ge [sflag:s23], $0x1900  }
0xb2: {  	[sflag:s23] =	ssyncset.done $0x0  }
0xb3: {  	[sflag:s23] =	ssyncadd.s32 $0xFFFFE700  }
0xb4: {  	[spmem:s3] =	stream.indirect.scatter.add.f32 [tilespmem:s19], [sflag:$0x8], $0x80, s8, s15, $0xb8;
	v63 =	vld [tilespmem:$0x0]  }
0xb5: {  	_ =	swait.ge [sflag:s24], $0x1900  }
0xb6: {  	[sflag:s24] =	ssyncset.done $0x0  }
0xb7: {  	[sflag:s24] =	ssyncadd.s32 $0xFFFFE700  }
0xb8: {  	_ =	swait.ge [sflag:s26], $0x1900  }
0xb9: {  	[sflag:s26] =	ssyncset.done $0x0  }
0xba: {  	p0 =	sne.s32 s12, $0x3E00;
	[sflag:s26] =	ssyncadd.s32 $0xFFFFE700  }
.Ltmp0:
0xbb: {  	_ =	swait.ge [sflag:s29], $0x1900;
	(pc) =	sbr.rel @p0 .LBB2_2-.Ltmp0, $4  }
0xbc: {  	[sflag:s29] =	ssyncset.done $0x0  }
0xbd: {  	[sflag:s29] =	ssyncadd.s32 $0xFFFFE700  }
0xbe: {  	_ =	swait.ge [sflag:s31], $0x1900  }
0xbf: {  	s12 =	sadd.s32 $0x80, s12;
	s6 =	rddreg [dreg:$0x6];
	[sflag:s31] =	ssyncset.done $0x0  }
0xc0: {  	[sflag:s31] =	ssyncadd.s32 $0xFFFFE700;
	s6 =	sadd.s32 s10, s6  }
0xc1: {  	[tilespmem:s13], [sflag:$0x9] =	stream.linear.gather [hbm4b:s6+s4], $0x400, $0x38;
	v63 =	vld [tilespmem:$0x0]  }
0xc2: {  	_ =	swait.ge [sflag:s11], $0x400  }
0xc3: {  	s9 =	rddreg [dreg:$0x5];
	[sflag:s11] =	ssyncset.done $0x0  }
0xc4: {  	[sflag:s11] =	ssyncadd.s32 $0xFFFFFC00;
	s6 =	sadd.s32 s10, s9  }
0xc5: {  	[tilespmem:s14], [sflag:$0x9] =	stream.linear.gather [hbm4b:s6+s4], $0x400, $0x38;
	v63 =	vld [tilespmem:$0x0]  }
0xc6: {  	_ =	swait.ge [sflag:s11], $0x400  }
0xc7: {  	[sflag:s11] =	ssyncset.done $0x0  }
0xc8: {  	[sflag:s11] =	ssyncadd.s32 $0xFFFFFC00  }
0xc9: {  	[tilespmem:s16], [sflag:$0x1] =	stream.indirect.gather [hbm4b:s5+s15], $0x80, s13, s15, $0xb8;
	v63 =	vld [tilespmem:$0x0]  }
0xca: {  	s10 =	rddreg [dreg:$0x7]  }
0xcb: {  	[tilespmem:s17], [sflag:$0x2] =	stream.indirect.gather [hbm4b:s5+s15], $0x80, s10, s15, $0xb8;
	v63 =	vld [tilespmem:$0x0]  }
0xcc: {  	s9 =	rddreg [dreg:$0x8]  }
0xcd: {  	[tilespmem:s18], [sflag:$0x3] =	stream.indirect.gather [hbm4b:s5+s15], $0x80, s9, s15, $0xb8;
	v63 =	vld [tilespmem:$0x0]  }
0xce: {  	s12 =	rddreg [dreg:$0x9]  }
0xcf: {  	[tilespmem:s19], [sflag:$0x4] =	stream.indirect.gather [hbm4b:s5+s15], $0x80, s12, s15, $0xb8;
	v63 =	vld [tilespmem:$0x0]  }
0xd0: {  	_ =	swait.ge [sflag:s20], $0x1900  }
0xd1: {  	[sflag:s20] =	ssyncset.done $0x0  }
0xd2: {  	[sflag:s20] =	ssyncadd.s32 $0xFFFFE700  }
0xd3: {  	[spmem:s3] =	stream.indirect.scatter.add.f32 [tilespmem:s16], [sflag:$0x5], $0x80, s14, s15, $0xb8;
	v63 =	vld [tilespmem:$0x0]  }
0xd4: {  	_ =	swait.ge [sflag:s21], $0x1900  }
0xd5: {  	[sflag:s21] =	ssyncset.done $0x0  }
0xd6: {  	s10 =	rddreg [dreg:$0xa];
	[sflag:s21] =	ssyncadd.s32 $0xFFFFE700  }
0xd7: {  	[spmem:s3] =	stream.indirect.scatter.add.f32 [tilespmem:s17], [sflag:$0x6], $0x80, s10, s15, $0xb8;
	v63 =	vld [tilespmem:$0x0]  }
0xd8: {  	_ =	swait.ge [sflag:s22], $0x1900  }
0xd9: {  	[sflag:s22] =	ssyncset.done $0x0  }
0xda: {  	s12 =	rddreg [dreg:$0xb];
	[sflag:s22] =	ssyncadd.s32 $0xFFFFE700  }
0xdb: {  	[spmem:s3] =	stream.indirect.scatter.add.f32 [tilespmem:s18], [sflag:$0x7], $0x80, s12, s15, $0xb8;
	v63 =	vld [tilespmem:$0x0]  }
0xdc: {  	_ =	swait.ge [sflag:s23], $0x1900  }
0xdd: {  	[sflag:s23] =	ssyncset.done $0x0  }
0xde: {  	s9 =	rddreg [dreg:$0xc];
	[sflag:s23] =	ssyncadd.s32 $0xFFFFE700  }
0xdf: {  	[spmem:s3] =	stream.indirect.scatter.add.f32 [tilespmem:s19], [sflag:$0x8], $0x80, s9, s15, $0xb8;
	v63 =	vld [tilespmem:$0x0]  }
0xe0: {  	_ =	swait.ge [sflag:s24], $0x1900  }
0xe1: {  	[sflag:s24] =	ssyncset.done $0x0  }
0xe2: {  	[sflag:s24] =	ssyncadd.s32 $0xFFFFE700  }
0xe3: {  	[tilespmem:s16], [sflag:$0x1] =	stream.indirect.gather [hbm4b:s5+s15], $0x80, s25, s15, $0xb8;
	v63 =	vld [tilespmem:$0x0]  }
0xe4: {  	_ =	swait.ge [sflag:s26], $0x1900  }
0xe5: {  	[sflag:s26] =	ssyncset.done $0x0  }
0xe6: {  	[sflag:s26] =	ssyncadd.s32 $0xFFFFE700  }
0xe7: {  	[tilespmem:s17], [sflag:$0x2] =	stream.indirect.gather [hbm4b:s5+s15], $0x80, s28, s15, $0xb8;
	v63 =	vld [tilespmem:$0x0]  }
0xe8: {  	_ =	swait.ge [sflag:s29], $0x1900  }
0xe9: {  	[sflag:s29] =	ssyncset.done $0x0  }
0xea: {  	[sflag:s29] =	ssyncadd.s32 $0xFFFFE700  }
0xeb: {  	[tilespmem:s18], [sflag:$0x3] =	stream.indirect.gather [hbm4b:s5+s15], $0x80, s30, s15, $0xb8;
	v63 =	vld [tilespmem:$0x0]  }
0xec: {  	_ =	swait.ge [sflag:s31], $0x1900  }
0xed: {  	[sflag:s31] =	ssyncset.done $0x0  }
0xee: {  	[sflag:s31] =	ssyncadd.s32 $0xFFFFE700  }
0xef: {  	[tilespmem:s19], [sflag:$0x4] =	stream.indirect.gather [hbm4b:s5+s15], $0x80, s1, s15, $0xb8;
	v63 =	vld [tilespmem:$0x0]  }
0xf0: {  	_ =	swait.ge [sflag:s20], $0x1900  }
0xf1: {  	[sflag:s20] =	ssyncset.done $0x0  }
0xf2: {  	[sflag:s20] =	ssyncadd.s32 $0xFFFFE700  }
0xf3: {  	[spmem:s3] =	stream.indirect.scatter.add.f32 [tilespmem:s16], [sflag:$0x5], $0x80, s0, s15, $0xb8;
	v63 =	vld [tilespmem:$0x0]  }
0xf4: {  	_ =	swait.ge [sflag:s21], $0x1900  }
0xf5: {  	[sflag:s21] =	ssyncset.done $0x0  }
0xf6: {  	[sflag:s21] =	ssyncadd.s32 $0xFFFFE700  }
0xf7: {  	[spmem:s3] =	stream.indirect.scatter.add.f32 [tilespmem:s17], [sflag:$0x6], $0x80, s2, s15, $0xb8;
	v63 =	vld [tilespmem:$0x0]  }
0xf8: {  	_ =	swait.ge [sflag:s22], $0x1900  }
0xf9: {  	[sflag:s22] =	ssyncset.done $0x0  }
0xfa: {  	[sflag:s22] =	ssyncadd.s32 $0xFFFFE700  }
0xfb: {  	[spmem:s3] =	stream.indirect.scatter.add.f32 [tilespmem:s18], [sflag:$0x7], $0x80, s7, s15, $0xb8;
	v63 =	vld [tilespmem:$0x0]  }
0xfc: {  	_ =	swait.ge [sflag:s23], $0x1900  }
0xfd: {  	[sflag:s23] =	ssyncset.done $0x0  }
0xfe: {  	[sflag:s23] =	ssyncadd.s32 $0xFFFFE700  }
0xff: {  	[spmem:s3] =	stream.indirect.scatter.add.f32 [tilespmem:s19], [sflag:$0x8], $0x80, s8, s15, $0xb8;
	v63 =	vld [tilespmem:$0x0]  }
0x100: {  	_ =	swait.ge [sflag:s24], $0x1900  }
0x101: {  	[sflag:s24] =	ssyncset.done $0x0  }
0x102: {  	[sflag:s24] =	ssyncadd.s32 $0xFFFFE700  }
0x103: {  	_ =	swait.ge [sflag:s26], $0x1900  }
0x104: {  	[sflag:s26] =	ssyncset.done $0x0  }
0x105: {  	[sflag:s26] =	ssyncadd.s32 $0xFFFFE700  }
0x106: {  	_ =	swait.ge [sflag:s29], $0x1900  }
0x107: {  	[sflag:s29] =	ssyncset.done $0x0  }
0x108: {  	[sflag:s29] =	ssyncadd.s32 $0xFFFFE700  }
0x109: {  	_ =	swait.ge [sflag:s31], $0x1900  }
0x10a: {  	[sflag:s31] =	ssyncset.done $0x0  }
0x10b: {  	[sflag:s31] =	ssyncadd.s32 $0xFFFFE700  }
0x10c: {  	[bflag:$0x0] =	sbarrier.arrive $0xFFFF  }
0x10d: {  	s9 =	rddreg [dreg:$0xd]  }
0x10e: {  	s10 =	rddreg [dreg:$0xe]  }
0x10f: {  	s12 =	rddreg [dreg:$0x11]  }
0x110: {  	[hbm:s10], [sflag:s9] =	dma.local [spmem:s12], $0x1880  }
0x111: {  	_ =	swait.ge [sflag:s11], $0x1880  }
0x112: {  	[sflag:s11] =	ssyncset.done $0x0;
	s10 =	rddreg [dreg:$0xf]  }
0x113: {  	s12 =	rddreg [dreg:$0x12];
	[sflag:s11] =	ssyncadd.s32 $0xFFFFE780  }
0x114: {  	[hbm:s10], [sflag:s9] =	dma.local [spmem:s12], $0x1880  }
0x115: {  	_ =	swait.ge [sflag:s11], $0x1880  }
0x116: {  	s6 =	rddreg [dreg:$0x13]  }
0x117: {  	s10 =	sadd.s32 $0x1, s6;
	s6 =	rddreg [dreg:$0x10]  }
0x118: {  	p0 =	sne.s32 s10, s6  }
.Ltmp1:
0x119: {  	_ = 	snop;
	(pc) =	sbr.rel @p0 .LBB2_1-.Ltmp1, $3  }
0x11a: {  	_ =	sdelay $0x1  }
0x11b: {  	[sflag:s11] =	ssyncset.done $0x0;
	[dreg:$0x13] =	wrdreg s10  }
0x11c: {  	[sflag:s11] =	ssyncadd.s32 $0xFFFFE780;
	s10 =	rddreg [dreg:$0x11]  }
0x11d: {  	_ =	sfence.sel $0x180000  }
0x11e: {  	[bflag:$0x0] =	sbarrier.arrive $0xFFFF  }
0x11f: {  	_ =	strace $0x9000004A  }
0x120: {  	s0 =	stileid.u32;
	[bflag:$0x2] =	sbarrier.arrive $0xFFFF  }
0x121: {  	p0 =	sne.s32 s0, $0x0;
	s0 =	rddreg [dreg:$0x4]  }
0x122: {  	s0 =	sadd.s32 @!p0 $0x100000, s0  }
0x123: {  	[sflag:s0] =	ssyncadd.tile.s32 @!p0 $0x1;
	_ =	shalt  }
.Lfunc_end2:
_tile_overlayer_lowered:
.L_overlay_start_2:
0x124: {  	(tag) =	ssettag $0x2  }
0x125: {  	s0 =	rddreg [dreg:$0x0];
	s2 =	stileid.u32  }
0x126: {  	s1 =	rddreg [dreg:$0x1];
	p0 =	sne.s32 s2, $0x0  }
0x127: {  	s3 =	rddreg [dreg:$0x2];
	[bflag:$0x3] =	sbarrier.arrive $0xFFFF;
	s2 =	simm.s32 @!p0 $0x1C09  }
0x128: {  	[timem:s3], [sflag:s2] =	dma.local @!p0 [hbm:s0], s1  }
0x129: {  	s0 =	simm.s32 @!p0 $0x9  }
0x12a: {  	_ =	swait.ge @!p0 [sflag:s0], s1  }
0x12b: {  	s1 =	ssub.s32 @!p0 $0x0, s1;
	[sflag:s0] =	ssyncset.done @!p0 $0x0  }
0x12c: {  	[sflag:s0] =	ssyncadd.s32 @!p0 s1  }
0x12d: {  	[bflag:$0x3] =	sbarrier.arrive $0xFFFF  }
0x12e: {  	_ =	shalt  }

// kernel: kernel.16.cloned.1.call-start
scs
__scs_entry_jumppad:
0x0: {  	(pc) =	sbr.rel $0x88, $3  }
0x1: {  	(tag) =	ssettag $0x0;
	lr =	simm.s32 $0x1  }
0x2: {  	[smem:$0x3F9F] =	sst lr;
	_ =	strace $0xD0000000  }
0x3: {  	_ = 	snop  }
0x4: {  	_ = 	snop  }
0x5: {  	_ = 	snop  }
0x6: {  	_ = 	snop  }
0x7: {  	_ = 	snop  }
__scs_overlays_trampoline_lowered:
0x8: {  	[smem:$0x3FAE] =	sst s0  }
0x9: {  	[smem:$0x3FAF] =	sst s1  }
0xa: {  	[smem:$0x3FB0] =	sst s2  }
0xb: {  	[smem:$0x3FB1] =	sst s3  }
0xc: {  	[smem:$0x3FB2] =	sst s4  }
0xd: {  	[smem:$0x3FB3] =	sst s5  }
0xe: {  	[smem:$0x3FB4] =	sst s6  }
0xf: {  	[smem:$0x3FB5] =	sst s7  }
0x10: {  	[smem:$0x3FB6] =	sst s8  }
0x11: {  	[smem:$0x3FB7] =	sst s9;
	s0 =	simm.s32 @!p0 $0x0  }
0x12: {  	s1 =	sld [smem:$0x3F9D];
	s0 =	simm.s32 @p0 $0x1  }
0x13: {  	[smem:$0x3FB8] =	sst s0;
	s0 =	simm.s32 @!p1 $0x0  }
0x14: {  	s2 =	sld [smem:$0x3F9C];
	s0 =	simm.s32 @p1 $0x1  }
0x15: {  	[smem:$0x3FB9] =	sst s0;
	s0 =	simm.s32 @!p2 $0x0  }
0x16: {  	s3 =	sld [smem:$0x3FDB];
	s0 =	simm.s32 @p2 $0x1  }
0x17: {  	s4 =	simm.s32 $0x1BF5;
	[smem:$0x3FBB] =	sst s0  }
0x18: {  	s0 =	sld [smem:$0x3F9E];
	_ =	swait.ge [sflag:s4], $0x0  }
0x19: {  	s7 =	sld [smem:$0x3F9F]  }
0x1a: {  	s8 =	sadd.s32 $0xFFFFE003, lr  }
0x1b: {  	s9 =	sadd.s32 $0xFFFFFEF7, lr;
	s5 =	simm.s32 $0xFFFFFFFF;
	p2 =	slt.u32 s8, $0xFFFFF086  }
0x1c: {  	p1 =	slt.u32 s9, $0xF7A;
	s5 =	simm.s32 @!p2 $0x0  }
0x1d: {  	s5 =	simm.s32 @p1 $0x1;
	p0 =	seq.s32 s7, s2  }
0x1e: {  	s7 =	smul.u32 @!p0 $0xF7A, s2;
	p2 =	seq.s32 @!p0 s5, $0x0  }
0x1f: {  	s9 =	smul.u32 $0xF7A, s1;
	s8 =	simm.s32 @!p0 $0x1BF5;
	p2 =	por !p2, p0  }
0x20: {  	[sflag:s8] =	ssyncset.s32 @!p0 $0xFFFFF086;
	s6 =	sadd.s32 @!p0 s3, s7;
	s7 =	simm.s32 @!p0 $0x108  }
0x21: {  	s3 =	sadd.s32 s3, s9;
	s6 =	sadd.s32 @!p0 $0x88, s6;
	s7 =	simm.s32 @p2 $0x1082  }
0x22: {  	[simem:s7], [sflag:s8] =	dma.local @!p0 [hbm:s6], $0xF7A  }
0x23: {  	s9 =	sor.u32 $0xD0000000, s2;
	s6 =	simm.s32 $0x108;
	_ =	swait.ge @!p0 [sflag:s8], $0x0  }
0x24: {  	s3 =	sadd.s32 $0x88, s3;
	s6 =	simm.s32 @!p1 $0x1082;
	[sflag:s4] =	ssyncset.s32 $0xFFFFF086  }
0x25: {  	[simem:s6], [sflag:s4] =	dma.local [hbm:s3], $0xF7A  }
0x26: {  	[smem:$0x3F9F] =	sst s1;
	(tag) =	ssettag s2;
	_ =	strace s9  }
0x27: {  	s1 =	sld [smem:$0x3FAF]  }
0x28: {  	s2 =	sld [smem:$0x3FB0]  }
0x29: {  	s4 =	sld [smem:$0x3FB2]  }
0x2a: {  	p0 =	seq.s32 s5, $0x0;
	s5 =	sld [smem:$0x3FB3]  }
0x2b: {  	s6 =	sld [smem:$0x3FB4]  }
0x2c: {  	s7 =	sld [smem:$0x3FB5]  }
0x2d: {  	s3 =	simm.s32 $0x108;
	s8 =	sld [smem:$0x3FB6]  }
0x2e: {  	s3 =	simm.s32 @!p0 $0x1082;
	s9 =	sld [smem:$0x3FB7]  }
0x2f: {  	lr =	sadd.s32 s0, s3;
	s0 =	sld [smem:$0x3FAE]  }
0x30: {  	s3 =	sld [smem:$0x3FB1]  }
0x31: {  	[smem:$0x3FBA] =	sst s10  }
0x32: {  	s10 =	sld [smem:$0x3FB8];
	_ =	sdelay $0x3  }
0x33: {  	p0 =	seq.s32 s10, $0x1;
	s10 =	sld [smem:$0x3FBA];
	_ =	sdelay $0x3  }
0x34: {  	[smem:$0x3FBA] =	sst s10  }
0x35: {  	s10 =	sld [smem:$0x3FB9];
	_ =	sdelay $0x3  }
0x36: {  	p1 =	seq.s32 s10, $0x1;
	s10 =	sld [smem:$0x3FBA];
	_ =	sdelay $0x3  }
0x37: {  	[smem:$0x3FBA] =	sst s10  }
0x38: {  	s10 =	sld [smem:$0x3FBB]  }
0x39: {  	_ = 	snop;
	(pc) =	sbr.ind lr, $3  }
0x3a: {  	_ = 	snop  }
0x3b: {  	_ = 	snop  }
0x3c: {  	p2 =	seq.s32 s10, $0x1;
	s10 =	sld [smem:$0x3FBA]  }
0x3d: {  	_ =	shalt  }
0x3e: {  	_ =	shalt  }
0x3f: {  	_ =	shalt  }
0x40: {  	_ =	shalt  }
0x41: {  	_ =	shalt  }
0x42: {  	_ =	shalt  }
0x43: {  	_ =	shalt  }
0x44: {  	_ =	shalt  }
0x45: {  	_ =	shalt  }
0x46: {  	_ =	shalt  }
0x47: {  	_ =	shalt  }
0x48: {  	_ =	shalt  }
0x49: {  	_ =	shalt  }
0x4a: {  	_ =	shalt  }
0x4b: {  	_ =	shalt  }
0x4c: {  	_ =	shalt  }
0x4d: {  	_ =	shalt  }
0x4e: {  	_ =	shalt  }
0x4f: {  	_ =	shalt  }
0x50: {  	_ =	shalt  }
0x51: {  	_ =	shalt  }
0x52: {  	_ =	shalt  }
0x53: {  	_ =	shalt  }
0x54: {  	_ =	shalt  }
0x55: {  	_ =	shalt  }
0x56: {  	_ =	shalt  }
0x57: {  	_ =	shalt  }
0x58: {  	_ =	shalt  }
0x59: {  	_ =	shalt  }
0x5a: {  	_ =	shalt  }
0x5b: {  	_ =	shalt  }
0x5c: {  	_ =	shalt  }
0x5d: {  	_ =	shalt  }
0x5e: {  	_ =	shalt  }
0x5f: {  	_ =	shalt  }
0x60: {  	_ =	shalt  }
0x61: {  	_ =	shalt  }
0x62: {  	_ =	shalt  }
0x63: {  	_ =	shalt  }
0x64: {  	_ =	shalt  }
0x65: {  	_ =	shalt  }
0x66: {  	_ =	shalt  }
0x67: {  	_ =	shalt  }
0x68: {  	_ =	shalt  }
0x69: {  	_ =	shalt  }
0x6a: {  	_ =	shalt  }
0x6b: {  	_ =	shalt  }
0x6c: {  	_ =	shalt  }
0x6d: {  	_ =	shalt  }
0x6e: {  	_ =	shalt  }
0x6f: {  	_ =	shalt  }
0x70: {  	_ =	shalt  }
0x71: {  	_ =	shalt  }
0x72: {  	_ =	shalt  }
0x73: {  	_ =	shalt  }
0x74: {  	_ =	shalt  }
0x75: {  	_ =	shalt  }
0x76: {  	_ =	shalt  }
0x77: {  	_ =	shalt  }
0x78: {  	_ =	shalt  }
0x79: {  	_ =	shalt  }
0x7a: {  	_ =	shalt  }
0x7b: {  	_ =	shalt  }
0x7c: {  	_ =	shalt  }
0x7d: {  	_ =	shalt  }
0x7e: {  	_ =	shalt  }
0x7f: {  	_ =	shalt  }
0x80: {  	_ =	shalt  }
0x81: {  	_ =	shalt  }
0x82: {  	_ =	shalt  }
0x83: {  	_ =	shalt  }
0x84: {  	_ =	shalt  }
0x85: {  	_ =	shalt  }
0x86: {  	_ =	shalt  }
0x87: {  	_ =	shalt  }
.Lfunc_end0:
.L_simem_size_0:
called_computation.2_lowered:
.L_overlay_start_0:
0x88: {  	s2 =	sld [smem:$0x3FD9]  }
0x89: {  	s3 =	sld [smem:$0x3FFE];
	_ =	sdelay $0x1  }
0x8a: {  	s1 =	srdreg.scid  }
0x8b: {  	s0 =	sand.u32 $0x1, s1  }
0x8c: {  	s14 =	sshll.u32 s0, $0xA;
	s2 =	sadd.s32 s3, s2  }
0x8d: {  	s2 =	sadd.s32 s2, s14  }
0x8e: {  	[smem:$0x3FC6] =	sst s2  }
0x8f: {  	_ = 	snop  }
0x90: {  	s2 =	sld [smem:$0x3FD0];
	_ =	sdelay $0x2  }
0x91: {  	s15 =	simm.s32 $0xA;
	s4 =	simm.s32 $0x10  }
0x92: {  	[smem:s4], [sflag:s15] =	dma.local [hbm:s2], $0x1  }
0x93: {  	_ =	swait.eq [sflag:s15], $0x1  }
0x94: {  	[sflag:s15] =	ssyncset.done $0x0  }
0x95: {  	s16 =	sld [smem:$0x10];
	[sflag:s15] =	ssyncadd.s32 $0xFFFFFFFF  }
0x96: {  	s17 =	sld [smem:$0x11];
	(tm) =	ssettm $0x1  }
0x97: {  	s18 =	sld [smem:$0x3FFB];
	_ =	sdelay $0x3  }
0x98: {  	_ =	strace s18  }
0x99: {  	s4 =	sld [smem:$0x3FFC];
	_ =	sdelay $0x3  }
0x9a: {  	_ =	strace s4  }
0x9b: {  	s4 =	sld [smem:$0x3FFD];
	_ =	sdelay $0x3  }
0x9c: {  	_ =	strace s4  }
0x9d: {  	_ =	strace $0x8FFFFFFF  }
0x9e: {  	s19 =	sld [smem:$0x3FDB];
	_ =	sdelay $0x1  }
0x9f: {  	s5 =	simm.s32 $_scs_section_size  }
0xa0: {  	s6 =	simm.s32 $_size__tile_overlayer_lowered;
	s7 =	simm.s32 $_tile_overlayer_lowered  }
0xa1: {  	s22 =	simm.s32 $0x1BFF;
	s21 =	sshll.u32 s7, $0x1;
	s4 =	sadd.s32 s5, s19  }
0xa2: {  	s8 =	simm.s32 $0x0;
	s20 =	sshll.u32 s6, $0x1;
	s6 =	sadd.s32 s21, s4  }
0xa3: {  	[timem:s8], [sflag:s22] =	dma.local [hbm:s6], s20  }
0xa4: {  	_ =	swait.ge [sflag:s22], s20  }
0xa5: {  	s5 =	ssub.s32 $0x0, s20;
	[sflag:s22] =	ssyncset.done $0x0  }
0xa6: {  	[sflag:s22] =	ssyncadd.s32 s5;
	_ =	sdelay $0x1  }
0xa7: {  	s23 =	simm.s32 $0x1B8B  }
0xa8: {  	_ =	swait.ge [sflag:s23], $0x1  }
0xa9: {  	[sflag:s23] =	ssyncset.done $0x0  }
0xaa: {  	s25 =	simm.s32 $0x1B8E;
	s24 =	sld [smem:$0x3FFE];
	[sflag:s23] =	ssyncadd.s32 $0xFFFFFFFF  }
0xab: {  	s26 =	simm.s32 $execute0_lowered;
	[smem:$0x3FD2] =	sst s25  }
0xac: {  	s6 =	sshll.u32 s26, $0x1;
	_ =	strace $0x8000004C;
	[dreg:$0x1] =	wrdreg $0xFFFFFFFF  }
0xad: {  	s28 =	simm.s32 $_size_execute0_lowered;
	s4 =	sadd.s32 s4, s6;
	[dreg:$0x0] =	wrdreg $0x0  }
0xae: {  	s6 =	sshll.u32 s28, $0x1;
	[dreg:$0x2] =	wrdreg s4  }
0xaf: {  	[dreg:$0x3] =	wrdreg s6  }
0xb0: {  	[dreg:$0x4] =	wrdreg $0xC0  }
0xb1: {  	_ =	task [dreg:s8], $0x5FFFF  }
0xb2: {  	[dreg:$0x1] =	wrdreg $0xFFFFFFFF  }
0xb3: {  	[dreg:$0x0] =	wrdreg $0x60  }
0xb4: {  	[dreg:$0x2] =	wrdreg s17  }
0xb5: {  	[dreg:$0x3] =	wrdreg s24  }
0xb6: {  	[dreg:$0x4] =	wrdreg s16  }
0xb7: {  	[dreg:$0x5] =	wrdreg $0x0  }
0xb8: {  	[dreg:$0x6] =	wrdreg $0x9  }
0xb9: {  	_ =	task.clear_ibuf [dreg:s8], $0x7FFFF;
	_ =	strace $0x9000004C  }
0xba: {  	s29 =	simm.s32 $0x9;
	_ =	strace $0x8000004E  }
0xbb: {  	_ =	swait.ge [sflag:s29], $0x1  }
0xbc: {  	[sflag:s29] =	ssyncadd.s32 $0xFFFFFFFF  }
0xbd: {  	_ =	strace $0x9000004E  }
0xbe: {  	_ =	sfence  }
0xbf: {  	s30 =	sld [smem:$0x0];
	_ =	sdelay $0x2  }
0xc0: {  	s31 =	sshll.u32 s1, $0xD;
	s1 =	sshrl.u32 s1, $0x2  }
0xc1: {  	s3 =	sand.u32 $0x4000, s31;
	s1 =	sadd.s32 s1, s30  }
0xc2: {  	s0 =	sor.u32 s3, s0;
	s1 =	sshll.u32 s1, $0x11  }
0xc3: {  	s0 =	sor.u32 s1, s0  }
0xc4: {  	s0 =	sadd.s32 $0x8F2B, s0  }
0xc5: {  	[sflag:s0] =	ssyncadd.remote.s32 $0x1  }
0xc6: {  	_ =	sfence.sel $0xFFFF  }
0xc7: {  	[dreg:$0x0] =	wrdreg $0xFFFFFFFF;
	(pc) =	sbr.abs _section_cstart, $3  }
0xc8: {  	[dreg:$0x1] =	wrdreg $0xFFFFFFFF  }
0xc9: {  	_ =	task.clear_ibuf [dreg:s8], $0x2FFFF;
	_ =	strace $0x9FFFFFFF  }
0xca: {  	(tm) =	ssettm $0x7FFFFFFF  }
0xcb: {  	_ =	shalt  }
tec
execute0_lowered:
.L_overlay_start_1:
0x0: {  	(tag) =	ssettag $0x1  }
0x1: {  	s0 =	rddreg [dreg:$0x0]  }
0x2: {  	s1 =	rddreg [dreg:$0x1];
	s2 =	srdreg.scid  }
0x3: {  	s11 =	stileid.u32;
	s3 =	rddreg [dreg:$0x3];
	s4 =	simm.s32 $0x0  }
0x4: {  	s14 =	simm.s32 $0x18C00;
	s21 =	simm.s32 $0x18880;
	s15 =	simm.s32 $0x32  }
0x5: {  	s22 =	simm.s32 $0x18900;
	s16 =	simm.s32 $0x19000;
	s23 =	simm.s32 $0x18980  }
0x6: {  	s24 =	simm.s32 $0x18C80;
	s25 =	simm.s32 $0x18D00;
	s26 =	simm.s32 $0x18D80  }
0x7: {  	s28 =	simm.s32 $0x18A80;
	s29 =	simm.s32 $0x7;
	s6 =	smul.u32 $0x1F400, s11  }
0x8: {  	s30 =	simm.s32 $0x18B00;
	s2 =	sand.u32 $0x1, s2;
	s7 =	smul.u32 $0x62000, s11  }
0x9: {  	[smem:$0x7FF] =	sst s4;
	s9 =	smul.u32 $0x18800, s11;
	s18 =	sshll.u32 s11, $0x6  }
0xa: {  	s11 =	smul.u32 $0x3E80, s11;
	_ =	strace $0x8000004D;
	[dreg:$0x7] =	wrdreg s21  }
0xb: {  	s31 =	simm.s32 $0x8;
	s5 =	smul.u32 $0x1F4000, s2;
	[dreg:$0x8] =	wrdreg s22  }
0xc: {  	s8 =	ssub.s32 $0x2, s2;
	s2 =	smul.u32 $0x188000, s2;
	[dreg:$0x9] =	wrdreg s23  }
0xd: {  	s13 =	sor.u32 $0x1C09, s18;
	s18 =	simm.s32 $0x1C800;
	[dreg:$0xa] =	wrdreg s24  }
0xe: {  	s21 =	simm.s32 $0x2;
	s22 =	simm.s32 $0x3;
	[dreg:$0xb] =	wrdreg s25  }
0xf: {  	s23 =	simm.s32 $0x4;
	[dreg:$0xc] =	wrdreg s26;
	s24 =	simm.s32 $0x5  }
0x10: {  	s25 =	simm.s32 $0x18A00;
	s26 =	simm.s32 $0x6;
	s10 =	sshrl.u32 s8, $0x1  }
0x11: {  	s7 =	sshrl.u32 s7, $0x2;
	s19 =	sadd.s32 $0xC400, s9;
	s0 =	sadd.s32 s11, s0  }
0x12: {  	s11 =	simm.s32 $0x9;
	s5 =	sadd.s32 s6, s5;
	s8 =	ssub.s32 s8, s10  }
0x13: {  	s7 =	sadd.s32 s7, s3;
	s9 =	sadd.s32 s9, s2;
	s12 =	sadd.s32 s19, s3  }
0x14: {  	s2 =	sadd.s32 s2, s19;
	[dreg:$0x6] =	wrdreg s0;
	s19 =	simm.s32 $0x1E400  }
0x15: {  	s0 =	simm.s32 $0x18E00;
	s5 =	sshrl.u32 s5, $0x3;
	s9 =	sshrl.u32 s9, $0x3  }
0x16: {  	s2 =	sshrl.u32 s2, $0x3;
	s20 =	smax.u32 s8, $0x1;
	s10 =	sshrl.u32 s7, $0x3  }
0x17: {  	s12 =	sshrl.u32 s12, $0x3;
	s17 =	sadd.s32 s5, s1;
	[dreg:$0x10] =	wrdreg s20  }
0x18: {  	s5 =	sadd.s32 $0x21FA00, s1;
	s1 =	sadd.s32 $0x469A00, s1;
	[dreg:$0x11] =	wrdreg s10  }
0x19: {  	s7 =	simm.s32 $0x18F00;
	[dreg:$0x12] =	wrdreg s12;
	s9 =	sadd.s32 s1, s9  }
0x1a: {  	s8 =	simm.s32 $0x18F80;
	s6 =	sadd.s32 $0xDF400, s17;
	[dreg:$0xe] =	wrdreg s9  }
0x1b: {  	s20 =	simm.s32 $0x1;
	s1 =	sadd.s32 s1, s2;
	[dreg:$0x5] =	wrdreg s6  }
0x1c: {  	s17 =	simm.s32 $0x1AC00;
	[dreg:$0xf] =	wrdreg s1;
	s6 =	simm.s32 $0x0  }
0x1d: {  	s2 =	simm.s32 $0x18E80;
	s9 =	smov.u32 s13;
	[dreg:$0x13] =	wrdreg s6  }
0x1e: {  	s13 =	simm.s32 $0x18800;
	s1 =	simm.s32 $0x18B80;
	[dreg:$0xd] =	wrdreg s9  }
.LBB2_1:
0x1f: {  	s6 =	rddreg [dreg:$0x2]  }
0x20: {  	[spmem:s10], [sflag:s9] =	dma.local [hbm:s6], $0x1880  }
0x21: {  	_ =	swait.ge [sflag:s11], $0x1880  }
0x22: {  	[sflag:s11] =	ssyncset.done $0x0  }
0x23: {  	[sflag:s11] =	ssyncadd.s32 $0xFFFFE780  }
0x24: {  	[spmem:s12], [sflag:s9] =	dma.local [hbm:s6], $0x1880  }
0x25: {  	_ =	swait.ge [sflag:s11], $0x1880  }
0x26: {  	[sflag:s11] =	ssyncset.done $0x0  }
0x27: {  	[sflag:s11] =	ssyncadd.s32 $0xFFFFE780  }
0x28: {  	[bflag:$0x0] =	sbarrier.arrive $0xFFFF  }
0x29: {  	s9 =	rddreg [dreg:$0x6]  }
0x2a: {  	s6 =	sadd.s32 $0x0, s9  }
0x2b: {  	[tilespmem:s13], [sflag:$0x9] =	stream.linear.gather [hbm4b:s6+s4], $0x400, $0x38;
	v63 =	vld [tilespmem:$0x0]  }
0x2c: {  	_ =	swait.ge [sflag:s11], $0x400  }
0x2d: {  	s10 =	rddreg [dreg:$0x5];
	[sflag:s11] =	ssyncset.done $0x0  }
0x2e: {  	[sflag:s11] =	ssyncadd.s32 $0xFFFFFC00;
	s6 =	sadd.s32 $0x0, s10  }
0x2f: {  	[tilespmem:s14], [sflag:$0x9] =	stream.linear.gather [hbm4b:s6+s4], $0x400, $0x38;
	v63 =	vld [tilespmem:$0x0]  }
0x30: {  	_ =	swait.ge [sflag:s11], $0x400  }
0x31: {  	[sflag:s11] =	ssyncset.done $0x0  }
0x32: {  	[sflag:s11] =	ssyncadd.s32 $0xFFFFFC00  }
0x33: {  	[tilespmem:s16], [sflag:$0x1] =	stream.indirect.gather [hbm4b:s5+s15], $0x80, s13, s15, $0xb8;
	v63 =	vld [tilespmem:$0x0]  }
0x34: {  	s12 =	rddreg [dreg:$0x7]  }
0x35: {  	[tilespmem:s17], [sflag:$0x2] =	stream.indirect.gather [hbm4b:s5+s15], $0x80, s12, s15, $0xb8;
	v63 =	vld [tilespmem:$0x0]  }
0x36: {  	s9 =	rddreg [dreg:$0x8]  }
0x37: {  	[tilespmem:s18], [sflag:$0x3] =	stream.indirect.gather [hbm4b:s5+s15], $0x80, s9, s15, $0xb8;
	v63 =	vld [tilespmem:$0x0]  }
0x38: {  	s12 =	rddreg [dreg:$0x9]  }
0x39: {  	[tilespmem:s19], [sflag:$0x4] =	stream.indirect.gather [hbm4b:s5+s15], $0x80, s12, s15, $0xb8;
	v63 =	vld [tilespmem:$0x0]  }
0x3a: {  	_ =	swait.ge [sflag:s20], $0x1900  }
0x3b: {  	[sflag:s20] =	ssyncset.done $0x0  }
0x3c: {  	[sflag:s20] =	ssyncadd.s32 $0xFFFFE700  }
0x3d: {  	[spmem:s3] =	stream.indirect.scatter.add.f32 [tilespmem:s16], [sflag:$0x5], $0x80, s14, s15, $0xb8;
	v63 =	vld [tilespmem:$0x0]  }
0x3e: {  	_ =	swait.ge [sflag:s21], $0x1900  }
0x3f: {  	[sflag:s21] =	ssyncset.done $0x0  }
0x40: {  	s9 =	rddreg [dreg:$0xa];
	[sflag:s21] =	ssyncadd.s32 $0xFFFFE700  }
0x41: {  	[spmem:s3] =	stream.indirect.scatter.add.f32 [tilespmem:s17], [sflag:$0x6], $0x80, s9, s15, $0xb8;
	v63 =	vld [tilespmem:$0x0]  }
0x42: {  	_ =	swait.ge [sflag:s22], $0x1900  }
0x43: {  	[sflag:s22] =	ssyncset.done $0x0  }
0x44: {  	s10 =	rddreg [dreg:$0xb];
	[sflag:s22] =	ssyncadd.s32 $0xFFFFE700  }
0x45: {  	[spmem:s3] =	stream.indirect.scatter.add.f32 [tilespmem:s18], [sflag:$0x7], $0x80, s10, s15, $0xb8;
	v63 =	vld [tilespmem:$0x0]  }
0x46: {  	_ =	swait.ge [sflag:s23], $0x1900  }
0x47: {  	[sflag:s23] =	ssyncset.done $0x0  }
0x48: {  	s12 =	rddreg [dreg:$0xc];
	[sflag:s23] =	ssyncadd.s32 $0xFFFFE700  }
0x49: {  	[spmem:s3] =	stream.indirect.scatter.add.f32 [tilespmem:s19], [sflag:$0x8], $0x80, s12, s15, $0xb8;
	v63 =	vld [tilespmem:$0x0]  }
0x4a: {  	_ =	swait.ge [sflag:s24], $0x1900  }
0x4b: {  	[sflag:s24] =	ssyncset.done $0x0  }
0x4c: {  	[sflag:s24] =	ssyncadd.s32 $0xFFFFE700  }
0x4d: {  	[tilespmem:s16], [sflag:$0x1] =	stream.indirect.gather [hbm4b:s5+s15], $0x80, s25, s15, $0xb8;
	v63 =	vld [tilespmem:$0x0]  }
0x4e: {  	_ =	swait.ge [sflag:s26], $0x1900  }
0x4f: {  	[sflag:s26] =	ssyncset.done $0x0  }
0x50: {  	[sflag:s26] =	ssyncadd.s32 $0xFFFFE700  }
0x51: {  	[tilespmem:s17], [sflag:$0x2] =	stream.indirect.gather [hbm4b:s5+s15], $0x80, s28, s15, $0xb8;
	v63 =	vld [tilespmem:$0x0]  }
0x52: {  	_ =	swait.ge [sflag:s29], $0x1900  }
0x53: {  	[sflag:s29] =	ssyncset.done $0x0  }
0x54: {  	[sflag:s29] =	ssyncadd.s32 $0xFFFFE700  }
0x55: {  	[tilespmem:s18], [sflag:$0x3] =	stream.indirect.gather [hbm4b:s5+s15], $0x80, s30, s15, $0xb8;
	v63 =	vld [tilespmem:$0x0]  }
0x56: {  	_ =	swait.ge [sflag:s31], $0x1900  }
0x57: {  	[sflag:s31] =	ssyncset.done $0x0  }
0x58: {  	[sflag:s31] =	ssyncadd.s32 $0xFFFFE700  }
0x59: {  	[tilespmem:s19], [sflag:$0x4] =	stream.indirect.gather [hbm4b:s5+s15], $0x80, s1, s15, $0xb8;
	v63 =	vld [tilespmem:$0x0]  }
0x5a: {  	_ =	swait.ge [sflag:s20], $0x1900  }
0x5b: {  	[sflag:s20] =	ssyncset.done $0x0  }
0x5c: {  	[sflag:s20] =	ssyncadd.s32 $0xFFFFE700  }
0x5d: {  	[spmem:s3] =	stream.indirect.scatter.add.f32 [tilespmem:s16], [sflag:$0x5], $0x80, s0, s15, $0xb8;
	v63 =	vld [tilespmem:$0x0]  }
0x5e: {  	_ =	swait.ge [sflag:s21], $0x1900  }
0x5f: {  	[sflag:s21] =	ssyncset.done $0x0  }
0x60: {  	[sflag:s21] =	ssyncadd.s32 $0xFFFFE700  }
0x61: {  	[spmem:s3] =	stream.indirect.scatter.add.f32 [tilespmem:s17], [sflag:$0x6], $0x80, s2, s15, $0xb8;
	v63 =	vld [tilespmem:$0x0]  }
0x62: {  	_ =	swait.ge [sflag:s22], $0x1900  }
0x63: {  	[sflag:s22] =	ssyncset.done $0x0  }
0x64: {  	[sflag:s22] =	ssyncadd.s32 $0xFFFFE700  }
0x65: {  	[spmem:s3] =	stream.indirect.scatter.add.f32 [tilespmem:s18], [sflag:$0x7], $0x80, s7, s15, $0xb8;
	v63 =	vld [tilespmem:$0x0]  }
0x66: {  	_ =	swait.ge [sflag:s23], $0x1900  }
0x67: {  	[sflag:s23] =	ssyncset.done $0x0  }
0x68: {  	[sflag:s23] =	ssyncadd.s32 $0xFFFFE700  }
0x69: {  	[spmem:s3] =	stream.indirect.scatter.add.f32 [tilespmem:s19], [sflag:$0x8], $0x80, s8, s15, $0xb8;
	v63 =	vld [tilespmem:$0x0]  }
0x6a: {  	_ =	swait.ge [sflag:s24], $0x1900  }
0x6b: {  	[sflag:s24] =	ssyncset.done $0x0  }
0x6c: {  	[sflag:s24] =	ssyncadd.s32 $0xFFFFE700  }
0x6d: {  	_ =	swait.ge [sflag:s26], $0x1900  }
0x6e: {  	[sflag:s26] =	ssyncset.done $0x0  }
0x6f: {  	[sflag:s26] =	ssyncadd.s32 $0xFFFFE700  }
0x70: {  	_ =	swait.ge [sflag:s29], $0x1900  }
0x71: {  	[sflag:s29] =	ssyncset.done $0x0  }
0x72: {  	[sflag:s29] =	ssyncadd.s32 $0xFFFFE700  }
0x73: {  	s10 =	simm.s32 $0x80;
	_ =	swait.ge [sflag:s31], $0x1900  }
0x74: {  	s12 =	simm.s32 $0x100;
	s6 =	rddreg [dreg:$0x6];
	[sflag:s31] =	ssyncset.done $0x0  }
.LBB2_2:
0x75: {  	[sflag:s31] =	ssyncadd.s32 $0xFFFFE700;
	s6 =	sadd.s32 s10, s6  }
0x76: {  	[tilespmem:s13], [sflag:$0x9] =	stream.linear.gather [hbm4b:s6+s4], $0x400, $0x38;
	v63 =	vld [tilespmem:$0x0]  }
0x77: {  	_ =	swait.ge [sflag:s11], $0x400  }
0x78: {  	s6 =	rddreg [dreg:$0x5];
	[sflag:s11] =	ssyncset.done $0x0  }
0x79: {  	[sflag:s11] =	ssyncadd.s32 $0xFFFFFC00;
	s6 =	sadd.s32 s10, s6  }
0x7a: {  	[tilespmem:s14], [sflag:$0x9] =	stream.linear.gather [hbm4b:s6+s4], $0x400, $0x38;
	v63 =	vld [tilespmem:$0x0]  }
0x7b: {  	_ =	swait.ge [sflag:s11], $0x400  }
0x7c: {  	[sflag:s11] =	ssyncset.done $0x0  }
0x7d: {  	[sflag:s11] =	ssyncadd.s32 $0xFFFFFC00  }
0x7e: {  	[tilespmem:s16], [sflag:$0x1] =	stream.indirect.gather [hbm4b:s5+s15], $0x80, s13, s15, $0xb8;
	v63 =	vld [tilespmem:$0x0]  }
0x7f: {  	s9 =	smov.u32 s12;
	s6 =	rddreg [dreg:$0x7]  }
0x80: {  	[tilespmem:s17], [sflag:$0x2] =	stream.indirect.gather [hbm4b:s5+s15], $0x80, s6, s15, $0xb8;
	v63 =	vld [tilespmem:$0x0]  }
0x81: {  	s10 =	smov.u32 s9;
	s9 =	rddreg [dreg:$0x8]  }
0x82: {  	[tilespmem:s18], [sflag:$0x3] =	stream.indirect.gather [hbm4b:s5+s15], $0x80, s9, s15, $0xb8;
	v63 =	vld [tilespmem:$0x0]  }
0x83: {  	s6 =	rddreg [dreg:$0x9]  }
0x84: {  	[tilespmem:s19], [sflag:$0x4] =	stream.indirect.gather [hbm4b:s5+s15], $0x80, s6, s15, $0xb8;
	v63 =	vld [tilespmem:$0x0]  }
0x85: {  	_ =	swait.ge [sflag:s20], $0x1900  }
0x86: {  	[sflag:s20] =	ssyncset.done $0x0  }
0x87: {  	[sflag:s20] =	ssyncadd.s32 $0xFFFFE700  }
0x88: {  	[spmem:s3] =	stream.indirect.scatter.add.f32 [tilespmem:s16], [sflag:$0x5], $0x80, s14, s15, $0xb8;
	v63 =	vld [tilespmem:$0x0]  }
0x89: {  	_ =	swait.ge [sflag:s21], $0x1900  }
0x8a: {  	[sflag:s21] =	ssyncset.done $0x0  }
0x8b: {  	s9 =	rddreg [dreg:$0xa];
	[sflag:s21] =	ssyncadd.s32 $0xFFFFE700  }
0x8c: {  	[spmem:s3] =	stream.indirect.scatter.add.f32 [tilespmem:s17], [sflag:$0x6], $0x80, s9, s15, $0xb8;
	v63 =	vld [tilespmem:$0x0]  }
0x8d: {  	_ =	swait.ge [sflag:s22], $0x1900  }
0x8e: {  	[sflag:s22] =	ssyncset.done $0x0  }
0x8f: {  	s9 =	rddreg [dreg:$0xb];
	[sflag:s22] =	ssyncadd.s32 $0xFFFFE700  }
0x90: {  	[spmem:s3] =	stream.indirect.scatter.add.f32 [tilespmem:s18], [sflag:$0x7], $0x80, s9, s15, $0xb8;
	v63 =	vld [tilespmem:$0x0]  }
0x91: {  	_ =	swait.ge [sflag:s23], $0x1900  }
0x92: {  	[sflag:s23] =	ssyncset.done $0x0  }
0x93: {  	s9 =	rddreg [dreg:$0xc];
	[sflag:s23] =	ssyncadd.s32 $0xFFFFE700  }
0x94: {  	[spmem:s3] =	stream.indirect.scatter.add.f32 [tilespmem:s19], [sflag:$0x8], $0x80, s9, s15, $0xb8;
	v63 =	vld [tilespmem:$0x0]  }
0x95: {  	_ =	swait.ge [sflag:s24], $0x1900  }
0x96: {  	[sflag:s24] =	ssyncset.done $0x0  }
0x97: {  	[sflag:s24] =	ssyncadd.s32 $0xFFFFE700  }
0x98: {  	[tilespmem:s16], [sflag:$0x1] =	stream.indirect.gather [hbm4b:s5+s15], $0x80, s25, s15, $0xb8;
	v63 =	vld [tilespmem:$0x0]  }
0x99: {  	_ =	swait.ge [sflag:s26], $0x1900  }
0x9a: {  	[sflag:s26] =	ssyncset.done $0x0  }
0x9b: {  	[sflag:s26] =	ssyncadd.s32 $0xFFFFE700  }
0x9c: {  	[tilespmem:s17], [sflag:$0x2] =	stream.indirect.gather [hbm4b:s5+s15], $0x80, s28, s15, $0xb8;
	v63 =	vld [tilespmem:$0x0]  }
0x9d: {  	_ =	swait.ge [sflag:s29], $0x1900  }
0x9e: {  	[sflag:s29] =	ssyncset.done $0x0  }
0x9f: {  	[sflag:s29] =	ssyncadd.s32 $0xFFFFE700  }
0xa0: {  	[tilespmem:s18], [sflag:$0x3] =	stream.indirect.gather [hbm4b:s5+s15], $0x80, s30, s15, $0xb8;
	v63 =	vld [tilespmem:$0x0]  }
0xa1: {  	_ =	swait.ge [sflag:s31], $0x1900  }
0xa2: {  	[sflag:s31] =	ssyncset.done $0x0  }
0xa3: {  	[sflag:s31] =	ssyncadd.s32 $0xFFFFE700  }
0xa4: {  	[tilespmem:s19], [sflag:$0x4] =	stream.indirect.gather [hbm4b:s5+s15], $0x80, s1, s15, $0xb8;
	v63 =	vld [tilespmem:$0x0]  }
0xa5: {  	_ =	swait.ge [sflag:s20], $0x1900  }
0xa6: {  	[sflag:s20] =	ssyncset.done $0x0  }
0xa7: {  	[sflag:s20] =	ssyncadd.s32 $0xFFFFE700  }
0xa8: {  	[spmem:s3] =	stream.indirect.scatter.add.f32 [tilespmem:s16], [sflag:$0x5], $0x80, s0, s15, $0xb8;
	v63 =	vld [tilespmem:$0x0]  }
0xa9: {  	_ =	swait.ge [sflag:s21], $0x1900  }
0xaa: {  	[sflag:s21] =	ssyncset.done $0x0  }
0xab: {  	[sflag:s21] =	ssyncadd.s32 $0xFFFFE700  }
0xac: {  	[spmem:s3] =	stream.indirect.scatter.add.f32 [tilespmem:s17], [sflag:$0x6], $0x80, s2, s15, $0xb8;
	v63 =	vld [tilespmem:$0x0]  }
0xad: {  	_ =	swait.ge [sflag:s22], $0x1900  }
0xae: {  	[sflag:s22] =	ssyncset.done $0x0  }
0xaf: {  	[sflag:s22] =	ssyncadd.s32 $0xFFFFE700  }
0xb0: {  	[spmem:s3] =	stream.indirect.scatter.add.f32 [tilespmem:s18], [sflag:$0x7], $0x80, s7, s15, $0xb8;
	v63 =	vld [tilespmem:$0x0]  }
0xb1: {  	_ =	swait.ge [sflag:s23], $0x1900  }
0xb2: {  	[sflag:s23] =	ssyncset.done $0x0  }
0xb3: {  	[sflag:s23] =	ssyncadd.s32 $0xFFFFE700  }
0xb4: {  	[spmem:s3] =	stream.indirect.scatter.add.f32 [tilespmem:s19], [sflag:$0x8], $0x80, s8, s15, $0xb8;
	v63 =	vld [tilespmem:$0x0]  }
0xb5: {  	_ =	swait.ge [sflag:s24], $0x1900  }
0xb6: {  	[sflag:s24] =	ssyncset.done $0x0  }
0xb7: {  	[sflag:s24] =	ssyncadd.s32 $0xFFFFE700  }
0xb8: {  	_ =	swait.ge [sflag:s26], $0x1900  }
0xb9: {  	[sflag:s26] =	ssyncset.done $0x0  }
0xba: {  	p0 =	sne.s32 s12, $0x3E00;
	[sflag:s26] =	ssyncadd.s32 $0xFFFFE700  }
.Ltmp0:
0xbb: {  	_ =	swait.ge [sflag:s29], $0x1900;
	(pc) =	sbr.rel @p0 .LBB2_2-.Ltmp0, $4  }
0xbc: {  	[sflag:s29] =	ssyncset.done $0x0  }
0xbd: {  	[sflag:s29] =	ssyncadd.s32 $0xFFFFE700  }
0xbe: {  	_ =	swait.ge [sflag:s31], $0x1900  }
0xbf: {  	s12 =	sadd.s32 $0x80, s12;
	s6 =	rddreg [dreg:$0x6];
	[sflag:s31] =	ssyncset.done $0x0  }
0xc0: {  	[sflag:s31] =	ssyncadd.s32 $0xFFFFE700;
	s6 =	sadd.s32 s10, s6  }
0xc1: {  	[tilespmem:s13], [sflag:$0x9] =	stream.linear.gather [hbm4b:s6+s4], $0x400, $0x38;
	v63 =	vld [tilespmem:$0x0]  }
0xc2: {  	_ =	swait.ge [sflag:s11], $0x400  }
0xc3: {  	s9 =	rddreg [dreg:$0x5];
	[sflag:s11] =	ssyncset.done $0x0  }
0xc4: {  	[sflag:s11] =	ssyncadd.s32 $0xFFFFFC00;
	s6 =	sadd.s32 s10, s9  }
0xc5: {  	[tilespmem:s14], [sflag:$0x9] =	stream.linear.gather [hbm4b:s6+s4], $0x400, $0x38;
	v63 =	vld [tilespmem:$0x0]  }
0xc6: {  	_ =	swait.ge [sflag:s11], $0x400  }
0xc7: {  	[sflag:s11] =	ssyncset.done $0x0  }
0xc8: {  	[sflag:s11] =	ssyncadd.s32 $0xFFFFFC00  }
0xc9: {  	[tilespmem:s16], [sflag:$0x1] =	stream.indirect.gather [hbm4b:s5+s15], $0x80, s13, s15, $0xb8;
	v63 =	vld [tilespmem:$0x0]  }
0xca: {  	s10 =	rddreg [dreg:$0x7]  }
0xcb: {  	[tilespmem:s17], [sflag:$0x2] =	stream.indirect.gather [hbm4b:s5+s15], $0x80, s10, s15, $0xb8;
	v63 =	vld [tilespmem:$0x0]  }
0xcc: {  	s9 =	rddreg [dreg:$0x8]  }
0xcd: {  	[tilespmem:s18], [sflag:$0x3] =	stream.indirect.gather [hbm4b:s5+s15], $0x80, s9, s15, $0xb8;
	v63 =	vld [tilespmem:$0x0]  }
0xce: {  	s12 =	rddreg [dreg:$0x9]  }
0xcf: {  	[tilespmem:s19], [sflag:$0x4] =	stream.indirect.gather [hbm4b:s5+s15], $0x80, s12, s15, $0xb8;
	v63 =	vld [tilespmem:$0x0]  }
0xd0: {  	_ =	swait.ge [sflag:s20], $0x1900  }
0xd1: {  	[sflag:s20] =	ssyncset.done $0x0  }
0xd2: {  	[sflag:s20] =	ssyncadd.s32 $0xFFFFE700  }
0xd3: {  	[spmem:s3] =	stream.indirect.scatter.add.f32 [tilespmem:s16], [sflag:$0x5], $0x80, s14, s15, $0xb8;
	v63 =	vld [tilespmem:$0x0]  }
0xd4: {  	_ =	swait.ge [sflag:s21], $0x1900  }
0xd5: {  	[sflag:s21] =	ssyncset.done $0x0  }
0xd6: {  	s10 =	rddreg [dreg:$0xa];
	[sflag:s21] =	ssyncadd.s32 $0xFFFFE700  }
0xd7: {  	[spmem:s3] =	stream.indirect.scatter.add.f32 [tilespmem:s17], [sflag:$0x6], $0x80, s10, s15, $0xb8;
	v63 =	vld [tilespmem:$0x0]  }
0xd8: {  	_ =	swait.ge [sflag:s22], $0x1900  }
0xd9: {  	[sflag:s22] =	ssyncset.done $0x0  }
0xda: {  	s12 =	rddreg [dreg:$0xb];
	[sflag:s22] =	ssyncadd.s32 $0xFFFFE700  }
0xdb: {  	[spmem:s3] =	stream.indirect.scatter.add.f32 [tilespmem:s18], [sflag:$0x7], $0x80, s12, s15, $0xb8;
	v63 =	vld [tilespmem:$0x0]  }
0xdc: {  	_ =	swait.ge [sflag:s23], $0x1900  }
0xdd: {  	[sflag:s23] =	ssyncset.done $0x0  }
0xde: {  	s9 =	rddreg [dreg:$0xc];
	[sflag:s23] =	ssyncadd.s32 $0xFFFFE700  }
0xdf: {  	[spmem:s3] =	stream.indirect.scatter.add.f32 [tilespmem:s19], [sflag:$0x8], $0x80, s9, s15, $0xb8;
	v63 =	vld [tilespmem:$0x0]  }
0xe0: {  	_ =	swait.ge [sflag:s24], $0x1900  }
0xe1: {  	[sflag:s24] =	ssyncset.done $0x0  }
0xe2: {  	[sflag:s24] =	ssyncadd.s32 $0xFFFFE700  }
0xe3: {  	[tilespmem:s16], [sflag:$0x1] =	stream.indirect.gather [hbm4b:s5+s15], $0x80, s25, s15, $0xb8;
	v63 =	vld [tilespmem:$0x0]  }
0xe4: {  	_ =	swait.ge [sflag:s26], $0x1900  }
0xe5: {  	[sflag:s26] =	ssyncset.done $0x0  }
0xe6: {  	[sflag:s26] =	ssyncadd.s32 $0xFFFFE700  }
0xe7: {  	[tilespmem:s17], [sflag:$0x2] =	stream.indirect.gather [hbm4b:s5+s15], $0x80, s28, s15, $0xb8;
	v63 =	vld [tilespmem:$0x0]  }
0xe8: {  	_ =	swait.ge [sflag:s29], $0x1900  }
0xe9: {  	[sflag:s29] =	ssyncset.done $0x0  }
0xea: {  	[sflag:s29] =	ssyncadd.s32 $0xFFFFE700  }
0xeb: {  	[tilespmem:s18], [sflag:$0x3] =	stream.indirect.gather [hbm4b:s5+s15], $0x80, s30, s15, $0xb8;
	v63 =	vld [tilespmem:$0x0]  }
0xec: {  	_ =	swait.ge [sflag:s31], $0x1900  }
0xed: {  	[sflag:s31] =	ssyncset.done $0x0  }
0xee: {  	[sflag:s31] =	ssyncadd.s32 $0xFFFFE700  }
0xef: {  	[tilespmem:s19], [sflag:$0x4] =	stream.indirect.gather [hbm4b:s5+s15], $0x80, s1, s15, $0xb8;
	v63 =	vld [tilespmem:$0x0]  }
0xf0: {  	_ =	swait.ge [sflag:s20], $0x1900  }
0xf1: {  	[sflag:s20] =	ssyncset.done $0x0  }
0xf2: {  	[sflag:s20] =	ssyncadd.s32 $0xFFFFE700  }
0xf3: {  	[spmem:s3] =	stream.indirect.scatter.add.f32 [tilespmem:s16], [sflag:$0x5], $0x80, s0, s15, $0xb8;
	v63 =	vld [tilespmem:$0x0]  }
0xf4: {  	_ =	swait.ge [sflag:s21], $0x1900  }
0xf5: {  	[sflag:s21] =	ssyncset.done $0x0  }
0xf6: {  	[sflag:s21] =	ssyncadd.s32 $0xFFFFE700  }
0xf7: {  	[spmem:s3] =	stream.indirect.scatter.add.f32 [tilespmem:s17], [sflag:$0x6], $0x80, s2, s15, $0xb8;
	v63 =	vld [tilespmem:$0x0]  }
0xf8: {  	_ =	swait.ge [sflag:s22], $0x1900  }
0xf9: {  	[sflag:s22] =	ssyncset.done $0x0  }
0xfa: {  	[sflag:s22] =	ssyncadd.s32 $0xFFFFE700  }
0xfb: {  	[spmem:s3] =	stream.indirect.scatter.add.f32 [tilespmem:s18], [sflag:$0x7], $0x80, s7, s15, $0xb8;
	v63 =	vld [tilespmem:$0x0]  }
0xfc: {  	_ =	swait.ge [sflag:s23], $0x1900  }
0xfd: {  	[sflag:s23] =	ssyncset.done $0x0  }
0xfe: {  	[sflag:s23] =	ssyncadd.s32 $0xFFFFE700  }
0xff: {  	[spmem:s3] =	stream.indirect.scatter.add.f32 [tilespmem:s19], [sflag:$0x8], $0x80, s8, s15, $0xb8;
	v63 =	vld [tilespmem:$0x0]  }
0x100: {  	_ =	swait.ge [sflag:s24], $0x1900  }
0x101: {  	[sflag:s24] =	ssyncset.done $0x0  }
0x102: {  	[sflag:s24] =	ssyncadd.s32 $0xFFFFE700  }
0x103: {  	_ =	swait.ge [sflag:s26], $0x1900  }
0x104: {  	[sflag:s26] =	ssyncset.done $0x0  }
0x105: {  	[sflag:s26] =	ssyncadd.s32 $0xFFFFE700  }
0x106: {  	_ =	swait.ge [sflag:s29], $0x1900  }
0x107: {  	[sflag:s29] =	ssyncset.done $0x0  }
0x108: {  	[sflag:s29] =	ssyncadd.s32 $0xFFFFE700  }
0x109: {  	_ =	swait.ge [sflag:s31], $0x1900  }
0x10a: {  	[sflag:s31] =	ssyncset.done $0x0  }
0x10b: {  	[sflag:s31] =	ssyncadd.s32 $0xFFFFE700  }
0x10c: {  	[bflag:$0x0] =	sbarrier.arrive $0xFFFF  }
0x10d: {  	s9 =	rddreg [dreg:$0xd]  }
0x10e: {  	s10 =	rddreg [dreg:$0xe]  }
0x10f: {  	s12 =	rddreg [dreg:$0x11]  }
0x110: {  	[hbm:s10], [sflag:s9] =	dma.local [spmem:s12], $0x1880  }
0x111: {  	_ =	swait.ge [sflag:s11], $0x1880  }
0x112: {  	[sflag:s11] =	ssyncset.done $0x0;
	s10 =	rddreg [dreg:$0xf]  }
0x113: {  	s12 =	rddreg [dreg:$0x12];
	[sflag:s11] =	ssyncadd.s32 $0xFFFFE780  }
0x114: {  	[hbm:s10], [sflag:s9] =	dma.local [spmem:s12], $0x1880  }
0x115: {  	_ =	swait.ge [sflag:s11], $0x1880  }
0x116: {  	s6 =	rddreg [dreg:$0x13]  }
0x117: {  	s10 =	sadd.s32 $0x1, s6;
	s6 =	rddreg [dreg:$0x10]  }
0x118: {  	p0 =	sne.s32 s10, s6  }
.Ltmp1:
0x119: {  	_ = 	snop;
	(pc) =	sbr.rel @p0 .LBB2_1-.Ltmp1, $3  }
0x11a: {  	_ =	sdelay $0x1  }
0x11b: {  	[sflag:s11] =	ssyncset.done $0x0;
	[dreg:$0x13] =	wrdreg s10  }
0x11c: {  	[sflag:s11] =	ssyncadd.s32 $0xFFFFE780;
	s10 =	rddreg [dreg:$0x11]  }
0x11d: {  	_ =	sfence.sel $0x180000  }
0x11e: {  	[bflag:$0x0] =	sbarrier.arrive $0xFFFF  }
0x11f: {  	_ =	strace $0x9000004D  }
0x120: {  	s0 =	stileid.u32;
	[bflag:$0x2] =	sbarrier.arrive $0xFFFF  }
0x121: {  	p0 =	sne.s32 s0, $0x0;
	s0 =	rddreg [dreg:$0x4]  }
0x122: {  	s0 =	sadd.s32 @!p0 $0x100000, s0  }
0x123: {  	[sflag:s0] =	ssyncadd.tile.s32 @!p0 $0x1;
	_ =	shalt  }
.Lfunc_end2:
_tile_overlayer_lowered:
.L_overlay_start_2:
0x124: {  	(tag) =	ssettag $0x2  }
0x125: {  	s0 =	rddreg [dreg:$0x0];
	s2 =	stileid.u32  }
0x126: {  	s1 =	rddreg [dreg:$0x1];
	p0 =	sne.s32 s2, $0x0  }
0x127: {  	s3 =	rddreg [dreg:$0x2];
	[bflag:$0x3] =	sbarrier.arrive $0xFFFF;
	s2 =	simm.s32 @!p0 $0x1C09  }
0x128: {  	[timem:s3], [sflag:s2] =	dma.local @!p0 [hbm:s0], s1  }
0x129: {  	s0 =	simm.s32 @!p0 $0x9  }
0x12a: {  	_ =	swait.ge @!p0 [sflag:s0], s1  }
0x12b: {  	s1 =	ssub.s32 @!p0 $0x0, s1;
	[sflag:s0] =	ssyncset.done @!p0 $0x0  }
0x12c: {  	[sflag:s0] =	ssyncadd.s32 @!p0 s1  }
0x12d: {  	[bflag:$0x3] =	sbarrier.arrive $0xFFFF  }
0x12e: {  	_ =	shalt  }

// kernel: kernel.19.cloned.1.call-start
scs
__scs_entry_jumppad:
0x0: {  	(pc) =	sbr.rel $0x88, $3  }
0x1: {  	(tag) =	ssettag $0x0;
	lr =	simm.s32 $0x1  }
0x2: {  	[smem:$0x3F9F] =	sst lr;
	_ =	strace $0xD0000000  }
0x3: {  	_ = 	snop  }
0x4: {  	_ = 	snop  }
0x5: {  	_ = 	snop  }
0x6: {  	_ = 	snop  }
0x7: {  	_ = 	snop  }
__scs_overlays_trampoline_lowered:
0x8: {  	[smem:$0x3FAE] =	sst s0  }
0x9: {  	[smem:$0x3FAF] =	sst s1  }
0xa: {  	[smem:$0x3FB0] =	sst s2  }
0xb: {  	[smem:$0x3FB1] =	sst s3  }
0xc: {  	[smem:$0x3FB2] =	sst s4  }
0xd: {  	[smem:$0x3FB3] =	sst s5  }
0xe: {  	[smem:$0x3FB4] =	sst s6  }
0xf: {  	[smem:$0x3FB5] =	sst s7  }
0x10: {  	[smem:$0x3FB6] =	sst s8  }
0x11: {  	[smem:$0x3FB7] =	sst s9;
	s0 =	simm.s32 @!p0 $0x0  }
0x12: {  	s1 =	sld [smem:$0x3F9D];
	s0 =	simm.s32 @p0 $0x1  }
0x13: {  	[smem:$0x3FB8] =	sst s0;
	s0 =	simm.s32 @!p1 $0x0  }
0x14: {  	s2 =	sld [smem:$0x3F9C];
	s0 =	simm.s32 @p1 $0x1  }
0x15: {  	[smem:$0x3FB9] =	sst s0;
	s0 =	simm.s32 @!p2 $0x0  }
0x16: {  	s3 =	sld [smem:$0x3FDB];
	s0 =	simm.s32 @p2 $0x1  }
0x17: {  	s4 =	simm.s32 $0x1BF5;
	[smem:$0x3FBB] =	sst s0  }
0x18: {  	s0 =	sld [smem:$0x3F9E];
	_ =	swait.ge [sflag:s4], $0x0  }
0x19: {  	s7 =	sld [smem:$0x3F9F]  }
0x1a: {  	s8 =	sadd.s32 $0xFFFFE003, lr  }
0x1b: {  	s9 =	sadd.s32 $0xFFFFFEF7, lr;
	s5 =	simm.s32 $0xFFFFFFFF;
	p2 =	slt.u32 s8, $0xFFFFF086  }
0x1c: {  	p1 =	slt.u32 s9, $0xF7A;
	s5 =	simm.s32 @!p2 $0x0  }
0x1d: {  	s5 =	simm.s32 @p1 $0x1;
	p0 =	seq.s32 s7, s2  }
0x1e: {  	s7 =	smul.u32 @!p0 $0xF7A, s2;
	p2 =	seq.s32 @!p0 s5, $0x0  }
0x1f: {  	s9 =	smul.u32 $0xF7A, s1;
	s8 =	simm.s32 @!p0 $0x1BF5;
	p2 =	por !p2, p0  }
0x20: {  	[sflag:s8] =	ssyncset.s32 @!p0 $0xFFFFF086;
	s6 =	sadd.s32 @!p0 s3, s7;
	s7 =	simm.s32 @!p0 $0x108  }
0x21: {  	s3 =	sadd.s32 s3, s9;
	s6 =	sadd.s32 @!p0 $0x88, s6;
	s7 =	simm.s32 @p2 $0x1082  }
0x22: {  	[simem:s7], [sflag:s8] =	dma.local @!p0 [hbm:s6], $0xF7A  }
0x23: {  	s9 =	sor.u32 $0xD0000000, s2;
	s6 =	simm.s32 $0x108;
	_ =	swait.ge @!p0 [sflag:s8], $0x0  }
0x24: {  	s3 =	sadd.s32 $0x88, s3;
	s6 =	simm.s32 @!p1 $0x1082;
	[sflag:s4] =	ssyncset.s32 $0xFFFFF086  }
0x25: {  	[simem:s6], [sflag:s4] =	dma.local [hbm:s3], $0xF7A  }
0x26: {  	[smem:$0x3F9F] =	sst s1;
	(tag) =	ssettag s2;
	_ =	strace s9  }
0x27: {  	s1 =	sld [smem:$0x3FAF]  }
0x28: {  	s2 =	sld [smem:$0x3FB0]  }
0x29: {  	s4 =	sld [smem:$0x3FB2]  }
0x2a: {  	p0 =	seq.s32 s5, $0x0;
	s5 =	sld [smem:$0x3FB3]  }
0x2b: {  	s6 =	sld [smem:$0x3FB4]  }
0x2c: {  	s7 =	sld [smem:$0x3FB5]  }
0x2d: {  	s3 =	simm.s32 $0x108;
	s8 =	sld [smem:$0x3FB6]  }
0x2e: {  	s3 =	simm.s32 @!p0 $0x1082;
	s9 =	sld [smem:$0x3FB7]  }
0x2f: {  	lr =	sadd.s32 s0, s3;
	s0 =	sld [smem:$0x3FAE]  }
0x30: {  	s3 =	sld [smem:$0x3FB1]  }
0x31: {  	[smem:$0x3FBA] =	sst s10  }
0x32: {  	s10 =	sld [smem:$0x3FB8];
	_ =	sdelay $0x3  }
0x33: {  	p0 =	seq.s32 s10, $0x1;
	s10 =	sld [smem:$0x3FBA];
	_ =	sdelay $0x3  }
0x34: {  	[smem:$0x3FBA] =	sst s10  }
0x35: {  	s10 =	sld [smem:$0x3FB9];
	_ =	sdelay $0x3  }
0x36: {  	p1 =	seq.s32 s10, $0x1;
	s10 =	sld [smem:$0x3FBA];
	_ =	sdelay $0x3  }
0x37: {  	[smem:$0x3FBA] =	sst s10  }
0x38: {  	s10 =	sld [smem:$0x3FBB]  }
0x39: {  	_ = 	snop;
	(pc) =	sbr.ind lr, $3  }
0x3a: {  	_ = 	snop  }
0x3b: {  	_ = 	snop  }
0x3c: {  	p2 =	seq.s32 s10, $0x1;
	s10 =	sld [smem:$0x3FBA]  }
0x3d: {  	_ =	shalt  }
0x3e: {  	_ =	shalt  }
0x3f: {  	_ =	shalt  }
0x40: {  	_ =	shalt  }
0x41: {  	_ =	shalt  }
0x42: {  	_ =	shalt  }
0x43: {  	_ =	shalt  }
0x44: {  	_ =	shalt  }
0x45: {  	_ =	shalt  }
0x46: {  	_ =	shalt  }
0x47: {  	_ =	shalt  }
0x48: {  	_ =	shalt  }
0x49: {  	_ =	shalt  }
0x4a: {  	_ =	shalt  }
0x4b: {  	_ =	shalt  }
0x4c: {  	_ =	shalt  }
0x4d: {  	_ =	shalt  }
0x4e: {  	_ =	shalt  }
0x4f: {  	_ =	shalt  }
0x50: {  	_ =	shalt  }
0x51: {  	_ =	shalt  }
0x52: {  	_ =	shalt  }
0x53: {  	_ =	shalt  }
0x54: {  	_ =	shalt  }
0x55: {  	_ =	shalt  }
0x56: {  	_ =	shalt  }
0x57: {  	_ =	shalt  }
0x58: {  	_ =	shalt  }
0x59: {  	_ =	shalt  }
0x5a: {  	_ =	shalt  }
0x5b: {  	_ =	shalt  }
0x5c: {  	_ =	shalt  }
0x5d: {  	_ =	shalt  }
0x5e: {  	_ =	shalt  }
0x5f: {  	_ =	shalt  }
0x60: {  	_ =	shalt  }
0x61: {  	_ =	shalt  }
0x62: {  	_ =	shalt  }
0x63: {  	_ =	shalt  }
0x64: {  	_ =	shalt  }
0x65: {  	_ =	shalt  }
0x66: {  	_ =	shalt  }
0x67: {  	_ =	shalt  }
0x68: {  	_ =	shalt  }
0x69: {  	_ =	shalt  }
0x6a: {  	_ =	shalt  }
0x6b: {  	_ =	shalt  }
0x6c: {  	_ =	shalt  }
0x6d: {  	_ =	shalt  }
0x6e: {  	_ =	shalt  }
0x6f: {  	_ =	shalt  }
0x70: {  	_ =	shalt  }
0x71: {  	_ =	shalt  }
0x72: {  	_ =	shalt  }
0x73: {  	_ =	shalt  }
0x74: {  	_ =	shalt  }
0x75: {  	_ =	shalt  }
0x76: {  	_ =	shalt  }
0x77: {  	_ =	shalt  }
0x78: {  	_ =	shalt  }
0x79: {  	_ =	shalt  }
0x7a: {  	_ =	shalt  }
0x7b: {  	_ =	shalt  }
0x7c: {  	_ =	shalt  }
0x7d: {  	_ =	shalt  }
0x7e: {  	_ =	shalt  }
0x7f: {  	_ =	shalt  }
0x80: {  	_ =	shalt  }
0x81: {  	_ =	shalt  }
0x82: {  	_ =	shalt  }
0x83: {  	_ =	shalt  }
0x84: {  	_ =	shalt  }
0x85: {  	_ =	shalt  }
0x86: {  	_ =	shalt  }
0x87: {  	_ =	shalt  }
.Lfunc_end0:
.L_simem_size_0:
called_computation.3_lowered:
.L_overlay_start_0:
0x88: {  	s2 =	sld [smem:$0x3FD9]  }
0x89: {  	s3 =	sld [smem:$0x3FFE];
	_ =	sdelay $0x1  }
0x8a: {  	s1 =	srdreg.scid  }
0x8b: {  	s0 =	sand.u32 $0x1, s1  }
0x8c: {  	s14 =	sshll.u32 s0, $0xA;
	s2 =	sadd.s32 s3, s2  }
0x8d: {  	s2 =	sadd.s32 s2, s14  }
0x8e: {  	[smem:$0x3FC6] =	sst s2  }
0x8f: {  	_ = 	snop  }
0x90: {  	s2 =	sld [smem:$0x3FD0];
	_ =	sdelay $0x2  }
0x91: {  	s15 =	simm.s32 $0xA;
	s4 =	simm.s32 $0x10  }
0x92: {  	[smem:s4], [sflag:s15] =	dma.local [hbm:s2], $0x1  }
0x93: {  	_ =	swait.eq [sflag:s15], $0x1  }
0x94: {  	[sflag:s15] =	ssyncset.done $0x0  }
0x95: {  	s16 =	sld [smem:$0x10];
	[sflag:s15] =	ssyncadd.s32 $0xFFFFFFFF  }
0x96: {  	s17 =	sld [smem:$0x11];
	(tm) =	ssettm $0x1  }
0x97: {  	s18 =	sld [smem:$0x3FFB];
	_ =	sdelay $0x3  }
0x98: {  	_ =	strace s18  }
0x99: {  	s4 =	sld [smem:$0x3FFC];
	_ =	sdelay $0x3  }
0x9a: {  	_ =	strace s4  }
0x9b: {  	s4 =	sld [smem:$0x3FFD];
	_ =	sdelay $0x3  }
0x9c: {  	_ =	strace s4  }
0x9d: {  	_ =	strace $0x8FFFFFFF  }
0x9e: {  	s19 =	sld [smem:$0x3FDB];
	_ =	sdelay $0x1  }
0x9f: {  	s5 =	simm.s32 $_scs_section_size  }
0xa0: {  	s6 =	simm.s32 $_size__tile_overlayer_lowered;
	s7 =	simm.s32 $_tile_overlayer_lowered  }
0xa1: {  	s22 =	simm.s32 $0x1BFF;
	s21 =	sshll.u32 s7, $0x1;
	s4 =	sadd.s32 s5, s19  }
0xa2: {  	s8 =	simm.s32 $0x0;
	s20 =	sshll.u32 s6, $0x1;
	s6 =	sadd.s32 s21, s4  }
0xa3: {  	[timem:s8], [sflag:s22] =	dma.local [hbm:s6], s20  }
0xa4: {  	_ =	swait.ge [sflag:s22], s20  }
0xa5: {  	s5 =	ssub.s32 $0x0, s20;
	[sflag:s22] =	ssyncset.done $0x0  }
0xa6: {  	[sflag:s22] =	ssyncadd.s32 s5;
	_ =	sdelay $0x1  }
0xa7: {  	s23 =	simm.s32 $0x1B8B  }
0xa8: {  	_ =	swait.ge [sflag:s23], $0x1  }
0xa9: {  	[sflag:s23] =	ssyncset.done $0x0  }
0xaa: {  	s25 =	simm.s32 $0x1B8E;
	s24 =	sld [smem:$0x3FFE];
	[sflag:s23] =	ssyncadd.s32 $0xFFFFFFFF  }
0xab: {  	s26 =	simm.s32 $execute0_lowered;
	[smem:$0x3FD2] =	sst s25  }
0xac: {  	s6 =	sshll.u32 s26, $0x1;
	_ =	strace $0x8000004F;
	[dreg:$0x1] =	wrdreg $0xFFFFFFFF  }
0xad: {  	s28 =	simm.s32 $_size_execute0_lowered;
	s4 =	sadd.s32 s4, s6;
	[dreg:$0x0] =	wrdreg $0x0  }
0xae: {  	s6 =	sshll.u32 s28, $0x1;
	[dreg:$0x2] =	wrdreg s4  }
0xaf: {  	[dreg:$0x3] =	wrdreg s6  }
0xb0: {  	[dreg:$0x4] =	wrdreg $0xC0  }
0xb1: {  	_ =	task [dreg:s8], $0x5FFFF  }
0xb2: {  	[dreg:$0x1] =	wrdreg $0xFFFFFFFF  }
0xb3: {  	[dreg:$0x0] =	wrdreg $0x60  }
0xb4: {  	[dreg:$0x2] =	wrdreg s17  }
0xb5: {  	[dreg:$0x3] =	wrdreg s24  }
0xb6: {  	[dreg:$0x4] =	wrdreg s16  }
0xb7: {  	[dreg:$0x5] =	wrdreg $0x0  }
0xb8: {  	[dreg:$0x6] =	wrdreg $0x9  }
0xb9: {  	_ =	task.clear_ibuf [dreg:s8], $0x7FFFF;
	_ =	strace $0x9000004F  }
0xba: {  	s29 =	simm.s32 $0x9;
	_ =	strace $0x80000051  }
0xbb: {  	_ =	swait.ge [sflag:s29], $0x1  }
0xbc: {  	[sflag:s29] =	ssyncadd.s32 $0xFFFFFFFF  }
0xbd: {  	_ =	strace $0x90000051  }
0xbe: {  	_ =	sfence  }
0xbf: {  	s30 =	sld [smem:$0x0];
	_ =	sdelay $0x2  }
0xc0: {  	s31 =	sshll.u32 s1, $0xD;
	s1 =	sshrl.u32 s1, $0x2  }
0xc1: {  	s3 =	sand.u32 $0x4000, s31;
	s1 =	sadd.s32 s1, s30  }
0xc2: {  	s0 =	sor.u32 s3, s0;
	s1 =	sshll.u32 s1, $0x11  }
0xc3: {  	s0 =	sor.u32 s1, s0  }
0xc4: {  	s0 =	sadd.s32 $0x8F2B, s0  }
0xc5: {  	[sflag:s0] =	ssyncadd.remote.s32 $0x1  }
0xc6: {  	_ =	sfence.sel $0xFFFF  }
0xc7: {  	[dreg:$0x0] =	wrdreg $0xFFFFFFFF;
	(pc) =	sbr.abs _section_cstart, $3  }
0xc8: {  	[dreg:$0x1] =	wrdreg $0xFFFFFFFF  }
0xc9: {  	_ =	task.clear_ibuf [dreg:s8], $0x2FFFF;
	_ =	strace $0x9FFFFFFF  }
0xca: {  	(tm) =	ssettm $0x7FFFFFFF  }
0xcb: {  	_ =	shalt  }
tec
execute0_lowered:
.L_overlay_start_1:
0x0: {  	(tag) =	ssettag $0x1  }
0x1: {  	s0 =	rddreg [dreg:$0x0]  }
0x2: {  	s1 =	rddreg [dreg:$0x1];
	s2 =	srdreg.scid  }
0x3: {  	s11 =	stileid.u32;
	s3 =	rddreg [dreg:$0x3];
	s4 =	simm.s32 $0x0  }
0x4: {  	s14 =	simm.s32 $0x18C00;
	s21 =	simm.s32 $0x18880;
	s15 =	simm.s32 $0x32  }
0x5: {  	s22 =	simm.s32 $0x18900;
	s16 =	simm.s32 $0x19000;
	s23 =	simm.s32 $0x18980  }
0x6: {  	s24 =	simm.s32 $0x18C80;
	s25 =	simm.s32 $0x18D00;
	s26 =	simm.s32 $0x18D80  }
0x7: {  	s28 =	simm.s32 $0x18A80;
	s29 =	simm.s32 $0x7;
	s6 =	smul.u32 $0x1F400, s11  }
0x8: {  	s30 =	simm.s32 $0x18B00;
	s2 =	sand.u32 $0x1, s2;
	s7 =	smul.u32 $0x62000, s11  }
0x9: {  	[smem:$0x7FF] =	sst s4;
	s9 =	smul.u32 $0x18800, s11;
	s18 =	sshll.u32 s11, $0x6  }
0xa: {  	s11 =	smul.u32 $0x3E80, s11;
	_ =	strace $0x80000050;
	[dreg:$0x7] =	wrdreg s21  }
0xb: {  	s31 =	simm.s32 $0x8;
	s5 =	smul.u32 $0x1F4000, s2;
	[dreg:$0x8] =	wrdreg s22  }
0xc: {  	s8 =	ssub.s32 $0x2, s2;
	s2 =	smul.u32 $0x188000, s2;
	[dreg:$0x9] =	wrdreg s23  }
0xd: {  	s13 =	sor.u32 $0x1C09, s18;
	s18 =	simm.s32 $0x1C800;
	[dreg:$0xa] =	wrdreg s24  }
0xe: {  	s21 =	simm.s32 $0x2;
	s22 =	simm.s32 $0x3;
	[dreg:$0xb] =	wrdreg s25  }
0xf: {  	s23 =	simm.s32 $0x4;
	[dreg:$0xc] =	wrdreg s26;
	s24 =	simm.s32 $0x5  }
0x10: {  	s25 =	simm.s32 $0x18A00;
	s26 =	simm.s32 $0x6;
	s10 =	sshrl.u32 s8, $0x1  }
0x11: {  	s7 =	sshrl.u32 s7, $0x2;
	s19 =	sadd.s32 $0xC400, s9;
	s0 =	sadd.s32 s11, s0  }
0x12: {  	s11 =	simm.s32 $0x9;
	s5 =	sadd.s32 s6, s5;
	s8 =	ssub.s32 s8, s10  }
0x13: {  	s7 =	sadd.s32 s7, s3;
	s9 =	sadd.s32 s9, s2;
	s12 =	sadd.s32 s19, s3  }
0x14: {  	s2 =	sadd.s32 s2, s19;
	[dreg:$0x6] =	wrdreg s0;
	s19 =	simm.s32 $0x1E400  }
0x15: {  	s0 =	simm.s32 $0x18E00;
	s5 =	sshrl.u32 s5, $0x3;
	s9 =	sshrl.u32 s9, $0x3  }
0x16: {  	s2 =	sshrl.u32 s2, $0x3;
	s20 =	smax.u32 s8, $0x1;
	s10 =	sshrl.u32 s7, $0x3  }
0x17: {  	s12 =	sshrl.u32 s12, $0x3;
	s17 =	sadd.s32 s5, s1;
	[dreg:$0x10] =	wrdreg s20  }
0x18: {  	s5 =	sadd.s32 $0x469A00, s1;
	s1 =	sadd.s32 $0x2E3000, s1;
	[dreg:$0x11] =	wrdreg s10  }
0x19: {  	s7 =	simm.s32 $0x18F00;
	[dreg:$0x12] =	wrdreg s12;
	s9 =	sadd.s32 s1, s9  }
0x1a: {  	s8 =	simm.s32 $0x18F80;
	s6 =	sadd.s32 $0xDF400, s17;
	[dreg:$0xe] =	wrdreg s9  }
0x1b: {  	s20 =	simm.s32 $0x1;
	s1 =	sadd.s32 s1, s2;
	[dreg:$0x5] =	wrdreg s6  }
0x1c: {  	s17 =	simm.s32 $0x1AC00;
	[dreg:$0xf] =	wrdreg s1;
	s6 =	simm.s32 $0x0  }
0x1d: {  	s2 =	simm.s32 $0x18E80;
	s9 =	smov.u32 s13;
	[dreg:$0x13] =	wrdreg s6  }
0x1e: {  	s13 =	simm.s32 $0x18800;
	s1 =	simm.s32 $0x18B80;
	[dreg:$0xd] =	wrdreg s9  }
.LBB2_1:
0x1f: {  	s6 =	rddreg [dreg:$0x2]  }
0x20: {  	[spmem:s10], [sflag:s9] =	dma.local [hbm:s6], $0x1880  }
0x21: {  	_ =	swait.ge [sflag:s11], $0x1880  }
0x22: {  	[sflag:s11] =	ssyncset.done $0x0  }
0x23: {  	[sflag:s11] =	ssyncadd.s32 $0xFFFFE780  }
0x24: {  	[spmem:s12], [sflag:s9] =	dma.local [hbm:s6], $0x1880  }
0x25: {  	_ =	swait.ge [sflag:s11], $0x1880  }
0x26: {  	[sflag:s11] =	ssyncset.done $0x0  }
0x27: {  	[sflag:s11] =	ssyncadd.s32 $0xFFFFE780  }
0x28: {  	[bflag:$0x0] =	sbarrier.arrive $0xFFFF  }
0x29: {  	s9 =	rddreg [dreg:$0x6]  }
0x2a: {  	s6 =	sadd.s32 $0x0, s9  }
0x2b: {  	[tilespmem:s13], [sflag:$0x9] =	stream.linear.gather [hbm4b:s6+s4], $0x400, $0x38;
	v63 =	vld [tilespmem:$0x0]  }
0x2c: {  	_ =	swait.ge [sflag:s11], $0x400  }
0x2d: {  	s10 =	rddreg [dreg:$0x5];
	[sflag:s11] =	ssyncset.done $0x0  }
0x2e: {  	[sflag:s11] =	ssyncadd.s32 $0xFFFFFC00;
	s6 =	sadd.s32 $0x0, s10  }
0x2f: {  	[tilespmem:s14], [sflag:$0x9] =	stream.linear.gather [hbm4b:s6+s4], $0x400, $0x38;
	v63 =	vld [tilespmem:$0x0]  }
0x30: {  	_ =	swait.ge [sflag:s11], $0x400  }
0x31: {  	[sflag:s11] =	ssyncset.done $0x0  }
0x32: {  	[sflag:s11] =	ssyncadd.s32 $0xFFFFFC00  }
0x33: {  	[tilespmem:s16], [sflag:$0x1] =	stream.indirect.gather [hbm4b:s5+s15], $0x80, s13, s15, $0xb8;
	v63 =	vld [tilespmem:$0x0]  }
0x34: {  	s12 =	rddreg [dreg:$0x7]  }
0x35: {  	[tilespmem:s17], [sflag:$0x2] =	stream.indirect.gather [hbm4b:s5+s15], $0x80, s12, s15, $0xb8;
	v63 =	vld [tilespmem:$0x0]  }
0x36: {  	s9 =	rddreg [dreg:$0x8]  }
0x37: {  	[tilespmem:s18], [sflag:$0x3] =	stream.indirect.gather [hbm4b:s5+s15], $0x80, s9, s15, $0xb8;
	v63 =	vld [tilespmem:$0x0]  }
0x38: {  	s12 =	rddreg [dreg:$0x9]  }
0x39: {  	[tilespmem:s19], [sflag:$0x4] =	stream.indirect.gather [hbm4b:s5+s15], $0x80, s12, s15, $0xb8;
	v63 =	vld [tilespmem:$0x0]  }
0x3a: {  	_ =	swait.ge [sflag:s20], $0x1900  }
0x3b: {  	[sflag:s20] =	ssyncset.done $0x0  }
0x3c: {  	[sflag:s20] =	ssyncadd.s32 $0xFFFFE700  }
0x3d: {  	[spmem:s3] =	stream.indirect.scatter.add.f32 [tilespmem:s16], [sflag:$0x5], $0x80, s14, s15, $0xb8;
	v63 =	vld [tilespmem:$0x0]  }
0x3e: {  	_ =	swait.ge [sflag:s21], $0x1900  }
0x3f: {  	[sflag:s21] =	ssyncset.done $0x0  }
0x40: {  	s9 =	rddreg [dreg:$0xa];
	[sflag:s21] =	ssyncadd.s32 $0xFFFFE700  }
0x41: {  	[spmem:s3] =	stream.indirect.scatter.add.f32 [tilespmem:s17], [sflag:$0x6], $0x80, s9, s15, $0xb8;
	v63 =	vld [tilespmem:$0x0]  }
0x42: {  	_ =	swait.ge [sflag:s22], $0x1900  }
0x43: {  	[sflag:s22] =	ssyncset.done $0x0  }
0x44: {  	s10 =	rddreg [dreg:$0xb];
	[sflag:s22] =	ssyncadd.s32 $0xFFFFE700  }
0x45: {  	[spmem:s3] =	stream.indirect.scatter.add.f32 [tilespmem:s18], [sflag:$0x7], $0x80, s10, s15, $0xb8;
	v63 =	vld [tilespmem:$0x0]  }
0x46: {  	_ =	swait.ge [sflag:s23], $0x1900  }
0x47: {  	[sflag:s23] =	ssyncset.done $0x0  }
0x48: {  	s12 =	rddreg [dreg:$0xc];
	[sflag:s23] =	ssyncadd.s32 $0xFFFFE700  }
0x49: {  	[spmem:s3] =	stream.indirect.scatter.add.f32 [tilespmem:s19], [sflag:$0x8], $0x80, s12, s15, $0xb8;
	v63 =	vld [tilespmem:$0x0]  }
0x4a: {  	_ =	swait.ge [sflag:s24], $0x1900  }
0x4b: {  	[sflag:s24] =	ssyncset.done $0x0  }
0x4c: {  	[sflag:s24] =	ssyncadd.s32 $0xFFFFE700  }
0x4d: {  	[tilespmem:s16], [sflag:$0x1] =	stream.indirect.gather [hbm4b:s5+s15], $0x80, s25, s15, $0xb8;
	v63 =	vld [tilespmem:$0x0]  }
0x4e: {  	_ =	swait.ge [sflag:s26], $0x1900  }
0x4f: {  	[sflag:s26] =	ssyncset.done $0x0  }
0x50: {  	[sflag:s26] =	ssyncadd.s32 $0xFFFFE700  }
0x51: {  	[tilespmem:s17], [sflag:$0x2] =	stream.indirect.gather [hbm4b:s5+s15], $0x80, s28, s15, $0xb8;
	v63 =	vld [tilespmem:$0x0]  }
0x52: {  	_ =	swait.ge [sflag:s29], $0x1900  }
0x53: {  	[sflag:s29] =	ssyncset.done $0x0  }
0x54: {  	[sflag:s29] =	ssyncadd.s32 $0xFFFFE700  }
0x55: {  	[tilespmem:s18], [sflag:$0x3] =	stream.indirect.gather [hbm4b:s5+s15], $0x80, s30, s15, $0xb8;
	v63 =	vld [tilespmem:$0x0]  }
0x56: {  	_ =	swait.ge [sflag:s31], $0x1900  }
0x57: {  	[sflag:s31] =	ssyncset.done $0x0  }
0x58: {  	[sflag:s31] =	ssyncadd.s32 $0xFFFFE700  }
0x59: {  	[tilespmem:s19], [sflag:$0x4] =	stream.indirect.gather [hbm4b:s5+s15], $0x80, s1, s15, $0xb8;
	v63 =	vld [tilespmem:$0x0]  }
0x5a: {  	_ =	swait.ge [sflag:s20], $0x1900  }
0x5b: {  	[sflag:s20] =	ssyncset.done $0x0  }
0x5c: {  	[sflag:s20] =	ssyncadd.s32 $0xFFFFE700  }
0x5d: {  	[spmem:s3] =	stream.indirect.scatter.add.f32 [tilespmem:s16], [sflag:$0x5], $0x80, s0, s15, $0xb8;
	v63 =	vld [tilespmem:$0x0]  }
0x5e: {  	_ =	swait.ge [sflag:s21], $0x1900  }
0x5f: {  	[sflag:s21] =	ssyncset.done $0x0  }
0x60: {  	[sflag:s21] =	ssyncadd.s32 $0xFFFFE700  }
0x61: {  	[spmem:s3] =	stream.indirect.scatter.add.f32 [tilespmem:s17], [sflag:$0x6], $0x80, s2, s15, $0xb8;
	v63 =	vld [tilespmem:$0x0]  }
0x62: {  	_ =	swait.ge [sflag:s22], $0x1900  }
0x63: {  	[sflag:s22] =	ssyncset.done $0x0  }
0x64: {  	[sflag:s22] =	ssyncadd.s32 $0xFFFFE700  }
0x65: {  	[spmem:s3] =	stream.indirect.scatter.add.f32 [tilespmem:s18], [sflag:$0x7], $0x80, s7, s15, $0xb8;
	v63 =	vld [tilespmem:$0x0]  }
0x66: {  	_ =	swait.ge [sflag:s23], $0x1900  }
0x67: {  	[sflag:s23] =	ssyncset.done $0x0  }
0x68: {  	[sflag:s23] =	ssyncadd.s32 $0xFFFFE700  }
0x69: {  	[spmem:s3] =	stream.indirect.scatter.add.f32 [tilespmem:s19], [sflag:$0x8], $0x80, s8, s15, $0xb8;
	v63 =	vld [tilespmem:$0x0]  }
0x6a: {  	_ =	swait.ge [sflag:s24], $0x1900  }
0x6b: {  	[sflag:s24] =	ssyncset.done $0x0  }
0x6c: {  	[sflag:s24] =	ssyncadd.s32 $0xFFFFE700  }
0x6d: {  	_ =	swait.ge [sflag:s26], $0x1900  }
0x6e: {  	[sflag:s26] =	ssyncset.done $0x0  }
0x6f: {  	[sflag:s26] =	ssyncadd.s32 $0xFFFFE700  }
0x70: {  	_ =	swait.ge [sflag:s29], $0x1900  }
0x71: {  	[sflag:s29] =	ssyncset.done $0x0  }
0x72: {  	[sflag:s29] =	ssyncadd.s32 $0xFFFFE700  }
0x73: {  	s10 =	simm.s32 $0x80;
	_ =	swait.ge [sflag:s31], $0x1900  }
0x74: {  	s12 =	simm.s32 $0x100;
	s6 =	rddreg [dreg:$0x6];
	[sflag:s31] =	ssyncset.done $0x0  }
.LBB2_2:
0x75: {  	[sflag:s31] =	ssyncadd.s32 $0xFFFFE700;
	s6 =	sadd.s32 s10, s6  }
0x76: {  	[tilespmem:s13], [sflag:$0x9] =	stream.linear.gather [hbm4b:s6+s4], $0x400, $0x38;
	v63 =	vld [tilespmem:$0x0]  }
0x77: {  	_ =	swait.ge [sflag:s11], $0x400  }
0x78: {  	s6 =	rddreg [dreg:$0x5];
	[sflag:s11] =	ssyncset.done $0x0  }
0x79: {  	[sflag:s11] =	ssyncadd.s32 $0xFFFFFC00;
	s6 =	sadd.s32 s10, s6  }
0x7a: {  	[tilespmem:s14], [sflag:$0x9] =	stream.linear.gather [hbm4b:s6+s4], $0x400, $0x38;
	v63 =	vld [tilespmem:$0x0]  }
0x7b: {  	_ =	swait.ge [sflag:s11], $0x400  }
0x7c: {  	[sflag:s11] =	ssyncset.done $0x0  }
0x7d: {  	[sflag:s11] =	ssyncadd.s32 $0xFFFFFC00  }
0x7e: {  	[tilespmem:s16], [sflag:$0x1] =	stream.indirect.gather [hbm4b:s5+s15], $0x80, s13, s15, $0xb8;
	v63 =	vld [tilespmem:$0x0]  }
0x7f: {  	s9 =	smov.u32 s12;
	s6 =	rddreg [dreg:$0x7]  }
0x80: {  	[tilespmem:s17], [sflag:$0x2] =	stream.indirect.gather [hbm4b:s5+s15], $0x80, s6, s15, $0xb8;
	v63 =	vld [tilespmem:$0x0]  }
0x81: {  	s10 =	smov.u32 s9;
	s9 =	rddreg [dreg:$0x8]  }
0x82: {  	[tilespmem:s18], [sflag:$0x3] =	stream.indirect.gather [hbm4b:s5+s15], $0x80, s9, s15, $0xb8;
	v63 =	vld [tilespmem:$0x0]  }
0x83: {  	s6 =	rddreg [dreg:$0x9]  }
0x84: {  	[tilespmem:s19], [sflag:$0x4] =	stream.indirect.gather [hbm4b:s5+s15], $0x80, s6, s15, $0xb8;
	v63 =	vld [tilespmem:$0x0]  }
0x85: {  	_ =	swait.ge [sflag:s20], $0x1900  }
0x86: {  	[sflag:s20] =	ssyncset.done $0x0  }
0x87: {  	[sflag:s20] =	ssyncadd.s32 $0xFFFFE700  }
0x88: {  	[spmem:s3] =	stream.indirect.scatter.add.f32 [tilespmem:s16], [sflag:$0x5], $0x80, s14, s15, $0xb8;
	v63 =	vld [tilespmem:$0x0]  }
0x89: {  	_ =	swait.ge [sflag:s21], $0x1900  }
0x8a: {  	[sflag:s21] =	ssyncset.done $0x0  }
0x8b: {  	s9 =	rddreg [dreg:$0xa];
	[sflag:s21] =	ssyncadd.s32 $0xFFFFE700  }
0x8c: {  	[spmem:s3] =	stream.indirect.scatter.add.f32 [tilespmem:s17], [sflag:$0x6], $0x80, s9, s15, $0xb8;
	v63 =	vld [tilespmem:$0x0]  }
0x8d: {  	_ =	swait.ge [sflag:s22], $0x1900  }
0x8e: {  	[sflag:s22] =	ssyncset.done $0x0  }
0x8f: {  	s9 =	rddreg [dreg:$0xb];
	[sflag:s22] =	ssyncadd.s32 $0xFFFFE700  }
0x90: {  	[spmem:s3] =	stream.indirect.scatter.add.f32 [tilespmem:s18], [sflag:$0x7], $0x80, s9, s15, $0xb8;
	v63 =	vld [tilespmem:$0x0]  }
0x91: {  	_ =	swait.ge [sflag:s23], $0x1900  }
0x92: {  	[sflag:s23] =	ssyncset.done $0x0  }
0x93: {  	s9 =	rddreg [dreg:$0xc];
	[sflag:s23] =	ssyncadd.s32 $0xFFFFE700  }
0x94: {  	[spmem:s3] =	stream.indirect.scatter.add.f32 [tilespmem:s19], [sflag:$0x8], $0x80, s9, s15, $0xb8;
	v63 =	vld [tilespmem:$0x0]  }
0x95: {  	_ =	swait.ge [sflag:s24], $0x1900  }
0x96: {  	[sflag:s24] =	ssyncset.done $0x0  }
0x97: {  	[sflag:s24] =	ssyncadd.s32 $0xFFFFE700  }
0x98: {  	[tilespmem:s16], [sflag:$0x1] =	stream.indirect.gather [hbm4b:s5+s15], $0x80, s25, s15, $0xb8;
	v63 =	vld [tilespmem:$0x0]  }
0x99: {  	_ =	swait.ge [sflag:s26], $0x1900  }
0x9a: {  	[sflag:s26] =	ssyncset.done $0x0  }
0x9b: {  	[sflag:s26] =	ssyncadd.s32 $0xFFFFE700  }
0x9c: {  	[tilespmem:s17], [sflag:$0x2] =	stream.indirect.gather [hbm4b:s5+s15], $0x80, s28, s15, $0xb8;
	v63 =	vld [tilespmem:$0x0]  }
0x9d: {  	_ =	swait.ge [sflag:s29], $0x1900  }
0x9e: {  	[sflag:s29] =	ssyncset.done $0x0  }
0x9f: {  	[sflag:s29] =	ssyncadd.s32 $0xFFFFE700  }
0xa0: {  	[tilespmem:s18], [sflag:$0x3] =	stream.indirect.gather [hbm4b:s5+s15], $0x80, s30, s15, $0xb8;
	v63 =	vld [tilespmem:$0x0]  }
0xa1: {  	_ =	swait.ge [sflag:s31], $0x1900  }
0xa2: {  	[sflag:s31] =	ssyncset.done $0x0  }
0xa3: {  	[sflag:s31] =	ssyncadd.s32 $0xFFFFE700  }
0xa4: {  	[tilespmem:s19], [sflag:$0x4] =	stream.indirect.gather [hbm4b:s5+s15], $0x80, s1, s15, $0xb8;
	v63 =	vld [tilespmem:$0x0]  }
0xa5: {  	_ =	swait.ge [sflag:s20], $0x1900  }
0xa6: {  	[sflag:s20] =	ssyncset.done $0x0  }
0xa7: {  	[sflag:s20] =	ssyncadd.s32 $0xFFFFE700  }
0xa8: {  	[spmem:s3] =	stream.indirect.scatter.add.f32 [tilespmem:s16], [sflag:$0x5], $0x80, s0, s15, $0xb8;
	v63 =	vld [tilespmem:$0x0]  }
0xa9: {  	_ =	swait.ge [sflag:s21], $0x1900  }
0xaa: {  	[sflag:s21] =	ssyncset.done $0x0  }
0xab: {  	[sflag:s21] =	ssyncadd.s32 $0xFFFFE700  }
0xac: {  	[spmem:s3] =	stream.indirect.scatter.add.f32 [tilespmem:s17], [sflag:$0x6], $0x80, s2, s15, $0xb8;
	v63 =	vld [tilespmem:$0x0]  }
0xad: {  	_ =	swait.ge [sflag:s22], $0x1900  }
0xae: {  	[sflag:s22] =	ssyncset.done $0x0  }
0xaf: {  	[sflag:s22] =	ssyncadd.s32 $0xFFFFE700  }
0xb0: {  	[spmem:s3] =	stream.indirect.scatter.add.f32 [tilespmem:s18], [sflag:$0x7], $0x80, s7, s15, $0xb8;
	v63 =	vld [tilespmem:$0x0]  }
0xb1: {  	_ =	swait.ge [sflag:s23], $0x1900  }
0xb2: {  	[sflag:s23] =	ssyncset.done $0x0  }
0xb3: {  	[sflag:s23] =	ssyncadd.s32 $0xFFFFE700  }
0xb4: {  	[spmem:s3] =	stream.indirect.scatter.add.f32 [tilespmem:s19], [sflag:$0x8], $0x80, s8, s15, $0xb8;
	v63 =	vld [tilespmem:$0x0]  }
0xb5: {  	_ =	swait.ge [sflag:s24], $0x1900  }
0xb6: {  	[sflag:s24] =	ssyncset.done $0x0  }
0xb7: {  	[sflag:s24] =	ssyncadd.s32 $0xFFFFE700  }
0xb8: {  	_ =	swait.ge [sflag:s26], $0x1900  }
0xb9: {  	[sflag:s26] =	ssyncset.done $0x0  }
0xba: {  	p0 =	sne.s32 s12, $0x3E00;
	[sflag:s26] =	ssyncadd.s32 $0xFFFFE700  }
.Ltmp0:
0xbb: {  	_ =	swait.ge [sflag:s29], $0x1900;
	(pc) =	sbr.rel @p0 .LBB2_2-.Ltmp0, $4  }
0xbc: {  	[sflag:s29] =	ssyncset.done $0x0  }
0xbd: {  	[sflag:s29] =	ssyncadd.s32 $0xFFFFE700  }
0xbe: {  	_ =	swait.ge [sflag:s31], $0x1900  }
0xbf: {  	s12 =	sadd.s32 $0x80, s12;
	s6 =	rddreg [dreg:$0x6];
	[sflag:s31] =	ssyncset.done $0x0  }
0xc0: {  	[sflag:s31] =	ssyncadd.s32 $0xFFFFE700;
	s6 =	sadd.s32 s10, s6  }
0xc1: {  	[tilespmem:s13], [sflag:$0x9] =	stream.linear.gather [hbm4b:s6+s4], $0x400, $0x38;
	v63 =	vld [tilespmem:$0x0]  }
0xc2: {  	_ =	swait.ge [sflag:s11], $0x400  }
0xc3: {  	s9 =	rddreg [dreg:$0x5];
	[sflag:s11] =	ssyncset.done $0x0  }
0xc4: {  	[sflag:s11] =	ssyncadd.s32 $0xFFFFFC00;
	s6 =	sadd.s32 s10, s9  }
0xc5: {  	[tilespmem:s14], [sflag:$0x9] =	stream.linear.gather [hbm4b:s6+s4], $0x400, $0x38;
	v63 =	vld [tilespmem:$0x0]  }
0xc6: {  	_ =	swait.ge [sflag:s11], $0x400  }
0xc7: {  	[sflag:s11] =	ssyncset.done $0x0  }
0xc8: {  	[sflag:s11] =	ssyncadd.s32 $0xFFFFFC00  }
0xc9: {  	[tilespmem:s16], [sflag:$0x1] =	stream.indirect.gather [hbm4b:s5+s15], $0x80, s13, s15, $0xb8;
	v63 =	vld [tilespmem:$0x0]  }
0xca: {  	s10 =	rddreg [dreg:$0x7]  }
0xcb: {  	[tilespmem:s17], [sflag:$0x2] =	stream.indirect.gather [hbm4b:s5+s15], $0x80, s10, s15, $0xb8;
	v63 =	vld [tilespmem:$0x0]  }
0xcc: {  	s9 =	rddreg [dreg:$0x8]  }
0xcd: {  	[tilespmem:s18], [sflag:$0x3] =	stream.indirect.gather [hbm4b:s5+s15], $0x80, s9, s15, $0xb8;
	v63 =	vld [tilespmem:$0x0]  }
0xce: {  	s12 =	rddreg [dreg:$0x9]  }
0xcf: {  	[tilespmem:s19], [sflag:$0x4] =	stream.indirect.gather [hbm4b:s5+s15], $0x80, s12, s15, $0xb8;
	v63 =	vld [tilespmem:$0x0]  }
0xd0: {  	_ =	swait.ge [sflag:s20], $0x1900  }
0xd1: {  	[sflag:s20] =	ssyncset.done $0x0  }
0xd2: {  	[sflag:s20] =	ssyncadd.s32 $0xFFFFE700  }
0xd3: {  	[spmem:s3] =	stream.indirect.scatter.add.f32 [tilespmem:s16], [sflag:$0x5], $0x80, s14, s15, $0xb8;
	v63 =	vld [tilespmem:$0x0]  }
0xd4: {  	_ =	swait.ge [sflag:s21], $0x1900  }
0xd5: {  	[sflag:s21] =	ssyncset.done $0x0  }
0xd6: {  	s10 =	rddreg [dreg:$0xa];
	[sflag:s21] =	ssyncadd.s32 $0xFFFFE700  }
0xd7: {  	[spmem:s3] =	stream.indirect.scatter.add.f32 [tilespmem:s17], [sflag:$0x6], $0x80, s10, s15, $0xb8;
	v63 =	vld [tilespmem:$0x0]  }
0xd8: {  	_ =	swait.ge [sflag:s22], $0x1900  }
0xd9: {  	[sflag:s22] =	ssyncset.done $0x0  }
0xda: {  	s12 =	rddreg [dreg:$0xb];
	[sflag:s22] =	ssyncadd.s32 $0xFFFFE700  }
0xdb: {  	[spmem:s3] =	stream.indirect.scatter.add.f32 [tilespmem:s18], [sflag:$0x7], $0x80, s12, s15, $0xb8;
	v63 =	vld [tilespmem:$0x0]  }
0xdc: {  	_ =	swait.ge [sflag:s23], $0x1900  }
0xdd: {  	[sflag:s23] =	ssyncset.done $0x0  }
0xde: {  	s9 =	rddreg [dreg:$0xc];
	[sflag:s23] =	ssyncadd.s32 $0xFFFFE700  }
0xdf: {  	[spmem:s3] =	stream.indirect.scatter.add.f32 [tilespmem:s19], [sflag:$0x8], $0x80, s9, s15, $0xb8;
	v63 =	vld [tilespmem:$0x0]  }
0xe0: {  	_ =	swait.ge [sflag:s24], $0x1900  }
0xe1: {  	[sflag:s24] =	ssyncset.done $0x0  }
0xe2: {  	[sflag:s24] =	ssyncadd.s32 $0xFFFFE700  }
0xe3: {  	[tilespmem:s16], [sflag:$0x1] =	stream.indirect.gather [hbm4b:s5+s15], $0x80, s25, s15, $0xb8;
	v63 =	vld [tilespmem:$0x0]  }
0xe4: {  	_ =	swait.ge [sflag:s26], $0x1900  }
0xe5: {  	[sflag:s26] =	ssyncset.done $0x0  }
0xe6: {  	[sflag:s26] =	ssyncadd.s32 $0xFFFFE700  }
0xe7: {  	[tilespmem:s17], [sflag:$0x2] =	stream.indirect.gather [hbm4b:s5+s15], $0x80, s28, s15, $0xb8;
	v63 =	vld [tilespmem:$0x0]  }
0xe8: {  	_ =	swait.ge [sflag:s29], $0x1900  }
0xe9: {  	[sflag:s29] =	ssyncset.done $0x0  }
0xea: {  	[sflag:s29] =	ssyncadd.s32 $0xFFFFE700  }
0xeb: {  	[tilespmem:s18], [sflag:$0x3] =	stream.indirect.gather [hbm4b:s5+s15], $0x80, s30, s15, $0xb8;
	v63 =	vld [tilespmem:$0x0]  }
0xec: {  	_ =	swait.ge [sflag:s31], $0x1900  }
0xed: {  	[sflag:s31] =	ssyncset.done $0x0  }
0xee: {  	[sflag:s31] =	ssyncadd.s32 $0xFFFFE700  }
0xef: {  	[tilespmem:s19], [sflag:$0x4] =	stream.indirect.gather [hbm4b:s5+s15], $0x80, s1, s15, $0xb8;
	v63 =	vld [tilespmem:$0x0]  }
0xf0: {  	_ =	swait.ge [sflag:s20], $0x1900  }
0xf1: {  	[sflag:s20] =	ssyncset.done $0x0  }
0xf2: {  	[sflag:s20] =	ssyncadd.s32 $0xFFFFE700  }
0xf3: {  	[spmem:s3] =	stream.indirect.scatter.add.f32 [tilespmem:s16], [sflag:$0x5], $0x80, s0, s15, $0xb8;
	v63 =	vld [tilespmem:$0x0]  }
0xf4: {  	_ =	swait.ge [sflag:s21], $0x1900  }
0xf5: {  	[sflag:s21] =	ssyncset.done $0x0  }
0xf6: {  	[sflag:s21] =	ssyncadd.s32 $0xFFFFE700  }
0xf7: {  	[spmem:s3] =	stream.indirect.scatter.add.f32 [tilespmem:s17], [sflag:$0x6], $0x80, s2, s15, $0xb8;
	v63 =	vld [tilespmem:$0x0]  }
0xf8: {  	_ =	swait.ge [sflag:s22], $0x1900  }
0xf9: {  	[sflag:s22] =	ssyncset.done $0x0  }
0xfa: {  	[sflag:s22] =	ssyncadd.s32 $0xFFFFE700  }
0xfb: {  	[spmem:s3] =	stream.indirect.scatter.add.f32 [tilespmem:s18], [sflag:$0x7], $0x80, s7, s15, $0xb8;
	v63 =	vld [tilespmem:$0x0]  }
0xfc: {  	_ =	swait.ge [sflag:s23], $0x1900  }
0xfd: {  	[sflag:s23] =	ssyncset.done $0x0  }
0xfe: {  	[sflag:s23] =	ssyncadd.s32 $0xFFFFE700  }
0xff: {  	[spmem:s3] =	stream.indirect.scatter.add.f32 [tilespmem:s19], [sflag:$0x8], $0x80, s8, s15, $0xb8;
	v63 =	vld [tilespmem:$0x0]  }
0x100: {  	_ =	swait.ge [sflag:s24], $0x1900  }
0x101: {  	[sflag:s24] =	ssyncset.done $0x0  }
0x102: {  	[sflag:s24] =	ssyncadd.s32 $0xFFFFE700  }
0x103: {  	_ =	swait.ge [sflag:s26], $0x1900  }
0x104: {  	[sflag:s26] =	ssyncset.done $0x0  }
0x105: {  	[sflag:s26] =	ssyncadd.s32 $0xFFFFE700  }
0x106: {  	_ =	swait.ge [sflag:s29], $0x1900  }
0x107: {  	[sflag:s29] =	ssyncset.done $0x0  }
0x108: {  	[sflag:s29] =	ssyncadd.s32 $0xFFFFE700  }
0x109: {  	_ =	swait.ge [sflag:s31], $0x1900  }
0x10a: {  	[sflag:s31] =	ssyncset.done $0x0  }
0x10b: {  	[sflag:s31] =	ssyncadd.s32 $0xFFFFE700  }
0x10c: {  	[bflag:$0x0] =	sbarrier.arrive $0xFFFF  }
0x10d: {  	s9 =	rddreg [dreg:$0xd]  }
0x10e: {  	s10 =	rddreg [dreg:$0xe]  }
0x10f: {  	s12 =	rddreg [dreg:$0x11]  }
0x110: {  	[hbm:s10], [sflag:s9] =	dma.local [spmem:s12], $0x1880  }
0x111: {  	_ =	swait.ge [sflag:s11], $0x1880  }
0x112: {  	[sflag:s11] =	ssyncset.done $0x0;
	s10 =	rddreg [dreg:$0xf]  }
0x113: {  	s12 =	rddreg [dreg:$0x12];
	[sflag:s11] =	ssyncadd.s32 $0xFFFFE780  }
0x114: {  	[hbm:s10], [sflag:s9] =	dma.local [spmem:s12], $0x1880  }
0x115: {  	_ =	swait.ge [sflag:s11], $0x1880  }
0x116: {  	s6 =	rddreg [dreg:$0x13]  }
0x117: {  	s10 =	sadd.s32 $0x1, s6;
	s6 =	rddreg [dreg:$0x10]  }
0x118: {  	p0 =	sne.s32 s10, s6  }
.Ltmp1:
0x119: {  	_ = 	snop;
	(pc) =	sbr.rel @p0 .LBB2_1-.Ltmp1, $3  }
0x11a: {  	_ =	sdelay $0x1  }
0x11b: {  	[sflag:s11] =	ssyncset.done $0x0;
	[dreg:$0x13] =	wrdreg s10  }
0x11c: {  	[sflag:s11] =	ssyncadd.s32 $0xFFFFE780;
	s10 =	rddreg [dreg:$0x11]  }
0x11d: {  	_ =	sfence.sel $0x180000  }
0x11e: {  	[bflag:$0x0] =	sbarrier.arrive $0xFFFF  }
0x11f: {  	_ =	strace $0x90000050  }
0x120: {  	s0 =	stileid.u32;
	[bflag:$0x2] =	sbarrier.arrive $0xFFFF  }
0x121: {  	p0 =	sne.s32 s0, $0x0;
	s0 =	rddreg [dreg:$0x4]  }
0x122: {  	s0 =	sadd.s32 @!p0 $0x100000, s0  }
0x123: {  	[sflag:s0] =	ssyncadd.tile.s32 @!p0 $0x1;
	_ =	shalt  }
.Lfunc_end2:
_tile_overlayer_lowered:
.L_overlay_start_2:
0x124: {  	(tag) =	ssettag $0x2  }
0x125: {  	s0 =	rddreg [dreg:$0x0];
	s2 =	stileid.u32  }
0x126: {  	s1 =	rddreg [dreg:$0x1];
	p0 =	sne.s32 s2, $0x0  }
0x127: {  	s3 =	rddreg [dreg:$0x2];
	[bflag:$0x3] =	sbarrier.arrive $0xFFFF;
	s2 =	simm.s32 @!p0 $0x1C09  }
0x128: {  	[timem:s3], [sflag:s2] =	dma.local @!p0 [hbm:s0], s1  }
0x129: {  	s0 =	simm.s32 @!p0 $0x9  }
0x12a: {  	_ =	swait.ge @!p0 [sflag:s0], s1  }
0x12b: {  	s1 =	ssub.s32 @!p0 $0x0, s1;
	[sflag:s0] =	ssyncset.done @!p0 $0x0  }
0x12c: {  	[sflag:s0] =	ssyncadd.s32 @!p0 s1  }
0x12d: {  	[bflag:$0x3] =	sbarrier.arrive $0xFFFF  }
0x12e: {  	_ =	shalt  }

</sc_bundles>
